<compile_context>
chip_gen: v7x
topology: tpu7x:2x2x1
jax: 0.10.2.dev20260603
libtpu: 0.0.44.dev20260713+nightly
codegen_flags: <defaults>
</compile_context>

<pallas_src>
import jax
import jax.numpy as jnp
from jax import lax
from jax.experimental import pallas as pl
from jax.experimental.pallas import tpu as pltpu
from jax.experimental.pallas import tpu_sc as plsc

NUM_ROWS = 1000000
D = 64
BATCH = 16384
SEQ = 50
B = BATCH * SEQ
NC, NS, L = 2, 16, 16
NW = NC * NS
BT = BATCH // 128
BT_PER_W = BT // NW
BPW = B // NW
NCHUNK = BT_PER_W * SEQ
NBUF = 4
TROW = 141
FAST_CORE = 1
FAST_BT = 6
SLOW_BT = 2


def _body(idx_hbm, table_hbm, out_hbm, ibt_v, lists_v, tskew, *rest):
    gbufs = rest[:NBUF]
    cbufs = rest[NBUF:2 * NBUF]
    gsems = rest[2 * NBUF:3 * NBUF]
    ssems = rest[3 * NBUF:4 * NBUF]

    cidx = lax.axis_index("c")
    sidx = lax.axis_index("s")
    fast = cidx == FAST_CORE
    nbt = jnp.where(fast, FAST_BT, SLOW_BT)
    bt0 = jnp.where(fast, sidx * FAST_BT, 16 * FAST_BT + sidx * SLOW_BT)
    nchunk = nbt * SEQ
    nround = nchunk // NBUF

    iota = lax.iota(jnp.int32, L)
    iota50 = iota * SEQ

    def build_bt(bt, acc):
        pltpu.sync_copy(
            idx_hbm.at[pl.ds((bt0 + bt) * 128 * SEQ, 128 * SEQ)], ibt_v)

        def build_s(s, acc2):
            for blv in range(8):
                v = plsc.load_gather(ibt_v, [iota50 + (s + blv * 16 * SEQ)])
                lists_v[pl.ds((bt * SEQ + s) * 128 + blv * 16, L)] = v
                acc2 = acc2 | (v == 0)
            return acc2

        return lax.fori_loop(0, SEQ, build_s, acc)

    acc = lax.fori_loop(0, nbt, build_bt, jnp.zeros((L,), jnp.bool_))
    has_zero = plsc.all_reduce_population_count(acc)[0] > 0

    def gather(c, k):
        return pltpu.make_async_copy(
            table_hbm.at[lists_v.at[pl.ds(c * 128, 128)]], gbufs[k], gsems[k])

    def store(c, k):
        s = lax.rem(c, SEQ)
        btg = bt0 + lax.div(c, SEQ)
        return pltpu.make_async_copy(
            cbufs[k], out_hbm.at[s, :, btg], ssems[k])

    def fix_padding(c, k):
        def do_fix(k=k):
            zeros = jnp.zeros((L,), jnp.float32)

            def blv_body(blv, carry):
                m = lists_v[pl.ds(c * 128 + blv * 16, L)] == 0
                rows = iota + blv * 16

                def col_body(col, carry2):
                    plsc.store_scatter(
                        gbufs[k], [rows, jnp.full((L,), col, jnp.int32)],
                        zeros, mask=m)
                    return carry2

                lax.fori_loop(0, D, col_body, 0)
                return carry

            lax.fori_loop(0, 8, blv_body, 0)

        lax.cond(has_zero, do_fix, lambda: None)

    dpos_vecs = [(iota + c0) * TROW for c0 in range(0, D, L)]

    def transpose(k):
        gb = gbufs[k]

        @plsc.parallel_loop(0, 128, unroll=2)
        def _t(bl):
            blvec = jnp.full((L,), bl, jnp.int32)
            for i, c0 in enumerate(range(0, D, L)):
                vals = plsc.load_gather(gb, [blvec, iota + c0])
                plsc.store_scatter(tskew, [dpos_vecs[i] + blvec], vals)

        cb = cbufs[k]

        @plsc.parallel_loop(0, D, unroll=2)
        def _c(j):
            av = jnp.full((L,), lax.div(j, 8), jnp.int32)
            bv = jnp.full((L,), lax.rem(j, 8), jnp.int32)
            for m in range(8):
                vals = tskew[pl.ds(j * TROW + m * 16, L)]
                plsc.store_scatter(cb, [av, bv, iota + m * 16], vals)

    def process(c, k):
        gather(c, k).wait()
        fix_padding(c, k)
        cprev = lax.rem(c - NBUF + nchunk, nchunk)
        store(cprev, k).wait()
        transpose(k)
        store(c, k).start()
        gather(lax.rem(c + NBUF, nchunk), k).start()

    for k in range(NBUF):
        gather(k, k).start()
        store(k, k).start()

    def round_body(r, carry):
        for k in range(NBUF):
            process(r * NBUF + k, k)
        return carry

    lax.fori_loop(0, nround, round_body, 0)

    for k in range(NBUF):
        store(nchunk - NBUF + k, k).wait()
        gather(k, k).wait()


_run = pl.kernel(
    _body,
    out_type=jax.ShapeDtypeStruct((SEQ, 8, BT, 8, 128), jnp.float32),
    mesh=plsc.VectorSubcoreMesh(core_axis_name="c", subcore_axis_name="s"),
    compiler_params=pltpu.CompilerParams(
        needs_layout_passes=False, use_tc_tiling_on_sc=False,
        skip_device_barrier=True),
    scratch_types=(
        [pltpu.VMEM((128 * SEQ,), jnp.int32),
         pltpu.VMEM((FAST_BT * SEQ * 128,), jnp.int32),
         pltpu.VMEM((D * TROW,), jnp.float32)]
        + [pltpu.VMEM((128, D), jnp.float32) for _ in range(NBUF)]
        + [pltpu.VMEM((8, 8, 128), jnp.float32) for _ in range(NBUF)]
        + [pltpu.SemaphoreType.DMA for _ in range(2 * NBUF)]
    ),
)


def kernel(indices, table):
    assert indices.shape == (BATCH, SEQ) and table.shape == (NUM_ROWS, D)
    idx = indices.reshape(-1).astype(jnp.int32)
    out = _run(idx, table)
    return out.transpose((2, 4, 0, 1, 3)).reshape(BATCH, SEQ, D)

# --- scband reference (transcript-rebuilt; emitter-appended) ---
"""Pipeline reference for scband-pretrained-embedding-16604343566368 (READ-ONLY COPY).

The authoritative reference and input builder live on the scoring server;
editing this copy changes nothing except your own understanding.
"""

import jax, jax.numpy as jnp
import numpy as np

NUM_EMBEDDINGS = 1000000
EMBEDDING_DIM = 64
BATCH = 16384
SEQ_LEN = 50


def setup_inputs(seed: int = 0) -> dict:
    key = jax.random.key(seed)
    k1, k2 = jax.random.split(key)
    # indices correspond to the word2idx-mapped token ids of the padded sentence batch
    indices = jax.random.randint(k1, (BATCH, SEQ_LEN), 0, NUM_EMBEDDINGS)
    # pretrained embedding table ('vectors' copied into nn.Embedding.weight)
    table = jax.random.normal(k2, (NUM_EMBEDDINGS, EMBEDDING_DIM), dtype=jnp.float32) * 0.02
    return {"indices": indices, "table": table}


def reference(indices, table):
    # nn.Embedding(num_embeddings, embedding_dim, padding_idx=0):
    # row 0 is the padding vector and is forced to zero.
    table = table.at[0].set(0.0)
    # word_embeddings = self.embedding(indicies)  -> pure row gather
    word_embeddings = jnp.take(table, indices, axis=0)
    # mean_sequence=False path: return [batch, seq_len, embedding_dim]
    # (lengths are a host-side numpy byproduct; all sequences here are full length)
    return word_embeddings

if __name__ == "__main__":
    import jax
    _d = setup_inputs()
    print(jax.jit(kernel)(*tuple(_d.values())))

</pallas_src>

<mosaic_0001>
#map = affine_map<(d0, d1) -> (0)>
#map1 = affine_map<(d0, d1) -> (0, 0)>
#map2 = affine_map<(d0, d1) -> (0, 0, 0, 0, 0)>
module attributes {stable_mosaic.version = 14 : i64} {
  func.func @_body(%arg0: i32, %arg1: i32, %arg2: memref<819200xi32, #tpu.memory_space<hbm>>, %arg3: memref<1000000x64xf32, #tpu.memory_space<hbm>>, %arg4: memref<50x8x128x8x128xf32, #tpu.memory_space<hbm>>, %arg5: memref<6400xi32, #tpu.memory_space<vmem>>, %arg6: memref<38400xi32, #tpu.memory_space<vmem>>, %arg7: memref<9024xf32, #tpu.memory_space<vmem>>, %arg8: memref<128x64xf32, #tpu.memory_space<vmem>>, %arg9: memref<128x64xf32, #tpu.memory_space<vmem>>, %arg10: memref<128x64xf32, #tpu.memory_space<vmem>>, %arg11: memref<128x64xf32, #tpu.memory_space<vmem>>, %arg12: memref<8x8x128xf32, #tpu.memory_space<vmem>>, %arg13: memref<8x8x128xf32, #tpu.memory_space<vmem>>, %arg14: memref<8x8x128xf32, #tpu.memory_space<vmem>>, %arg15: memref<8x8x128xf32, #tpu.memory_space<vmem>>, %arg16: memref<!tpu.dma_semaphore, #tpu.memory_space<semaphore_mem>>, %arg17: memref<!tpu.dma_semaphore, #tpu.memory_space<semaphore_mem>>, %arg18: memref<!tpu.dma_semaphore, #tpu.memory_space<semaphore_mem>>, %arg19: memref<!tpu.dma_semaphore, #tpu.memory_space<semaphore_mem>>, %arg20: memref<!tpu.dma_semaphore, #tpu.memory_space<semaphore_mem>>, %arg21: memref<!tpu.dma_semaphore, #tpu.memory_space<semaphore_mem>>, %arg22: memref<!tpu.dma_semaphore, #tpu.memory_space<semaphore_mem>>, %arg23: memref<!tpu.dma_semaphore, #tpu.memory_space<semaphore_mem>>) attributes {dimension_semantics = [#tpu.dimension_semantics<core_parallel>, #tpu.dimension_semantics<subcore_parallel>], iteration_bounds = array<i64: 2, 16>, scalar_prefetch = 0 : i64, scratch_operands = 19 : i64, tpu.core_type = #tpu.core_type<sc_vector_subcore>, window_params = [{transform_indices = #map}, {transform_indices = #map1}, {transform_indices = #map2}]} {
    %eq3A = arith.constant 1 : i32
    %eq3A_0 = arith.cmpi eq, %arg0, %eq3A : i32
    %jit3A = arith.constant 6 : i32
    %jit3A_1 = arith.constant 2 : i32
    %select_n3A = arith.select %eq3A_0, %jit3A, %jit3A_1 : i32
    %mul3A = arith.constant 6 : i32
    %mul3A_2 = arith.muli %arg1, %mul3A : i32
    %mul3A_3 = arith.constant 2 : i32
    %mul3A_4 = arith.muli %arg1, %mul3A_3 : i32
    %add3A = arith.constant 96 : i32
    %add3A_5 = arith.addi %add3A, %mul3A_4 : i32
    %select_n3A_6 = arith.select %eq3A_0, %mul3A_2, %add3A_5 : i32
    %mul3A_7 = arith.constant 50 : i32
    %mul3A_8 = arith.muli %select_n3A, %mul3A_7 : i32
    %jit3A_9 = arith.constant 4 : i32
    %div3A = arith.divsi %mul3A_8, %jit3A_9 : i32
    %sign3A = arith.constant 0 : i32
    %sign3A_10 = arith.cmpi sgt, %mul3A_8, %sign3A : i32
    %sign3A_11 = arith.extui %sign3A_10 : i1 to i32
    %sign3A_12 = arith.constant 0 : i32
    %sign3A_13 = arith.cmpi slt, %mul3A_8, %sign3A_12 : i32
    %sign3A_14 = arith.extui %sign3A_13 : i1 to i32
    %sign3A_15 = arith.subi %sign3A_11, %sign3A_14 : i32
    %sign3A_16 = arith.constant 0 : i32
    %sign3A_17 = arith.cmpi sgt, %jit3A_9, %sign3A_16 : i32
    %sign3A_18 = arith.extui %sign3A_17 : i1 to i32
    %sign3A_19 = arith.constant 0 : i32
    %sign3A_20 = arith.cmpi slt, %jit3A_9, %sign3A_19 : i32
    %sign3A_21 = arith.extui %sign3A_20 : i1 to i32
    %sign3A_22 = arith.subi %sign3A_18, %sign3A_21 : i32
    %ne3A = arith.cmpi ne, %sign3A_15, %sign3A_22 : i32
    %rem3A = arith.remsi %mul3A_8, %jit3A_9 : i32
    %ne3A_23 = arith.constant 0 : i32
    %ne3A_24 = arith.cmpi ne, %rem3A, %ne3A_23 : i32
    %and3A = arith.andi %ne3A, %ne3A_24 : i1
    %sub3A = arith.constant 1 : i32
    %sub3A_25 = arith.subi %div3A, %sub3A : i32
    %select_n3A_26 = arith.select %and3A, %sub3A_25, %div3A : i32
    %iota3A = tpu.iota {dimensions = array<i32: 0>} : vector<16xi32>
    %mul3A_27 = arith.constant 50 : i32
    %mul3A_28 = vector.broadcast %mul3A_27 : i32 to vector<16xi32>
    %mul3A_29 = arith.muli %iota3A, %mul3A_28 : vector<16xi32>
    %broadcast_in_dim3A = arith.constant false
    %broadcast_in_dim3A_30 = vector.broadcast %broadcast_in_dim3A : i1 to vector<16xi1>
    %while3A = arith.constant 0 : i32
    %while3A_31 = arith.subi %select_n3A, %while3A : i32
    %while3A_32 = arith.addi %while3A, %while3A_31 : i32
    %while3A_33 = arith.constant 1 : i32
    %while3A_34 = arith.divsi %while3A_31, %while3A_33 : i32
    %while3A_35 = arith.muli %while3A_34, %while3A_33 : i32
    %while3A_36 = arith.addi %while3A, %while3A_35 : i32
    %while3A_37 = arith.constant 1 : i32
    %while3A_38 = scf.for %while3A_258 = %while3A to %while3A_36 step %while3A_37 iter_args(%while3A_259 = %broadcast_in_dim3A_30) -> (vector<16xi1>)  : i32 {
      %add3A_260 = arith.addi %select_n3A_6, %while3A_258 : i32
      %mul3A_261 = arith.constant 128 : i32
      %mul3A_262 = arith.muli %add3A_260, %mul3A_261 : i32
      %mul3A_263 = arith.constant 50 : i32
      %mul3A_264 = arith.muli %mul3A_262, %mul3A_263 : i32
      "tpu.region"() ({
        %run_scoped3A = tpu.sem_alloc : memref<!tpu.dma_semaphore, #tpu.memory_space<semaphore_mem>>
        %dma_start3A_270 = tpu.memref_slice %arg2[%mul3A_264] : memref<819200xi32, #tpu.memory_space<hbm>> -> memref<6400xi32, #tpu.memory_space<hbm>>
        %dma_start3A_271 = tpu.memref_slice %arg2[%mul3A_264] : memref<819200xi32, #tpu.memory_space<hbm>> -> memref<6400xi32, #tpu.memory_space<hbm>>
        tpu.enqueue_dma source(%dma_start3A_271 : memref<6400xi32, #tpu.memory_space<hbm>>) target(%arg5 : memref<6400xi32, #tpu.memory_space<vmem>>) target_semaphore(%run_scoped3A : memref<!tpu.dma_semaphore, #tpu.memory_space<semaphore_mem>>)
        %dma_wait3A_272 = tpu.memref_slice %arg2[%mul3A_264] : memref<819200xi32, #tpu.memory_space<hbm>> -> memref<6400xi32, #tpu.memory_space<hbm>>
        %dma_wait3A_273 = tpu.memref_slice %arg2[%mul3A_264] : memref<819200xi32, #tpu.memory_space<hbm>> -> memref<6400xi32, #tpu.memory_space<hbm>>
        tpu.wait_dma2 semaphore(%run_scoped3A : memref<!tpu.dma_semaphore, #tpu.memory_space<semaphore_mem>>) src(%dma_wait3A_273 : memref<6400xi32, #tpu.memory_space<hbm>>) dst(%arg5 : memref<6400xi32, #tpu.memory_space<vmem>>)
        tpu.yield
      }) : () -> ()
      %scan3A = arith.constant 0 : i32
      %scan3A_265 = arith.constant 50 : i32
      %scan3A_266 = arith.addi %scan3A, %scan3A_265 : i32
      %scan3A_267 = arith.constant 1 : i32
      %scan3A_268 = scf.for %scan3A_270 = %scan3A to %scan3A_266 step %scan3A_267 iter_args(%scan3A_271 = %while3A_259) -> (vector<16xi1>)  : i32 {
        %add3A_272 = arith.constant 0 : i32
        %add3A_273 = arith.addi %scan3A_270, %add3A_272 : i32
        %add3A_274 = vector.broadcast %add3A_273 : i32 to vector<16xi32>
        %add3A_275 = arith.addi %mul3A_29, %add3A_274 : vector<16xi32>
        %gather3A = tpu.vector_load_idx %arg5[%add3A_275] : memref<6400xi32, #tpu.memory_space<vmem>>[vector<16xi32>], vector<16xi32>,
        %mul3A_276 = arith.constant 50 : i32
        %mul3A_277 = arith.muli %while3A_258, %mul3A_276 : i32
        %add3A_278 = arith.addi %mul3A_277, %scan3A_270 : i32
        %mul3A_279 = arith.constant 128 : i32
        %mul3A_280 = arith.muli %add3A_278, %mul3A_279 : i32
        %add3A_281 = arith.constant 0 : i32
        %add3A_282 = arith.addi %mul3A_280, %add3A_281 : i32
        %swap3A = arith.index_cast %add3A_282 : i32 to index
        %swap3A_283 = tpu.vector_load %arg6[%swap3A] {strides = array<i32>} : memref<38400xi32, #tpu.memory_space<vmem>>, vector<16xi32>,
        tpu.vector_store %arg6[%swap3A], %gather3A {strides = array<i32>} : memref<38400xi32, #tpu.memory_space<vmem>>, vector<16xi32>,
        %eq3A_284 = arith.constant 0 : i32
        %eq3A_285 = vector.broadcast %eq3A_284 : i32 to vector<16xi32>
        %eq3A_286 = arith.cmpi eq, %gather3A, %eq3A_285 : vector<16xi32>
        %or3A = arith.ori %scan3A_271, %eq3A_286 : vector<16xi1>
        %add3A_287 = arith.constant 800 : i32
        %add3A_288 = arith.addi %scan3A_270, %add3A_287 : i32
        %add3A_289 = vector.broadcast %add3A_288 : i32 to vector<16xi32>
        %add3A_290 = arith.addi %mul3A_29, %add3A_289 : vector<16xi32>
        %gather3A_291 = tpu.vector_load_idx %arg5[%add3A_290] : memref<6400xi32, #tpu.memory_space<vmem>>[vector<16xi32>], vector<16xi32>,
        %mul3A_292 = arith.constant 50 : i32
        %mul3A_293 = arith.muli %while3A_258, %mul3A_292 : i32
        %add3A_294 = arith.addi %mul3A_293, %scan3A_270 : i32
        %mul3A_295 = arith.constant 128 : i32
        %mul3A_296 = arith.muli %add3A_294, %mul3A_295 : i32
        %add3A_297 = arith.constant 16 : i32
        %add3A_298 = arith.addi %mul3A_296, %add3A_297 : i32
        %swap3A_299 = arith.index_cast %add3A_298 : i32 to index
        %swap3A_300 = tpu.vector_load %arg6[%swap3A_299] {strides = array<i32>} : memref<38400xi32, #tpu.memory_space<vmem>>, vector<16xi32>,
        tpu.vector_store %arg6[%swap3A_299], %gather3A_291 {strides = array<i32>} : memref<38400xi32, #tpu.memory_space<vmem>>, vector<16xi32>,
        %eq3A_301 = arith.constant 0 : i32
        %eq3A_302 = vector.broadcast %eq3A_301 : i32 to vector<16xi32>
        %eq3A_303 = arith.cmpi eq, %gather3A_291, %eq3A_302 : vector<16xi32>
        %or3A_304 = arith.ori %or3A, %eq3A_303 : vector<16xi1>
        %add3A_305 = arith.constant 1600 : i32
        %add3A_306 = arith.addi %scan3A_270, %add3A_305 : i32
        %add3A_307 = vector.broadcast %add3A_306 : i32 to vector<16xi32>
        %add3A_308 = arith.addi %mul3A_29, %add3A_307 : vector<16xi32>
        %gather3A_309 = tpu.vector_load_idx %arg5[%add3A_308] : memref<6400xi32, #tpu.memory_space<vmem>>[vector<16xi32>], vector<16xi32>,
        %mul3A_310 = arith.constant 50 : i32
        %mul3A_311 = arith.muli %while3A_258, %mul3A_310 : i32
        %add3A_312 = arith.addi %mul3A_311, %scan3A_270 : i32
        %mul3A_313 = arith.constant 128 : i32
        %mul3A_314 = arith.muli %add3A_312, %mul3A_313 : i32
        %add3A_315 = arith.constant 32 : i32
        %add3A_316 = arith.addi %mul3A_314, %add3A_315 : i32
        %swap3A_317 = arith.index_cast %add3A_316 : i32 to index
        %swap3A_318 = tpu.vector_load %arg6[%swap3A_317] {strides = array<i32>} : memref<38400xi32, #tpu.memory_space<vmem>>, vector<16xi32>,
        tpu.vector_store %arg6[%swap3A_317], %gather3A_309 {strides = array<i32>} : memref<38400xi32, #tpu.memory_space<vmem>>, vector<16xi32>,
        %eq3A_319 = arith.constant 0 : i32
        %eq3A_320 = vector.broadcast %eq3A_319 : i32 to vector<16xi32>
        %eq3A_321 = arith.cmpi eq, %gather3A_309, %eq3A_320 : vector<16xi32>
        %or3A_322 = arith.ori %or3A_304, %eq3A_321 : vector<16xi1>
        %add3A_323 = arith.constant 2400 : i32
        %add3A_324 = arith.addi %scan3A_270, %add3A_323 : i32
        %add3A_325 = vector.broadcast %add3A_324 : i32 to vector<16xi32>
        %add3A_326 = arith.addi %mul3A_29, %add3A_325 : vector<16xi32>
        %gather3A_327 = tpu.vector_load_idx %arg5[%add3A_326] : memref<6400xi32, #tpu.memory_space<vmem>>[vector<16xi32>], vector<16xi32>,
        %mul3A_328 = arith.constant 50 : i32
        %mul3A_329 = arith.muli %while3A_258, %mul3A_328 : i32
        %add3A_330 = arith.addi %mul3A_329, %scan3A_270 : i32
        %mul3A_331 = arith.constant 128 : i32
        %mul3A_332 = arith.muli %add3A_330, %mul3A_331 : i32
        %add3A_333 = arith.constant 48 : i32
        %add3A_334 = arith.addi %mul3A_332, %add3A_333 : i32
        %swap3A_335 = arith.index_cast %add3A_334 : i32 to index
        %swap3A_336 = tpu.vector_load %arg6[%swap3A_335] {strides = array<i32>} : memref<38400xi32, #tpu.memory_space<vmem>>, vector<16xi32>,
        tpu.vector_store %arg6[%swap3A_335], %gather3A_327 {strides = array<i32>} : memref<38400xi32, #tpu.memory_space<vmem>>, vector<16xi32>,
        %eq3A_337 = arith.constant 0 : i32
        %eq3A_338 = vector.broadcast %eq3A_337 : i32 to vector<16xi32>
        %eq3A_339 = arith.cmpi eq, %gather3A_327, %eq3A_338 : vector<16xi32>
        %or3A_340 = arith.ori %or3A_322, %eq3A_339 : vector<16xi1>
        %add3A_341 = arith.constant 3200 : i32
        %add3A_342 = arith.addi %scan3A_270, %add3A_341 : i32
        %add3A_343 = vector.broadcast %add3A_342 : i32 to vector<16xi32>
        %add3A_344 = arith.addi %mul3A_29, %add3A_343 : vector<16xi32>
        %gather3A_345 = tpu.vector_load_idx %arg5[%add3A_344] : memref<6400xi32, #tpu.memory_space<vmem>>[vector<16xi32>], vector<16xi32>,
        %mul3A_346 = arith.constant 50 : i32
        %mul3A_347 = arith.muli %while3A_258, %mul3A_346 : i32
        %add3A_348 = arith.addi %mul3A_347, %scan3A_270 : i32
        %mul3A_349 = arith.constant 128 : i32
        %mul3A_350 = arith.muli %add3A_348, %mul3A_349 : i32
        %add3A_351 = arith.constant 64 : i32
        %add3A_352 = arith.addi %mul3A_350, %add3A_351 : i32
        %swap3A_353 = arith.index_cast %add3A_352 : i32 to index
        %swap3A_354 = tpu.vector_load %arg6[%swap3A_353] {strides = array<i32>} : memref<38400xi32, #tpu.memory_space<vmem>>, vector<16xi32>,
        tpu.vector_store %arg6[%swap3A_353], %gather3A_345 {strides = array<i32>} : memref<38400xi32, #tpu.memory_space<vmem>>, vector<16xi32>,
        %eq3A_355 = arith.constant 0 : i32
        %eq3A_356 = vector.broadcast %eq3A_355 : i32 to vector<16xi32>
        %eq3A_357 = arith.cmpi eq, %gather3A_345, %eq3A_356 : vector<16xi32>
        %or3A_358 = arith.ori %or3A_340, %eq3A_357 : vector<16xi1>
        %add3A_359 = arith.constant 4000 : i32
        %add3A_360 = arith.addi %scan3A_270, %add3A_359 : i32
        %add3A_361 = vector.broadcast %add3A_360 : i32 to vector<16xi32>
        %add3A_362 = arith.addi %mul3A_29, %add3A_361 : vector<16xi32>
        %gather3A_363 = tpu.vector_load_idx %arg5[%add3A_362] : memref<6400xi32, #tpu.memory_space<vmem>>[vector<16xi32>], vector<16xi32>,
        %mul3A_364 = arith.constant 50 : i32
        %mul3A_365 = arith.muli %while3A_258, %mul3A_364 : i32
        %add3A_366 = arith.addi %mul3A_365, %scan3A_270 : i32
        %mul3A_367 = arith.constant 128 : i32
        %mul3A_368 = arith.muli %add3A_366, %mul3A_367 : i32
        %add3A_369 = arith.constant 80 : i32
        %add3A_370 = arith.addi %mul3A_368, %add3A_369 : i32
        %swap3A_371 = arith.index_cast %add3A_370 : i32 to index
        %swap3A_372 = tpu.vector_load %arg6[%swap3A_371] {strides = array<i32>} : memref<38400xi32, #tpu.memory_space<vmem>>, vector<16xi32>,
        tpu.vector_store %arg6[%swap3A_371], %gather3A_363 {strides = array<i32>} : memref<38400xi32, #tpu.memory_space<vmem>>, vector<16xi32>,
        %eq3A_373 = arith.constant 0 : i32
        %eq3A_374 = vector.broadcast %eq3A_373 : i32 to vector<16xi32>
        %eq3A_375 = arith.cmpi eq, %gather3A_363, %eq3A_374 : vector<16xi32>
        %or3A_376 = arith.ori %or3A_358, %eq3A_375 : vector<16xi1>
        %add3A_377 = arith.constant 4800 : i32
        %add3A_378 = arith.addi %scan3A_270, %add3A_377 : i32
        %add3A_379 = vector.broadcast %add3A_378 : i32 to vector<16xi32>
        %add3A_380 = arith.addi %mul3A_29, %add3A_379 : vector<16xi32>
        %gather3A_381 = tpu.vector_load_idx %arg5[%add3A_380] : memref<6400xi32, #tpu.memory_space<vmem>>[vector<16xi32>], vector<16xi32>,
        %mul3A_382 = arith.constant 50 : i32
        %mul3A_383 = arith.muli %while3A_258, %mul3A_382 : i32
        %add3A_384 = arith.addi %mul3A_383, %scan3A_270 : i32
        %mul3A_385 = arith.constant 128 : i32
        %mul3A_386 = arith.muli %add3A_384, %mul3A_385 : i32
        %add3A_387 = arith.constant 96 : i32
        %add3A_388 = arith.addi %mul3A_386, %add3A_387 : i32
        %swap3A_389 = arith.index_cast %add3A_388 : i32 to index
        %swap3A_390 = tpu.vector_load %arg6[%swap3A_389] {strides = array<i32>} : memref<38400xi32, #tpu.memory_space<vmem>>, vector<16xi32>,
        tpu.vector_store %arg6[%swap3A_389], %gather3A_381 {strides = array<i32>} : memref<38400xi32, #tpu.memory_space<vmem>>, vector<16xi32>,
        %eq3A_391 = arith.constant 0 : i32
        %eq3A_392 = vector.broadcast %eq3A_391 : i32 to vector<16xi32>
        %eq3A_393 = arith.cmpi eq, %gather3A_381, %eq3A_392 : vector<16xi32>
        %or3A_394 = arith.ori %or3A_376, %eq3A_393 : vector<16xi1>
        %add3A_395 = arith.constant 5600 : i32
        %add3A_396 = arith.addi %scan3A_270, %add3A_395 : i32
        %add3A_397 = vector.broadcast %add3A_396 : i32 to vector<16xi32>
        %add3A_398 = arith.addi %mul3A_29, %add3A_397 : vector<16xi32>
        %gather3A_399 = tpu.vector_load_idx %arg5[%add3A_398] : memref<6400xi32, #tpu.memory_space<vmem>>[vector<16xi32>], vector<16xi32>,
        %mul3A_400 = arith.constant 50 : i32
        %mul3A_401 = arith.muli %while3A_258, %mul3A_400 : i32
        %add3A_402 = arith.addi %mul3A_401, %scan3A_270 : i32
        %mul3A_403 = arith.constant 128 : i32
        %mul3A_404 = arith.muli %add3A_402, %mul3A_403 : i32
        %add3A_405 = arith.constant 112 : i32
        %add3A_406 = arith.addi %mul3A_404, %add3A_405 : i32
        %swap3A_407 = arith.index_cast %add3A_406 : i32 to index
        %swap3A_408 = tpu.vector_load %arg6[%swap3A_407] {strides = array<i32>} : memref<38400xi32, #tpu.memory_space<vmem>>, vector<16xi32>,
        tpu.vector_store %arg6[%swap3A_407], %gather3A_399 {strides = array<i32>} : memref<38400xi32, #tpu.memory_space<vmem>>, vector<16xi32>,
        %eq3A_409 = arith.constant 0 : i32
        %eq3A_410 = vector.broadcast %eq3A_409 : i32 to vector<16xi32>
        %eq3A_411 = arith.cmpi eq, %gather3A_399, %eq3A_410 : vector<16xi32>
        %or3A_412 = arith.ori %or3A_394, %eq3A_411 : vector<16xi1>
        scf.yield %or3A_412 : vector<16xi1>
      }
      %scan3A_269 = arith.constant 50 : i32
      scf.yield %scan3A_268 : vector<16xi1>
    }
    %while3A_39 = arith.constant 1 : i32
    %while3A_40 = scf.for %while3A_258 = %while3A_36 to %while3A_32 step %while3A_39 iter_args(%while3A_259 = %while3A_38) -> (vector<16xi1>)  : i32 {
      %add3A_260 = arith.addi %select_n3A_6, %while3A_258 : i32
      %mul3A_261 = arith.constant 128 : i32
      %mul3A_262 = arith.muli %add3A_260, %mul3A_261 : i32
      %mul3A_263 = arith.constant 50 : i32
      %mul3A_264 = arith.muli %mul3A_262, %mul3A_263 : i32
      "tpu.region"() ({
        %run_scoped3A = tpu.sem_alloc : memref<!tpu.dma_semaphore, #tpu.memory_space<semaphore_mem>>
        %dma_start3A_270 = tpu.memref_slice %arg2[%mul3A_264] : memref<819200xi32, #tpu.memory_space<hbm>> -> memref<6400xi32, #tpu.memory_space<hbm>>
        %dma_start3A_271 = tpu.memref_slice %arg2[%mul3A_264] : memref<819200xi32, #tpu.memory_space<hbm>> -> memref<6400xi32, #tpu.memory_space<hbm>>
        tpu.enqueue_dma source(%dma_start3A_271 : memref<6400xi32, #tpu.memory_space<hbm>>) target(%arg5 : memref<6400xi32, #tpu.memory_space<vmem>>) target_semaphore(%run_scoped3A : memref<!tpu.dma_semaphore, #tpu.memory_space<semaphore_mem>>)
        %dma_wait3A_272 = tpu.memref_slice %arg2[%mul3A_264] : memref<819200xi32, #tpu.memory_space<hbm>> -> memref<6400xi32, #tpu.memory_space<hbm>>
        %dma_wait3A_273 = tpu.memref_slice %arg2[%mul3A_264] : memref<819200xi32, #tpu.memory_space<hbm>> -> memref<6400xi32, #tpu.memory_space<hbm>>
        tpu.wait_dma2 semaphore(%run_scoped3A : memref<!tpu.dma_semaphore, #tpu.memory_space<semaphore_mem>>) src(%dma_wait3A_273 : memref<6400xi32, #tpu.memory_space<hbm>>) dst(%arg5 : memref<6400xi32, #tpu.memory_space<vmem>>)
        tpu.yield
      }) : () -> ()
      %scan3A = arith.constant 0 : i32
      %scan3A_265 = arith.constant 50 : i32
      %scan3A_266 = arith.addi %scan3A, %scan3A_265 : i32
      %scan3A_267 = arith.constant 1 : i32
      %scan3A_268 = scf.for %scan3A_270 = %scan3A to %scan3A_266 step %scan3A_267 iter_args(%scan3A_271 = %while3A_259) -> (vector<16xi1>)  : i32 {
        %add3A_272 = arith.constant 0 : i32
        %add3A_273 = arith.addi %scan3A_270, %add3A_272 : i32
        %add3A_274 = vector.broadcast %add3A_273 : i32 to vector<16xi32>
        %add3A_275 = arith.addi %mul3A_29, %add3A_274 : vector<16xi32>
        %gather3A = tpu.vector_load_idx %arg5[%add3A_275] : memref<6400xi32, #tpu.memory_space<vmem>>[vector<16xi32>], vector<16xi32>,
        %mul3A_276 = arith.constant 50 : i32
        %mul3A_277 = arith.muli %while3A_258, %mul3A_276 : i32
        %add3A_278 = arith.addi %mul3A_277, %scan3A_270 : i32
        %mul3A_279 = arith.constant 128 : i32
        %mul3A_280 = arith.muli %add3A_278, %mul3A_279 : i32
        %add3A_281 = arith.constant 0 : i32
        %add3A_282 = arith.addi %mul3A_280, %add3A_281 : i32
        %swap3A = arith.index_cast %add3A_282 : i32 to index
        %swap3A_283 = tpu.vector_load %arg6[%swap3A] {strides = array<i32>} : memref<38400xi32, #tpu.memory_space<vmem>>, vector<16xi32>,
        tpu.vector_store %arg6[%swap3A], %gather3A {strides = array<i32>} : memref<38400xi32, #tpu.memory_space<vmem>>, vector<16xi32>,
        %eq3A_284 = arith.constant 0 : i32
        %eq3A_285 = vector.broadcast %eq3A_284 : i32 to vector<16xi32>
        %eq3A_286 = arith.cmpi eq, %gather3A, %eq3A_285 : vector<16xi32>
        %or3A = arith.ori %scan3A_271, %eq3A_286 : vector<16xi1>
        %add3A_287 = arith.constant 800 : i32
        %add3A_288 = arith.addi %scan3A_270, %add3A_287 : i32
        %add3A_289 = vector.broadcast %add3A_288 : i32 to vector<16xi32>
        %add3A_290 = arith.addi %mul3A_29, %add3A_289 : vector<16xi32>
        %gather3A_291 = tpu.vector_load_idx %arg5[%add3A_290] : memref<6400xi32, #tpu.memory_space<vmem>>[vector<16xi32>], vector<16xi32>,
        %mul3A_292 = arith.constant 50 : i32
        %mul3A_293 = arith.muli %while3A_258, %mul3A_292 : i32
        %add3A_294 = arith.addi %mul3A_293, %scan3A_270 : i32
        %mul3A_295 = arith.constant 128 : i32
        %mul3A_296 = arith.muli %add3A_294, %mul3A_295 : i32
        %add3A_297 = arith.constant 16 : i32
        %add3A_298 = arith.addi %mul3A_296, %add3A_297 : i32
        %swap3A_299 = arith.index_cast %add3A_298 : i32 to index
        %swap3A_300 = tpu.vector_load %arg6[%swap3A_299] {strides = array<i32>} : memref<38400xi32, #tpu.memory_space<vmem>>, vector<16xi32>,
        tpu.vector_store %arg6[%swap3A_299], %gather3A_291 {strides = array<i32>} : memref<38400xi32, #tpu.memory_space<vmem>>, vector<16xi32>,
        %eq3A_301 = arith.constant 0 : i32
        %eq3A_302 = vector.broadcast %eq3A_301 : i32 to vector<16xi32>
        %eq3A_303 = arith.cmpi eq, %gather3A_291, %eq3A_302 : vector<16xi32>
        %or3A_304 = arith.ori %or3A, %eq3A_303 : vector<16xi1>
        %add3A_305 = arith.constant 1600 : i32
        %add3A_306 = arith.addi %scan3A_270, %add3A_305 : i32
        %add3A_307 = vector.broadcast %add3A_306 : i32 to vector<16xi32>
        %add3A_308 = arith.addi %mul3A_29, %add3A_307 : vector<16xi32>
        %gather3A_309 = tpu.vector_load_idx %arg5[%add3A_308] : memref<6400xi32, #tpu.memory_space<vmem>>[vector<16xi32>], vector<16xi32>,
        %mul3A_310 = arith.constant 50 : i32
        %mul3A_311 = arith.muli %while3A_258, %mul3A_310 : i32
        %add3A_312 = arith.addi %mul3A_311, %scan3A_270 : i32
        %mul3A_313 = arith.constant 128 : i32
        %mul3A_314 = arith.muli %add3A_312, %mul3A_313 : i32
        %add3A_315 = arith.constant 32 : i32
        %add3A_316 = arith.addi %mul3A_314, %add3A_315 : i32
        %swap3A_317 = arith.index_cast %add3A_316 : i32 to index
        %swap3A_318 = tpu.vector_load %arg6[%swap3A_317] {strides = array<i32>} : memref<38400xi32, #tpu.memory_space<vmem>>, vector<16xi32>,
        tpu.vector_store %arg6[%swap3A_317], %gather3A_309 {strides = array<i32>} : memref<38400xi32, #tpu.memory_space<vmem>>, vector<16xi32>,
        %eq3A_319 = arith.constant 0 : i32
        %eq3A_320 = vector.broadcast %eq3A_319 : i32 to vector<16xi32>
        %eq3A_321 = arith.cmpi eq, %gather3A_309, %eq3A_320 : vector<16xi32>
        %or3A_322 = arith.ori %or3A_304, %eq3A_321 : vector<16xi1>
        %add3A_323 = arith.constant 2400 : i32
        %add3A_324 = arith.addi %scan3A_270, %add3A_323 : i32
        %add3A_325 = vector.broadcast %add3A_324 : i32 to vector<16xi32>
        %add3A_326 = arith.addi %mul3A_29, %add3A_325 : vector<16xi32>
        %gather3A_327 = tpu.vector_load_idx %arg5[%add3A_326] : memref<6400xi32, #tpu.memory_space<vmem>>[vector<16xi32>], vector<16xi32>,
        %mul3A_328 = arith.constant 50 : i32
        %mul3A_329 = arith.muli %while3A_258, %mul3A_328 : i32
        %add3A_330 = arith.addi %mul3A_329, %scan3A_270 : i32
        %mul3A_331 = arith.constant 128 : i32
        %mul3A_332 = arith.muli %add3A_330, %mul3A_331 : i32
        %add3A_333 = arith.constant 48 : i32
        %add3A_334 = arith.addi %mul3A_332, %add3A_333 : i32
        %swap3A_335 = arith.index_cast %add3A_334 : i32 to index
        %swap3A_336 = tpu.vector_load %arg6[%swap3A_335] {strides = array<i32>} : memref<38400xi32, #tpu.memory_space<vmem>>, vector<16xi32>,
        tpu.vector_store %arg6[%swap3A_335], %gather3A_327 {strides = array<i32>} : memref<38400xi32, #tpu.memory_space<vmem>>, vector<16xi32>,
        %eq3A_337 = arith.constant 0 : i32
        %eq3A_338 = vector.broadcast %eq3A_337 : i32 to vector<16xi32>
        %eq3A_339 = arith.cmpi eq, %gather3A_327, %eq3A_338 : vector<16xi32>
        %or3A_340 = arith.ori %or3A_322, %eq3A_339 : vector<16xi1>
        %add3A_341 = arith.constant 3200 : i32
        %add3A_342 = arith.addi %scan3A_270, %add3A_341 : i32
        %add3A_343 = vector.broadcast %add3A_342 : i32 to vector<16xi32>
        %add3A_344 = arith.addi %mul3A_29, %add3A_343 : vector<16xi32>
        %gather3A_345 = tpu.vector_load_idx %arg5[%add3A_344] : memref<6400xi32, #tpu.memory_space<vmem>>[vector<16xi32>], vector<16xi32>,
        %mul3A_346 = arith.constant 50 : i32
        %mul3A_347 = arith.muli %while3A_258, %mul3A_346 : i32
        %add3A_348 = arith.addi %mul3A_347, %scan3A_270 : i32
        %mul3A_349 = arith.constant 128 : i32
        %mul3A_350 = arith.muli %add3A_348, %mul3A_349 : i32
        %add3A_351 = arith.constant 64 : i32
        %add3A_352 = arith.addi %mul3A_350, %add3A_351 : i32
        %swap3A_353 = arith.index_cast %add3A_352 : i32 to index
        %swap3A_354 = tpu.vector_load %arg6[%swap3A_353] {strides = array<i32>} : memref<38400xi32, #tpu.memory_space<vmem>>, vector<16xi32>,
        tpu.vector_store %arg6[%swap3A_353], %gather3A_345 {strides = array<i32>} : memref<38400xi32, #tpu.memory_space<vmem>>, vector<16xi32>,
        %eq3A_355 = arith.constant 0 : i32
        %eq3A_356 = vector.broadcast %eq3A_355 : i32 to vector<16xi32>
        %eq3A_357 = arith.cmpi eq, %gather3A_345, %eq3A_356 : vector<16xi32>
        %or3A_358 = arith.ori %or3A_340, %eq3A_357 : vector<16xi1>
        %add3A_359 = arith.constant 4000 : i32
        %add3A_360 = arith.addi %scan3A_270, %add3A_359 : i32
        %add3A_361 = vector.broadcast %add3A_360 : i32 to vector<16xi32>
        %add3A_362 = arith.addi %mul3A_29, %add3A_361 : vector<16xi32>
        %gather3A_363 = tpu.vector_load_idx %arg5[%add3A_362] : memref<6400xi32, #tpu.memory_space<vmem>>[vector<16xi32>], vector<16xi32>,
        %mul3A_364 = arith.constant 50 : i32
        %mul3A_365 = arith.muli %while3A_258, %mul3A_364 : i32
        %add3A_366 = arith.addi %mul3A_365, %scan3A_270 : i32
        %mul3A_367 = arith.constant 128 : i32
        %mul3A_368 = arith.muli %add3A_366, %mul3A_367 : i32
        %add3A_369 = arith.constant 80 : i32
        %add3A_370 = arith.addi %mul3A_368, %add3A_369 : i32
        %swap3A_371 = arith.index_cast %add3A_370 : i32 to index
        %swap3A_372 = tpu.vector_load %arg6[%swap3A_371] {strides = array<i32>} : memref<38400xi32, #tpu.memory_space<vmem>>, vector<16xi32>,
        tpu.vector_store %arg6[%swap3A_371], %gather3A_363 {strides = array<i32>} : memref<38400xi32, #tpu.memory_space<vmem>>, vector<16xi32>,
        %eq3A_373 = arith.constant 0 : i32
        %eq3A_374 = vector.broadcast %eq3A_373 : i32 to vector<16xi32>
        %eq3A_375 = arith.cmpi eq, %gather3A_363, %eq3A_374 : vector<16xi32>
        %or3A_376 = arith.ori %or3A_358, %eq3A_375 : vector<16xi1>
        %add3A_377 = arith.constant 4800 : i32
        %add3A_378 = arith.addi %scan3A_270, %add3A_377 : i32
        %add3A_379 = vector.broadcast %add3A_378 : i32 to vector<16xi32>
        %add3A_380 = arith.addi %mul3A_29, %add3A_379 : vector<16xi32>
        %gather3A_381 = tpu.vector_load_idx %arg5[%add3A_380] : memref<6400xi32, #tpu.memory_space<vmem>>[vector<16xi32>], vector<16xi32>,
        %mul3A_382 = arith.constant 50 : i32
        %mul3A_383 = arith.muli %while3A_258, %mul3A_382 : i32
        %add3A_384 = arith.addi %mul3A_383, %scan3A_270 : i32
        %mul3A_385 = arith.constant 128 : i32
        %mul3A_386 = arith.muli %add3A_384, %mul3A_385 : i32
        %add3A_387 = arith.constant 96 : i32
        %add3A_388 = arith.addi %mul3A_386, %add3A_387 : i32
        %swap3A_389 = arith.index_cast %add3A_388 : i32 to index
        %swap3A_390 = tpu.vector_load %arg6[%swap3A_389] {strides = array<i32>} : memref<38400xi32, #tpu.memory_space<vmem>>, vector<16xi32>,
        tpu.vector_store %arg6[%swap3A_389], %gather3A_381 {strides = array<i32>} : memref<38400xi32, #tpu.memory_space<vmem>>, vector<16xi32>,
        %eq3A_391 = arith.constant 0 : i32
        %eq3A_392 = vector.broadcast %eq3A_391 : i32 to vector<16xi32>
        %eq3A_393 = arith.cmpi eq, %gather3A_381, %eq3A_392 : vector<16xi32>
        %or3A_394 = arith.ori %or3A_376, %eq3A_393 : vector<16xi1>
        %add3A_395 = arith.constant 5600 : i32
        %add3A_396 = arith.addi %scan3A_270, %add3A_395 : i32
        %add3A_397 = vector.broadcast %add3A_396 : i32 to vector<16xi32>
        %add3A_398 = arith.addi %mul3A_29, %add3A_397 : vector<16xi32>
        %gather3A_399 = tpu.vector_load_idx %arg5[%add3A_398] : memref<6400xi32, #tpu.memory_space<vmem>>[vector<16xi32>], vector<16xi32>,
        %mul3A_400 = arith.constant 50 : i32
        %mul3A_401 = arith.muli %while3A_258, %mul3A_400 : i32
        %add3A_402 = arith.addi %mul3A_401, %scan3A_270 : i32
        %mul3A_403 = arith.constant 128 : i32
        %mul3A_404 = arith.muli %add3A_402, %mul3A_403 : i32
        %add3A_405 = arith.constant 112 : i32
        %add3A_406 = arith.addi %mul3A_404, %add3A_405 : i32
        %swap3A_407 = arith.index_cast %add3A_406 : i32 to index
        %swap3A_408 = tpu.vector_load %arg6[%swap3A_407] {strides = array<i32>} : memref<38400xi32, #tpu.memory_space<vmem>>, vector<16xi32>,
        tpu.vector_store %arg6[%swap3A_407], %gather3A_399 {strides = array<i32>} : memref<38400xi32, #tpu.memory_space<vmem>>, vector<16xi32>,
        %eq3A_409 = arith.constant 0 : i32
        %eq3A_410 = vector.broadcast %eq3A_409 : i32 to vector<16xi32>
        %eq3A_411 = arith.cmpi eq, %gather3A_399, %eq3A_410 : vector<16xi32>
        %or3A_412 = arith.ori %or3A_394, %eq3A_411 : vector<16xi1>
        scf.yield %or3A_412 : vector<16xi1>
      }
      %scan3A_269 = arith.constant 50 : i32
      scf.yield %scan3A_268 : vector<16xi1>
    }
    %all_reduce_population_count3A = tpu.all_reduce %while3A_40 {dim = 0 : i64, kind = #tpu.reduction_kind<sum>} : vector<16xi1> -> vector<16xi32>
    %slice3A = vector.extract_strided_slice %all_reduce_population_count3A {offsets = [0], sizes = [1], strides = [1]} : vector<16xi32> to vector<1xi32>
    %squeeze3A = vector.extract %slice3A[0] : i32 from vector<1xi32>
    %gt3A = arith.constant 0 : i32
    %gt3A_41 = arith.cmpi sgt, %squeeze3A, %gt3A : i32
    %add3A_42 = arith.constant 0 : i32
    %add3A_43 = vector.broadcast %add3A_42 : i32 to vector<16xi32>
    %add3A_44 = arith.addi %iota3A, %add3A_43 : vector<16xi32>
    %mul3A_45 = arith.constant 141 : i32
    %mul3A_46 = vector.broadcast %mul3A_45 : i32 to vector<16xi32>
    %mul3A_47 = arith.muli %add3A_44, %mul3A_46 : vector<16xi32>
    %add3A_48 = arith.constant 16 : i32
    %add3A_49 = vector.broadcast %add3A_48 : i32 to vector<16xi32>
    %add3A_50 = arith.addi %iota3A, %add3A_49 : vector<16xi32>
    %mul3A_51 = arith.constant 141 : i32
    %mul3A_52 = vector.broadcast %mul3A_51 : i32 to vector<16xi32>
    %mul3A_53 = arith.muli %add3A_50, %mul3A_52 : vector<16xi32>
    %add3A_54 = arith.constant 32 : i32
    %add3A_55 = vector.broadcast %add3A_54 : i32 to vector<16xi32>
    %add3A_56 = arith.addi %iota3A, %add3A_55 : vector<16xi32>
    %mul3A_57 = arith.constant 141 : i32
    %mul3A_58 = vector.broadcast %mul3A_57 : i32 to vector<16xi32>
    %mul3A_59 = arith.muli %add3A_56, %mul3A_58 : vector<16xi32>
    %add3A_60 = arith.constant 48 : i32
    %add3A_61 = vector.broadcast %add3A_60 : i32 to vector<16xi32>
    %add3A_62 = arith.addi %iota3A, %add3A_61 : vector<16xi32>
    %mul3A_63 = arith.constant 141 : i32
    %mul3A_64 = vector.broadcast %mul3A_63 : i32 to vector<16xi32>
    %mul3A_65 = arith.muli %add3A_62, %mul3A_64 : vector<16xi32>
    %dma_start3A = arith.constant 0 : i32
    %dma_start3A_66 = tpu.memref_slice %arg6[%dma_start3A] : memref<38400xi32, #tpu.memory_space<vmem>> -> memref<128xi32, #tpu.memory_space<vmem>>
    %dma_start3A_67 = arith.constant 0 : i32
    %dma_start3A_68 = arith.constant 0 : i32
    %dma_start3A_69 = tpu.memref_slice %arg3[%dma_start3A_67, %dma_start3A_68] : memref<1000000x64xf32, #tpu.memory_space<hbm>> -> memref<1000000x64xf32, #tpu.memory_space<hbm>>
    tpu.enqueue_indirect_dma source(%dma_start3A_69 : memref<1000000x64xf32, #tpu.memory_space<hbm>>) target(%arg8 : memref<128x64xf32, #tpu.memory_space<vmem>>) offsets(%dma_start3A_66 : memref<128xi32, #tpu.memory_space<vmem>>) semaphore(%arg16 : memref<!tpu.dma_semaphore, #tpu.memory_space<semaphore_mem>>)
    %rem3A_70 = arith.constant 0 : i32
    %rem3A_71 = arith.constant 50 : i32
    %rem3A_72 = arith.remsi %rem3A_70, %rem3A_71 : i32
    %div3A_73 = arith.constant 0 : i32
    %div3A_74 = arith.constant 50 : i32
    %div3A_75 = arith.divsi %div3A_73, %div3A_74 : i32
    %add3A_76 = arith.addi %select_n3A_6, %div3A_75 : i32
    %dma_start3A_77 = arith.constant 0 : i32
    %dma_start3A_78 = arith.constant 0 : i32
    %dma_start3A_79 = arith.constant 0 : i32
    %dma_start3A_80 = tpu.memref_slice %arg4[%rem3A_72, %dma_start3A_77, %add3A_76, %dma_start3A_78, %dma_start3A_79] : memref<50x8x128x8x128xf32, #tpu.memory_space<hbm>> -> memref<1x8x1x8x128xf32, #tpu.memory_space<hbm>>
    %dma_start3A_81 = tpu.memref_squeeze %dma_start3A_80 : memref<1x8x1x8x128xf32, #tpu.memory_space<hbm>> -> memref<8x8x128xf32, #tpu.memory_space<hbm>>
    %dma_start3A_82 = arith.constant 0 : i32
    %dma_start3A_83 = arith.constant 0 : i32
    %dma_start3A_84 = arith.constant 0 : i32
    %dma_start3A_85 = tpu.memref_slice %arg4[%rem3A_72, %dma_start3A_82, %add3A_76, %dma_start3A_83, %dma_start3A_84] : memref<50x8x128x8x128xf32, #tpu.memory_space<hbm>> -> memref<1x8x1x8x128xf32, #tpu.memory_space<hbm>>
    %dma_start3A_86 = tpu.memref_squeeze %dma_start3A_85 : memref<1x8x1x8x128xf32, #tpu.memory_space<hbm>> -> memref<8x8x128xf32, #tpu.memory_space<hbm>>
    tpu.enqueue_dma source(%arg12 : memref<8x8x128xf32, #tpu.memory_space<vmem>>) target(%dma_start3A_86 : memref<8x8x128xf32, #tpu.memory_space<hbm>>) target_semaphore(%arg20 : memref<!tpu.dma_semaphore, #tpu.memory_space<semaphore_mem>>)
    %dma_start3A_87 = arith.constant 128 : i32
    %dma_start3A_88 = tpu.memref_slice %arg6[%dma_start3A_87] : memref<38400xi32, #tpu.memory_space<vmem>> -> memref<128xi32, #tpu.memory_space<vmem>>
    %dma_start3A_89 = arith.constant 0 : i32
    %dma_start3A_90 = arith.constant 0 : i32
    %dma_start3A_91 = tpu.memref_slice %arg3[%dma_start3A_89, %dma_start3A_90] : memref<1000000x64xf32, #tpu.memory_space<hbm>> -> memref<1000000x64xf32, #tpu.memory_space<hbm>>
    tpu.enqueue_indirect_dma source(%dma_start3A_91 : memref<1000000x64xf32, #tpu.memory_space<hbm>>) target(%arg9 : memref<128x64xf32, #tpu.memory_space<vmem>>) offsets(%dma_start3A_88 : memref<128xi32, #tpu.memory_space<vmem>>) semaphore(%arg17 : memref<!tpu.dma_semaphore, #tpu.memory_space<semaphore_mem>>)
    %rem3A_92 = arith.constant 1 : i32
    %rem3A_93 = arith.constant 50 : i32
    %rem3A_94 = arith.remsi %rem3A_92, %rem3A_93 : i32
    %div3A_95 = arith.constant 1 : i32
    %div3A_96 = arith.constant 50 : i32
    %div3A_97 = arith.divsi %div3A_95, %div3A_96 : i32
    %add3A_98 = arith.addi %select_n3A_6, %div3A_97 : i32
    %dma_start3A_99 = arith.constant 0 : i32
    %dma_start3A_100 = arith.constant 0 : i32
    %dma_start3A_101 = arith.constant 0 : i32
    %dma_start3A_102 = tpu.memref_slice %arg4[%rem3A_94, %dma_start3A_99, %add3A_98, %dma_start3A_100, %dma_start3A_101] : memref<50x8x128x8x128xf32, #tpu.memory_space<hbm>> -> memref<1x8x1x8x128xf32, #tpu.memory_space<hbm>>
    %dma_start3A_103 = tpu.memref_squeeze %dma_start3A_102 : memref<1x8x1x8x128xf32, #tpu.memory_space<hbm>> -> memref<8x8x128xf32, #tpu.memory_space<hbm>>
    %dma_start3A_104 = arith.constant 0 : i32
    %dma_start3A_105 = arith.constant 0 : i32
    %dma_start3A_106 = arith.constant 0 : i32
    %dma_start3A_107 = tpu.memref_slice %arg4[%rem3A_94, %dma_start3A_104, %add3A_98, %dma_start3A_105, %dma_start3A_106] : memref<50x8x128x8x128xf32, #tpu.memory_space<hbm>> -> memref<1x8x1x8x128xf32, #tpu.memory_space<hbm>>
    %dma_start3A_108 = tpu.memref_squeeze %dma_start3A_107 : memref<1x8x1x8x128xf32, #tpu.memory_space<hbm>> -> memref<8x8x128xf32, #tpu.memory_space<hbm>>
    tpu.enqueue_dma source(%arg13 : memref<8x8x128xf32, #tpu.memory_space<vmem>>) target(%dma_start3A_108 : memref<8x8x128xf32, #tpu.memory_space<hbm>>) target_semaphore(%arg21 : memref<!tpu.dma_semaphore, #tpu.memory_space<semaphore_mem>>)
    %dma_start3A_109 = arith.constant 256 : i32
    %dma_start3A_110 = tpu.memref_slice %arg6[%dma_start3A_109] : memref<38400xi32, #tpu.memory_space<vmem>> -> memref<128xi32, #tpu.memory_space<vmem>>
    %dma_start3A_111 = arith.constant 0 : i32
    %dma_start3A_112 = arith.constant 0 : i32
    %dma_start3A_113 = tpu.memref_slice %arg3[%dma_start3A_111, %dma_start3A_112] : memref<1000000x64xf32, #tpu.memory_space<hbm>> -> memref<1000000x64xf32, #tpu.memory_space<hbm>>
    tpu.enqueue_indirect_dma source(%dma_start3A_113 : memref<1000000x64xf32, #tpu.memory_space<hbm>>) target(%arg10 : memref<128x64xf32, #tpu.memory_space<vmem>>) offsets(%dma_start3A_110 : memref<128xi32, #tpu.memory_space<vmem>>) semaphore(%arg18 : memref<!tpu.dma_semaphore, #tpu.memory_space<semaphore_mem>>)
    %rem3A_114 = arith.constant 2 : i32
    %rem3A_115 = arith.constant 50 : i32
    %rem3A_116 = arith.remsi %rem3A_114, %rem3A_115 : i32
    %div3A_117 = arith.constant 2 : i32
    %div3A_118 = arith.constant 50 : i32
    %div3A_119 = arith.divsi %div3A_117, %div3A_118 : i32
    %add3A_120 = arith.addi %select_n3A_6, %div3A_119 : i32
    %dma_start3A_121 = arith.constant 0 : i32
    %dma_start3A_122 = arith.constant 0 : i32
    %dma_start3A_123 = arith.constant 0 : i32
    %dma_start3A_124 = tpu.memref_slice %arg4[%rem3A_116, %dma_start3A_121, %add3A_120, %dma_start3A_122, %dma_start3A_123] : memref<50x8x128x8x128xf32, #tpu.memory_space<hbm>> -> memref<1x8x1x8x128xf32, #tpu.memory_space<hbm>>
    %dma_start3A_125 = tpu.memref_squeeze %dma_start3A_124 : memref<1x8x1x8x128xf32, #tpu.memory_space<hbm>> -> memref<8x8x128xf32, #tpu.memory_space<hbm>>
    %dma_start3A_126 = arith.constant 0 : i32
    %dma_start3A_127 = arith.constant 0 : i32
    %dma_start3A_128 = arith.constant 0 : i32
    %dma_start3A_129 = tpu.memref_slice %arg4[%rem3A_116, %dma_start3A_126, %add3A_120, %dma_start3A_127, %dma_start3A_128] : memref<50x8x128x8x128xf32, #tpu.memory_space<hbm>> -> memref<1x8x1x8x128xf32, #tpu.memory_space<hbm>>
    %dma_start3A_130 = tpu.memref_squeeze %dma_start3A_129 : memref<1x8x1x8x128xf32, #tpu.memory_space<hbm>> -> memref<8x8x128xf32, #tpu.memory_space<hbm>>
    tpu.enqueue_dma source(%arg14 : memref<8x8x128xf32, #tpu.memory_space<vmem>>) target(%dma_start3A_130 : memref<8x8x128xf32, #tpu.memory_space<hbm>>) target_semaphore(%arg22 : memref<!tpu.dma_semaphore, #tpu.memory_space<semaphore_mem>>)
    %dma_start3A_131 = arith.constant 384 : i32
    %dma_start3A_132 = tpu.memref_slice %arg6[%dma_start3A_131] : memref<38400xi32, #tpu.memory_space<vmem>> -> memref<128xi32, #tpu.memory_space<vmem>>
    %dma_start3A_133 = arith.constant 0 : i32
    %dma_start3A_134 = arith.constant 0 : i32
    %dma_start3A_135 = tpu.memref_slice %arg3[%dma_start3A_133, %dma_start3A_134] : memref<1000000x64xf32, #tpu.memory_space<hbm>> -> memref<1000000x64xf32, #tpu.memory_space<hbm>>
    tpu.enqueue_indirect_dma source(%dma_start3A_135 : memref<1000000x64xf32, #tpu.memory_space<hbm>>) target(%arg11 : memref<128x64xf32, #tpu.memory_space<vmem>>) offsets(%dma_start3A_132 : memref<128xi32, #tpu.memory_space<vmem>>) semaphore(%arg19 : memref<!tpu.dma_semaphore, #tpu.memory_space<semaphore_mem>>)
    %rem3A_136 = arith.constant 3 : i32
    %rem3A_137 = arith.constant 50 : i32
    %rem3A_138 = arith.remsi %rem3A_136, %rem3A_137 : i32
    %div3A_139 = arith.constant 3 : i32
    %div3A_140 = arith.constant 50 : i32
    %div3A_141 = arith.divsi %div3A_139, %div3A_140 : i32
    %add3A_142 = arith.addi %select_n3A_6, %div3A_141 : i32
    %dma_start3A_143 = arith.constant 0 : i32
    %dma_start3A_144 = arith.constant 0 : i32
    %dma_start3A_145 = arith.constant 0 : i32
    %dma_start3A_146 = tpu.memref_slice %arg4[%rem3A_138, %dma_start3A_143, %add3A_142, %dma_start3A_144, %dma_start3A_145] : memref<50x8x128x8x128xf32, #tpu.memory_space<hbm>> -> memref<1x8x1x8x128xf32, #tpu.memory_space<hbm>>
    %dma_start3A_147 = tpu.memref_squeeze %dma_start3A_146 : memref<1x8x1x8x128xf32, #tpu.memory_space<hbm>> -> memref<8x8x128xf32, #tpu.memory_space<hbm>>
    %dma_start3A_148 = arith.constant 0 : i32
    %dma_start3A_149 = arith.constant 0 : i32
    %dma_start3A_150 = arith.constant 0 : i32
    %dma_start3A_151 = tpu.memref_slice %arg4[%rem3A_138, %dma_start3A_148, %add3A_142, %dma_start3A_149, %dma_start3A_150] : memref<50x8x128x8x128xf32, #tpu.memory_space<hbm>> -> memref<1x8x1x8x128xf32, #tpu.memory_space<hbm>>
    %dma_start3A_152 = tpu.memref_squeeze %dma_start3A_151 : memref<1x8x1x8x128xf32, #tpu.memory_space<hbm>> -> memref<8x8x128xf32, #tpu.memory_space<hbm>>
    tpu.enqueue_dma source(%arg15 : memref<8x8x128xf32, #tpu.memory_space<vmem>>) target(%dma_start3A_152 : memref<8x8x128xf32, #tpu.memory_space<hbm>>) target_semaphore(%arg23 : memref<!tpu.dma_semaphore, #tpu.memory_space<semaphore_mem>>)
    %while3A_153 = arith.constant 0 : i32
    %while3A_154 = arith.constant 0 : i32
    %while3A_155 = arith.subi %select_n3A_26, %while3A_154 : i32
    %while3A_156 = arith.addi %while3A_154, %while3A_155 : i32
    %while3A_157 = arith.constant 1 : i32
    %while3A_158 = arith.divsi %while3A_155, %while3A_157 : i32
    %while3A_159 = arith.muli %while3A_158, %while3A_157 : i32
    %while3A_160 = arith.addi %while3A_154, %while3A_159 : i32
    %while3A_161 = arith.constant 1 : i32
    scf.for %while3A_258 = %while3A_154 to %while3A_160 step %while3A_161  : i32 {
      %mul3A_259 = arith.constant 4 : i32
      %mul3A_260 = arith.muli %while3A_258, %mul3A_259 : i32
      %add3A_261 = arith.constant 0 : i32
      %add3A_262 = arith.addi %mul3A_260, %add3A_261 : i32
      %mul3A_263 = arith.constant 128 : i32
      %mul3A_264 = arith.muli %add3A_262, %mul3A_263 : i32
      %dma_wait3A_265 = tpu.memref_slice %arg6[%mul3A_264] : memref<38400xi32, #tpu.memory_space<vmem>> -> memref<128xi32, #tpu.memory_space<vmem>>
      %dma_wait3A_266 = arith.constant 0 : i32
      %dma_wait3A_267 = arith.constant 0 : i32
      %dma_wait3A_268 = tpu.memref_slice %arg3[%dma_wait3A_266, %dma_wait3A_267] : memref<1000000x64xf32, #tpu.memory_space<hbm>> -> memref<1000000x64xf32, #tpu.memory_space<hbm>>
      tpu.wait_indirect_dma semaphore(%arg16 : memref<!tpu.dma_semaphore, #tpu.memory_space<semaphore_mem>>) src(%dma_wait3A_268 : memref<1000000x64xf32, #tpu.memory_space<hbm>>) dst(%arg8 : memref<128x64xf32, #tpu.memory_space<vmem>>)
      %convert_element_type3A = arith.extui %gt3A_41 : i1 to i32
      %cond3A = arith.constant 0 : i32
      %cond3A_269 = arith.cmpi ne, %convert_element_type3A, %cond3A : i32
      scf.if %cond3A_269 {
        %broadcast_in_dim3A_504 = arith.constant 0.000000e+00 : f32
        %broadcast_in_dim3A_505 = vector.broadcast %broadcast_in_dim3A_504 : f32 to vector<16xf32>
        %scan3A = arith.constant 0 : i32
        %scan3A_506 = arith.constant 0 : i32
        %scan3A_507 = arith.constant 8 : i32
        %scan3A_508 = arith.addi %scan3A_506, %scan3A_507 : i32
        %scan3A_509 = arith.constant 1 : i32
        scf.for %scan3A_511 = %scan3A_506 to %scan3A_508 step %scan3A_509  : i32 {
          %mul3A_512 = arith.constant 128 : i32
          %mul3A_513 = arith.muli %add3A_262, %mul3A_512 : i32
          %mul3A_514 = arith.constant 16 : i32
          %mul3A_515 = arith.muli %scan3A_511, %mul3A_514 : i32
          %add3A_516 = arith.addi %mul3A_513, %mul3A_515 : i32
          %get3A = arith.index_cast %add3A_516 : i32 to index
          %get3A_517 = tpu.vector_load %arg6[%get3A] {strides = array<i32>} : memref<38400xi32, #tpu.memory_space<vmem>>, vector<16xi32>,
          %eq3A_518 = arith.constant 0 : i32
          %eq3A_519 = vector.broadcast %eq3A_518 : i32 to vector<16xi32>
          %eq3A_520 = arith.cmpi eq, %get3A_517, %eq3A_519 : vector<16xi32>
          %mul3A_521 = arith.constant 16 : i32
          %mul3A_522 = arith.muli %scan3A_511, %mul3A_521 : i32
          %add3A_523 = vector.broadcast %mul3A_522 : i32 to vector<16xi32>
          %add3A_524 = arith.addi %iota3A, %add3A_523 : vector<16xi32>
          %scan3A_525 = arith.constant 0 : i32
          %scan3A_526 = arith.constant 0 : i32
          %scan3A_527 = arith.constant 64 : i32
          %scan3A_528 = arith.addi %scan3A_526, %scan3A_527 : i32
          %scan3A_529 = arith.constant 1 : i32
          scf.for %scan3A_531 = %scan3A_526 to %scan3A_528 step %scan3A_529  : i32 {
            %broadcast_in_dim3A_532 = vector.broadcast %scan3A_531 : i32 to vector<16xi32>
            tpu.vector_store_idx %arg8[%add3A_524, %broadcast_in_dim3A_532], %broadcast_in_dim3A_505 masked %eq3A_520 : memref<128x64xf32, #tpu.memory_space<vmem>>[vector<16xi32>, vector<16xi32>], vector<16xf32>, vector<16xi1>
          }
          %scan3A_530 = arith.constant 64 : i32
        }
        %scan3A_510 = arith.constant 8 : i32
      } else {
      }
      %sub3A_270 = arith.constant 4 : i32
      %sub3A_271 = arith.subi %add3A_262, %sub3A_270 : i32
      %add3A_272 = arith.addi %sub3A_271, %mul3A_8 : i32
      %rem3A_273 = arith.remsi %add3A_272, %mul3A_8 : i32
      %rem3A_274 = arith.constant 50 : i32
      %rem3A_275 = arith.remsi %rem3A_273, %rem3A_274 : i32
      %div3A_276 = arith.constant 50 : i32
      %div3A_277 = arith.divsi %rem3A_273, %div3A_276 : i32
      %add3A_278 = arith.addi %select_n3A_6, %div3A_277 : i32
      %dma_wait3A_279 = arith.constant 0 : i32
      %dma_wait3A_280 = arith.constant 0 : i32
      %dma_wait3A_281 = arith.constant 0 : i32
      %dma_wait3A_282 = tpu.memref_slice %arg4[%rem3A_275, %dma_wait3A_279, %add3A_278, %dma_wait3A_280, %dma_wait3A_281] : memref<50x8x128x8x128xf32, #tpu.memory_space<hbm>> -> memref<1x8x1x8x128xf32, #tpu.memory_space<hbm>>
      %dma_wait3A_283 = tpu.memref_squeeze %dma_wait3A_282 : memref<1x8x1x8x128xf32, #tpu.memory_space<hbm>> -> memref<8x8x128xf32, #tpu.memory_space<hbm>>
      %dma_wait3A_284 = arith.constant 0 : i32
      %dma_wait3A_285 = arith.constant 0 : i32
      %dma_wait3A_286 = arith.constant 0 : i32
      %dma_wait3A_287 = tpu.memref_slice %arg4[%rem3A_275, %dma_wait3A_284, %add3A_278, %dma_wait3A_285, %dma_wait3A_286] : memref<50x8x128x8x128xf32, #tpu.memory_space<hbm>> -> memref<1x8x1x8x128xf32, #tpu.memory_space<hbm>>
      %dma_wait3A_288 = tpu.memref_squeeze %dma_wait3A_287 : memref<1x8x1x8x128xf32, #tpu.memory_space<hbm>> -> memref<8x8x128xf32, #tpu.memory_space<hbm>>
      tpu.wait_dma2 semaphore(%arg20 : memref<!tpu.dma_semaphore, #tpu.memory_space<semaphore_mem>>) src(%arg12 : memref<8x8x128xf32, #tpu.memory_space<vmem>>) dst(%dma_wait3A_288 : memref<8x8x128xf32, #tpu.memory_space<hbm>>)
      %parallel_loop3A = arith.constant 0 : i32
      %parallel_loop3A_289 = arith.constant 128 : i32
      %parallel_loop3A_290 = arith.constant 1 : i32
      scf.for %parallel_loop3A_504 = %parallel_loop3A to %parallel_loop3A_289 step %parallel_loop3A_290  : i32 {
        %parallel_loop3A_505 = vector.broadcast %parallel_loop3A_504 : i32 to vector<16xi32>
        %parallel_loop3A_506 = arith.constant 0 : i32
        %parallel_loop3A_507 = vector.broadcast %parallel_loop3A_506 : i32 to vector<16xi32>
        %parallel_loop3A_508 = arith.addi %iota3A, %parallel_loop3A_507 : vector<16xi32>
        %parallel_loop3A_509 = tpu.vector_load_idx %arg8[%parallel_loop3A_505, %parallel_loop3A_508] : memref<128x64xf32, #tpu.memory_space<vmem>>[vector<16xi32>, vector<16xi32>], vector<16xf32>,
        %parallel_loop3A_510 = arith.addi %mul3A_47, %parallel_loop3A_505 : vector<16xi32>
        tpu.vector_store_idx %arg7[%parallel_loop3A_510], %parallel_loop3A_509 : memref<9024xf32, #tpu.memory_space<vmem>>[vector<16xi32>], vector<16xf32>,
        %parallel_loop3A_511 = arith.constant 16 : i32
        %parallel_loop3A_512 = vector.broadcast %parallel_loop3A_511 : i32 to vector<16xi32>
        %parallel_loop3A_513 = arith.addi %iota3A, %parallel_loop3A_512 : vector<16xi32>
        %parallel_loop3A_514 = tpu.vector_load_idx %arg8[%parallel_loop3A_505, %parallel_loop3A_513] : memref<128x64xf32, #tpu.memory_space<vmem>>[vector<16xi32>, vector<16xi32>], vector<16xf32>,
        %parallel_loop3A_515 = arith.addi %mul3A_53, %parallel_loop3A_505 : vector<16xi32>
        tpu.vector_store_idx %arg7[%parallel_loop3A_515], %parallel_loop3A_514 : memref<9024xf32, #tpu.memory_space<vmem>>[vector<16xi32>], vector<16xf32>,
        %parallel_loop3A_516 = arith.constant 32 : i32
        %parallel_loop3A_517 = vector.broadcast %parallel_loop3A_516 : i32 to vector<16xi32>
        %parallel_loop3A_518 = arith.addi %iota3A, %parallel_loop3A_517 : vector<16xi32>
        %parallel_loop3A_519 = tpu.vector_load_idx %arg8[%parallel_loop3A_505, %parallel_loop3A_518] : memref<128x64xf32, #tpu.memory_space<vmem>>[vector<16xi32>, vector<16xi32>], vector<16xf32>,
        %parallel_loop3A_520 = arith.addi %mul3A_59, %parallel_loop3A_505 : vector<16xi32>
        tpu.vector_store_idx %arg7[%parallel_loop3A_520], %parallel_loop3A_519 : memref<9024xf32, #tpu.memory_space<vmem>>[vector<16xi32>], vector<16xf32>,
        %parallel_loop3A_521 = arith.constant 48 : i32
        %parallel_loop3A_522 = vector.broadcast %parallel_loop3A_521 : i32 to vector<16xi32>
        %parallel_loop3A_523 = arith.addi %iota3A, %parallel_loop3A_522 : vector<16xi32>
        %parallel_loop3A_524 = tpu.vector_load_idx %arg8[%parallel_loop3A_505, %parallel_loop3A_523] : memref<128x64xf32, #tpu.memory_space<vmem>>[vector<16xi32>, vector<16xi32>], vector<16xf32>,
        %parallel_loop3A_525 = arith.addi %mul3A_65, %parallel_loop3A_505 : vector<16xi32>
        tpu.vector_store_idx %arg7[%parallel_loop3A_525], %parallel_loop3A_524 : memref<9024xf32, #tpu.memory_space<vmem>>[vector<16xi32>], vector<16xf32>,
      } {sc.loop_unroll_factor = 2 : i64, sc.parallel_access}
      %parallel_loop3A_291 = arith.constant 0 : i32
      %parallel_loop3A_292 = arith.constant 64 : i32
      %parallel_loop3A_293 = arith.constant 1 : i32
      scf.for %parallel_loop3A_504 = %parallel_loop3A_291 to %parallel_loop3A_292 step %parallel_loop3A_293  : i32 {
        %parallel_loop3A_505 = arith.constant 8 : i32
        %parallel_loop3A_506 = arith.divsi %parallel_loop3A_504, %parallel_loop3A_505 : i32
        %parallel_loop3A_507 = vector.broadcast %parallel_loop3A_506 : i32 to vector<16xi32>
        %parallel_loop3A_508 = arith.constant 8 : i32
        %parallel_loop3A_509 = arith.remsi %parallel_loop3A_504, %parallel_loop3A_508 : i32
        %parallel_loop3A_510 = vector.broadcast %parallel_loop3A_509 : i32 to vector<16xi32>
        %parallel_loop3A_511 = arith.constant 141 : i32
        %parallel_loop3A_512 = arith.muli %parallel_loop3A_504, %parallel_loop3A_511 : i32
        %parallel_loop3A_513 = arith.constant 0 : i32
        %parallel_loop3A_514 = arith.addi %parallel_loop3A_512, %parallel_loop3A_513 : i32
        %parallel_loop3A_515 = arith.index_cast %parallel_loop3A_514 : i32 to index
        %parallel_loop3A_516 = tpu.vector_load %arg7[%parallel_loop3A_515] {strides = array<i32>} : memref<9024xf32, #tpu.memory_space<vmem>>, vector<16xf32>,
        %parallel_loop3A_517 = arith.constant 0 : i32
        %parallel_loop3A_518 = vector.broadcast %parallel_loop3A_517 : i32 to vector<16xi32>
        %parallel_loop3A_519 = arith.addi %iota3A, %parallel_loop3A_518 : vector<16xi32>
        tpu.vector_store_idx %arg12[%parallel_loop3A_507, %parallel_loop3A_510, %parallel_loop3A_519], %parallel_loop3A_516 : memref<8x8x128xf32, #tpu.memory_space<vmem>>[vector<16xi32>, vector<16xi32>, vector<16xi32>], vector<16xf32>,
        %parallel_loop3A_520 = arith.constant 141 : i32
        %parallel_loop3A_521 = arith.muli %parallel_loop3A_504, %parallel_loop3A_520 : i32
        %parallel_loop3A_522 = arith.constant 16 : i32
        %parallel_loop3A_523 = arith.addi %parallel_loop3A_521, %parallel_loop3A_522 : i32
        %parallel_loop3A_524 = arith.index_cast %parallel_loop3A_523 : i32 to index
        %parallel_loop3A_525 = tpu.vector_load %arg7[%parallel_loop3A_524] {strides = array<i32>} : memref<9024xf32, #tpu.memory_space<vmem>>, vector<16xf32>,
        %parallel_loop3A_526 = arith.constant 16 : i32
        %parallel_loop3A_527 = vector.broadcast %parallel_loop3A_526 : i32 to vector<16xi32>
        %parallel_loop3A_528 = arith.addi %iota3A, %parallel_loop3A_527 : vector<16xi32>
        tpu.vector_store_idx %arg12[%parallel_loop3A_507, %parallel_loop3A_510, %parallel_loop3A_528], %parallel_loop3A_525 : memref<8x8x128xf32, #tpu.memory_space<vmem>>[vector<16xi32>, vector<16xi32>, vector<16xi32>], vector<16xf32>,
        %parallel_loop3A_529 = arith.constant 141 : i32
        %parallel_loop3A_530 = arith.muli %parallel_loop3A_504, %parallel_loop3A_529 : i32
        %parallel_loop3A_531 = arith.constant 32 : i32
        %parallel_loop3A_532 = arith.addi %parallel_loop3A_530, %parallel_loop3A_531 : i32
        %parallel_loop3A_533 = arith.index_cast %parallel_loop3A_532 : i32 to index
        %parallel_loop3A_534 = tpu.vector_load %arg7[%parallel_loop3A_533] {strides = array<i32>} : memref<9024xf32, #tpu.memory_space<vmem>>, vector<16xf32>,
        %parallel_loop3A_535 = arith.constant 32 : i32
        %parallel_loop3A_536 = vector.broadcast %parallel_loop3A_535 : i32 to vector<16xi32>
        %parallel_loop3A_537 = arith.addi %iota3A, %parallel_loop3A_536 : vector<16xi32>
        tpu.vector_store_idx %arg12[%parallel_loop3A_507, %parallel_loop3A_510, %parallel_loop3A_537], %parallel_loop3A_534 : memref<8x8x128xf32, #tpu.memory_space<vmem>>[vector<16xi32>, vector<16xi32>, vector<16xi32>], vector<16xf32>,
        %parallel_loop3A_538 = arith.constant 141 : i32
        %parallel_loop3A_539 = arith.muli %parallel_loop3A_504, %parallel_loop3A_538 : i32
        %parallel_loop3A_540 = arith.constant 48 : i32
        %parallel_loop3A_541 = arith.addi %parallel_loop3A_539, %parallel_loop3A_540 : i32
        %parallel_loop3A_542 = arith.index_cast %parallel_loop3A_541 : i32 to index
        %parallel_loop3A_543 = tpu.vector_load %arg7[%parallel_loop3A_542] {strides = array<i32>} : memref<9024xf32, #tpu.memory_space<vmem>>, vector<16xf32>,
        %parallel_loop3A_544 = arith.constant 48 : i32
        %parallel_loop3A_545 = vector.broadcast %parallel_loop3A_544 : i32 to vector<16xi32>
        %parallel_loop3A_546 = arith.addi %iota3A, %parallel_loop3A_545 : vector<16xi32>
        tpu.vector_store_idx %arg12[%parallel_loop3A_507, %parallel_loop3A_510, %parallel_loop3A_546], %parallel_loop3A_543 : memref<8x8x128xf32, #tpu.memory_space<vmem>>[vector<16xi32>, vector<16xi32>, vector<16xi32>], vector<16xf32>,
        %parallel_loop3A_547 = arith.constant 141 : i32
        %parallel_loop3A_548 = arith.muli %parallel_loop3A_504, %parallel_loop3A_547 : i32
        %parallel_loop3A_549 = arith.constant 64 : i32
        %parallel_loop3A_550 = arith.addi %parallel_loop3A_548, %parallel_loop3A_549 : i32
        %parallel_loop3A_551 = arith.index_cast %parallel_loop3A_550 : i32 to index
        %parallel_loop3A_552 = tpu.vector_load %arg7[%parallel_loop3A_551] {strides = array<i32>} : memref<9024xf32, #tpu.memory_space<vmem>>, vector<16xf32>,
        %parallel_loop3A_553 = arith.constant 64 : i32
        %parallel_loop3A_554 = vector.broadcast %parallel_loop3A_553 : i32 to vector<16xi32>
        %parallel_loop3A_555 = arith.addi %iota3A, %parallel_loop3A_554 : vector<16xi32>
        tpu.vector_store_idx %arg12[%parallel_loop3A_507, %parallel_loop3A_510, %parallel_loop3A_555], %parallel_loop3A_552 : memref<8x8x128xf32, #tpu.memory_space<vmem>>[vector<16xi32>, vector<16xi32>, vector<16xi32>], vector<16xf32>,
        %parallel_loop3A_556 = arith.constant 141 : i32
        %parallel_loop3A_557 = arith.muli %parallel_loop3A_504, %parallel_loop3A_556 : i32
        %parallel_loop3A_558 = arith.constant 80 : i32
        %parallel_loop3A_559 = arith.addi %parallel_loop3A_557, %parallel_loop3A_558 : i32
        %parallel_loop3A_560 = arith.index_cast %parallel_loop3A_559 : i32 to index
        %parallel_loop3A_561 = tpu.vector_load %arg7[%parallel_loop3A_560] {strides = array<i32>} : memref<9024xf32, #tpu.memory_space<vmem>>, vector<16xf32>,
        %parallel_loop3A_562 = arith.constant 80 : i32
        %parallel_loop3A_563 = vector.broadcast %parallel_loop3A_562 : i32 to vector<16xi32>
        %parallel_loop3A_564 = arith.addi %iota3A, %parallel_loop3A_563 : vector<16xi32>
        tpu.vector_store_idx %arg12[%parallel_loop3A_507, %parallel_loop3A_510, %parallel_loop3A_564], %parallel_loop3A_561 : memref<8x8x128xf32, #tpu.memory_space<vmem>>[vector<16xi32>, vector<16xi32>, vector<16xi32>], vector<16xf32>,
        %parallel_loop3A_565 = arith.constant 141 : i32
        %parallel_loop3A_566 = arith.muli %parallel_loop3A_504, %parallel_loop3A_565 : i32
        %parallel_loop3A_567 = arith.constant 96 : i32
        %parallel_loop3A_568 = arith.addi %parallel_loop3A_566, %parallel_loop3A_567 : i32
        %parallel_loop3A_569 = arith.index_cast %parallel_loop3A_568 : i32 to index
        %parallel_loop3A_570 = tpu.vector_load %arg7[%parallel_loop3A_569] {strides = array<i32>} : memref<9024xf32, #tpu.memory_space<vmem>>, vector<16xf32>,
        %parallel_loop3A_571 = arith.constant 96 : i32
        %parallel_loop3A_572 = vector.broadcast %parallel_loop3A_571 : i32 to vector<16xi32>
        %parallel_loop3A_573 = arith.addi %iota3A, %parallel_loop3A_572 : vector<16xi32>
        tpu.vector_store_idx %arg12[%parallel_loop3A_507, %parallel_loop3A_510, %parallel_loop3A_573], %parallel_loop3A_570 : memref<8x8x128xf32, #tpu.memory_space<vmem>>[vector<16xi32>, vector<16xi32>, vector<16xi32>], vector<16xf32>,
        %parallel_loop3A_574 = arith.constant 141 : i32
        %parallel_loop3A_575 = arith.muli %parallel_loop3A_504, %parallel_loop3A_574 : i32
        %parallel_loop3A_576 = arith.constant 112 : i32
        %parallel_loop3A_577 = arith.addi %parallel_loop3A_575, %parallel_loop3A_576 : i32
        %parallel_loop3A_578 = arith.index_cast %parallel_loop3A_577 : i32 to index
        %parallel_loop3A_579 = tpu.vector_load %arg7[%parallel_loop3A_578] {strides = array<i32>} : memref<9024xf32, #tpu.memory_space<vmem>>, vector<16xf32>,
        %parallel_loop3A_580 = arith.constant 112 : i32
        %parallel_loop3A_581 = vector.broadcast %parallel_loop3A_580 : i32 to vector<16xi32>
        %parallel_loop3A_582 = arith.addi %iota3A, %parallel_loop3A_581 : vector<16xi32>
        tpu.vector_store_idx %arg12[%parallel_loop3A_507, %parallel_loop3A_510, %parallel_loop3A_582], %parallel_loop3A_579 : memref<8x8x128xf32, #tpu.memory_space<vmem>>[vector<16xi32>, vector<16xi32>, vector<16xi32>], vector<16xf32>,
      } {sc.loop_unroll_factor = 2 : i64, sc.parallel_access}
      %rem3A_294 = arith.constant 50 : i32
      %rem3A_295 = arith.remsi %add3A_262, %rem3A_294 : i32
      %div3A_296 = arith.constant 50 : i32
      %div3A_297 = arith.divsi %add3A_262, %div3A_296 : i32
      %add3A_298 = arith.addi %select_n3A_6, %div3A_297 : i32
      %dma_start3A_299 = arith.constant 0 : i32
      %dma_start3A_300 = arith.constant 0 : i32
      %dma_start3A_301 = arith.constant 0 : i32
      %dma_start3A_302 = tpu.memref_slice %arg4[%rem3A_295, %dma_start3A_299, %add3A_298, %dma_start3A_300, %dma_start3A_301] : memref<50x8x128x8x128xf32, #tpu.memory_space<hbm>> -> memref<1x8x1x8x128xf32, #tpu.memory_space<hbm>>
      %dma_start3A_303 = tpu.memref_squeeze %dma_start3A_302 : memref<1x8x1x8x128xf32, #tpu.memory_space<hbm>> -> memref<8x8x128xf32, #tpu.memory_space<hbm>>
      %dma_start3A_304 = arith.constant 0 : i32
      %dma_start3A_305 = arith.constant 0 : i32
      %dma_start3A_306 = arith.constant 0 : i32
      %dma_start3A_307 = tpu.memref_slice %arg4[%rem3A_295, %dma_start3A_304, %add3A_298, %dma_start3A_305, %dma_start3A_306] : memref<50x8x128x8x128xf32, #tpu.memory_space<hbm>> -> memref<1x8x1x8x128xf32, #tpu.memory_space<hbm>>
      %dma_start3A_308 = tpu.memref_squeeze %dma_start3A_307 : memref<1x8x1x8x128xf32, #tpu.memory_space<hbm>> -> memref<8x8x128xf32, #tpu.memory_space<hbm>>
      tpu.enqueue_dma source(%arg12 : memref<8x8x128xf32, #tpu.memory_space<vmem>>) target(%dma_start3A_308 : memref<8x8x128xf32, #tpu.memory_space<hbm>>) target_semaphore(%arg20 : memref<!tpu.dma_semaphore, #tpu.memory_space<semaphore_mem>>)
      %add3A_309 = arith.constant 4 : i32
      %add3A_310 = arith.addi %add3A_262, %add3A_309 : i32
      %rem3A_311 = arith.remsi %add3A_310, %mul3A_8 : i32
      %mul3A_312 = arith.constant 128 : i32
      %mul3A_313 = arith.muli %rem3A_311, %mul3A_312 : i32
      %dma_start3A_314 = tpu.memref_slice %arg6[%mul3A_313] : memref<38400xi32, #tpu.memory_space<vmem>> -> memref<128xi32, #tpu.memory_space<vmem>>
      %dma_start3A_315 = arith.constant 0 : i32
      %dma_start3A_316 = arith.constant 0 : i32
      %dma_start3A_317 = tpu.memref_slice %arg3[%dma_start3A_315, %dma_start3A_316] : memref<1000000x64xf32, #tpu.memory_space<hbm>> -> memref<1000000x64xf32, #tpu.memory_space<hbm>>
      tpu.enqueue_indirect_dma source(%dma_start3A_317 : memref<1000000x64xf32, #tpu.memory_space<hbm>>) target(%arg8 : memref<128x64xf32, #tpu.memory_space<vmem>>) offsets(%dma_start3A_314 : memref<128xi32, #tpu.memory_space<vmem>>) semaphore(%arg16 : memref<!tpu.dma_semaphore, #tpu.memory_space<semaphore_mem>>)
      %mul3A_318 = arith.constant 4 : i32
      %mul3A_319 = arith.muli %while3A_258, %mul3A_318 : i32
      %add3A_320 = arith.constant 1 : i32
      %add3A_321 = arith.addi %mul3A_319, %add3A_320 : i32
      %mul3A_322 = arith.constant 128 : i32
      %mul3A_323 = arith.muli %add3A_321, %mul3A_322 : i32
      %dma_wait3A_324 = tpu.memref_slice %arg6[%mul3A_323] : memref<38400xi32, #tpu.memory_space<vmem>> -> memref<128xi32, #tpu.memory_space<vmem>>
      %dma_wait3A_325 = arith.constant 0 : i32
      %dma_wait3A_326 = arith.constant 0 : i32
      %dma_wait3A_327 = tpu.memref_slice %arg3[%dma_wait3A_325, %dma_wait3A_326] : memref<1000000x64xf32, #tpu.memory_space<hbm>> -> memref<1000000x64xf32, #tpu.memory_space<hbm>>
      tpu.wait_indirect_dma semaphore(%arg17 : memref<!tpu.dma_semaphore, #tpu.memory_space<semaphore_mem>>) src(%dma_wait3A_327 : memref<1000000x64xf32, #tpu.memory_space<hbm>>) dst(%arg9 : memref<128x64xf32, #tpu.memory_space<vmem>>)
      %convert_element_type3A_328 = arith.extui %gt3A_41 : i1 to i32
      %cond3A_329 = arith.constant 0 : i32
      %cond3A_330 = arith.cmpi ne, %convert_element_type3A_328, %cond3A_329 : i32
      scf.if %cond3A_330 {
        %broadcast_in_dim3A_504 = arith.constant 0.000000e+00 : f32
        %broadcast_in_dim3A_505 = vector.broadcast %broadcast_in_dim3A_504 : f32 to vector<16xf32>
        %scan3A = arith.constant 0 : i32
        %scan3A_506 = arith.constant 0 : i32
        %scan3A_507 = arith.constant 8 : i32
        %scan3A_508 = arith.addi %scan3A_506, %scan3A_507 : i32
        %scan3A_509 = arith.constant 1 : i32
        scf.for %scan3A_511 = %scan3A_506 to %scan3A_508 step %scan3A_509  : i32 {
          %mul3A_512 = arith.constant 128 : i32
          %mul3A_513 = arith.muli %add3A_321, %mul3A_512 : i32
          %mul3A_514 = arith.constant 16 : i32
          %mul3A_515 = arith.muli %scan3A_511, %mul3A_514 : i32
          %add3A_516 = arith.addi %mul3A_513, %mul3A_515 : i32
          %get3A = arith.index_cast %add3A_516 : i32 to index
          %get3A_517 = tpu.vector_load %arg6[%get3A] {strides = array<i32>} : memref<38400xi32, #tpu.memory_space<vmem>>, vector<16xi32>,
          %eq3A_518 = arith.constant 0 : i32
          %eq3A_519 = vector.broadcast %eq3A_518 : i32 to vector<16xi32>
          %eq3A_520 = arith.cmpi eq, %get3A_517, %eq3A_519 : vector<16xi32>
          %mul3A_521 = arith.constant 16 : i32
          %mul3A_522 = arith.muli %scan3A_511, %mul3A_521 : i32
          %add3A_523 = vector.broadcast %mul3A_522 : i32 to vector<16xi32>
          %add3A_524 = arith.addi %iota3A, %add3A_523 : vector<16xi32>
          %scan3A_525 = arith.constant 0 : i32
          %scan3A_526 = arith.constant 0 : i32
          %scan3A_527 = arith.constant 64 : i32
          %scan3A_528 = arith.addi %scan3A_526, %scan3A_527 : i32
          %scan3A_529 = arith.constant 1 : i32
          scf.for %scan3A_531 = %scan3A_526 to %scan3A_528 step %scan3A_529  : i32 {
            %broadcast_in_dim3A_532 = vector.broadcast %scan3A_531 : i32 to vector<16xi32>
            tpu.vector_store_idx %arg9[%add3A_524, %broadcast_in_dim3A_532], %broadcast_in_dim3A_505 masked %eq3A_520 : memref<128x64xf32, #tpu.memory_space<vmem>>[vector<16xi32>, vector<16xi32>], vector<16xf32>, vector<16xi1>
          }
          %scan3A_530 = arith.constant 64 : i32
        }
        %scan3A_510 = arith.constant 8 : i32
      } else {
      }
      %sub3A_331 = arith.constant 4 : i32
      %sub3A_332 = arith.subi %add3A_321, %sub3A_331 : i32
      %add3A_333 = arith.addi %sub3A_332, %mul3A_8 : i32
      %rem3A_334 = arith.remsi %add3A_333, %mul3A_8 : i32
      %rem3A_335 = arith.constant 50 : i32
      %rem3A_336 = arith.remsi %rem3A_334, %rem3A_335 : i32
      %div3A_337 = arith.constant 50 : i32
      %div3A_338 = arith.divsi %rem3A_334, %div3A_337 : i32
      %add3A_339 = arith.addi %select_n3A_6, %div3A_338 : i32
      %dma_wait3A_340 = arith.constant 0 : i32
      %dma_wait3A_341 = arith.constant 0 : i32
      %dma_wait3A_342 = arith.constant 0 : i32
      %dma_wait3A_343 = tpu.memref_slice %arg4[%rem3A_336, %dma_wait3A_340, %add3A_339, %dma_wait3A_341, %dma_wait3A_342] : memref<50x8x128x8x128xf32, #tpu.memory_space<hbm>> -> memref<1x8x1x8x128xf32, #tpu.memory_space<hbm>>
      %dma_wait3A_344 = tpu.memref_squeeze %dma_wait3A_343 : memref<1x8x1x8x128xf32, #tpu.memory_space<hbm>> -> memref<8x8x128xf32, #tpu.memory_space<hbm>>
      %dma_wait3A_345 = arith.constant 0 : i32
      %dma_wait3A_346 = arith.constant 0 : i32
      %dma_wait3A_347 = arith.constant 0 : i32
      %dma_wait3A_348 = tpu.memref_slice %arg4[%rem3A_336, %dma_wait3A_345, %add3A_339, %dma_wait3A_346, %dma_wait3A_347] : memref<50x8x128x8x128xf32, #tpu.memory_space<hbm>> -> memref<1x8x1x8x128xf32, #tpu.memory_space<hbm>>
      %dma_wait3A_349 = tpu.memref_squeeze %dma_wait3A_348 : memref<1x8x1x8x128xf32, #tpu.memory_space<hbm>> -> memref<8x8x128xf32, #tpu.memory_space<hbm>>
      tpu.wait_dma2 semaphore(%arg21 : memref<!tpu.dma_semaphore, #tpu.memory_space<semaphore_mem>>) src(%arg13 : memref<8x8x128xf32, #tpu.memory_space<vmem>>) dst(%dma_wait3A_349 : memref<8x8x128xf32, #tpu.memory_space<hbm>>)
      %parallel_loop3A_350 = arith.constant 0 : i32
      %parallel_loop3A_351 = arith.constant 128 : i32
      %parallel_loop3A_352 = arith.constant 1 : i32
      scf.for %parallel_loop3A_504 = %parallel_loop3A_350 to %parallel_loop3A_351 step %parallel_loop3A_352  : i32 {
        %parallel_loop3A_505 = vector.broadcast %parallel_loop3A_504 : i32 to vector<16xi32>
        %parallel_loop3A_506 = arith.constant 0 : i32
        %parallel_loop3A_507 = vector.broadcast %parallel_loop3A_506 : i32 to vector<16xi32>
        %parallel_loop3A_508 = arith.addi %iota3A, %parallel_loop3A_507 : vector<16xi32>
        %parallel_loop3A_509 = tpu.vector_load_idx %arg9[%parallel_loop3A_505, %parallel_loop3A_508] : memref<128x64xf32, #tpu.memory_space<vmem>>[vector<16xi32>, vector<16xi32>], vector<16xf32>,
        %parallel_loop3A_510 = arith.addi %mul3A_47, %parallel_loop3A_505 : vector<16xi32>
        tpu.vector_store_idx %arg7[%parallel_loop3A_510], %parallel_loop3A_509 : memref<9024xf32, #tpu.memory_space<vmem>>[vector<16xi32>], vector<16xf32>,
        %parallel_loop3A_511 = arith.constant 16 : i32
        %parallel_loop3A_512 = vector.broadcast %parallel_loop3A_511 : i32 to vector<16xi32>
        %parallel_loop3A_513 = arith.addi %iota3A, %parallel_loop3A_512 : vector<16xi32>
        %parallel_loop3A_514 = tpu.vector_load_idx %arg9[%parallel_loop3A_505, %parallel_loop3A_513] : memref<128x64xf32, #tpu.memory_space<vmem>>[vector<16xi32>, vector<16xi32>], vector<16xf32>,
        %parallel_loop3A_515 = arith.addi %mul3A_53, %parallel_loop3A_505 : vector<16xi32>
        tpu.vector_store_idx %arg7[%parallel_loop3A_515], %parallel_loop3A_514 : memref<9024xf32, #tpu.memory_space<vmem>>[vector<16xi32>], vector<16xf32>,
        %parallel_loop3A_516 = arith.constant 32 : i32
        %parallel_loop3A_517 = vector.broadcast %parallel_loop3A_516 : i32 to vector<16xi32>
        %parallel_loop3A_518 = arith.addi %iota3A, %parallel_loop3A_517 : vector<16xi32>
        %parallel_loop3A_519 = tpu.vector_load_idx %arg9[%parallel_loop3A_505, %parallel_loop3A_518] : memref<128x64xf32, #tpu.memory_space<vmem>>[vector<16xi32>, vector<16xi32>], vector<16xf32>,
        %parallel_loop3A_520 = arith.addi %mul3A_59, %parallel_loop3A_505 : vector<16xi32>
        tpu.vector_store_idx %arg7[%parallel_loop3A_520], %parallel_loop3A_519 : memref<9024xf32, #tpu.memory_space<vmem>>[vector<16xi32>], vector<16xf32>,
        %parallel_loop3A_521 = arith.constant 48 : i32
        %parallel_loop3A_522 = vector.broadcast %parallel_loop3A_521 : i32 to vector<16xi32>
        %parallel_loop3A_523 = arith.addi %iota3A, %parallel_loop3A_522 : vector<16xi32>
        %parallel_loop3A_524 = tpu.vector_load_idx %arg9[%parallel_loop3A_505, %parallel_loop3A_523] : memref<128x64xf32, #tpu.memory_space<vmem>>[vector<16xi32>, vector<16xi32>], vector<16xf32>,
        %parallel_loop3A_525 = arith.addi %mul3A_65, %parallel_loop3A_505 : vector<16xi32>
        tpu.vector_store_idx %arg7[%parallel_loop3A_525], %parallel_loop3A_524 : memref<9024xf32, #tpu.memory_space<vmem>>[vector<16xi32>], vector<16xf32>,
      } {sc.loop_unroll_factor = 2 : i64, sc.parallel_access}
      %parallel_loop3A_353 = arith.constant 0 : i32
      %parallel_loop3A_354 = arith.constant 64 : i32
      %parallel_loop3A_355 = arith.constant 1 : i32
      scf.for %parallel_loop3A_504 = %parallel_loop3A_353 to %parallel_loop3A_354 step %parallel_loop3A_355  : i32 {
        %parallel_loop3A_505 = arith.constant 8 : i32
        %parallel_loop3A_506 = arith.divsi %parallel_loop3A_504, %parallel_loop3A_505 : i32
        %parallel_loop3A_507 = vector.broadcast %parallel_loop3A_506 : i32 to vector<16xi32>
        %parallel_loop3A_508 = arith.constant 8 : i32
        %parallel_loop3A_509 = arith.remsi %parallel_loop3A_504, %parallel_loop3A_508 : i32
        %parallel_loop3A_510 = vector.broadcast %parallel_loop3A_509 : i32 to vector<16xi32>
        %parallel_loop3A_511 = arith.constant 141 : i32
        %parallel_loop3A_512 = arith.muli %parallel_loop3A_504, %parallel_loop3A_511 : i32
        %parallel_loop3A_513 = arith.constant 0 : i32
        %parallel_loop3A_514 = arith.addi %parallel_loop3A_512, %parallel_loop3A_513 : i32
        %parallel_loop3A_515 = arith.index_cast %parallel_loop3A_514 : i32 to index
        %parallel_loop3A_516 = tpu.vector_load %arg7[%parallel_loop3A_515] {strides = array<i32>} : memref<9024xf32, #tpu.memory_space<vmem>>, vector<16xf32>,
        %parallel_loop3A_517 = arith.constant 0 : i32
        %parallel_loop3A_518 = vector.broadcast %parallel_loop3A_517 : i32 to vector<16xi32>
        %parallel_loop3A_519 = arith.addi %iota3A, %parallel_loop3A_518 : vector<16xi32>
        tpu.vector_store_idx %arg13[%parallel_loop3A_507, %parallel_loop3A_510, %parallel_loop3A_519], %parallel_loop3A_516 : memref<8x8x128xf32, #tpu.memory_space<vmem>>[vector<16xi32>, vector<16xi32>, vector<16xi32>], vector<16xf32>,
        %parallel_loop3A_520 = arith.constant 141 : i32
        %parallel_loop3A_521 = arith.muli %parallel_loop3A_504, %parallel_loop3A_520 : i32
        %parallel_loop3A_522 = arith.constant 16 : i32
        %parallel_loop3A_523 = arith.addi %parallel_loop3A_521, %parallel_loop3A_522 : i32
        %parallel_loop3A_524 = arith.index_cast %parallel_loop3A_523 : i32 to index
        %parallel_loop3A_525 = tpu.vector_load %arg7[%parallel_loop3A_524] {strides = array<i32>} : memref<9024xf32, #tpu.memory_space<vmem>>, vector<16xf32>,
        %parallel_loop3A_526 = arith.constant 16 : i32
        %parallel_loop3A_527 = vector.broadcast %parallel_loop3A_526 : i32 to vector<16xi32>
        %parallel_loop3A_528 = arith.addi %iota3A, %parallel_loop3A_527 : vector<16xi32>
        tpu.vector_store_idx %arg13[%parallel_loop3A_507, %parallel_loop3A_510, %parallel_loop3A_528], %parallel_loop3A_525 : memref<8x8x128xf32, #tpu.memory_space<vmem>>[vector<16xi32>, vector<16xi32>, vector<16xi32>], vector<16xf32>,
        %parallel_loop3A_529 = arith.constant 141 : i32
        %parallel_loop3A_530 = arith.muli %parallel_loop3A_504, %parallel_loop3A_529 : i32
        %parallel_loop3A_531 = arith.constant 32 : i32
        %parallel_loop3A_532 = arith.addi %parallel_loop3A_530, %parallel_loop3A_531 : i32
        %parallel_loop3A_533 = arith.index_cast %parallel_loop3A_532 : i32 to index
        %parallel_loop3A_534 = tpu.vector_load %arg7[%parallel_loop3A_533] {strides = array<i32>} : memref<9024xf32, #tpu.memory_space<vmem>>, vector<16xf32>,
        %parallel_loop3A_535 = arith.constant 32 : i32
        %parallel_loop3A_536 = vector.broadcast %parallel_loop3A_535 : i32 to vector<16xi32>
        %parallel_loop3A_537 = arith.addi %iota3A, %parallel_loop3A_536 : vector<16xi32>
        tpu.vector_store_idx %arg13[%parallel_loop3A_507, %parallel_loop3A_510, %parallel_loop3A_537], %parallel_loop3A_534 : memref<8x8x128xf32, #tpu.memory_space<vmem>>[vector<16xi32>, vector<16xi32>, vector<16xi32>], vector<16xf32>,
        %parallel_loop3A_538 = arith.constant 141 : i32
        %parallel_loop3A_539 = arith.muli %parallel_loop3A_504, %parallel_loop3A_538 : i32
        %parallel_loop3A_540 = arith.constant 48 : i32
        %parallel_loop3A_541 = arith.addi %parallel_loop3A_539, %parallel_loop3A_540 : i32
        %parallel_loop3A_542 = arith.index_cast %parallel_loop3A_541 : i32 to index
        %parallel_loop3A_543 = tpu.vector_load %arg7[%parallel_loop3A_542] {strides = array<i32>} : memref<9024xf32, #tpu.memory_space<vmem>>, vector<16xf32>,
        %parallel_loop3A_544 = arith.constant 48 : i32
        %parallel_loop3A_545 = vector.broadcast %parallel_loop3A_544 : i32 to vector<16xi32>
        %parallel_loop3A_546 = arith.addi %iota3A, %parallel_loop3A_545 : vector<16xi32>
        tpu.vector_store_idx %arg13[%parallel_loop3A_507, %parallel_loop3A_510, %parallel_loop3A_546], %parallel_loop3A_543 : memref<8x8x128xf32, #tpu.memory_space<vmem>>[vector<16xi32>, vector<16xi32>, vector<16xi32>], vector<16xf32>,
        %parallel_loop3A_547 = arith.constant 141 : i32
        %parallel_loop3A_548 = arith.muli %parallel_loop3A_504, %parallel_loop3A_547 : i32
        %parallel_loop3A_549 = arith.constant 64 : i32
        %parallel_loop3A_550 = arith.addi %parallel_loop3A_548, %parallel_loop3A_549 : i32
        %parallel_loop3A_551 = arith.index_cast %parallel_loop3A_550 : i32 to index
        %parallel_loop3A_552 = tpu.vector_load %arg7[%parallel_loop3A_551] {strides = array<i32>} : memref<9024xf32, #tpu.memory_space<vmem>>, vector<16xf32>,
        %parallel_loop3A_553 = arith.constant 64 : i32
        %parallel_loop3A_554 = vector.broadcast %parallel_loop3A_553 : i32 to vector<16xi32>
        %parallel_loop3A_555 = arith.addi %iota3A, %parallel_loop3A_554 : vector<16xi32>
        tpu.vector_store_idx %arg13[%parallel_loop3A_507, %parallel_loop3A_510, %parallel_loop3A_555], %parallel_loop3A_552 : memref<8x8x128xf32, #tpu.memory_space<vmem>>[vector<16xi32>, vector<16xi32>, vector<16xi32>], vector<16xf32>,
        %parallel_loop3A_556 = arith.constant 141 : i32
        %parallel_loop3A_557 = arith.muli %parallel_loop3A_504, %parallel_loop3A_556 : i32
        %parallel_loop3A_558 = arith.constant 80 : i32
        %parallel_loop3A_559 = arith.addi %parallel_loop3A_557, %parallel_loop3A_558 : i32
        %parallel_loop3A_560 = arith.index_cast %parallel_loop3A_559 : i32 to index
        %parallel_loop3A_561 = tpu.vector_load %arg7[%parallel_loop3A_560] {strides = array<i32>} : memref<9024xf32, #tpu.memory_space<vmem>>, vector<16xf32>,
        %parallel_loop3A_562 = arith.constant 80 : i32
        %parallel_loop3A_563 = vector.broadcast %parallel_loop3A_562 : i32 to vector<16xi32>
        %parallel_loop3A_564 = arith.addi %iota3A, %parallel_loop3A_563 : vector<16xi32>
        tpu.vector_store_idx %arg13[%parallel_loop3A_507, %parallel_loop3A_510, %parallel_loop3A_564], %parallel_loop3A_561 : memref<8x8x128xf32, #tpu.memory_space<vmem>>[vector<16xi32>, vector<16xi32>, vector<16xi32>], vector<16xf32>,
        %parallel_loop3A_565 = arith.constant 141 : i32
        %parallel_loop3A_566 = arith.muli %parallel_loop3A_504, %parallel_loop3A_565 : i32
        %parallel_loop3A_567 = arith.constant 96 : i32
        %parallel_loop3A_568 = arith.addi %parallel_loop3A_566, %parallel_loop3A_567 : i32
        %parallel_loop3A_569 = arith.index_cast %parallel_loop3A_568 : i32 to index
        %parallel_loop3A_570 = tpu.vector_load %arg7[%parallel_loop3A_569] {strides = array<i32>} : memref<9024xf32, #tpu.memory_space<vmem>>, vector<16xf32>,
        %parallel_loop3A_571 = arith.constant 96 : i32
        %parallel_loop3A_572 = vector.broadcast %parallel_loop3A_571 : i32 to vector<16xi32>
        %parallel_loop3A_573 = arith.addi %iota3A, %parallel_loop3A_572 : vector<16xi32>
        tpu.vector_store_idx %arg13[%parallel_loop3A_507, %parallel_loop3A_510, %parallel_loop3A_573], %parallel_loop3A_570 : memref<8x8x128xf32, #tpu.memory_space<vmem>>[vector<16xi32>, vector<16xi32>, vector<16xi32>], vector<16xf32>,
        %parallel_loop3A_574 = arith.constant 141 : i32
        %parallel_loop3A_575 = arith.muli %parallel_loop3A_504, %parallel_loop3A_574 : i32
        %parallel_loop3A_576 = arith.constant 112 : i32
        %parallel_loop3A_577 = arith.addi %parallel_loop3A_575, %parallel_loop3A_576 : i32
        %parallel_loop3A_578 = arith.index_cast %parallel_loop3A_577 : i32 to index
        %parallel_loop3A_579 = tpu.vector_load %arg7[%parallel_loop3A_578] {strides = array<i32>} : memref<9024xf32, #tpu.memory_space<vmem>>, vector<16xf32>,
        %parallel_loop3A_580 = arith.constant 112 : i32
        %parallel_loop3A_581 = vector.broadcast %parallel_loop3A_580 : i32 to vector<16xi32>
        %parallel_loop3A_582 = arith.addi %iota3A, %parallel_loop3A_581 : vector<16xi32>
        tpu.vector_store_idx %arg13[%parallel_loop3A_507, %parallel_loop3A_510, %parallel_loop3A_582], %parallel_loop3A_579 : memref<8x8x128xf32, #tpu.memory_space<vmem>>[vector<16xi32>, vector<16xi32>, vector<16xi32>], vector<16xf32>,
      } {sc.loop_unroll_factor = 2 : i64, sc.parallel_access}
      %rem3A_356 = arith.constant 50 : i32
      %rem3A_357 = arith.remsi %add3A_321, %rem3A_356 : i32
      %div3A_358 = arith.constant 50 : i32
      %div3A_359 = arith.divsi %add3A_321, %div3A_358 : i32
      %add3A_360 = arith.addi %select_n3A_6, %div3A_359 : i32
      %dma_start3A_361 = arith.constant 0 : i32
      %dma_start3A_362 = arith.constant 0 : i32
      %dma_start3A_363 = arith.constant 0 : i32
      %dma_start3A_364 = tpu.memref_slice %arg4[%rem3A_357, %dma_start3A_361, %add3A_360, %dma_start3A_362, %dma_start3A_363] : memref<50x8x128x8x128xf32, #tpu.memory_space<hbm>> -> memref<1x8x1x8x128xf32, #tpu.memory_space<hbm>>
      %dma_start3A_365 = tpu.memref_squeeze %dma_start3A_364 : memref<1x8x1x8x128xf32, #tpu.memory_space<hbm>> -> memref<8x8x128xf32, #tpu.memory_space<hbm>>
      %dma_start3A_366 = arith.constant 0 : i32
      %dma_start3A_367 = arith.constant 0 : i32
      %dma_start3A_368 = arith.constant 0 : i32
      %dma_start3A_369 = tpu.memref_slice %arg4[%rem3A_357, %dma_start3A_366, %add3A_360, %dma_start3A_367, %dma_start3A_368] : memref<50x8x128x8x128xf32, #tpu.memory_space<hbm>> -> memref<1x8x1x8x128xf32, #tpu.memory_space<hbm>>
      %dma_start3A_370 = tpu.memref_squeeze %dma_start3A_369 : memref<1x8x1x8x128xf32, #tpu.memory_space<hbm>> -> memref<8x8x128xf32, #tpu.memory_space<hbm>>
      tpu.enqueue_dma source(%arg13 : memref<8x8x128xf32, #tpu.memory_space<vmem>>) target(%dma_start3A_370 : memref<8x8x128xf32, #tpu.memory_space<hbm>>) target_semaphore(%arg21 : memref<!tpu.dma_semaphore, #tpu.memory_space<semaphore_mem>>)
      %add3A_371 = arith.constant 4 : i32
      %add3A_372 = arith.addi %add3A_321, %add3A_371 : i32
      %rem3A_373 = arith.remsi %add3A_372, %mul3A_8 : i32
      %mul3A_374 = arith.constant 128 : i32
      %mul3A_375 = arith.muli %rem3A_373, %mul3A_374 : i32
      %dma_start3A_376 = tpu.memref_slice %arg6[%mul3A_375] : memref<38400xi32, #tpu.memory_space<vmem>> -> memref<128xi32, #tpu.memory_space<vmem>>
      %dma_start3A_377 = arith.constant 0 : i32
      %dma_start3A_378 = arith.constant 0 : i32
      %dma_start3A_379 = tpu.memref_slice %arg3[%dma_start3A_377, %dma_start3A_378] : memref<1000000x64xf32, #tpu.memory_space<hbm>> -> memref<1000000x64xf32, #tpu.memory_space<hbm>>
      tpu.enqueue_indirect_dma source(%dma_start3A_379 : memref<1000000x64xf32, #tpu.memory_space<hbm>>) target(%arg9 : memref<128x64xf32, #tpu.memory_space<vmem>>) offsets(%dma_start3A_376 : memref<128xi32, #tpu.memory_space<vmem>>) semaphore(%arg17 : memref<!tpu.dma_semaphore, #tpu.memory_space<semaphore_mem>>)
      %mul3A_380 = arith.constant 4 : i32
      %mul3A_381 = arith.muli %while3A_258, %mul3A_380 : i32
      %add3A_382 = arith.constant 2 : i32
      %add3A_383 = arith.addi %mul3A_381, %add3A_382 : i32
      %mul3A_384 = arith.constant 128 : i32
      %mul3A_385 = arith.muli %add3A_383, %mul3A_384 : i32
      %dma_wait3A_386 = tpu.memref_slice %arg6[%mul3A_385] : memref<38400xi32, #tpu.memory_space<vmem>> -> memref<128xi32, #tpu.memory_space<vmem>>
      %dma_wait3A_387 = arith.constant 0 : i32
      %dma_wait3A_388 = arith.constant 0 : i32
      %dma_wait3A_389 = tpu.memref_slice %arg3[%dma_wait3A_387, %dma_wait3A_388] : memref<1000000x64xf32, #tpu.memory_space<hbm>> -> memref<1000000x64xf32, #tpu.memory_space<hbm>>
      tpu.wait_indirect_dma semaphore(%arg18 : memref<!tpu.dma_semaphore, #tpu.memory_space<semaphore_mem>>) src(%dma_wait3A_389 : memref<1000000x64xf32, #tpu.memory_space<hbm>>) dst(%arg10 : memref<128x64xf32, #tpu.memory_space<vmem>>)
      %convert_element_type3A_390 = arith.extui %gt3A_41 : i1 to i32
      %cond3A_391 = arith.constant 0 : i32
      %cond3A_392 = arith.cmpi ne, %convert_element_type3A_390, %cond3A_391 : i32
      scf.if %cond3A_392 {
        %broadcast_in_dim3A_504 = arith.constant 0.000000e+00 : f32
        %broadcast_in_dim3A_505 = vector.broadcast %broadcast_in_dim3A_504 : f32 to vector<16xf32>
        %scan3A = arith.constant 0 : i32
        %scan3A_506 = arith.constant 0 : i32
        %scan3A_507 = arith.constant 8 : i32
        %scan3A_508 = arith.addi %scan3A_506, %scan3A_507 : i32
        %scan3A_509 = arith.constant 1 : i32
        scf.for %scan3A_511 = %scan3A_506 to %scan3A_508 step %scan3A_509  : i32 {
          %mul3A_512 = arith.constant 128 : i32
          %mul3A_513 = arith.muli %add3A_383, %mul3A_512 : i32
          %mul3A_514 = arith.constant 16 : i32
          %mul3A_515 = arith.muli %scan3A_511, %mul3A_514 : i32
          %add3A_516 = arith.addi %mul3A_513, %mul3A_515 : i32
          %get3A = arith.index_cast %add3A_516 : i32 to index
          %get3A_517 = tpu.vector_load %arg6[%get3A] {strides = array<i32>} : memref<38400xi32, #tpu.memory_space<vmem>>, vector<16xi32>,
          %eq3A_518 = arith.constant 0 : i32
          %eq3A_519 = vector.broadcast %eq3A_518 : i32 to vector<16xi32>
          %eq3A_520 = arith.cmpi eq, %get3A_517, %eq3A_519 : vector<16xi32>
          %mul3A_521 = arith.constant 16 : i32
          %mul3A_522 = arith.muli %scan3A_511, %mul3A_521 : i32
          %add3A_523 = vector.broadcast %mul3A_522 : i32 to vector<16xi32>
          %add3A_524 = arith.addi %iota3A, %add3A_523 : vector<16xi32>
          %scan3A_525 = arith.constant 0 : i32
          %scan3A_526 = arith.constant 0 : i32
          %scan3A_527 = arith.constant 64 : i32
          %scan3A_528 = arith.addi %scan3A_526, %scan3A_527 : i32
          %scan3A_529 = arith.constant 1 : i32
          scf.for %scan3A_531 = %scan3A_526 to %scan3A_528 step %scan3A_529  : i32 {
            %broadcast_in_dim3A_532 = vector.broadcast %scan3A_531 : i32 to vector<16xi32>
            tpu.vector_store_idx %arg10[%add3A_524, %broadcast_in_dim3A_532], %broadcast_in_dim3A_505 masked %eq3A_520 : memref<128x64xf32, #tpu.memory_space<vmem>>[vector<16xi32>, vector<16xi32>], vector<16xf32>, vector<16xi1>
          }
          %scan3A_530 = arith.constant 64 : i32
        }
        %scan3A_510 = arith.constant 8 : i32
      } else {
      }
      %sub3A_393 = arith.constant 4 : i32
      %sub3A_394 = arith.subi %add3A_383, %sub3A_393 : i32
      %add3A_395 = arith.addi %sub3A_394, %mul3A_8 : i32
      %rem3A_396 = arith.remsi %add3A_395, %mul3A_8 : i32
      %rem3A_397 = arith.constant 50 : i32
      %rem3A_398 = arith.remsi %rem3A_396, %rem3A_397 : i32
      %div3A_399 = arith.constant 50 : i32
      %div3A_400 = arith.divsi %rem3A_396, %div3A_399 : i32
      %add3A_401 = arith.addi %select_n3A_6, %div3A_400 : i32
      %dma_wait3A_402 = arith.constant 0 : i32
      %dma_wait3A_403 = arith.constant 0 : i32
      %dma_wait3A_404 = arith.constant 0 : i32
      %dma_wait3A_405 = tpu.memref_slice %arg4[%rem3A_398, %dma_wait3A_402, %add3A_401, %dma_wait3A_403, %dma_wait3A_404] : memref<50x8x128x8x128xf32, #tpu.memory_space<hbm>> -> memref<1x8x1x8x128xf32, #tpu.memory_space<hbm>>
      %dma_wait3A_406 = tpu.memref_squeeze %dma_wait3A_405 : memref<1x8x1x8x128xf32, #tpu.memory_space<hbm>> -> memref<8x8x128xf32, #tpu.memory_space<hbm>>
      %dma_wait3A_407 = arith.constant 0 : i32
      %dma_wait3A_408 = arith.constant 0 : i32
      %dma_wait3A_409 = arith.constant 0 : i32
      %dma_wait3A_410 = tpu.memref_slice %arg4[%rem3A_398, %dma_wait3A_407, %add3A_401, %dma_wait3A_408, %dma_wait3A_409] : memref<50x8x128x8x128xf32, #tpu.memory_space<hbm>> -> memref<1x8x1x8x128xf32, #tpu.memory_space<hbm>>
      %dma_wait3A_411 = tpu.memref_squeeze %dma_wait3A_410 : memref<1x8x1x8x128xf32, #tpu.memory_space<hbm>> -> memref<8x8x128xf32, #tpu.memory_space<hbm>>
      tpu.wait_dma2 semaphore(%arg22 : memref<!tpu.dma_semaphore, #tpu.memory_space<semaphore_mem>>) src(%arg14 : memref<8x8x128xf32, #tpu.memory_space<vmem>>) dst(%dma_wait3A_411 : memref<8x8x128xf32, #tpu.memory_space<hbm>>)
      %parallel_loop3A_412 = arith.constant 0 : i32
      %parallel_loop3A_413 = arith.constant 128 : i32
      %parallel_loop3A_414 = arith.constant 1 : i32
      scf.for %parallel_loop3A_504 = %parallel_loop3A_412 to %parallel_loop3A_413 step %parallel_loop3A_414  : i32 {
        %parallel_loop3A_505 = vector.broadcast %parallel_loop3A_504 : i32 to vector<16xi32>
        %parallel_loop3A_506 = arith.constant 0 : i32
        %parallel_loop3A_507 = vector.broadcast %parallel_loop3A_506 : i32 to vector<16xi32>
        %parallel_loop3A_508 = arith.addi %iota3A, %parallel_loop3A_507 : vector<16xi32>
        %parallel_loop3A_509 = tpu.vector_load_idx %arg10[%parallel_loop3A_505, %parallel_loop3A_508] : memref<128x64xf32, #tpu.memory_space<vmem>>[vector<16xi32>, vector<16xi32>], vector<16xf32>,
        %parallel_loop3A_510 = arith.addi %mul3A_47, %parallel_loop3A_505 : vector<16xi32>
        tpu.vector_store_idx %arg7[%parallel_loop3A_510], %parallel_loop3A_509 : memref<9024xf32, #tpu.memory_space<vmem>>[vector<16xi32>], vector<16xf32>,
        %parallel_loop3A_511 = arith.constant 16 : i32
        %parallel_loop3A_512 = vector.broadcast %parallel_loop3A_511 : i32 to vector<16xi32>
        %parallel_loop3A_513 = arith.addi %iota3A, %parallel_loop3A_512 : vector<16xi32>
        %parallel_loop3A_514 = tpu.vector_load_idx %arg10[%parallel_loop3A_505, %parallel_loop3A_513] : memref<128x64xf32, #tpu.memory_space<vmem>>[vector<16xi32>, vector<16xi32>], vector<16xf32>,
        %parallel_loop3A_515 = arith.addi %mul3A_53, %parallel_loop3A_505 : vector<16xi32>
        tpu.vector_store_idx %arg7[%parallel_loop3A_515], %parallel_loop3A_514 : memref<9024xf32, #tpu.memory_space<vmem>>[vector<16xi32>], vector<16xf32>,
        %parallel_loop3A_516 = arith.constant 32 : i32
        %parallel_loop3A_517 = vector.broadcast %parallel_loop3A_516 : i32 to vector<16xi32>
        %parallel_loop3A_518 = arith.addi %iota3A, %parallel_loop3A_517 : vector<16xi32>
        %parallel_loop3A_519 = tpu.vector_load_idx %arg10[%parallel_loop3A_505, %parallel_loop3A_518] : memref<128x64xf32, #tpu.memory_space<vmem>>[vector<16xi32>, vector<16xi32>], vector<16xf32>,
        %parallel_loop3A_520 = arith.addi %mul3A_59, %parallel_loop3A_505 : vector<16xi32>
        tpu.vector_store_idx %arg7[%parallel_loop3A_520], %parallel_loop3A_519 : memref<9024xf32, #tpu.memory_space<vmem>>[vector<16xi32>], vector<16xf32>,
        %parallel_loop3A_521 = arith.constant 48 : i32
        %parallel_loop3A_522 = vector.broadcast %parallel_loop3A_521 : i32 to vector<16xi32>
        %parallel_loop3A_523 = arith.addi %iota3A, %parallel_loop3A_522 : vector<16xi32>
        %parallel_loop3A_524 = tpu.vector_load_idx %arg10[%parallel_loop3A_505, %parallel_loop3A_523] : memref<128x64xf32, #tpu.memory_space<vmem>>[vector<16xi32>, vector<16xi32>], vector<16xf32>,
        %parallel_loop3A_525 = arith.addi %mul3A_65, %parallel_loop3A_505 : vector<16xi32>
        tpu.vector_store_idx %arg7[%parallel_loop3A_525], %parallel_loop3A_524 : memref<9024xf32, #tpu.memory_space<vmem>>[vector<16xi32>], vector<16xf32>,
      } {sc.loop_unroll_factor = 2 : i64, sc.parallel_access}
      %parallel_loop3A_415 = arith.constant 0 : i32
      %parallel_loop3A_416 = arith.constant 64 : i32
      %parallel_loop3A_417 = arith.constant 1 : i32
      scf.for %parallel_loop3A_504 = %parallel_loop3A_415 to %parallel_loop3A_416 step %parallel_loop3A_417  : i32 {
        %parallel_loop3A_505 = arith.constant 8 : i32
        %parallel_loop3A_506 = arith.divsi %parallel_loop3A_504, %parallel_loop3A_505 : i32
        %parallel_loop3A_507 = vector.broadcast %parallel_loop3A_506 : i32 to vector<16xi32>
        %parallel_loop3A_508 = arith.constant 8 : i32
        %parallel_loop3A_509 = arith.remsi %parallel_loop3A_504, %parallel_loop3A_508 : i32
        %parallel_loop3A_510 = vector.broadcast %parallel_loop3A_509 : i32 to vector<16xi32>
        %parallel_loop3A_511 = arith.constant 141 : i32
        %parallel_loop3A_512 = arith.muli %parallel_loop3A_504, %parallel_loop3A_511 : i32
        %parallel_loop3A_513 = arith.constant 0 : i32
        %parallel_loop3A_514 = arith.addi %parallel_loop3A_512, %parallel_loop3A_513 : i32
        %parallel_loop3A_515 = arith.index_cast %parallel_loop3A_514 : i32 to index
        %parallel_loop3A_516 = tpu.vector_load %arg7[%parallel_loop3A_515] {strides = array<i32>} : memref<9024xf32, #tpu.memory_space<vmem>>, vector<16xf32>,
        %parallel_loop3A_517 = arith.constant 0 : i32
        %parallel_loop3A_518 = vector.broadcast %parallel_loop3A_517 : i32 to vector<16xi32>
        %parallel_loop3A_519 = arith.addi %iota3A, %parallel_loop3A_518 : vector<16xi32>
        tpu.vector_store_idx %arg14[%parallel_loop3A_507, %parallel_loop3A_510, %parallel_loop3A_519], %parallel_loop3A_516 : memref<8x8x128xf32, #tpu.memory_space<vmem>>[vector<16xi32>, vector<16xi32>, vector<16xi32>], vector<16xf32>,
        %parallel_loop3A_520 = arith.constant 141 : i32
        %parallel_loop3A_521 = arith.muli %parallel_loop3A_504, %parallel_loop3A_520 : i32
        %parallel_loop3A_522 = arith.constant 16 : i32
        %parallel_loop3A_523 = arith.addi %parallel_loop3A_521, %parallel_loop3A_522 : i32
        %parallel_loop3A_524 = arith.index_cast %parallel_loop3A_523 : i32 to index
        %parallel_loop3A_525 = tpu.vector_load %arg7[%parallel_loop3A_524] {strides = array<i32>} : memref<9024xf32, #tpu.memory_space<vmem>>, vector<16xf32>,
        %parallel_loop3A_526 = arith.constant 16 : i32
        %parallel_loop3A_527 = vector.broadcast %parallel_loop3A_526 : i32 to vector<16xi32>
        %parallel_loop3A_528 = arith.addi %iota3A, %parallel_loop3A_527 : vector<16xi32>
        tpu.vector_store_idx %arg14[%parallel_loop3A_507, %parallel_loop3A_510, %parallel_loop3A_528], %parallel_loop3A_525 : memref<8x8x128xf32, #tpu.memory_space<vmem>>[vector<16xi32>, vector<16xi32>, vector<16xi32>], vector<16xf32>,
        %parallel_loop3A_529 = arith.constant 141 : i32
        %parallel_loop3A_530 = arith.muli %parallel_loop3A_504, %parallel_loop3A_529 : i32
        %parallel_loop3A_531 = arith.constant 32 : i32
        %parallel_loop3A_532 = arith.addi %parallel_loop3A_530, %parallel_loop3A_531 : i32
        %parallel_loop3A_533 = arith.index_cast %parallel_loop3A_532 : i32 to index
        %parallel_loop3A_534 = tpu.vector_load %arg7[%parallel_loop3A_533] {strides = array<i32>} : memref<9024xf32, #tpu.memory_space<vmem>>, vector<16xf32>,
        %parallel_loop3A_535 = arith.constant 32 : i32
        %parallel_loop3A_536 = vector.broadcast %parallel_loop3A_535 : i32 to vector<16xi32>
        %parallel_loop3A_537 = arith.addi %iota3A, %parallel_loop3A_536 : vector<16xi32>
        tpu.vector_store_idx %arg14[%parallel_loop3A_507, %parallel_loop3A_510, %parallel_loop3A_537], %parallel_loop3A_534 : memref<8x8x128xf32, #tpu.memory_space<vmem>>[vector<16xi32>, vector<16xi32>, vector<16xi32>], vector<16xf32>,
        %parallel_loop3A_538 = arith.constant 141 : i32
        %parallel_loop3A_539 = arith.muli %parallel_loop3A_504, %parallel_loop3A_538 : i32
        %parallel_loop3A_540 = arith.constant 48 : i32
        %parallel_loop3A_541 = arith.addi %parallel_loop3A_539, %parallel_loop3A_540 : i32
        %parallel_loop3A_542 = arith.index_cast %parallel_loop3A_541 : i32 to index
        %parallel_loop3A_543 = tpu.vector_load %arg7[%parallel_loop3A_542] {strides = array<i32>} : memref<9024xf32, #tpu.memory_space<vmem>>, vector<16xf32>,
        %parallel_loop3A_544 = arith.constant 48 : i32
        %parallel_loop3A_545 = vector.broadcast %parallel_loop3A_544 : i32 to vector<16xi32>
        %parallel_loop3A_546 = arith.addi %iota3A, %parallel_loop3A_545 : vector<16xi32>
        tpu.vector_store_idx %arg14[%parallel_loop3A_507, %parallel_loop3A_510, %parallel_loop3A_546], %parallel_loop3A_543 : memref<8x8x128xf32, #tpu.memory_space<vmem>>[vector<16xi32>, vector<16xi32>, vector<16xi32>], vector<16xf32>,
        %parallel_loop3A_547 = arith.constant 141 : i32
        %parallel_loop3A_548 = arith.muli %parallel_loop3A_504, %parallel_loop3A_547 : i32
        %parallel_loop3A_549 = arith.constant 64 : i32
        %parallel_loop3A_550 = arith.addi %parallel_loop3A_548, %parallel_loop3A_549 : i32
        %parallel_loop3A_551 = arith.index_cast %parallel_loop3A_550 : i32 to index
        %parallel_loop3A_552 = tpu.vector_load %arg7[%parallel_loop3A_551] {strides = array<i32>} : memref<9024xf32, #tpu.memory_space<vmem>>, vector<16xf32>,
        %parallel_loop3A_553 = arith.constant 64 : i32
        %parallel_loop3A_554 = vector.broadcast %parallel_loop3A_553 : i32 to vector<16xi32>
        %parallel_loop3A_555 = arith.addi %iota3A, %parallel_loop3A_554 : vector<16xi32>
        tpu.vector_store_idx %arg14[%parallel_loop3A_507, %parallel_loop3A_510, %parallel_loop3A_555], %parallel_loop3A_552 : memref<8x8x128xf32, #tpu.memory_space<vmem>>[vector<16xi32>, vector<16xi32>, vector<16xi32>], vector<16xf32>,
        %parallel_loop3A_556 = arith.constant 141 : i32
        %parallel_loop3A_557 = arith.muli %parallel_loop3A_504, %parallel_loop3A_556 : i32
        %parallel_loop3A_558 = arith.constant 80 : i32
        %parallel_loop3A_559 = arith.addi %parallel_loop3A_557, %parallel_loop3A_558 : i32
        %parallel_loop3A_560 = arith.index_cast %parallel_loop3A_559 : i32 to index
        %parallel_loop3A_561 = tpu.vector_load %arg7[%parallel_loop3A_560] {strides = array<i32>} : memref<9024xf32, #tpu.memory_space<vmem>>, vector<16xf32>,
        %parallel_loop3A_562 = arith.constant 80 : i32
        %parallel_loop3A_563 = vector.broadcast %parallel_loop3A_562 : i32 to vector<16xi32>
        %parallel_loop3A_564 = arith.addi %iota3A, %parallel_loop3A_563 : vector<16xi32>
        tpu.vector_store_idx %arg14[%parallel_loop3A_507, %parallel_loop3A_510, %parallel_loop3A_564], %parallel_loop3A_561 : memref<8x8x128xf32, #tpu.memory_space<vmem>>[vector<16xi32>, vector<16xi32>, vector<16xi32>], vector<16xf32>,
        %parallel_loop3A_565 = arith.constant 141 : i32
        %parallel_loop3A_566 = arith.muli %parallel_loop3A_504, %parallel_loop3A_565 : i32
        %parallel_loop3A_567 = arith.constant 96 : i32
        %parallel_loop3A_568 = arith.addi %parallel_loop3A_566, %parallel_loop3A_567 : i32
        %parallel_loop3A_569 = arith.index_cast %parallel_loop3A_568 : i32 to index
        %parallel_loop3A_570 = tpu.vector_load %arg7[%parallel_loop3A_569] {strides = array<i32>} : memref<9024xf32, #tpu.memory_space<vmem>>, vector<16xf32>,
        %parallel_loop3A_571 = arith.constant 96 : i32
        %parallel_loop3A_572 = vector.broadcast %parallel_loop3A_571 : i32 to vector<16xi32>
        %parallel_loop3A_573 = arith.addi %iota3A, %parallel_loop3A_572 : vector<16xi32>
        tpu.vector_store_idx %arg14[%parallel_loop3A_507, %parallel_loop3A_510, %parallel_loop3A_573], %parallel_loop3A_570 : memref<8x8x128xf32, #tpu.memory_space<vmem>>[vector<16xi32>, vector<16xi32>, vector<16xi32>], vector<16xf32>,
        %parallel_loop3A_574 = arith.constant 141 : i32
        %parallel_loop3A_575 = arith.muli %parallel_loop3A_504, %parallel_loop3A_574 : i32
        %parallel_loop3A_576 = arith.constant 112 : i32
        %parallel_loop3A_577 = arith.addi %parallel_loop3A_575, %parallel_loop3A_576 : i32
        %parallel_loop3A_578 = arith.index_cast %parallel_loop3A_577 : i32 to index
        %parallel_loop3A_579 = tpu.vector_load %arg7[%parallel_loop3A_578] {strides = array<i32>} : memref<9024xf32, #tpu.memory_space<vmem>>, vector<16xf32>,
        %parallel_loop3A_580 = arith.constant 112 : i32
        %parallel_loop3A_581 = vector.broadcast %parallel_loop3A_580 : i32 to vector<16xi32>
        %parallel_loop3A_582 = arith.addi %iota3A, %parallel_loop3A_581 : vector<16xi32>
        tpu.vector_store_idx %arg14[%parallel_loop3A_507, %parallel_loop3A_510, %parallel_loop3A_582], %parallel_loop3A_579 : memref<8x8x128xf32, #tpu.memory_space<vmem>>[vector<16xi32>, vector<16xi32>, vector<16xi32>], vector<16xf32>,
      } {sc.loop_unroll_factor = 2 : i64, sc.parallel_access}
      %rem3A_418 = arith.constant 50 : i32
      %rem3A_419 = arith.remsi %add3A_383, %rem3A_418 : i32
      %div3A_420 = arith.constant 50 : i32
      %div3A_421 = arith.divsi %add3A_383, %div3A_420 : i32
      %add3A_422 = arith.addi %select_n3A_6, %div3A_421 : i32
      %dma_start3A_423 = arith.constant 0 : i32
      %dma_start3A_424 = arith.constant 0 : i32
      %dma_start3A_425 = arith.constant 0 : i32
      %dma_start3A_426 = tpu.memref_slice %arg4[%rem3A_419, %dma_start3A_423, %add3A_422, %dma_start3A_424, %dma_start3A_425] : memref<50x8x128x8x128xf32, #tpu.memory_space<hbm>> -> memref<1x8x1x8x128xf32, #tpu.memory_space<hbm>>
      %dma_start3A_427 = tpu.memref_squeeze %dma_start3A_426 : memref<1x8x1x8x128xf32, #tpu.memory_space<hbm>> -> memref<8x8x128xf32, #tpu.memory_space<hbm>>
      %dma_start3A_428 = arith.constant 0 : i32
      %dma_start3A_429 = arith.constant 0 : i32
      %dma_start3A_430 = arith.constant 0 : i32
      %dma_start3A_431 = tpu.memref_slice %arg4[%rem3A_419, %dma_start3A_428, %add3A_422, %dma_start3A_429, %dma_start3A_430] : memref<50x8x128x8x128xf32, #tpu.memory_space<hbm>> -> memref<1x8x1x8x128xf32, #tpu.memory_space<hbm>>
      %dma_start3A_432 = tpu.memref_squeeze %dma_start3A_431 : memref<1x8x1x8x128xf32, #tpu.memory_space<hbm>> -> memref<8x8x128xf32, #tpu.memory_space<hbm>>
      tpu.enqueue_dma source(%arg14 : memref<8x8x128xf32, #tpu.memory_space<vmem>>) target(%dma_start3A_432 : memref<8x8x128xf32, #tpu.memory_space<hbm>>) target_semaphore(%arg22 : memref<!tpu.dma_semaphore, #tpu.memory_space<semaphore_mem>>)
      %add3A_433 = arith.constant 4 : i32
      %add3A_434 = arith.addi %add3A_383, %add3A_433 : i32
      %rem3A_435 = arith.remsi %add3A_434, %mul3A_8 : i32
      %mul3A_436 = arith.constant 128 : i32
      %mul3A_437 = arith.muli %rem3A_435, %mul3A_436 : i32
      %dma_start3A_438 = tpu.memref_slice %arg6[%mul3A_437] : memref<38400xi32, #tpu.memory_space<vmem>> -> memref<128xi32, #tpu.memory_space<vmem>>
      %dma_start3A_439 = arith.constant 0 : i32
      %dma_start3A_440 = arith.constant 0 : i32
      %dma_start3A_441 = tpu.memref_slice %arg3[%dma_start3A_439, %dma_start3A_440] : memref<1000000x64xf32, #tpu.memory_space<hbm>> -> memref<1000000x64xf32, #tpu.memory_space<hbm>>
      tpu.enqueue_indirect_dma source(%dma_start3A_441 : memref<1000000x64xf32, #tpu.memory_space<hbm>>) target(%arg10 : memref<128x64xf32, #tpu.memory_space<vmem>>) offsets(%dma_start3A_438 : memref<128xi32, #tpu.memory_space<vmem>>) semaphore(%arg18 : memref<!tpu.dma_semaphore, #tpu.memory_space<semaphore_mem>>)
      %mul3A_442 = arith.constant 4 : i32
      %mul3A_443 = arith.muli %while3A_258, %mul3A_442 : i32
      %add3A_444 = arith.constant 3 : i32
      %add3A_445 = arith.addi %mul3A_443, %add3A_444 : i32
      %mul3A_446 = arith.constant 128 : i32
      %mul3A_447 = arith.muli %add3A_445, %mul3A_446 : i32
      %dma_wait3A_448 = tpu.memref_slice %arg6[%mul3A_447] : memref<38400xi32, #tpu.memory_space<vmem>> -> memref<128xi32, #tpu.memory_space<vmem>>
      %dma_wait3A_449 = arith.constant 0 : i32
      %dma_wait3A_450 = arith.constant 0 : i32
      %dma_wait3A_451 = tpu.memref_slice %arg3[%dma_wait3A_449, %dma_wait3A_450] : memref<1000000x64xf32, #tpu.memory_space<hbm>> -> memref<1000000x64xf32, #tpu.memory_space<hbm>>
      tpu.wait_indirect_dma semaphore(%arg19 : memref<!tpu.dma_semaphore, #tpu.memory_space<semaphore_mem>>) src(%dma_wait3A_451 : memref<1000000x64xf32, #tpu.memory_space<hbm>>) dst(%arg11 : memref<128x64xf32, #tpu.memory_space<vmem>>)
      %convert_element_type3A_452 = arith.extui %gt3A_41 : i1 to i32
      %cond3A_453 = arith.constant 0 : i32
      %cond3A_454 = arith.cmpi ne, %convert_element_type3A_452, %cond3A_453 : i32
      scf.if %cond3A_454 {
        %broadcast_in_dim3A_504 = arith.constant 0.000000e+00 : f32
        %broadcast_in_dim3A_505 = vector.broadcast %broadcast_in_dim3A_504 : f32 to vector<16xf32>
        %scan3A = arith.constant 0 : i32
        %scan3A_506 = arith.constant 0 : i32
        %scan3A_507 = arith.constant 8 : i32
        %scan3A_508 = arith.addi %scan3A_506, %scan3A_507 : i32
        %scan3A_509 = arith.constant 1 : i32
        scf.for %scan3A_511 = %scan3A_506 to %scan3A_508 step %scan3A_509  : i32 {
          %mul3A_512 = arith.constant 128 : i32
          %mul3A_513 = arith.muli %add3A_445, %mul3A_512 : i32
          %mul3A_514 = arith.constant 16 : i32
          %mul3A_515 = arith.muli %scan3A_511, %mul3A_514 : i32
          %add3A_516 = arith.addi %mul3A_513, %mul3A_515 : i32
          %get3A = arith.index_cast %add3A_516 : i32 to index
          %get3A_517 = tpu.vector_load %arg6[%get3A] {strides = array<i32>} : memref<38400xi32, #tpu.memory_space<vmem>>, vector<16xi32>,
          %eq3A_518 = arith.constant 0 : i32
          %eq3A_519 = vector.broadcast %eq3A_518 : i32 to vector<16xi32>
          %eq3A_520 = arith.cmpi eq, %get3A_517, %eq3A_519 : vector<16xi32>
          %mul3A_521 = arith.constant 16 : i32
          %mul3A_522 = arith.muli %scan3A_511, %mul3A_521 : i32
          %add3A_523 = vector.broadcast %mul3A_522 : i32 to vector<16xi32>
          %add3A_524 = arith.addi %iota3A, %add3A_523 : vector<16xi32>
          %scan3A_525 = arith.constant 0 : i32
          %scan3A_526 = arith.constant 0 : i32
          %scan3A_527 = arith.constant 64 : i32
          %scan3A_528 = arith.addi %scan3A_526, %scan3A_527 : i32
          %scan3A_529 = arith.constant 1 : i32
          scf.for %scan3A_531 = %scan3A_526 to %scan3A_528 step %scan3A_529  : i32 {
            %broadcast_in_dim3A_532 = vector.broadcast %scan3A_531 : i32 to vector<16xi32>
            tpu.vector_store_idx %arg11[%add3A_524, %broadcast_in_dim3A_532], %broadcast_in_dim3A_505 masked %eq3A_520 : memref<128x64xf32, #tpu.memory_space<vmem>>[vector<16xi32>, vector<16xi32>], vector<16xf32>, vector<16xi1>
          }
          %scan3A_530 = arith.constant 64 : i32
        }
        %scan3A_510 = arith.constant 8 : i32
      } else {
      }
      %sub3A_455 = arith.constant 4 : i32
      %sub3A_456 = arith.subi %add3A_445, %sub3A_455 : i32
      %add3A_457 = arith.addi %sub3A_456, %mul3A_8 : i32
      %rem3A_458 = arith.remsi %add3A_457, %mul3A_8 : i32
      %rem3A_459 = arith.constant 50 : i32
      %rem3A_460 = arith.remsi %rem3A_458, %rem3A_459 : i32
      %div3A_461 = arith.constant 50 : i32
      %div3A_462 = arith.divsi %rem3A_458, %div3A_461 : i32
      %add3A_463 = arith.addi %select_n3A_6, %div3A_462 : i32
      %dma_wait3A_464 = arith.constant 0 : i32
      %dma_wait3A_465 = arith.constant 0 : i32
      %dma_wait3A_466 = arith.constant 0 : i32
      %dma_wait3A_467 = tpu.memref_slice %arg4[%rem3A_460, %dma_wait3A_464, %add3A_463, %dma_wait3A_465, %dma_wait3A_466] : memref<50x8x128x8x128xf32, #tpu.memory_space<hbm>> -> memref<1x8x1x8x128xf32, #tpu.memory_space<hbm>>
      %dma_wait3A_468 = tpu.memref_squeeze %dma_wait3A_467 : memref<1x8x1x8x128xf32, #tpu.memory_space<hbm>> -> memref<8x8x128xf32, #tpu.memory_space<hbm>>
      %dma_wait3A_469 = arith.constant 0 : i32
      %dma_wait3A_470 = arith.constant 0 : i32
      %dma_wait3A_471 = arith.constant 0 : i32
      %dma_wait3A_472 = tpu.memref_slice %arg4[%rem3A_460, %dma_wait3A_469, %add3A_463, %dma_wait3A_470, %dma_wait3A_471] : memref<50x8x128x8x128xf32, #tpu.memory_space<hbm>> -> memref<1x8x1x8x128xf32, #tpu.memory_space<hbm>>
      %dma_wait3A_473 = tpu.memref_squeeze %dma_wait3A_472 : memref<1x8x1x8x128xf32, #tpu.memory_space<hbm>> -> memref<8x8x128xf32, #tpu.memory_space<hbm>>
      tpu.wait_dma2 semaphore(%arg23 : memref<!tpu.dma_semaphore, #tpu.memory_space<semaphore_mem>>) src(%arg15 : memref<8x8x128xf32, #tpu.memory_space<vmem>>) dst(%dma_wait3A_473 : memref<8x8x128xf32, #tpu.memory_space<hbm>>)
      %parallel_loop3A_474 = arith.constant 0 : i32
      %parallel_loop3A_475 = arith.constant 128 : i32
      %parallel_loop3A_476 = arith.constant 1 : i32
      scf.for %parallel_loop3A_504 = %parallel_loop3A_474 to %parallel_loop3A_475 step %parallel_loop3A_476  : i32 {
        %parallel_loop3A_505 = vector.broadcast %parallel_loop3A_504 : i32 to vector<16xi32>
        %parallel_loop3A_506 = arith.constant 0 : i32
        %parallel_loop3A_507 = vector.broadcast %parallel_loop3A_506 : i32 to vector<16xi32>
        %parallel_loop3A_508 = arith.addi %iota3A, %parallel_loop3A_507 : vector<16xi32>
        %parallel_loop3A_509 = tpu.vector_load_idx %arg11[%parallel_loop3A_505, %parallel_loop3A_508] : memref<128x64xf32, #tpu.memory_space<vmem>>[vector<16xi32>, vector<16xi32>], vector<16xf32>,
        %parallel_loop3A_510 = arith.addi %mul3A_47, %parallel_loop3A_505 : vector<16xi32>
        tpu.vector_store_idx %arg7[%parallel_loop3A_510], %parallel_loop3A_509 : memref<9024xf32, #tpu.memory_space<vmem>>[vector<16xi32>], vector<16xf32>,
        %parallel_loop3A_511 = arith.constant 16 : i32
        %parallel_loop3A_512 = vector.broadcast %parallel_loop3A_511 : i32 to vector<16xi32>
        %parallel_loop3A_513 = arith.addi %iota3A, %parallel_loop3A_512 : vector<16xi32>
        %parallel_loop3A_514 = tpu.vector_load_idx %arg11[%parallel_loop3A_505, %parallel_loop3A_513] : memref<128x64xf32, #tpu.memory_space<vmem>>[vector<16xi32>, vector<16xi32>], vector<16xf32>,
        %parallel_loop3A_515 = arith.addi %mul3A_53, %parallel_loop3A_505 : vector<16xi32>
        tpu.vector_store_idx %arg7[%parallel_loop3A_515], %parallel_loop3A_514 : memref<9024xf32, #tpu.memory_space<vmem>>[vector<16xi32>], vector<16xf32>,
        %parallel_loop3A_516 = arith.constant 32 : i32
        %parallel_loop3A_517 = vector.broadcast %parallel_loop3A_516 : i32 to vector<16xi32>
        %parallel_loop3A_518 = arith.addi %iota3A, %parallel_loop3A_517 : vector<16xi32>
        %parallel_loop3A_519 = tpu.vector_load_idx %arg11[%parallel_loop3A_505, %parallel_loop3A_518] : memref<128x64xf32, #tpu.memory_space<vmem>>[vector<16xi32>, vector<16xi32>], vector<16xf32>,
        %parallel_loop3A_520 = arith.addi %mul3A_59, %parallel_loop3A_505 : vector<16xi32>
        tpu.vector_store_idx %arg7[%parallel_loop3A_520], %parallel_loop3A_519 : memref<9024xf32, #tpu.memory_space<vmem>>[vector<16xi32>], vector<16xf32>,
        %parallel_loop3A_521 = arith.constant 48 : i32
        %parallel_loop3A_522 = vector.broadcast %parallel_loop3A_521 : i32 to vector<16xi32>
        %parallel_loop3A_523 = arith.addi %iota3A, %parallel_loop3A_522 : vector<16xi32>
        %parallel_loop3A_524 = tpu.vector_load_idx %arg11[%parallel_loop3A_505, %parallel_loop3A_523] : memref<128x64xf32, #tpu.memory_space<vmem>>[vector<16xi32>, vector<16xi32>], vector<16xf32>,
        %parallel_loop3A_525 = arith.addi %mul3A_65, %parallel_loop3A_505 : vector<16xi32>
        tpu.vector_store_idx %arg7[%parallel_loop3A_525], %parallel_loop3A_524 : memref<9024xf32, #tpu.memory_space<vmem>>[vector<16xi32>], vector<16xf32>,
      } {sc.loop_unroll_factor = 2 : i64, sc.parallel_access}
      %parallel_loop3A_477 = arith.constant 0 : i32
      %parallel_loop3A_478 = arith.constant 64 : i32
      %parallel_loop3A_479 = arith.constant 1 : i32
      scf.for %parallel_loop3A_504 = %parallel_loop3A_477 to %parallel_loop3A_478 step %parallel_loop3A_479  : i32 {
        %parallel_loop3A_505 = arith.constant 8 : i32
        %parallel_loop3A_506 = arith.divsi %parallel_loop3A_504, %parallel_loop3A_505 : i32
        %parallel_loop3A_507 = vector.broadcast %parallel_loop3A_506 : i32 to vector<16xi32>
        %parallel_loop3A_508 = arith.constant 8 : i32
        %parallel_loop3A_509 = arith.remsi %parallel_loop3A_504, %parallel_loop3A_508 : i32
        %parallel_loop3A_510 = vector.broadcast %parallel_loop3A_509 : i32 to vector<16xi32>
        %parallel_loop3A_511 = arith.constant 141 : i32
        %parallel_loop3A_512 = arith.muli %parallel_loop3A_504, %parallel_loop3A_511 : i32
        %parallel_loop3A_513 = arith.constant 0 : i32
        %parallel_loop3A_514 = arith.addi %parallel_loop3A_512, %parallel_loop3A_513 : i32
        %parallel_loop3A_515 = arith.index_cast %parallel_loop3A_514 : i32 to index
        %parallel_loop3A_516 = tpu.vector_load %arg7[%parallel_loop3A_515] {strides = array<i32>} : memref<9024xf32, #tpu.memory_space<vmem>>, vector<16xf32>,
        %parallel_loop3A_517 = arith.constant 0 : i32
        %parallel_loop3A_518 = vector.broadcast %parallel_loop3A_517 : i32 to vector<16xi32>
        %parallel_loop3A_519 = arith.addi %iota3A, %parallel_loop3A_518 : vector<16xi32>
        tpu.vector_store_idx %arg15[%parallel_loop3A_507, %parallel_loop3A_510, %parallel_loop3A_519], %parallel_loop3A_516 : memref<8x8x128xf32, #tpu.memory_space<vmem>>[vector<16xi32>, vector<16xi32>, vector<16xi32>], vector<16xf32>,
        %parallel_loop3A_520 = arith.constant 141 : i32
        %parallel_loop3A_521 = arith.muli %parallel_loop3A_504, %parallel_loop3A_520 : i32
        %parallel_loop3A_522 = arith.constant 16 : i32
        %parallel_loop3A_523 = arith.addi %parallel_loop3A_521, %parallel_loop3A_522 : i32
        %parallel_loop3A_524 = arith.index_cast %parallel_loop3A_523 : i32 to index
        %parallel_loop3A_525 = tpu.vector_load %arg7[%parallel_loop3A_524] {strides = array<i32>} : memref<9024xf32, #tpu.memory_space<vmem>>, vector<16xf32>,
        %parallel_loop3A_526 = arith.constant 16 : i32
        %parallel_loop3A_527 = vector.broadcast %parallel_loop3A_526 : i32 to vector<16xi32>
        %parallel_loop3A_528 = arith.addi %iota3A, %parallel_loop3A_527 : vector<16xi32>
        tpu.vector_store_idx %arg15[%parallel_loop3A_507, %parallel_loop3A_510, %parallel_loop3A_528], %parallel_loop3A_525 : memref<8x8x128xf32, #tpu.memory_space<vmem>>[vector<16xi32>, vector<16xi32>, vector<16xi32>], vector<16xf32>,
        %parallel_loop3A_529 = arith.constant 141 : i32
        %parallel_loop3A_530 = arith.muli %parallel_loop3A_504, %parallel_loop3A_529 : i32
        %parallel_loop3A_531 = arith.constant 32 : i32
        %parallel_loop3A_532 = arith.addi %parallel_loop3A_530, %parallel_loop3A_531 : i32
        %parallel_loop3A_533 = arith.index_cast %parallel_loop3A_532 : i32 to index
        %parallel_loop3A_534 = tpu.vector_load %arg7[%parallel_loop3A_533] {strides = array<i32>} : memref<9024xf32, #tpu.memory_space<vmem>>, vector<16xf32>,
        %parallel_loop3A_535 = arith.constant 32 : i32
        %parallel_loop3A_536 = vector.broadcast %parallel_loop3A_535 : i32 to vector<16xi32>
        %parallel_loop3A_537 = arith.addi %iota3A, %parallel_loop3A_536 : vector<16xi32>
        tpu.vector_store_idx %arg15[%parallel_loop3A_507, %parallel_loop3A_510, %parallel_loop3A_537], %parallel_loop3A_534 : memref<8x8x128xf32, #tpu.memory_space<vmem>>[vector<16xi32>, vector<16xi32>, vector<16xi32>], vector<16xf32>,
        %parallel_loop3A_538 = arith.constant 141 : i32
        %parallel_loop3A_539 = arith.muli %parallel_loop3A_504, %parallel_loop3A_538 : i32
        %parallel_loop3A_540 = arith.constant 48 : i32
        %parallel_loop3A_541 = arith.addi %parallel_loop3A_539, %parallel_loop3A_540 : i32
        %parallel_loop3A_542 = arith.index_cast %parallel_loop3A_541 : i32 to index
        %parallel_loop3A_543 = tpu.vector_load %arg7[%parallel_loop3A_542] {strides = array<i32>} : memref<9024xf32, #tpu.memory_space<vmem>>, vector<16xf32>,
        %parallel_loop3A_544 = arith.constant 48 : i32
        %parallel_loop3A_545 = vector.broadcast %parallel_loop3A_544 : i32 to vector<16xi32>
        %parallel_loop3A_546 = arith.addi %iota3A, %parallel_loop3A_545 : vector<16xi32>
        tpu.vector_store_idx %arg15[%parallel_loop3A_507, %parallel_loop3A_510, %parallel_loop3A_546], %parallel_loop3A_543 : memref<8x8x128xf32, #tpu.memory_space<vmem>>[vector<16xi32>, vector<16xi32>, vector<16xi32>], vector<16xf32>,
        %parallel_loop3A_547 = arith.constant 141 : i32
        %parallel_loop3A_548 = arith.muli %parallel_loop3A_504, %parallel_loop3A_547 : i32
        %parallel_loop3A_549 = arith.constant 64 : i32
        %parallel_loop3A_550 = arith.addi %parallel_loop3A_548, %parallel_loop3A_549 : i32
        %parallel_loop3A_551 = arith.index_cast %parallel_loop3A_550 : i32 to index
        %parallel_loop3A_552 = tpu.vector_load %arg7[%parallel_loop3A_551] {strides = array<i32>} : memref<9024xf32, #tpu.memory_space<vmem>>, vector<16xf32>,
        %parallel_loop3A_553 = arith.constant 64 : i32
        %parallel_loop3A_554 = vector.broadcast %parallel_loop3A_553 : i32 to vector<16xi32>
        %parallel_loop3A_555 = arith.addi %iota3A, %parallel_loop3A_554 : vector<16xi32>
        tpu.vector_store_idx %arg15[%parallel_loop3A_507, %parallel_loop3A_510, %parallel_loop3A_555], %parallel_loop3A_552 : memref<8x8x128xf32, #tpu.memory_space<vmem>>[vector<16xi32>, vector<16xi32>, vector<16xi32>], vector<16xf32>,
        %parallel_loop3A_556 = arith.constant 141 : i32
        %parallel_loop3A_557 = arith.muli %parallel_loop3A_504, %parallel_loop3A_556 : i32
        %parallel_loop3A_558 = arith.constant 80 : i32
        %parallel_loop3A_559 = arith.addi %parallel_loop3A_557, %parallel_loop3A_558 : i32
        %parallel_loop3A_560 = arith.index_cast %parallel_loop3A_559 : i32 to index
        %parallel_loop3A_561 = tpu.vector_load %arg7[%parallel_loop3A_560] {strides = array<i32>} : memref<9024xf32, #tpu.memory_space<vmem>>, vector<16xf32>,
        %parallel_loop3A_562 = arith.constant 80 : i32
        %parallel_loop3A_563 = vector.broadcast %parallel_loop3A_562 : i32 to vector<16xi32>
        %parallel_loop3A_564 = arith.addi %iota3A, %parallel_loop3A_563 : vector<16xi32>
        tpu.vector_store_idx %arg15[%parallel_loop3A_507, %parallel_loop3A_510, %parallel_loop3A_564], %parallel_loop3A_561 : memref<8x8x128xf32, #tpu.memory_space<vmem>>[vector<16xi32>, vector<16xi32>, vector<16xi32>], vector<16xf32>,
        %parallel_loop3A_565 = arith.constant 141 : i32
        %parallel_loop3A_566 = arith.muli %parallel_loop3A_504, %parallel_loop3A_565 : i32
        %parallel_loop3A_567 = arith.constant 96 : i32
        %parallel_loop3A_568 = arith.addi %parallel_loop3A_566, %parallel_loop3A_567 : i32
        %parallel_loop3A_569 = arith.index_cast %parallel_loop3A_568 : i32 to index
        %parallel_loop3A_570 = tpu.vector_load %arg7[%parallel_loop3A_569] {strides = array<i32>} : memref<9024xf32, #tpu.memory_space<vmem>>, vector<16xf32>,
        %parallel_loop3A_571 = arith.constant 96 : i32
        %parallel_loop3A_572 = vector.broadcast %parallel_loop3A_571 : i32 to vector<16xi32>
        %parallel_loop3A_573 = arith.addi %iota3A, %parallel_loop3A_572 : vector<16xi32>
        tpu.vector_store_idx %arg15[%parallel_loop3A_507, %parallel_loop3A_510, %parallel_loop3A_573], %parallel_loop3A_570 : memref<8x8x128xf32, #tpu.memory_space<vmem>>[vector<16xi32>, vector<16xi32>, vector<16xi32>], vector<16xf32>,
        %parallel_loop3A_574 = arith.constant 141 : i32
        %parallel_loop3A_575 = arith.muli %parallel_loop3A_504, %parallel_loop3A_574 : i32
        %parallel_loop3A_576 = arith.constant 112 : i32
        %parallel_loop3A_577 = arith.addi %parallel_loop3A_575, %parallel_loop3A_576 : i32
        %parallel_loop3A_578 = arith.index_cast %parallel_loop3A_577 : i32 to index
        %parallel_loop3A_579 = tpu.vector_load %arg7[%parallel_loop3A_578] {strides = array<i32>} : memref<9024xf32, #tpu.memory_space<vmem>>, vector<16xf32>,
        %parallel_loop3A_580 = arith.constant 112 : i32
        %parallel_loop3A_581 = vector.broadcast %parallel_loop3A_580 : i32 to vector<16xi32>
        %parallel_loop3A_582 = arith.addi %iota3A, %parallel_loop3A_581 : vector<16xi32>
        tpu.vector_store_idx %arg15[%parallel_loop3A_507, %parallel_loop3A_510, %parallel_loop3A_582], %parallel_loop3A_579 : memref<8x8x128xf32, #tpu.memory_space<vmem>>[vector<16xi32>, vector<16xi32>, vector<16xi32>], vector<16xf32>,
      } {sc.loop_unroll_factor = 2 : i64, sc.parallel_access}
      %rem3A_480 = arith.constant 50 : i32
      %rem3A_481 = arith.remsi %add3A_445, %rem3A_480 : i32
      %div3A_482 = arith.constant 50 : i32
      %div3A_483 = arith.divsi %add3A_445, %div3A_482 : i32
      %add3A_484 = arith.addi %select_n3A_6, %div3A_483 : i32
      %dma_start3A_485 = arith.constant 0 : i32
      %dma_start3A_486 = arith.constant 0 : i32
      %dma_start3A_487 = arith.constant 0 : i32
      %dma_start3A_488 = tpu.memref_slice %arg4[%rem3A_481, %dma_start3A_485, %add3A_484, %dma_start3A_486, %dma_start3A_487] : memref<50x8x128x8x128xf32, #tpu.memory_space<hbm>> -> memref<1x8x1x8x128xf32, #tpu.memory_space<hbm>>
      %dma_start3A_489 = tpu.memref_squeeze %dma_start3A_488 : memref<1x8x1x8x128xf32, #tpu.memory_space<hbm>> -> memref<8x8x128xf32, #tpu.memory_space<hbm>>
      %dma_start3A_490 = arith.constant 0 : i32
      %dma_start3A_491 = arith.constant 0 : i32
      %dma_start3A_492 = arith.constant 0 : i32
      %dma_start3A_493 = tpu.memref_slice %arg4[%rem3A_481, %dma_start3A_490, %add3A_484, %dma_start3A_491, %dma_start3A_492] : memref<50x8x128x8x128xf32, #tpu.memory_space<hbm>> -> memref<1x8x1x8x128xf32, #tpu.memory_space<hbm>>
      %dma_start3A_494 = tpu.memref_squeeze %dma_start3A_493 : memref<1x8x1x8x128xf32, #tpu.memory_space<hbm>> -> memref<8x8x128xf32, #tpu.memory_space<hbm>>
      tpu.enqueue_dma source(%arg15 : memref<8x8x128xf32, #tpu.memory_space<vmem>>) target(%dma_start3A_494 : memref<8x8x128xf32, #tpu.memory_space<hbm>>) target_semaphore(%arg23 : memref<!tpu.dma_semaphore, #tpu.memory_space<semaphore_mem>>)
      %add3A_495 = arith.constant 4 : i32
      %add3A_496 = arith.addi %add3A_445, %add3A_495 : i32
      %rem3A_497 = arith.remsi %add3A_496, %mul3A_8 : i32
      %mul3A_498 = arith.constant 128 : i32
      %mul3A_499 = arith.muli %rem3A_497, %mul3A_498 : i32
      %dma_start3A_500 = tpu.memref_slice %arg6[%mul3A_499] : memref<38400xi32, #tpu.memory_space<vmem>> -> memref<128xi32, #tpu.memory_space<vmem>>
      %dma_start3A_501 = arith.constant 0 : i32
      %dma_start3A_502 = arith.constant 0 : i32
      %dma_start3A_503 = tpu.memref_slice %arg3[%dma_start3A_501, %dma_start3A_502] : memref<1000000x64xf32, #tpu.memory_space<hbm>> -> memref<1000000x64xf32, #tpu.memory_space<hbm>>
      tpu.enqueue_indirect_dma source(%dma_start3A_503 : memref<1000000x64xf32, #tpu.memory_space<hbm>>) target(%arg11 : memref<128x64xf32, #tpu.memory_space<vmem>>) offsets(%dma_start3A_500 : memref<128xi32, #tpu.memory_space<vmem>>) semaphore(%arg19 : memref<!tpu.dma_semaphore, #tpu.memory_space<semaphore_mem>>)
    }
    %while3A_162 = arith.constant 1 : i32
    scf.for %while3A_258 = %while3A_160 to %while3A_156 step %while3A_162  : i32 {
      %mul3A_259 = arith.constant 4 : i32
      %mul3A_260 = arith.muli %while3A_258, %mul3A_259 : i32
      %add3A_261 = arith.constant 0 : i32
      %add3A_262 = arith.addi %mul3A_260, %add3A_261 : i32
      %mul3A_263 = arith.constant 128 : i32
      %mul3A_264 = arith.muli %add3A_262, %mul3A_263 : i32
      %dma_wait3A_265 = tpu.memref_slice %arg6[%mul3A_264] : memref<38400xi32, #tpu.memory_space<vmem>> -> memref<128xi32, #tpu.memory_space<vmem>>
      %dma_wait3A_266 = arith.constant 0 : i32
      %dma_wait3A_267 = arith.constant 0 : i32
      %dma_wait3A_268 = tpu.memref_slice %arg3[%dma_wait3A_266, %dma_wait3A_267] : memref<1000000x64xf32, #tpu.memory_space<hbm>> -> memref<1000000x64xf32, #tpu.memory_space<hbm>>
      tpu.wait_indirect_dma semaphore(%arg16 : memref<!tpu.dma_semaphore, #tpu.memory_space<semaphore_mem>>) src(%dma_wait3A_268 : memref<1000000x64xf32, #tpu.memory_space<hbm>>) dst(%arg8 : memref<128x64xf32, #tpu.memory_space<vmem>>)
      %convert_element_type3A = arith.extui %gt3A_41 : i1 to i32
      %cond3A = arith.constant 0 : i32
      %cond3A_269 = arith.cmpi ne, %convert_element_type3A, %cond3A : i32
      scf.if %cond3A_269 {
        %broadcast_in_dim3A_504 = arith.constant 0.000000e+00 : f32
        %broadcast_in_dim3A_505 = vector.broadcast %broadcast_in_dim3A_504 : f32 to vector<16xf32>
        %scan3A = arith.constant 0 : i32
        %scan3A_506 = arith.constant 0 : i32
        %scan3A_507 = arith.constant 8 : i32
        %scan3A_508 = arith.addi %scan3A_506, %scan3A_507 : i32
        %scan3A_509 = arith.constant 1 : i32
        scf.for %scan3A_511 = %scan3A_506 to %scan3A_508 step %scan3A_509  : i32 {
          %mul3A_512 = arith.constant 128 : i32
          %mul3A_513 = arith.muli %add3A_262, %mul3A_512 : i32
          %mul3A_514 = arith.constant 16 : i32
          %mul3A_515 = arith.muli %scan3A_511, %mul3A_514 : i32
          %add3A_516 = arith.addi %mul3A_513, %mul3A_515 : i32
          %get3A = arith.index_cast %add3A_516 : i32 to index
          %get3A_517 = tpu.vector_load %arg6[%get3A] {strides = array<i32>} : memref<38400xi32, #tpu.memory_space<vmem>>, vector<16xi32>,
          %eq3A_518 = arith.constant 0 : i32
          %eq3A_519 = vector.broadcast %eq3A_518 : i32 to vector<16xi32>
          %eq3A_520 = arith.cmpi eq, %get3A_517, %eq3A_519 : vector<16xi32>
          %mul3A_521 = arith.constant 16 : i32
          %mul3A_522 = arith.muli %scan3A_511, %mul3A_521 : i32
          %add3A_523 = vector.broadcast %mul3A_522 : i32 to vector<16xi32>
          %add3A_524 = arith.addi %iota3A, %add3A_523 : vector<16xi32>
          %scan3A_525 = arith.constant 0 : i32
          %scan3A_526 = arith.constant 0 : i32
          %scan3A_527 = arith.constant 64 : i32
          %scan3A_528 = arith.addi %scan3A_526, %scan3A_527 : i32
          %scan3A_529 = arith.constant 1 : i32
          scf.for %scan3A_531 = %scan3A_526 to %scan3A_528 step %scan3A_529  : i32 {
            %broadcast_in_dim3A_532 = vector.broadcast %scan3A_531 : i32 to vector<16xi32>
            tpu.vector_store_idx %arg8[%add3A_524, %broadcast_in_dim3A_532], %broadcast_in_dim3A_505 masked %eq3A_520 : memref<128x64xf32, #tpu.memory_space<vmem>>[vector<16xi32>, vector<16xi32>], vector<16xf32>, vector<16xi1>
          }
          %scan3A_530 = arith.constant 64 : i32
        }
        %scan3A_510 = arith.constant 8 : i32
      } else {
      }
      %sub3A_270 = arith.constant 4 : i32
      %sub3A_271 = arith.subi %add3A_262, %sub3A_270 : i32
      %add3A_272 = arith.addi %sub3A_271, %mul3A_8 : i32
      %rem3A_273 = arith.remsi %add3A_272, %mul3A_8 : i32
      %rem3A_274 = arith.constant 50 : i32
      %rem3A_275 = arith.remsi %rem3A_273, %rem3A_274 : i32
      %div3A_276 = arith.constant 50 : i32
      %div3A_277 = arith.divsi %rem3A_273, %div3A_276 : i32
      %add3A_278 = arith.addi %select_n3A_6, %div3A_277 : i32
      %dma_wait3A_279 = arith.constant 0 : i32
      %dma_wait3A_280 = arith.constant 0 : i32
      %dma_wait3A_281 = arith.constant 0 : i32
      %dma_wait3A_282 = tpu.memref_slice %arg4[%rem3A_275, %dma_wait3A_279, %add3A_278, %dma_wait3A_280, %dma_wait3A_281] : memref<50x8x128x8x128xf32, #tpu.memory_space<hbm>> -> memref<1x8x1x8x128xf32, #tpu.memory_space<hbm>>
      %dma_wait3A_283 = tpu.memref_squeeze %dma_wait3A_282 : memref<1x8x1x8x128xf32, #tpu.memory_space<hbm>> -> memref<8x8x128xf32, #tpu.memory_space<hbm>>
      %dma_wait3A_284 = arith.constant 0 : i32
      %dma_wait3A_285 = arith.constant 0 : i32
      %dma_wait3A_286 = arith.constant 0 : i32
      %dma_wait3A_287 = tpu.memref_slice %arg4[%rem3A_275, %dma_wait3A_284, %add3A_278, %dma_wait3A_285, %dma_wait3A_286] : memref<50x8x128x8x128xf32, #tpu.memory_space<hbm>> -> memref<1x8x1x8x128xf32, #tpu.memory_space<hbm>>
      %dma_wait3A_288 = tpu.memref_squeeze %dma_wait3A_287 : memref<1x8x1x8x128xf32, #tpu.memory_space<hbm>> -> memref<8x8x128xf32, #tpu.memory_space<hbm>>
      tpu.wait_dma2 semaphore(%arg20 : memref<!tpu.dma_semaphore, #tpu.memory_space<semaphore_mem>>) src(%arg12 : memref<8x8x128xf32, #tpu.memory_space<vmem>>) dst(%dma_wait3A_288 : memref<8x8x128xf32, #tpu.memory_space<hbm>>)
      %parallel_loop3A = arith.constant 0 : i32
      %parallel_loop3A_289 = arith.constant 128 : i32
      %parallel_loop3A_290 = arith.constant 1 : i32
      scf.for %parallel_loop3A_504 = %parallel_loop3A to %parallel_loop3A_289 step %parallel_loop3A_290  : i32 {
        %parallel_loop3A_505 = vector.broadcast %parallel_loop3A_504 : i32 to vector<16xi32>
        %parallel_loop3A_506 = arith.constant 0 : i32
        %parallel_loop3A_507 = vector.broadcast %parallel_loop3A_506 : i32 to vector<16xi32>
        %parallel_loop3A_508 = arith.addi %iota3A, %parallel_loop3A_507 : vector<16xi32>
        %parallel_loop3A_509 = tpu.vector_load_idx %arg8[%parallel_loop3A_505, %parallel_loop3A_508] : memref<128x64xf32, #tpu.memory_space<vmem>>[vector<16xi32>, vector<16xi32>], vector<16xf32>,
        %parallel_loop3A_510 = arith.addi %mul3A_47, %parallel_loop3A_505 : vector<16xi32>
        tpu.vector_store_idx %arg7[%parallel_loop3A_510], %parallel_loop3A_509 : memref<9024xf32, #tpu.memory_space<vmem>>[vector<16xi32>], vector<16xf32>,
        %parallel_loop3A_511 = arith.constant 16 : i32
        %parallel_loop3A_512 = vector.broadcast %parallel_loop3A_511 : i32 to vector<16xi32>
        %parallel_loop3A_513 = arith.addi %iota3A, %parallel_loop3A_512 : vector<16xi32>
        %parallel_loop3A_514 = tpu.vector_load_idx %arg8[%parallel_loop3A_505, %parallel_loop3A_513] : memref<128x64xf32, #tpu.memory_space<vmem>>[vector<16xi32>, vector<16xi32>], vector<16xf32>,
        %parallel_loop3A_515 = arith.addi %mul3A_53, %parallel_loop3A_505 : vector<16xi32>
        tpu.vector_store_idx %arg7[%parallel_loop3A_515], %parallel_loop3A_514 : memref<9024xf32, #tpu.memory_space<vmem>>[vector<16xi32>], vector<16xf32>,
        %parallel_loop3A_516 = arith.constant 32 : i32
        %parallel_loop3A_517 = vector.broadcast %parallel_loop3A_516 : i32 to vector<16xi32>
        %parallel_loop3A_518 = arith.addi %iota3A, %parallel_loop3A_517 : vector<16xi32>
        %parallel_loop3A_519 = tpu.vector_load_idx %arg8[%parallel_loop3A_505, %parallel_loop3A_518] : memref<128x64xf32, #tpu.memory_space<vmem>>[vector<16xi32>, vector<16xi32>], vector<16xf32>,
        %parallel_loop3A_520 = arith.addi %mul3A_59, %parallel_loop3A_505 : vector<16xi32>
        tpu.vector_store_idx %arg7[%parallel_loop3A_520], %parallel_loop3A_519 : memref<9024xf32, #tpu.memory_space<vmem>>[vector<16xi32>], vector<16xf32>,
        %parallel_loop3A_521 = arith.constant 48 : i32
        %parallel_loop3A_522 = vector.broadcast %parallel_loop3A_521 : i32 to vector<16xi32>
        %parallel_loop3A_523 = arith.addi %iota3A, %parallel_loop3A_522 : vector<16xi32>
        %parallel_loop3A_524 = tpu.vector_load_idx %arg8[%parallel_loop3A_505, %parallel_loop3A_523] : memref<128x64xf32, #tpu.memory_space<vmem>>[vector<16xi32>, vector<16xi32>], vector<16xf32>,
        %parallel_loop3A_525 = arith.addi %mul3A_65, %parallel_loop3A_505 : vector<16xi32>
        tpu.vector_store_idx %arg7[%parallel_loop3A_525], %parallel_loop3A_524 : memref<9024xf32, #tpu.memory_space<vmem>>[vector<16xi32>], vector<16xf32>,
      } {sc.loop_unroll_factor = 2 : i64, sc.parallel_access}
      %parallel_loop3A_291 = arith.constant 0 : i32
      %parallel_loop3A_292 = arith.constant 64 : i32
      %parallel_loop3A_293 = arith.constant 1 : i32
      scf.for %parallel_loop3A_504 = %parallel_loop3A_291 to %parallel_loop3A_292 step %parallel_loop3A_293  : i32 {
        %parallel_loop3A_505 = arith.constant 8 : i32
        %parallel_loop3A_506 = arith.divsi %parallel_loop3A_504, %parallel_loop3A_505 : i32
        %parallel_loop3A_507 = vector.broadcast %parallel_loop3A_506 : i32 to vector<16xi32>
        %parallel_loop3A_508 = arith.constant 8 : i32
        %parallel_loop3A_509 = arith.remsi %parallel_loop3A_504, %parallel_loop3A_508 : i32
        %parallel_loop3A_510 = vector.broadcast %parallel_loop3A_509 : i32 to vector<16xi32>
        %parallel_loop3A_511 = arith.constant 141 : i32
        %parallel_loop3A_512 = arith.muli %parallel_loop3A_504, %parallel_loop3A_511 : i32
        %parallel_loop3A_513 = arith.constant 0 : i32
        %parallel_loop3A_514 = arith.addi %parallel_loop3A_512, %parallel_loop3A_513 : i32
        %parallel_loop3A_515 = arith.index_cast %parallel_loop3A_514 : i32 to index
        %parallel_loop3A_516 = tpu.vector_load %arg7[%parallel_loop3A_515] {strides = array<i32>} : memref<9024xf32, #tpu.memory_space<vmem>>, vector<16xf32>,
        %parallel_loop3A_517 = arith.constant 0 : i32
        %parallel_loop3A_518 = vector.broadcast %parallel_loop3A_517 : i32 to vector<16xi32>
        %parallel_loop3A_519 = arith.addi %iota3A, %parallel_loop3A_518 : vector<16xi32>
        tpu.vector_store_idx %arg12[%parallel_loop3A_507, %parallel_loop3A_510, %parallel_loop3A_519], %parallel_loop3A_516 : memref<8x8x128xf32, #tpu.memory_space<vmem>>[vector<16xi32>, vector<16xi32>, vector<16xi32>], vector<16xf32>,
        %parallel_loop3A_520 = arith.constant 141 : i32
        %parallel_loop3A_521 = arith.muli %parallel_loop3A_504, %parallel_loop3A_520 : i32
        %parallel_loop3A_522 = arith.constant 16 : i32
        %parallel_loop3A_523 = arith.addi %parallel_loop3A_521, %parallel_loop3A_522 : i32
        %parallel_loop3A_524 = arith.index_cast %parallel_loop3A_523 : i32 to index
        %parallel_loop3A_525 = tpu.vector_load %arg7[%parallel_loop3A_524] {strides = array<i32>} : memref<9024xf32, #tpu.memory_space<vmem>>, vector<16xf32>,
        %parallel_loop3A_526 = arith.constant 16 : i32
        %parallel_loop3A_527 = vector.broadcast %parallel_loop3A_526 : i32 to vector<16xi32>
        %parallel_loop3A_528 = arith.addi %iota3A, %parallel_loop3A_527 : vector<16xi32>
        tpu.vector_store_idx %arg12[%parallel_loop3A_507, %parallel_loop3A_510, %parallel_loop3A_528], %parallel_loop3A_525 : memref<8x8x128xf32, #tpu.memory_space<vmem>>[vector<16xi32>, vector<16xi32>, vector<16xi32>], vector<16xf32>,
        %parallel_loop3A_529 = arith.constant 141 : i32
        %parallel_loop3A_530 = arith.muli %parallel_loop3A_504, %parallel_loop3A_529 : i32
        %parallel_loop3A_531 = arith.constant 32 : i32
        %parallel_loop3A_532 = arith.addi %parallel_loop3A_530, %parallel_loop3A_531 : i32
        %parallel_loop3A_533 = arith.index_cast %parallel_loop3A_532 : i32 to index
        %parallel_loop3A_534 = tpu.vector_load %arg7[%parallel_loop3A_533] {strides = array<i32>} : memref<9024xf32, #tpu.memory_space<vmem>>, vector<16xf32>,
        %parallel_loop3A_535 = arith.constant 32 : i32
        %parallel_loop3A_536 = vector.broadcast %parallel_loop3A_535 : i32 to vector<16xi32>
        %parallel_loop3A_537 = arith.addi %iota3A, %parallel_loop3A_536 : vector<16xi32>
        tpu.vector_store_idx %arg12[%parallel_loop3A_507, %parallel_loop3A_510, %parallel_loop3A_537], %parallel_loop3A_534 : memref<8x8x128xf32, #tpu.memory_space<vmem>>[vector<16xi32>, vector<16xi32>, vector<16xi32>], vector<16xf32>,
        %parallel_loop3A_538 = arith.constant 141 : i32
        %parallel_loop3A_539 = arith.muli %parallel_loop3A_504, %parallel_loop3A_538 : i32
        %parallel_loop3A_540 = arith.constant 48 : i32
        %parallel_loop3A_541 = arith.addi %parallel_loop3A_539, %parallel_loop3A_540 : i32
        %parallel_loop3A_542 = arith.index_cast %parallel_loop3A_541 : i32 to index
        %parallel_loop3A_543 = tpu.vector_load %arg7[%parallel_loop3A_542] {strides = array<i32>} : memref<9024xf32, #tpu.memory_space<vmem>>, vector<16xf32>,
        %parallel_loop3A_544 = arith.constant 48 : i32
        %parallel_loop3A_545 = vector.broadcast %parallel_loop3A_544 : i32 to vector<16xi32>
        %parallel_loop3A_546 = arith.addi %iota3A, %parallel_loop3A_545 : vector<16xi32>
        tpu.vector_store_idx %arg12[%parallel_loop3A_507, %parallel_loop3A_510, %parallel_loop3A_546], %parallel_loop3A_543 : memref<8x8x128xf32, #tpu.memory_space<vmem>>[vector<16xi32>, vector<16xi32>, vector<16xi32>], vector<16xf32>,
        %parallel_loop3A_547 = arith.constant 141 : i32
        %parallel_loop3A_548 = arith.muli %parallel_loop3A_504, %parallel_loop3A_547 : i32
        %parallel_loop3A_549 = arith.constant 64 : i32
        %parallel_loop3A_550 = arith.addi %parallel_loop3A_548, %parallel_loop3A_549 : i32
        %parallel_loop3A_551 = arith.index_cast %parallel_loop3A_550 : i32 to index
        %parallel_loop3A_552 = tpu.vector_load %arg7[%parallel_loop3A_551] {strides = array<i32>} : memref<9024xf32, #tpu.memory_space<vmem>>, vector<16xf32>,
        %parallel_loop3A_553 = arith.constant 64 : i32
        %parallel_loop3A_554 = vector.broadcast %parallel_loop3A_553 : i32 to vector<16xi32>
        %parallel_loop3A_555 = arith.addi %iota3A, %parallel_loop3A_554 : vector<16xi32>
        tpu.vector_store_idx %arg12[%parallel_loop3A_507, %parallel_loop3A_510, %parallel_loop3A_555], %parallel_loop3A_552 : memref<8x8x128xf32, #tpu.memory_space<vmem>>[vector<16xi32>, vector<16xi32>, vector<16xi32>], vector<16xf32>,
        %parallel_loop3A_556 = arith.constant 141 : i32
        %parallel_loop3A_557 = arith.muli %parallel_loop3A_504, %parallel_loop3A_556 : i32
        %parallel_loop3A_558 = arith.constant 80 : i32
        %parallel_loop3A_559 = arith.addi %parallel_loop3A_557, %parallel_loop3A_558 : i32
        %parallel_loop3A_560 = arith.index_cast %parallel_loop3A_559 : i32 to index
        %parallel_loop3A_561 = tpu.vector_load %arg7[%parallel_loop3A_560] {strides = array<i32>} : memref<9024xf32, #tpu.memory_space<vmem>>, vector<16xf32>,
        %parallel_loop3A_562 = arith.constant 80 : i32
        %parallel_loop3A_563 = vector.broadcast %parallel_loop3A_562 : i32 to vector<16xi32>
        %parallel_loop3A_564 = arith.addi %iota3A, %parallel_loop3A_563 : vector<16xi32>
        tpu.vector_store_idx %arg12[%parallel_loop3A_507, %parallel_loop3A_510, %parallel_loop3A_564], %parallel_loop3A_561 : memref<8x8x128xf32, #tpu.memory_space<vmem>>[vector<16xi32>, vector<16xi32>, vector<16xi32>], vector<16xf32>,
        %parallel_loop3A_565 = arith.constant 141 : i32
        %parallel_loop3A_566 = arith.muli %parallel_loop3A_504, %parallel_loop3A_565 : i32
        %parallel_loop3A_567 = arith.constant 96 : i32
        %parallel_loop3A_568 = arith.addi %parallel_loop3A_566, %parallel_loop3A_567 : i32
        %parallel_loop3A_569 = arith.index_cast %parallel_loop3A_568 : i32 to index
        %parallel_loop3A_570 = tpu.vector_load %arg7[%parallel_loop3A_569] {strides = array<i32>} : memref<9024xf32, #tpu.memory_space<vmem>>, vector<16xf32>,
        %parallel_loop3A_571 = arith.constant 96 : i32
        %parallel_loop3A_572 = vector.broadcast %parallel_loop3A_571 : i32 to vector<16xi32>
        %parallel_loop3A_573 = arith.addi %iota3A, %parallel_loop3A_572 : vector<16xi32>
        tpu.vector_store_idx %arg12[%parallel_loop3A_507, %parallel_loop3A_510, %parallel_loop3A_573], %parallel_loop3A_570 : memref<8x8x128xf32, #tpu.memory_space<vmem>>[vector<16xi32>, vector<16xi32>, vector<16xi32>], vector<16xf32>,
        %parallel_loop3A_574 = arith.constant 141 : i32
        %parallel_loop3A_575 = arith.muli %parallel_loop3A_504, %parallel_loop3A_574 : i32
        %parallel_loop3A_576 = arith.constant 112 : i32
        %parallel_loop3A_577 = arith.addi %parallel_loop3A_575, %parallel_loop3A_576 : i32
        %parallel_loop3A_578 = arith.index_cast %parallel_loop3A_577 : i32 to index
        %parallel_loop3A_579 = tpu.vector_load %arg7[%parallel_loop3A_578] {strides = array<i32>} : memref<9024xf32, #tpu.memory_space<vmem>>, vector<16xf32>,
        %parallel_loop3A_580 = arith.constant 112 : i32
        %parallel_loop3A_581 = vector.broadcast %parallel_loop3A_580 : i32 to vector<16xi32>
        %parallel_loop3A_582 = arith.addi %iota3A, %parallel_loop3A_581 : vector<16xi32>
        tpu.vector_store_idx %arg12[%parallel_loop3A_507, %parallel_loop3A_510, %parallel_loop3A_582], %parallel_loop3A_579 : memref<8x8x128xf32, #tpu.memory_space<vmem>>[vector<16xi32>, vector<16xi32>, vector<16xi32>], vector<16xf32>,
      } {sc.loop_unroll_factor = 2 : i64, sc.parallel_access}
      %rem3A_294 = arith.constant 50 : i32
      %rem3A_295 = arith.remsi %add3A_262, %rem3A_294 : i32
      %div3A_296 = arith.constant 50 : i32
      %div3A_297 = arith.divsi %add3A_262, %div3A_296 : i32
      %add3A_298 = arith.addi %select_n3A_6, %div3A_297 : i32
      %dma_start3A_299 = arith.constant 0 : i32
      %dma_start3A_300 = arith.constant 0 : i32
      %dma_start3A_301 = arith.constant 0 : i32
      %dma_start3A_302 = tpu.memref_slice %arg4[%rem3A_295, %dma_start3A_299, %add3A_298, %dma_start3A_300, %dma_start3A_301] : memref<50x8x128x8x128xf32, #tpu.memory_space<hbm>> -> memref<1x8x1x8x128xf32, #tpu.memory_space<hbm>>
      %dma_start3A_303 = tpu.memref_squeeze %dma_start3A_302 : memref<1x8x1x8x128xf32, #tpu.memory_space<hbm>> -> memref<8x8x128xf32, #tpu.memory_space<hbm>>
      %dma_start3A_304 = arith.constant 0 : i32
      %dma_start3A_305 = arith.constant 0 : i32
      %dma_start3A_306 = arith.constant 0 : i32
      %dma_start3A_307 = tpu.memref_slice %arg4[%rem3A_295, %dma_start3A_304, %add3A_298, %dma_start3A_305, %dma_start3A_306] : memref<50x8x128x8x128xf32, #tpu.memory_space<hbm>> -> memref<1x8x1x8x128xf32, #tpu.memory_space<hbm>>
      %dma_start3A_308 = tpu.memref_squeeze %dma_start3A_307 : memref<1x8x1x8x128xf32, #tpu.memory_space<hbm>> -> memref<8x8x128xf32, #tpu.memory_space<hbm>>
      tpu.enqueue_dma source(%arg12 : memref<8x8x128xf32, #tpu.memory_space<vmem>>) target(%dma_start3A_308 : memref<8x8x128xf32, #tpu.memory_space<hbm>>) target_semaphore(%arg20 : memref<!tpu.dma_semaphore, #tpu.memory_space<semaphore_mem>>)
      %add3A_309 = arith.constant 4 : i32
      %add3A_310 = arith.addi %add3A_262, %add3A_309 : i32
      %rem3A_311 = arith.remsi %add3A_310, %mul3A_8 : i32
      %mul3A_312 = arith.constant 128 : i32
      %mul3A_313 = arith.muli %rem3A_311, %mul3A_312 : i32
      %dma_start3A_314 = tpu.memref_slice %arg6[%mul3A_313] : memref<38400xi32, #tpu.memory_space<vmem>> -> memref<128xi32, #tpu.memory_space<vmem>>
      %dma_start3A_315 = arith.constant 0 : i32
      %dma_start3A_316 = arith.constant 0 : i32
      %dma_start3A_317 = tpu.memref_slice %arg3[%dma_start3A_315, %dma_start3A_316] : memref<1000000x64xf32, #tpu.memory_space<hbm>> -> memref<1000000x64xf32, #tpu.memory_space<hbm>>
      tpu.enqueue_indirect_dma source(%dma_start3A_317 : memref<1000000x64xf32, #tpu.memory_space<hbm>>) target(%arg8 : memref<128x64xf32, #tpu.memory_space<vmem>>) offsets(%dma_start3A_314 : memref<128xi32, #tpu.memory_space<vmem>>) semaphore(%arg16 : memref<!tpu.dma_semaphore, #tpu.memory_space<semaphore_mem>>)
      %mul3A_318 = arith.constant 4 : i32
      %mul3A_319 = arith.muli %while3A_258, %mul3A_318 : i32
      %add3A_320 = arith.constant 1 : i32
      %add3A_321 = arith.addi %mul3A_319, %add3A_320 : i32
      %mul3A_322 = arith.constant 128 : i32
      %mul3A_323 = arith.muli %add3A_321, %mul3A_322 : i32
      %dma_wait3A_324 = tpu.memref_slice %arg6[%mul3A_323] : memref<38400xi32, #tpu.memory_space<vmem>> -> memref<128xi32, #tpu.memory_space<vmem>>
      %dma_wait3A_325 = arith.constant 0 : i32
      %dma_wait3A_326 = arith.constant 0 : i32
      %dma_wait3A_327 = tpu.memref_slice %arg3[%dma_wait3A_325, %dma_wait3A_326] : memref<1000000x64xf32, #tpu.memory_space<hbm>> -> memref<1000000x64xf32, #tpu.memory_space<hbm>>
      tpu.wait_indirect_dma semaphore(%arg17 : memref<!tpu.dma_semaphore, #tpu.memory_space<semaphore_mem>>) src(%dma_wait3A_327 : memref<1000000x64xf32, #tpu.memory_space<hbm>>) dst(%arg9 : memref<128x64xf32, #tpu.memory_space<vmem>>)
      %convert_element_type3A_328 = arith.extui %gt3A_41 : i1 to i32
      %cond3A_329 = arith.constant 0 : i32
      %cond3A_330 = arith.cmpi ne, %convert_element_type3A_328, %cond3A_329 : i32
      scf.if %cond3A_330 {
        %broadcast_in_dim3A_504 = arith.constant 0.000000e+00 : f32
        %broadcast_in_dim3A_505 = vector.broadcast %broadcast_in_dim3A_504 : f32 to vector<16xf32>
        %scan3A = arith.constant 0 : i32
        %scan3A_506 = arith.constant 0 : i32
        %scan3A_507 = arith.constant 8 : i32
        %scan3A_508 = arith.addi %scan3A_506, %scan3A_507 : i32
        %scan3A_509 = arith.constant 1 : i32
        scf.for %scan3A_511 = %scan3A_506 to %scan3A_508 step %scan3A_509  : i32 {
          %mul3A_512 = arith.constant 128 : i32
          %mul3A_513 = arith.muli %add3A_321, %mul3A_512 : i32
          %mul3A_514 = arith.constant 16 : i32
          %mul3A_515 = arith.muli %scan3A_511, %mul3A_514 : i32
          %add3A_516 = arith.addi %mul3A_513, %mul3A_515 : i32
          %get3A = arith.index_cast %add3A_516 : i32 to index
          %get3A_517 = tpu.vector_load %arg6[%get3A] {strides = array<i32>} : memref<38400xi32, #tpu.memory_space<vmem>>, vector<16xi32>,
          %eq3A_518 = arith.constant 0 : i32
          %eq3A_519 = vector.broadcast %eq3A_518 : i32 to vector<16xi32>
          %eq3A_520 = arith.cmpi eq, %get3A_517, %eq3A_519 : vector<16xi32>
          %mul3A_521 = arith.constant 16 : i32
          %mul3A_522 = arith.muli %scan3A_511, %mul3A_521 : i32
          %add3A_523 = vector.broadcast %mul3A_522 : i32 to vector<16xi32>
          %add3A_524 = arith.addi %iota3A, %add3A_523 : vector<16xi32>
          %scan3A_525 = arith.constant 0 : i32
          %scan3A_526 = arith.constant 0 : i32
          %scan3A_527 = arith.constant 64 : i32
          %scan3A_528 = arith.addi %scan3A_526, %scan3A_527 : i32
          %scan3A_529 = arith.constant 1 : i32
          scf.for %scan3A_531 = %scan3A_526 to %scan3A_528 step %scan3A_529  : i32 {
            %broadcast_in_dim3A_532 = vector.broadcast %scan3A_531 : i32 to vector<16xi32>
            tpu.vector_store_idx %arg9[%add3A_524, %broadcast_in_dim3A_532], %broadcast_in_dim3A_505 masked %eq3A_520 : memref<128x64xf32, #tpu.memory_space<vmem>>[vector<16xi32>, vector<16xi32>], vector<16xf32>, vector<16xi1>
          }
          %scan3A_530 = arith.constant 64 : i32
        }
        %scan3A_510 = arith.constant 8 : i32
      } else {
      }
      %sub3A_331 = arith.constant 4 : i32
      %sub3A_332 = arith.subi %add3A_321, %sub3A_331 : i32
      %add3A_333 = arith.addi %sub3A_332, %mul3A_8 : i32
      %rem3A_334 = arith.remsi %add3A_333, %mul3A_8 : i32
      %rem3A_335 = arith.constant 50 : i32
      %rem3A_336 = arith.remsi %rem3A_334, %rem3A_335 : i32
      %div3A_337 = arith.constant 50 : i32
      %div3A_338 = arith.divsi %rem3A_334, %div3A_337 : i32
      %add3A_339 = arith.addi %select_n3A_6, %div3A_338 : i32
      %dma_wait3A_340 = arith.constant 0 : i32
      %dma_wait3A_341 = arith.constant 0 : i32
      %dma_wait3A_342 = arith.constant 0 : i32
      %dma_wait3A_343 = tpu.memref_slice %arg4[%rem3A_336, %dma_wait3A_340, %add3A_339, %dma_wait3A_341, %dma_wait3A_342] : memref<50x8x128x8x128xf32, #tpu.memory_space<hbm>> -> memref<1x8x1x8x128xf32, #tpu.memory_space<hbm>>
      %dma_wait3A_344 = tpu.memref_squeeze %dma_wait3A_343 : memref<1x8x1x8x128xf32, #tpu.memory_space<hbm>> -> memref<8x8x128xf32, #tpu.memory_space<hbm>>
      %dma_wait3A_345 = arith.constant 0 : i32
      %dma_wait3A_346 = arith.constant 0 : i32
      %dma_wait3A_347 = arith.constant 0 : i32
      %dma_wait3A_348 = tpu.memref_slice %arg4[%rem3A_336, %dma_wait3A_345, %add3A_339, %dma_wait3A_346, %dma_wait3A_347] : memref<50x8x128x8x128xf32, #tpu.memory_space<hbm>> -> memref<1x8x1x8x128xf32, #tpu.memory_space<hbm>>
      %dma_wait3A_349 = tpu.memref_squeeze %dma_wait3A_348 : memref<1x8x1x8x128xf32, #tpu.memory_space<hbm>> -> memref<8x8x128xf32, #tpu.memory_space<hbm>>
      tpu.wait_dma2 semaphore(%arg21 : memref<!tpu.dma_semaphore, #tpu.memory_space<semaphore_mem>>) src(%arg13 : memref<8x8x128xf32, #tpu.memory_space<vmem>>) dst(%dma_wait3A_349 : memref<8x8x128xf32, #tpu.memory_space<hbm>>)
      %parallel_loop3A_350 = arith.constant 0 : i32
      %parallel_loop3A_351 = arith.constant 128 : i32
      %parallel_loop3A_352 = arith.constant 1 : i32
      scf.for %parallel_loop3A_504 = %parallel_loop3A_350 to %parallel_loop3A_351 step %parallel_loop3A_352  : i32 {
        %parallel_loop3A_505 = vector.broadcast %parallel_loop3A_504 : i32 to vector<16xi32>
        %parallel_loop3A_506 = arith.constant 0 : i32
        %parallel_loop3A_507 = vector.broadcast %parallel_loop3A_506 : i32 to vector<16xi32>
        %parallel_loop3A_508 = arith.addi %iota3A, %parallel_loop3A_507 : vector<16xi32>
        %parallel_loop3A_509 = tpu.vector_load_idx %arg9[%parallel_loop3A_505, %parallel_loop3A_508] : memref<128x64xf32, #tpu.memory_space<vmem>>[vector<16xi32>, vector<16xi32>], vector<16xf32>,
        %parallel_loop3A_510 = arith.addi %mul3A_47, %parallel_loop3A_505 : vector<16xi32>
        tpu.vector_store_idx %arg7[%parallel_loop3A_510], %parallel_loop3A_509 : memref<9024xf32, #tpu.memory_space<vmem>>[vector<16xi32>], vector<16xf32>,
        %parallel_loop3A_511 = arith.constant 16 : i32
        %parallel_loop3A_512 = vector.broadcast %parallel_loop3A_511 : i32 to vector<16xi32>
        %parallel_loop3A_513 = arith.addi %iota3A, %parallel_loop3A_512 : vector<16xi32>
        %parallel_loop3A_514 = tpu.vector_load_idx %arg9[%parallel_loop3A_505, %parallel_loop3A_513] : memref<128x64xf32, #tpu.memory_space<vmem>>[vector<16xi32>, vector<16xi32>], vector<16xf32>,
        %parallel_loop3A_515 = arith.addi %mul3A_53, %parallel_loop3A_505 : vector<16xi32>
        tpu.vector_store_idx %arg7[%parallel_loop3A_515], %parallel_loop3A_514 : memref<9024xf32, #tpu.memory_space<vmem>>[vector<16xi32>], vector<16xf32>,
        %parallel_loop3A_516 = arith.constant 32 : i32
        %parallel_loop3A_517 = vector.broadcast %parallel_loop3A_516 : i32 to vector<16xi32>
        %parallel_loop3A_518 = arith.addi %iota3A, %parallel_loop3A_517 : vector<16xi32>
        %parallel_loop3A_519 = tpu.vector_load_idx %arg9[%parallel_loop3A_505, %parallel_loop3A_518] : memref<128x64xf32, #tpu.memory_space<vmem>>[vector<16xi32>, vector<16xi32>], vector<16xf32>,
        %parallel_loop3A_520 = arith.addi %mul3A_59, %parallel_loop3A_505 : vector<16xi32>
        tpu.vector_store_idx %arg7[%parallel_loop3A_520], %parallel_loop3A_519 : memref<9024xf32, #tpu.memory_space<vmem>>[vector<16xi32>], vector<16xf32>,
        %parallel_loop3A_521 = arith.constant 48 : i32
        %parallel_loop3A_522 = vector.broadcast %parallel_loop3A_521 : i32 to vector<16xi32>
        %parallel_loop3A_523 = arith.addi %iota3A, %parallel_loop3A_522 : vector<16xi32>
        %parallel_loop3A_524 = tpu.vector_load_idx %arg9[%parallel_loop3A_505, %parallel_loop3A_523] : memref<128x64xf32, #tpu.memory_space<vmem>>[vector<16xi32>, vector<16xi32>], vector<16xf32>,
        %parallel_loop3A_525 = arith.addi %mul3A_65, %parallel_loop3A_505 : vector<16xi32>
        tpu.vector_store_idx %arg7[%parallel_loop3A_525], %parallel_loop3A_524 : memref<9024xf32, #tpu.memory_space<vmem>>[vector<16xi32>], vector<16xf32>,
      } {sc.loop_unroll_factor = 2 : i64, sc.parallel_access}
      %parallel_loop3A_353 = arith.constant 0 : i32
      %parallel_loop3A_354 = arith.constant 64 : i32
      %parallel_loop3A_355 = arith.constant 1 : i32
      scf.for %parallel_loop3A_504 = %parallel_loop3A_353 to %parallel_loop3A_354 step %parallel_loop3A_355  : i32 {
        %parallel_loop3A_505 = arith.constant 8 : i32
        %parallel_loop3A_506 = arith.divsi %parallel_loop3A_504, %parallel_loop3A_505 : i32
        %parallel_loop3A_507 = vector.broadcast %parallel_loop3A_506 : i32 to vector<16xi32>
        %parallel_loop3A_508 = arith.constant 8 : i32
        %parallel_loop3A_509 = arith.remsi %parallel_loop3A_504, %parallel_loop3A_508 : i32
        %parallel_loop3A_510 = vector.broadcast %parallel_loop3A_509 : i32 to vector<16xi32>
        %parallel_loop3A_511 = arith.constant 141 : i32
        %parallel_loop3A_512 = arith.muli %parallel_loop3A_504, %parallel_loop3A_511 : i32
        %parallel_loop3A_513 = arith.constant 0 : i32
        %parallel_loop3A_514 = arith.addi %parallel_loop3A_512, %parallel_loop3A_513 : i32
        %parallel_loop3A_515 = arith.index_cast %parallel_loop3A_514 : i32 to index
        %parallel_loop3A_516 = tpu.vector_load %arg7[%parallel_loop3A_515] {strides = array<i32>} : memref<9024xf32, #tpu.memory_space<vmem>>, vector<16xf32>,
        %parallel_loop3A_517 = arith.constant 0 : i32
        %parallel_loop3A_518 = vector.broadcast %parallel_loop3A_517 : i32 to vector<16xi32>
        %parallel_loop3A_519 = arith.addi %iota3A, %parallel_loop3A_518 : vector<16xi32>
        tpu.vector_store_idx %arg13[%parallel_loop3A_507, %parallel_loop3A_510, %parallel_loop3A_519], %parallel_loop3A_516 : memref<8x8x128xf32, #tpu.memory_space<vmem>>[vector<16xi32>, vector<16xi32>, vector<16xi32>], vector<16xf32>,
        %parallel_loop3A_520 = arith.constant 141 : i32
        %parallel_loop3A_521 = arith.muli %parallel_loop3A_504, %parallel_loop3A_520 : i32
        %parallel_loop3A_522 = arith.constant 16 : i32
        %parallel_loop3A_523 = arith.addi %parallel_loop3A_521, %parallel_loop3A_522 : i32
        %parallel_loop3A_524 = arith.index_cast %parallel_loop3A_523 : i32 to index
        %parallel_loop3A_525 = tpu.vector_load %arg7[%parallel_loop3A_524] {strides = array<i32>} : memref<9024xf32, #tpu.memory_space<vmem>>, vector<16xf32>,
        %parallel_loop3A_526 = arith.constant 16 : i32
        %parallel_loop3A_527 = vector.broadcast %parallel_loop3A_526 : i32 to vector<16xi32>
        %parallel_loop3A_528 = arith.addi %iota3A, %parallel_loop3A_527 : vector<16xi32>
        tpu.vector_store_idx %arg13[%parallel_loop3A_507, %parallel_loop3A_510, %parallel_loop3A_528], %parallel_loop3A_525 : memref<8x8x128xf32, #tpu.memory_space<vmem>>[vector<16xi32>, vector<16xi32>, vector<16xi32>], vector<16xf32>,
        %parallel_loop3A_529 = arith.constant 141 : i32
        %parallel_loop3A_530 = arith.muli %parallel_loop3A_504, %parallel_loop3A_529 : i32
        %parallel_loop3A_531 = arith.constant 32 : i32
        %parallel_loop3A_532 = arith.addi %parallel_loop3A_530, %parallel_loop3A_531 : i32
        %parallel_loop3A_533 = arith.index_cast %parallel_loop3A_532 : i32 to index
        %parallel_loop3A_534 = tpu.vector_load %arg7[%parallel_loop3A_533] {strides = array<i32>} : memref<9024xf32, #tpu.memory_space<vmem>>, vector<16xf32>,
        %parallel_loop3A_535 = arith.constant 32 : i32
        %parallel_loop3A_536 = vector.broadcast %parallel_loop3A_535 : i32 to vector<16xi32>
        %parallel_loop3A_537 = arith.addi %iota3A, %parallel_loop3A_536 : vector<16xi32>
        tpu.vector_store_idx %arg13[%parallel_loop3A_507, %parallel_loop3A_510, %parallel_loop3A_537], %parallel_loop3A_534 : memref<8x8x128xf32, #tpu.memory_space<vmem>>[vector<16xi32>, vector<16xi32>, vector<16xi32>], vector<16xf32>,
        %parallel_loop3A_538 = arith.constant 141 : i32
        %parallel_loop3A_539 = arith.muli %parallel_loop3A_504, %parallel_loop3A_538 : i32
        %parallel_loop3A_540 = arith.constant 48 : i32
        %parallel_loop3A_541 = arith.addi %parallel_loop3A_539, %parallel_loop3A_540 : i32
        %parallel_loop3A_542 = arith.index_cast %parallel_loop3A_541 : i32 to index
        %parallel_loop3A_543 = tpu.vector_load %arg7[%parallel_loop3A_542] {strides = array<i32>} : memref<9024xf32, #tpu.memory_space<vmem>>, vector<16xf32>,
        %parallel_loop3A_544 = arith.constant 48 : i32
        %parallel_loop3A_545 = vector.broadcast %parallel_loop3A_544 : i32 to vector<16xi32>
        %parallel_loop3A_546 = arith.addi %iota3A, %parallel_loop3A_545 : vector<16xi32>
        tpu.vector_store_idx %arg13[%parallel_loop3A_507, %parallel_loop3A_510, %parallel_loop3A_546], %parallel_loop3A_543 : memref<8x8x128xf32, #tpu.memory_space<vmem>>[vector<16xi32>, vector<16xi32>, vector<16xi32>], vector<16xf32>,
        %parallel_loop3A_547 = arith.constant 141 : i32
        %parallel_loop3A_548 = arith.muli %parallel_loop3A_504, %parallel_loop3A_547 : i32
        %parallel_loop3A_549 = arith.constant 64 : i32
        %parallel_loop3A_550 = arith.addi %parallel_loop3A_548, %parallel_loop3A_549 : i32
        %parallel_loop3A_551 = arith.index_cast %parallel_loop3A_550 : i32 to index
        %parallel_loop3A_552 = tpu.vector_load %arg7[%parallel_loop3A_551] {strides = array<i32>} : memref<9024xf32, #tpu.memory_space<vmem>>, vector<16xf32>,
        %parallel_loop3A_553 = arith.constant 64 : i32
        %parallel_loop3A_554 = vector.broadcast %parallel_loop3A_553 : i32 to vector<16xi32>
        %parallel_loop3A_555 = arith.addi %iota3A, %parallel_loop3A_554 : vector<16xi32>
        tpu.vector_store_idx %arg13[%parallel_loop3A_507, %parallel_loop3A_510, %parallel_loop3A_555], %parallel_loop3A_552 : memref<8x8x128xf32, #tpu.memory_space<vmem>>[vector<16xi32>, vector<16xi32>, vector<16xi32>], vector<16xf32>,
        %parallel_loop3A_556 = arith.constant 141 : i32
        %parallel_loop3A_557 = arith.muli %parallel_loop3A_504, %parallel_loop3A_556 : i32
        %parallel_loop3A_558 = arith.constant 80 : i32
        %parallel_loop3A_559 = arith.addi %parallel_loop3A_557, %parallel_loop3A_558 : i32
        %parallel_loop3A_560 = arith.index_cast %parallel_loop3A_559 : i32 to index
        %parallel_loop3A_561 = tpu.vector_load %arg7[%parallel_loop3A_560] {strides = array<i32>} : memref<9024xf32, #tpu.memory_space<vmem>>, vector<16xf32>,
        %parallel_loop3A_562 = arith.constant 80 : i32
        %parallel_loop3A_563 = vector.broadcast %parallel_loop3A_562 : i32 to vector<16xi32>
        %parallel_loop3A_564 = arith.addi %iota3A, %parallel_loop3A_563 : vector<16xi32>
        tpu.vector_store_idx %arg13[%parallel_loop3A_507, %parallel_loop3A_510, %parallel_loop3A_564], %parallel_loop3A_561 : memref<8x8x128xf32, #tpu.memory_space<vmem>>[vector<16xi32>, vector<16xi32>, vector<16xi32>], vector<16xf32>,
        %parallel_loop3A_565 = arith.constant 141 : i32
        %parallel_loop3A_566 = arith.muli %parallel_loop3A_504, %parallel_loop3A_565 : i32
        %parallel_loop3A_567 = arith.constant 96 : i32
        %parallel_loop3A_568 = arith.addi %parallel_loop3A_566, %parallel_loop3A_567 : i32
        %parallel_loop3A_569 = arith.index_cast %parallel_loop3A_568 : i32 to index
        %parallel_loop3A_570 = tpu.vector_load %arg7[%parallel_loop3A_569] {strides = array<i32>} : memref<9024xf32, #tpu.memory_space<vmem>>, vector<16xf32>,
        %parallel_loop3A_571 = arith.constant 96 : i32
        %parallel_loop3A_572 = vector.broadcast %parallel_loop3A_571 : i32 to vector<16xi32>
        %parallel_loop3A_573 = arith.addi %iota3A, %parallel_loop3A_572 : vector<16xi32>
        tpu.vector_store_idx %arg13[%parallel_loop3A_507, %parallel_loop3A_510, %parallel_loop3A_573], %parallel_loop3A_570 : memref<8x8x128xf32, #tpu.memory_space<vmem>>[vector<16xi32>, vector<16xi32>, vector<16xi32>], vector<16xf32>,
        %parallel_loop3A_574 = arith.constant 141 : i32
        %parallel_loop3A_575 = arith.muli %parallel_loop3A_504, %parallel_loop3A_574 : i32
        %parallel_loop3A_576 = arith.constant 112 : i32
        %parallel_loop3A_577 = arith.addi %parallel_loop3A_575, %parallel_loop3A_576 : i32
        %parallel_loop3A_578 = arith.index_cast %parallel_loop3A_577 : i32 to index
        %parallel_loop3A_579 = tpu.vector_load %arg7[%parallel_loop3A_578] {strides = array<i32>} : memref<9024xf32, #tpu.memory_space<vmem>>, vector<16xf32>,
        %parallel_loop3A_580 = arith.constant 112 : i32
        %parallel_loop3A_581 = vector.broadcast %parallel_loop3A_580 : i32 to vector<16xi32>
        %parallel_loop3A_582 = arith.addi %iota3A, %parallel_loop3A_581 : vector<16xi32>
        tpu.vector_store_idx %arg13[%parallel_loop3A_507, %parallel_loop3A_510, %parallel_loop3A_582], %parallel_loop3A_579 : memref<8x8x128xf32, #tpu.memory_space<vmem>>[vector<16xi32>, vector<16xi32>, vector<16xi32>], vector<16xf32>,
      } {sc.loop_unroll_factor = 2 : i64, sc.parallel_access}
      %rem3A_356 = arith.constant 50 : i32
      %rem3A_357 = arith.remsi %add3A_321, %rem3A_356 : i32
      %div3A_358 = arith.constant 50 : i32
      %div3A_359 = arith.divsi %add3A_321, %div3A_358 : i32
      %add3A_360 = arith.addi %select_n3A_6, %div3A_359 : i32
      %dma_start3A_361 = arith.constant 0 : i32
      %dma_start3A_362 = arith.constant 0 : i32
      %dma_start3A_363 = arith.constant 0 : i32
      %dma_start3A_364 = tpu.memref_slice %arg4[%rem3A_357, %dma_start3A_361, %add3A_360, %dma_start3A_362, %dma_start3A_363] : memref<50x8x128x8x128xf32, #tpu.memory_space<hbm>> -> memref<1x8x1x8x128xf32, #tpu.memory_space<hbm>>
      %dma_start3A_365 = tpu.memref_squeeze %dma_start3A_364 : memref<1x8x1x8x128xf32, #tpu.memory_space<hbm>> -> memref<8x8x128xf32, #tpu.memory_space<hbm>>
      %dma_start3A_366 = arith.constant 0 : i32
      %dma_start3A_367 = arith.constant 0 : i32
      %dma_start3A_368 = arith.constant 0 : i32
      %dma_start3A_369 = tpu.memref_slice %arg4[%rem3A_357, %dma_start3A_366, %add3A_360, %dma_start3A_367, %dma_start3A_368] : memref<50x8x128x8x128xf32, #tpu.memory_space<hbm>> -> memref<1x8x1x8x128xf32, #tpu.memory_space<hbm>>
      %dma_start3A_370 = tpu.memref_squeeze %dma_start3A_369 : memref<1x8x1x8x128xf32, #tpu.memory_space<hbm>> -> memref<8x8x128xf32, #tpu.memory_space<hbm>>
      tpu.enqueue_dma source(%arg13 : memref<8x8x128xf32, #tpu.memory_space<vmem>>) target(%dma_start3A_370 : memref<8x8x128xf32, #tpu.memory_space<hbm>>) target_semaphore(%arg21 : memref<!tpu.dma_semaphore, #tpu.memory_space<semaphore_mem>>)
      %add3A_371 = arith.constant 4 : i32
      %add3A_372 = arith.addi %add3A_321, %add3A_371 : i32
      %rem3A_373 = arith.remsi %add3A_372, %mul3A_8 : i32
      %mul3A_374 = arith.constant 128 : i32
      %mul3A_375 = arith.muli %rem3A_373, %mul3A_374 : i32
      %dma_start3A_376 = tpu.memref_slice %arg6[%mul3A_375] : memref<38400xi32, #tpu.memory_space<vmem>> -> memref<128xi32, #tpu.memory_space<vmem>>
      %dma_start3A_377 = arith.constant 0 : i32
      %dma_start3A_378 = arith.constant 0 : i32
      %dma_start3A_379 = tpu.memref_slice %arg3[%dma_start3A_377, %dma_start3A_378] : memref<1000000x64xf32, #tpu.memory_space<hbm>> -> memref<1000000x64xf32, #tpu.memory_space<hbm>>
      tpu.enqueue_indirect_dma source(%dma_start3A_379 : memref<1000000x64xf32, #tpu.memory_space<hbm>>) target(%arg9 : memref<128x64xf32, #tpu.memory_space<vmem>>) offsets(%dma_start3A_376 : memref<128xi32, #tpu.memory_space<vmem>>) semaphore(%arg17 : memref<!tpu.dma_semaphore, #tpu.memory_space<semaphore_mem>>)
      %mul3A_380 = arith.constant 4 : i32
      %mul3A_381 = arith.muli %while3A_258, %mul3A_380 : i32
      %add3A_382 = arith.constant 2 : i32
      %add3A_383 = arith.addi %mul3A_381, %add3A_382 : i32
      %mul3A_384 = arith.constant 128 : i32
      %mul3A_385 = arith.muli %add3A_383, %mul3A_384 : i32
      %dma_wait3A_386 = tpu.memref_slice %arg6[%mul3A_385] : memref<38400xi32, #tpu.memory_space<vmem>> -> memref<128xi32, #tpu.memory_space<vmem>>
      %dma_wait3A_387 = arith.constant 0 : i32
      %dma_wait3A_388 = arith.constant 0 : i32
      %dma_wait3A_389 = tpu.memref_slice %arg3[%dma_wait3A_387, %dma_wait3A_388] : memref<1000000x64xf32, #tpu.memory_space<hbm>> -> memref<1000000x64xf32, #tpu.memory_space<hbm>>
      tpu.wait_indirect_dma semaphore(%arg18 : memref<!tpu.dma_semaphore, #tpu.memory_space<semaphore_mem>>) src(%dma_wait3A_389 : memref<1000000x64xf32, #tpu.memory_space<hbm>>) dst(%arg10 : memref<128x64xf32, #tpu.memory_space<vmem>>)
      %convert_element_type3A_390 = arith.extui %gt3A_41 : i1 to i32
      %cond3A_391 = arith.constant 0 : i32
      %cond3A_392 = arith.cmpi ne, %convert_element_type3A_390, %cond3A_391 : i32
      scf.if %cond3A_392 {
        %broadcast_in_dim3A_504 = arith.constant 0.000000e+00 : f32
        %broadcast_in_dim3A_505 = vector.broadcast %broadcast_in_dim3A_504 : f32 to vector<16xf32>
        %scan3A = arith.constant 0 : i32
        %scan3A_506 = arith.constant 0 : i32
        %scan3A_507 = arith.constant 8 : i32
        %scan3A_508 = arith.addi %scan3A_506, %scan3A_507 : i32
        %scan3A_509 = arith.constant 1 : i32
        scf.for %scan3A_511 = %scan3A_506 to %scan3A_508 step %scan3A_509  : i32 {
          %mul3A_512 = arith.constant 128 : i32
          %mul3A_513 = arith.muli %add3A_383, %mul3A_512 : i32
          %mul3A_514 = arith.constant 16 : i32
          %mul3A_515 = arith.muli %scan3A_511, %mul3A_514 : i32
          %add3A_516 = arith.addi %mul3A_513, %mul3A_515 : i32
          %get3A = arith.index_cast %add3A_516 : i32 to index
          %get3A_517 = tpu.vector_load %arg6[%get3A] {strides = array<i32>} : memref<38400xi32, #tpu.memory_space<vmem>>, vector<16xi32>,
          %eq3A_518 = arith.constant 0 : i32
          %eq3A_519 = vector.broadcast %eq3A_518 : i32 to vector<16xi32>
          %eq3A_520 = arith.cmpi eq, %get3A_517, %eq3A_519 : vector<16xi32>
          %mul3A_521 = arith.constant 16 : i32
          %mul3A_522 = arith.muli %scan3A_511, %mul3A_521 : i32
          %add3A_523 = vector.broadcast %mul3A_522 : i32 to vector<16xi32>
          %add3A_524 = arith.addi %iota3A, %add3A_523 : vector<16xi32>
          %scan3A_525 = arith.constant 0 : i32
          %scan3A_526 = arith.constant 0 : i32
          %scan3A_527 = arith.constant 64 : i32
          %scan3A_528 = arith.addi %scan3A_526, %scan3A_527 : i32
          %scan3A_529 = arith.constant 1 : i32
          scf.for %scan3A_531 = %scan3A_526 to %scan3A_528 step %scan3A_529  : i32 {
            %broadcast_in_dim3A_532 = vector.broadcast %scan3A_531 : i32 to vector<16xi32>
            tpu.vector_store_idx %arg10[%add3A_524, %broadcast_in_dim3A_532], %broadcast_in_dim3A_505 masked %eq3A_520 : memref<128x64xf32, #tpu.memory_space<vmem>>[vector<16xi32>, vector<16xi32>], vector<16xf32>, vector<16xi1>
          }
          %scan3A_530 = arith.constant 64 : i32
        }
        %scan3A_510 = arith.constant 8 : i32
      } else {
      }
      %sub3A_393 = arith.constant 4 : i32
      %sub3A_394 = arith.subi %add3A_383, %sub3A_393 : i32
      %add3A_395 = arith.addi %sub3A_394, %mul3A_8 : i32
      %rem3A_396 = arith.remsi %add3A_395, %mul3A_8 : i32
      %rem3A_397 = arith.constant 50 : i32
      %rem3A_398 = arith.remsi %rem3A_396, %rem3A_397 : i32
      %div3A_399 = arith.constant 50 : i32
      %div3A_400 = arith.divsi %rem3A_396, %div3A_399 : i32
      %add3A_401 = arith.addi %select_n3A_6, %div3A_400 : i32
      %dma_wait3A_402 = arith.constant 0 : i32
      %dma_wait3A_403 = arith.constant 0 : i32
      %dma_wait3A_404 = arith.constant 0 : i32
      %dma_wait3A_405 = tpu.memref_slice %arg4[%rem3A_398, %dma_wait3A_402, %add3A_401, %dma_wait3A_403, %dma_wait3A_404] : memref<50x8x128x8x128xf32, #tpu.memory_space<hbm>> -> memref<1x8x1x8x128xf32, #tpu.memory_space<hbm>>
      %dma_wait3A_406 = tpu.memref_squeeze %dma_wait3A_405 : memref<1x8x1x8x128xf32, #tpu.memory_space<hbm>> -> memref<8x8x128xf32, #tpu.memory_space<hbm>>
      %dma_wait3A_407 = arith.constant 0 : i32
      %dma_wait3A_408 = arith.constant 0 : i32
      %dma_wait3A_409 = arith.constant 0 : i32
      %dma_wait3A_410 = tpu.memref_slice %arg4[%rem3A_398, %dma_wait3A_407, %add3A_401, %dma_wait3A_408, %dma_wait3A_409] : memref<50x8x128x8x128xf32, #tpu.memory_space<hbm>> -> memref<1x8x1x8x128xf32, #tpu.memory_space<hbm>>
      %dma_wait3A_411 = tpu.memref_squeeze %dma_wait3A_410 : memref<1x8x1x8x128xf32, #tpu.memory_space<hbm>> -> memref<8x8x128xf32, #tpu.memory_space<hbm>>
      tpu.wait_dma2 semaphore(%arg22 : memref<!tpu.dma_semaphore, #tpu.memory_space<semaphore_mem>>) src(%arg14 : memref<8x8x128xf32, #tpu.memory_space<vmem>>) dst(%dma_wait3A_411 : memref<8x8x128xf32, #tpu.memory_space<hbm>>)
      %parallel_loop3A_412 = arith.constant 0 : i32
      %parallel_loop3A_413 = arith.constant 128 : i32
      %parallel_loop3A_414 = arith.constant 1 : i32
      scf.for %parallel_loop3A_504 = %parallel_loop3A_412 to %parallel_loop3A_413 step %parallel_loop3A_414  : i32 {
        %parallel_loop3A_505 = vector.broadcast %parallel_loop3A_504 : i32 to vector<16xi32>
        %parallel_loop3A_506 = arith.constant 0 : i32
        %parallel_loop3A_507 = vector.broadcast %parallel_loop3A_506 : i32 to vector<16xi32>
        %parallel_loop3A_508 = arith.addi %iota3A, %parallel_loop3A_507 : vector<16xi32>
        %parallel_loop3A_509 = tpu.vector_load_idx %arg10[%parallel_loop3A_505, %parallel_loop3A_508] : memref<128x64xf32, #tpu.memory_space<vmem>>[vector<16xi32>, vector<16xi32>], vector<16xf32>,
        %parallel_loop3A_510 = arith.addi %mul3A_47, %parallel_loop3A_505 : vector<16xi32>
        tpu.vector_store_idx %arg7[%parallel_loop3A_510], %parallel_loop3A_509 : memref<9024xf32, #tpu.memory_space<vmem>>[vector<16xi32>], vector<16xf32>,
        %parallel_loop3A_511 = arith.constant 16 : i32
        %parallel_loop3A_512 = vector.broadcast %parallel_loop3A_511 : i32 to vector<16xi32>
        %parallel_loop3A_513 = arith.addi %iota3A, %parallel_loop3A_512 : vector<16xi32>
        %parallel_loop3A_514 = tpu.vector_load_idx %arg10[%parallel_loop3A_505, %parallel_loop3A_513] : memref<128x64xf32, #tpu.memory_space<vmem>>[vector<16xi32>, vector<16xi32>], vector<16xf32>,
        %parallel_loop3A_515 = arith.addi %mul3A_53, %parallel_loop3A_505 : vector<16xi32>
        tpu.vector_store_idx %arg7[%parallel_loop3A_515], %parallel_loop3A_514 : memref<9024xf32, #tpu.memory_space<vmem>>[vector<16xi32>], vector<16xf32>,
        %parallel_loop3A_516 = arith.constant 32 : i32
        %parallel_loop3A_517 = vector.broadcast %parallel_loop3A_516 : i32 to vector<16xi32>
        %parallel_loop3A_518 = arith.addi %iota3A, %parallel_loop3A_517 : vector<16xi32>
        %parallel_loop3A_519 = tpu.vector_load_idx %arg10[%parallel_loop3A_505, %parallel_loop3A_518] : memref<128x64xf32, #tpu.memory_space<vmem>>[vector<16xi32>, vector<16xi32>], vector<16xf32>,
        %parallel_loop3A_520 = arith.addi %mul3A_59, %parallel_loop3A_505 : vector<16xi32>
        tpu.vector_store_idx %arg7[%parallel_loop3A_520], %parallel_loop3A_519 : memref<9024xf32, #tpu.memory_space<vmem>>[vector<16xi32>], vector<16xf32>,
        %parallel_loop3A_521 = arith.constant 48 : i32
        %parallel_loop3A_522 = vector.broadcast %parallel_loop3A_521 : i32 to vector<16xi32>
        %parallel_loop3A_523 = arith.addi %iota3A, %parallel_loop3A_522 : vector<16xi32>
        %parallel_loop3A_524 = tpu.vector_load_idx %arg10[%parallel_loop3A_505, %parallel_loop3A_523] : memref<128x64xf32, #tpu.memory_space<vmem>>[vector<16xi32>, vector<16xi32>], vector<16xf32>,
        %parallel_loop3A_525 = arith.addi %mul3A_65, %parallel_loop3A_505 : vector<16xi32>
        tpu.vector_store_idx %arg7[%parallel_loop3A_525], %parallel_loop3A_524 : memref<9024xf32, #tpu.memory_space<vmem>>[vector<16xi32>], vector<16xf32>,
      } {sc.loop_unroll_factor = 2 : i64, sc.parallel_access}
      %parallel_loop3A_415 = arith.constant 0 : i32
      %parallel_loop3A_416 = arith.constant 64 : i32
      %parallel_loop3A_417 = arith.constant 1 : i32
      scf.for %parallel_loop3A_504 = %parallel_loop3A_415 to %parallel_loop3A_416 step %parallel_loop3A_417  : i32 {
        %parallel_loop3A_505 = arith.constant 8 : i32
        %parallel_loop3A_506 = arith.divsi %parallel_loop3A_504, %parallel_loop3A_505 : i32
        %parallel_loop3A_507 = vector.broadcast %parallel_loop3A_506 : i32 to vector<16xi32>
        %parallel_loop3A_508 = arith.constant 8 : i32
        %parallel_loop3A_509 = arith.remsi %parallel_loop3A_504, %parallel_loop3A_508 : i32
        %parallel_loop3A_510 = vector.broadcast %parallel_loop3A_509 : i32 to vector<16xi32>
        %parallel_loop3A_511 = arith.constant 141 : i32
        %parallel_loop3A_512 = arith.muli %parallel_loop3A_504, %parallel_loop3A_511 : i32
        %parallel_loop3A_513 = arith.constant 0 : i32
        %parallel_loop3A_514 = arith.addi %parallel_loop3A_512, %parallel_loop3A_513 : i32
        %parallel_loop3A_515 = arith.index_cast %parallel_loop3A_514 : i32 to index
        %parallel_loop3A_516 = tpu.vector_load %arg7[%parallel_loop3A_515] {strides = array<i32>} : memref<9024xf32, #tpu.memory_space<vmem>>, vector<16xf32>,
        %parallel_loop3A_517 = arith.constant 0 : i32
        %parallel_loop3A_518 = vector.broadcast %parallel_loop3A_517 : i32 to vector<16xi32>
        %parallel_loop3A_519 = arith.addi %iota3A, %parallel_loop3A_518 : vector<16xi32>
        tpu.vector_store_idx %arg14[%parallel_loop3A_507, %parallel_loop3A_510, %parallel_loop3A_519], %parallel_loop3A_516 : memref<8x8x128xf32, #tpu.memory_space<vmem>>[vector<16xi32>, vector<16xi32>, vector<16xi32>], vector<16xf32>,
        %parallel_loop3A_520 = arith.constant 141 : i32
        %parallel_loop3A_521 = arith.muli %parallel_loop3A_504, %parallel_loop3A_520 : i32
        %parallel_loop3A_522 = arith.constant 16 : i32
        %parallel_loop3A_523 = arith.addi %parallel_loop3A_521, %parallel_loop3A_522 : i32
        %parallel_loop3A_524 = arith.index_cast %parallel_loop3A_523 : i32 to index
        %parallel_loop3A_525 = tpu.vector_load %arg7[%parallel_loop3A_524] {strides = array<i32>} : memref<9024xf32, #tpu.memory_space<vmem>>, vector<16xf32>,
        %parallel_loop3A_526 = arith.constant 16 : i32
        %parallel_loop3A_527 = vector.broadcast %parallel_loop3A_526 : i32 to vector<16xi32>
        %parallel_loop3A_528 = arith.addi %iota3A, %parallel_loop3A_527 : vector<16xi32>
        tpu.vector_store_idx %arg14[%parallel_loop3A_507, %parallel_loop3A_510, %parallel_loop3A_528], %parallel_loop3A_525 : memref<8x8x128xf32, #tpu.memory_space<vmem>>[vector<16xi32>, vector<16xi32>, vector<16xi32>], vector<16xf32>,
        %parallel_loop3A_529 = arith.constant 141 : i32
        %parallel_loop3A_530 = arith.muli %parallel_loop3A_504, %parallel_loop3A_529 : i32
        %parallel_loop3A_531 = arith.constant 32 : i32
        %parallel_loop3A_532 = arith.addi %parallel_loop3A_530, %parallel_loop3A_531 : i32
        %parallel_loop3A_533 = arith.index_cast %parallel_loop3A_532 : i32 to index
        %parallel_loop3A_534 = tpu.vector_load %arg7[%parallel_loop3A_533] {strides = array<i32>} : memref<9024xf32, #tpu.memory_space<vmem>>, vector<16xf32>,
        %parallel_loop3A_535 = arith.constant 32 : i32
        %parallel_loop3A_536 = vector.broadcast %parallel_loop3A_535 : i32 to vector<16xi32>
        %parallel_loop3A_537 = arith.addi %iota3A, %parallel_loop3A_536 : vector<16xi32>
        tpu.vector_store_idx %arg14[%parallel_loop3A_507, %parallel_loop3A_510, %parallel_loop3A_537], %parallel_loop3A_534 : memref<8x8x128xf32, #tpu.memory_space<vmem>>[vector<16xi32>, vector<16xi32>, vector<16xi32>], vector<16xf32>,
        %parallel_loop3A_538 = arith.constant 141 : i32
        %parallel_loop3A_539 = arith.muli %parallel_loop3A_504, %parallel_loop3A_538 : i32
        %parallel_loop3A_540 = arith.constant 48 : i32
        %parallel_loop3A_541 = arith.addi %parallel_loop3A_539, %parallel_loop3A_540 : i32
        %parallel_loop3A_542 = arith.index_cast %parallel_loop3A_541 : i32 to index
        %parallel_loop3A_543 = tpu.vector_load %arg7[%parallel_loop3A_542] {strides = array<i32>} : memref<9024xf32, #tpu.memory_space<vmem>>, vector<16xf32>,
        %parallel_loop3A_544 = arith.constant 48 : i32
        %parallel_loop3A_545 = vector.broadcast %parallel_loop3A_544 : i32 to vector<16xi32>
        %parallel_loop3A_546 = arith.addi %iota3A, %parallel_loop3A_545 : vector<16xi32>
        tpu.vector_store_idx %arg14[%parallel_loop3A_507, %parallel_loop3A_510, %parallel_loop3A_546], %parallel_loop3A_543 : memref<8x8x128xf32, #tpu.memory_space<vmem>>[vector<16xi32>, vector<16xi32>, vector<16xi32>], vector<16xf32>,
        %parallel_loop3A_547 = arith.constant 141 : i32
        %parallel_loop3A_548 = arith.muli %parallel_loop3A_504, %parallel_loop3A_547 : i32
        %parallel_loop3A_549 = arith.constant 64 : i32
        %parallel_loop3A_550 = arith.addi %parallel_loop3A_548, %parallel_loop3A_549 : i32
        %parallel_loop3A_551 = arith.index_cast %parallel_loop3A_550 : i32 to index
        %parallel_loop3A_552 = tpu.vector_load %arg7[%parallel_loop3A_551] {strides = array<i32>} : memref<9024xf32, #tpu.memory_space<vmem>>, vector<16xf32>,
        %parallel_loop3A_553 = arith.constant 64 : i32
        %parallel_loop3A_554 = vector.broadcast %parallel_loop3A_553 : i32 to vector<16xi32>
        %parallel_loop3A_555 = arith.addi %iota3A, %parallel_loop3A_554 : vector<16xi32>
        tpu.vector_store_idx %arg14[%parallel_loop3A_507, %parallel_loop3A_510, %parallel_loop3A_555], %parallel_loop3A_552 : memref<8x8x128xf32, #tpu.memory_space<vmem>>[vector<16xi32>, vector<16xi32>, vector<16xi32>], vector<16xf32>,
        %parallel_loop3A_556 = arith.constant 141 : i32
        %parallel_loop3A_557 = arith.muli %parallel_loop3A_504, %parallel_loop3A_556 : i32
        %parallel_loop3A_558 = arith.constant 80 : i32
        %parallel_loop3A_559 = arith.addi %parallel_loop3A_557, %parallel_loop3A_558 : i32
        %parallel_loop3A_560 = arith.index_cast %parallel_loop3A_559 : i32 to index
        %parallel_loop3A_561 = tpu.vector_load %arg7[%parallel_loop3A_560] {strides = array<i32>} : memref<9024xf32, #tpu.memory_space<vmem>>, vector<16xf32>,
        %parallel_loop3A_562 = arith.constant 80 : i32
        %parallel_loop3A_563 = vector.broadcast %parallel_loop3A_562 : i32 to vector<16xi32>
        %parallel_loop3A_564 = arith.addi %iota3A, %parallel_loop3A_563 : vector<16xi32>
        tpu.vector_store_idx %arg14[%parallel_loop3A_507, %parallel_loop3A_510, %parallel_loop3A_564], %parallel_loop3A_561 : memref<8x8x128xf32, #tpu.memory_space<vmem>>[vector<16xi32>, vector<16xi32>, vector<16xi32>], vector<16xf32>,
        %parallel_loop3A_565 = arith.constant 141 : i32
        %parallel_loop3A_566 = arith.muli %parallel_loop3A_504, %parallel_loop3A_565 : i32
        %parallel_loop3A_567 = arith.constant 96 : i32
        %parallel_loop3A_568 = arith.addi %parallel_loop3A_566, %parallel_loop3A_567 : i32
        %parallel_loop3A_569 = arith.index_cast %parallel_loop3A_568 : i32 to index
        %parallel_loop3A_570 = tpu.vector_load %arg7[%parallel_loop3A_569] {strides = array<i32>} : memref<9024xf32, #tpu.memory_space<vmem>>, vector<16xf32>,
        %parallel_loop3A_571 = arith.constant 96 : i32
        %parallel_loop3A_572 = vector.broadcast %parallel_loop3A_571 : i32 to vector<16xi32>
        %parallel_loop3A_573 = arith.addi %iota3A, %parallel_loop3A_572 : vector<16xi32>
        tpu.vector_store_idx %arg14[%parallel_loop3A_507, %parallel_loop3A_510, %parallel_loop3A_573], %parallel_loop3A_570 : memref<8x8x128xf32, #tpu.memory_space<vmem>>[vector<16xi32>, vector<16xi32>, vector<16xi32>], vector<16xf32>,
        %parallel_loop3A_574 = arith.constant 141 : i32
        %parallel_loop3A_575 = arith.muli %parallel_loop3A_504, %parallel_loop3A_574 : i32
        %parallel_loop3A_576 = arith.constant 112 : i32
        %parallel_loop3A_577 = arith.addi %parallel_loop3A_575, %parallel_loop3A_576 : i32
        %parallel_loop3A_578 = arith.index_cast %parallel_loop3A_577 : i32 to index
        %parallel_loop3A_579 = tpu.vector_load %arg7[%parallel_loop3A_578] {strides = array<i32>} : memref<9024xf32, #tpu.memory_space<vmem>>, vector<16xf32>,
        %parallel_loop3A_580 = arith.constant 112 : i32
        %parallel_loop3A_581 = vector.broadcast %parallel_loop3A_580 : i32 to vector<16xi32>
        %parallel_loop3A_582 = arith.addi %iota3A, %parallel_loop3A_581 : vector<16xi32>
        tpu.vector_store_idx %arg14[%parallel_loop3A_507, %parallel_loop3A_510, %parallel_loop3A_582], %parallel_loop3A_579 : memref<8x8x128xf32, #tpu.memory_space<vmem>>[vector<16xi32>, vector<16xi32>, vector<16xi32>], vector<16xf32>,
      } {sc.loop_unroll_factor = 2 : i64, sc.parallel_access}
      %rem3A_418 = arith.constant 50 : i32
      %rem3A_419 = arith.remsi %add3A_383, %rem3A_418 : i32
      %div3A_420 = arith.constant 50 : i32
      %div3A_421 = arith.divsi %add3A_383, %div3A_420 : i32
      %add3A_422 = arith.addi %select_n3A_6, %div3A_421 : i32
      %dma_start3A_423 = arith.constant 0 : i32
      %dma_start3A_424 = arith.constant 0 : i32
      %dma_start3A_425 = arith.constant 0 : i32
      %dma_start3A_426 = tpu.memref_slice %arg4[%rem3A_419, %dma_start3A_423, %add3A_422, %dma_start3A_424, %dma_start3A_425] : memref<50x8x128x8x128xf32, #tpu.memory_space<hbm>> -> memref<1x8x1x8x128xf32, #tpu.memory_space<hbm>>
      %dma_start3A_427 = tpu.memref_squeeze %dma_start3A_426 : memref<1x8x1x8x128xf32, #tpu.memory_space<hbm>> -> memref<8x8x128xf32, #tpu.memory_space<hbm>>
      %dma_start3A_428 = arith.constant 0 : i32
      %dma_start3A_429 = arith.constant 0 : i32
      %dma_start3A_430 = arith.constant 0 : i32
      %dma_start3A_431 = tpu.memref_slice %arg4[%rem3A_419, %dma_start3A_428, %add3A_422, %dma_start3A_429, %dma_start3A_430] : memref<50x8x128x8x128xf32, #tpu.memory_space<hbm>> -> memref<1x8x1x8x128xf32, #tpu.memory_space<hbm>>
      %dma_start3A_432 = tpu.memref_squeeze %dma_start3A_431 : memref<1x8x1x8x128xf32, #tpu.memory_space<hbm>> -> memref<8x8x128xf32, #tpu.memory_space<hbm>>
      tpu.enqueue_dma source(%arg14 : memref<8x8x128xf32, #tpu.memory_space<vmem>>) target(%dma_start3A_432 : memref<8x8x128xf32, #tpu.memory_space<hbm>>) target_semaphore(%arg22 : memref<!tpu.dma_semaphore, #tpu.memory_space<semaphore_mem>>)
      %add3A_433 = arith.constant 4 : i32
      %add3A_434 = arith.addi %add3A_383, %add3A_433 : i32
      %rem3A_435 = arith.remsi %add3A_434, %mul3A_8 : i32
      %mul3A_436 = arith.constant 128 : i32
      %mul3A_437 = arith.muli %rem3A_435, %mul3A_436 : i32
      %dma_start3A_438 = tpu.memref_slice %arg6[%mul3A_437] : memref<38400xi32, #tpu.memory_space<vmem>> -> memref<128xi32, #tpu.memory_space<vmem>>
      %dma_start3A_439 = arith.constant 0 : i32
      %dma_start3A_440 = arith.constant 0 : i32
      %dma_start3A_441 = tpu.memref_slice %arg3[%dma_start3A_439, %dma_start3A_440] : memref<1000000x64xf32, #tpu.memory_space<hbm>> -> memref<1000000x64xf32, #tpu.memory_space<hbm>>
      tpu.enqueue_indirect_dma source(%dma_start3A_441 : memref<1000000x64xf32, #tpu.memory_space<hbm>>) target(%arg10 : memref<128x64xf32, #tpu.memory_space<vmem>>) offsets(%dma_start3A_438 : memref<128xi32, #tpu.memory_space<vmem>>) semaphore(%arg18 : memref<!tpu.dma_semaphore, #tpu.memory_space<semaphore_mem>>)
      %mul3A_442 = arith.constant 4 : i32
      %mul3A_443 = arith.muli %while3A_258, %mul3A_442 : i32
      %add3A_444 = arith.constant 3 : i32
      %add3A_445 = arith.addi %mul3A_443, %add3A_444 : i32
      %mul3A_446 = arith.constant 128 : i32
      %mul3A_447 = arith.muli %add3A_445, %mul3A_446 : i32
      %dma_wait3A_448 = tpu.memref_slice %arg6[%mul3A_447] : memref<38400xi32, #tpu.memory_space<vmem>> -> memref<128xi32, #tpu.memory_space<vmem>>
      %dma_wait3A_449 = arith.constant 0 : i32
      %dma_wait3A_450 = arith.constant 0 : i32
      %dma_wait3A_451 = tpu.memref_slice %arg3[%dma_wait3A_449, %dma_wait3A_450] : memref<1000000x64xf32, #tpu.memory_space<hbm>> -> memref<1000000x64xf32, #tpu.memory_space<hbm>>
      tpu.wait_indirect_dma semaphore(%arg19 : memref<!tpu.dma_semaphore, #tpu.memory_space<semaphore_mem>>) src(%dma_wait3A_451 : memref<1000000x64xf32, #tpu.memory_space<hbm>>) dst(%arg11 : memref<128x64xf32, #tpu.memory_space<vmem>>)
      %convert_element_type3A_452 = arith.extui %gt3A_41 : i1 to i32
      %cond3A_453 = arith.constant 0 : i32
      %cond3A_454 = arith.cmpi ne, %convert_element_type3A_452, %cond3A_453 : i32
      scf.if %cond3A_454 {
        %broadcast_in_dim3A_504 = arith.constant 0.000000e+00 : f32
        %broadcast_in_dim3A_505 = vector.broadcast %broadcast_in_dim3A_504 : f32 to vector<16xf32>
        %scan3A = arith.constant 0 : i32
        %scan3A_506 = arith.constant 0 : i32
        %scan3A_507 = arith.constant 8 : i32
        %scan3A_508 = arith.addi %scan3A_506, %scan3A_507 : i32
        %scan3A_509 = arith.constant 1 : i32
        scf.for %scan3A_511 = %scan3A_506 to %scan3A_508 step %scan3A_509  : i32 {
          %mul3A_512 = arith.constant 128 : i32
          %mul3A_513 = arith.muli %add3A_445, %mul3A_512 : i32
          %mul3A_514 = arith.constant 16 : i32
          %mul3A_515 = arith.muli %scan3A_511, %mul3A_514 : i32
          %add3A_516 = arith.addi %mul3A_513, %mul3A_515 : i32
          %get3A = arith.index_cast %add3A_516 : i32 to index
          %get3A_517 = tpu.vector_load %arg6[%get3A] {strides = array<i32>} : memref<38400xi32, #tpu.memory_space<vmem>>, vector<16xi32>,
          %eq3A_518 = arith.constant 0 : i32
          %eq3A_519 = vector.broadcast %eq3A_518 : i32 to vector<16xi32>
          %eq3A_520 = arith.cmpi eq, %get3A_517, %eq3A_519 : vector<16xi32>
          %mul3A_521 = arith.constant 16 : i32
          %mul3A_522 = arith.muli %scan3A_511, %mul3A_521 : i32
          %add3A_523 = vector.broadcast %mul3A_522 : i32 to vector<16xi32>
          %add3A_524 = arith.addi %iota3A, %add3A_523 : vector<16xi32>
          %scan3A_525 = arith.constant 0 : i32
          %scan3A_526 = arith.constant 0 : i32
          %scan3A_527 = arith.constant 64 : i32
          %scan3A_528 = arith.addi %scan3A_526, %scan3A_527 : i32
          %scan3A_529 = arith.constant 1 : i32
          scf.for %scan3A_531 = %scan3A_526 to %scan3A_528 step %scan3A_529  : i32 {
            %broadcast_in_dim3A_532 = vector.broadcast %scan3A_531 : i32 to vector<16xi32>
            tpu.vector_store_idx %arg11[%add3A_524, %broadcast_in_dim3A_532], %broadcast_in_dim3A_505 masked %eq3A_520 : memref<128x64xf32, #tpu.memory_space<vmem>>[vector<16xi32>, vector<16xi32>], vector<16xf32>, vector<16xi1>
          }
          %scan3A_530 = arith.constant 64 : i32
        }
        %scan3A_510 = arith.constant 8 : i32
      } else {
      }
      %sub3A_455 = arith.constant 4 : i32
      %sub3A_456 = arith.subi %add3A_445, %sub3A_455 : i32
      %add3A_457 = arith.addi %sub3A_456, %mul3A_8 : i32
      %rem3A_458 = arith.remsi %add3A_457, %mul3A_8 : i32
      %rem3A_459 = arith.constant 50 : i32
      %rem3A_460 = arith.remsi %rem3A_458, %rem3A_459 : i32
      %div3A_461 = arith.constant 50 : i32
      %div3A_462 = arith.divsi %rem3A_458, %div3A_461 : i32
      %add3A_463 = arith.addi %select_n3A_6, %div3A_462 : i32
      %dma_wait3A_464 = arith.constant 0 : i32
      %dma_wait3A_465 = arith.constant 0 : i32
      %dma_wait3A_466 = arith.constant 0 : i32
      %dma_wait3A_467 = tpu.memref_slice %arg4[%rem3A_460, %dma_wait3A_464, %add3A_463, %dma_wait3A_465, %dma_wait3A_466] : memref<50x8x128x8x128xf32, #tpu.memory_space<hbm>> -> memref<1x8x1x8x128xf32, #tpu.memory_space<hbm>>
      %dma_wait3A_468 = tpu.memref_squeeze %dma_wait3A_467 : memref<1x8x1x8x128xf32, #tpu.memory_space<hbm>> -> memref<8x8x128xf32, #tpu.memory_space<hbm>>
      %dma_wait3A_469 = arith.constant 0 : i32
      %dma_wait3A_470 = arith.constant 0 : i32
      %dma_wait3A_471 = arith.constant 0 : i32
      %dma_wait3A_472 = tpu.memref_slice %arg4[%rem3A_460, %dma_wait3A_469, %add3A_463, %dma_wait3A_470, %dma_wait3A_471] : memref<50x8x128x8x128xf32, #tpu.memory_space<hbm>> -> memref<1x8x1x8x128xf32, #tpu.memory_space<hbm>>
      %dma_wait3A_473 = tpu.memref_squeeze %dma_wait3A_472 : memref<1x8x1x8x128xf32, #tpu.memory_space<hbm>> -> memref<8x8x128xf32, #tpu.memory_space<hbm>>
      tpu.wait_dma2 semaphore(%arg23 : memref<!tpu.dma_semaphore, #tpu.memory_space<semaphore_mem>>) src(%arg15 : memref<8x8x128xf32, #tpu.memory_space<vmem>>) dst(%dma_wait3A_473 : memref<8x8x128xf32, #tpu.memory_space<hbm>>)
      %parallel_loop3A_474 = arith.constant 0 : i32
      %parallel_loop3A_475 = arith.constant 128 : i32
      %parallel_loop3A_476 = arith.constant 1 : i32
      scf.for %parallel_loop3A_504 = %parallel_loop3A_474 to %parallel_loop3A_475 step %parallel_loop3A_476  : i32 {
        %parallel_loop3A_505 = vector.broadcast %parallel_loop3A_504 : i32 to vector<16xi32>
        %parallel_loop3A_506 = arith.constant 0 : i32
        %parallel_loop3A_507 = vector.broadcast %parallel_loop3A_506 : i32 to vector<16xi32>
        %parallel_loop3A_508 = arith.addi %iota3A, %parallel_loop3A_507 : vector<16xi32>
        %parallel_loop3A_509 = tpu.vector_load_idx %arg11[%parallel_loop3A_505, %parallel_loop3A_508] : memref<128x64xf32, #tpu.memory_space<vmem>>[vector<16xi32>, vector<16xi32>], vector<16xf32>,
        %parallel_loop3A_510 = arith.addi %mul3A_47, %parallel_loop3A_505 : vector<16xi32>
        tpu.vector_store_idx %arg7[%parallel_loop3A_510], %parallel_loop3A_509 : memref<9024xf32, #tpu.memory_space<vmem>>[vector<16xi32>], vector<16xf32>,
        %parallel_loop3A_511 = arith.constant 16 : i32
        %parallel_loop3A_512 = vector.broadcast %parallel_loop3A_511 : i32 to vector<16xi32>
        %parallel_loop3A_513 = arith.addi %iota3A, %parallel_loop3A_512 : vector<16xi32>
        %parallel_loop3A_514 = tpu.vector_load_idx %arg11[%parallel_loop3A_505, %parallel_loop3A_513] : memref<128x64xf32, #tpu.memory_space<vmem>>[vector<16xi32>, vector<16xi32>], vector<16xf32>,
        %parallel_loop3A_515 = arith.addi %mul3A_53, %parallel_loop3A_505 : vector<16xi32>
        tpu.vector_store_idx %arg7[%parallel_loop3A_515], %parallel_loop3A_514 : memref<9024xf32, #tpu.memory_space<vmem>>[vector<16xi32>], vector<16xf32>,
        %parallel_loop3A_516 = arith.constant 32 : i32
        %parallel_loop3A_517 = vector.broadcast %parallel_loop3A_516 : i32 to vector<16xi32>
        %parallel_loop3A_518 = arith.addi %iota3A, %parallel_loop3A_517 : vector<16xi32>
        %parallel_loop3A_519 = tpu.vector_load_idx %arg11[%parallel_loop3A_505, %parallel_loop3A_518] : memref<128x64xf32, #tpu.memory_space<vmem>>[vector<16xi32>, vector<16xi32>], vector<16xf32>,
        %parallel_loop3A_520 = arith.addi %mul3A_59, %parallel_loop3A_505 : vector<16xi32>
        tpu.vector_store_idx %arg7[%parallel_loop3A_520], %parallel_loop3A_519 : memref<9024xf32, #tpu.memory_space<vmem>>[vector<16xi32>], vector<16xf32>,
        %parallel_loop3A_521 = arith.constant 48 : i32
        %parallel_loop3A_522 = vector.broadcast %parallel_loop3A_521 : i32 to vector<16xi32>
        %parallel_loop3A_523 = arith.addi %iota3A, %parallel_loop3A_522 : vector<16xi32>
        %parallel_loop3A_524 = tpu.vector_load_idx %arg11[%parallel_loop3A_505, %parallel_loop3A_523] : memref<128x64xf32, #tpu.memory_space<vmem>>[vector<16xi32>, vector<16xi32>], vector<16xf32>,
        %parallel_loop3A_525 = arith.addi %mul3A_65, %parallel_loop3A_505 : vector<16xi32>
        tpu.vector_store_idx %arg7[%parallel_loop3A_525], %parallel_loop3A_524 : memref<9024xf32, #tpu.memory_space<vmem>>[vector<16xi32>], vector<16xf32>,
      } {sc.loop_unroll_factor = 2 : i64, sc.parallel_access}
      %parallel_loop3A_477 = arith.constant 0 : i32
      %parallel_loop3A_478 = arith.constant 64 : i32
      %parallel_loop3A_479 = arith.constant 1 : i32
      scf.for %parallel_loop3A_504 = %parallel_loop3A_477 to %parallel_loop3A_478 step %parallel_loop3A_479  : i32 {
        %parallel_loop3A_505 = arith.constant 8 : i32
        %parallel_loop3A_506 = arith.divsi %parallel_loop3A_504, %parallel_loop3A_505 : i32
        %parallel_loop3A_507 = vector.broadcast %parallel_loop3A_506 : i32 to vector<16xi32>
        %parallel_loop3A_508 = arith.constant 8 : i32
        %parallel_loop3A_509 = arith.remsi %parallel_loop3A_504, %parallel_loop3A_508 : i32
        %parallel_loop3A_510 = vector.broadcast %parallel_loop3A_509 : i32 to vector<16xi32>
        %parallel_loop3A_511 = arith.constant 141 : i32
        %parallel_loop3A_512 = arith.muli %parallel_loop3A_504, %parallel_loop3A_511 : i32
        %parallel_loop3A_513 = arith.constant 0 : i32
        %parallel_loop3A_514 = arith.addi %parallel_loop3A_512, %parallel_loop3A_513 : i32
        %parallel_loop3A_515 = arith.index_cast %parallel_loop3A_514 : i32 to index
        %parallel_loop3A_516 = tpu.vector_load %arg7[%parallel_loop3A_515] {strides = array<i32>} : memref<9024xf32, #tpu.memory_space<vmem>>, vector<16xf32>,
        %parallel_loop3A_517 = arith.constant 0 : i32
        %parallel_loop3A_518 = vector.broadcast %parallel_loop3A_517 : i32 to vector<16xi32>
        %parallel_loop3A_519 = arith.addi %iota3A, %parallel_loop3A_518 : vector<16xi32>
        tpu.vector_store_idx %arg15[%parallel_loop3A_507, %parallel_loop3A_510, %parallel_loop3A_519], %parallel_loop3A_516 : memref<8x8x128xf32, #tpu.memory_space<vmem>>[vector<16xi32>, vector<16xi32>, vector<16xi32>], vector<16xf32>,
        %parallel_loop3A_520 = arith.constant 141 : i32
        %parallel_loop3A_521 = arith.muli %parallel_loop3A_504, %parallel_loop3A_520 : i32
        %parallel_loop3A_522 = arith.constant 16 : i32
        %parallel_loop3A_523 = arith.addi %parallel_loop3A_521, %parallel_loop3A_522 : i32
        %parallel_loop3A_524 = arith.index_cast %parallel_loop3A_523 : i32 to index
        %parallel_loop3A_525 = tpu.vector_load %arg7[%parallel_loop3A_524] {strides = array<i32>} : memref<9024xf32, #tpu.memory_space<vmem>>, vector<16xf32>,
        %parallel_loop3A_526 = arith.constant 16 : i32
        %parallel_loop3A_527 = vector.broadcast %parallel_loop3A_526 : i32 to vector<16xi32>
        %parallel_loop3A_528 = arith.addi %iota3A, %parallel_loop3A_527 : vector<16xi32>
        tpu.vector_store_idx %arg15[%parallel_loop3A_507, %parallel_loop3A_510, %parallel_loop3A_528], %parallel_loop3A_525 : memref<8x8x128xf32, #tpu.memory_space<vmem>>[vector<16xi32>, vector<16xi32>, vector<16xi32>], vector<16xf32>,
        %parallel_loop3A_529 = arith.constant 141 : i32
        %parallel_loop3A_530 = arith.muli %parallel_loop3A_504, %parallel_loop3A_529 : i32
        %parallel_loop3A_531 = arith.constant 32 : i32
        %parallel_loop3A_532 = arith.addi %parallel_loop3A_530, %parallel_loop3A_531 : i32
        %parallel_loop3A_533 = arith.index_cast %parallel_loop3A_532 : i32 to index
        %parallel_loop3A_534 = tpu.vector_load %arg7[%parallel_loop3A_533] {strides = array<i32>} : memref<9024xf32, #tpu.memory_space<vmem>>, vector<16xf32>,
        %parallel_loop3A_535 = arith.constant 32 : i32
        %parallel_loop3A_536 = vector.broadcast %parallel_loop3A_535 : i32 to vector<16xi32>
        %parallel_loop3A_537 = arith.addi %iota3A, %parallel_loop3A_536 : vector<16xi32>
        tpu.vector_store_idx %arg15[%parallel_loop3A_507, %parallel_loop3A_510, %parallel_loop3A_537], %parallel_loop3A_534 : memref<8x8x128xf32, #tpu.memory_space<vmem>>[vector<16xi32>, vector<16xi32>, vector<16xi32>], vector<16xf32>,
        %parallel_loop3A_538 = arith.constant 141 : i32
        %parallel_loop3A_539 = arith.muli %parallel_loop3A_504, %parallel_loop3A_538 : i32
        %parallel_loop3A_540 = arith.constant 48 : i32
        %parallel_loop3A_541 = arith.addi %parallel_loop3A_539, %parallel_loop3A_540 : i32
        %parallel_loop3A_542 = arith.index_cast %parallel_loop3A_541 : i32 to index
        %parallel_loop3A_543 = tpu.vector_load %arg7[%parallel_loop3A_542] {strides = array<i32>} : memref<9024xf32, #tpu.memory_space<vmem>>, vector<16xf32>,
        %parallel_loop3A_544 = arith.constant 48 : i32
        %parallel_loop3A_545 = vector.broadcast %parallel_loop3A_544 : i32 to vector<16xi32>
        %parallel_loop3A_546 = arith.addi %iota3A, %parallel_loop3A_545 : vector<16xi32>
        tpu.vector_store_idx %arg15[%parallel_loop3A_507, %parallel_loop3A_510, %parallel_loop3A_546], %parallel_loop3A_543 : memref<8x8x128xf32, #tpu.memory_space<vmem>>[vector<16xi32>, vector<16xi32>, vector<16xi32>], vector<16xf32>,
        %parallel_loop3A_547 = arith.constant 141 : i32
        %parallel_loop3A_548 = arith.muli %parallel_loop3A_504, %parallel_loop3A_547 : i32
        %parallel_loop3A_549 = arith.constant 64 : i32
        %parallel_loop3A_550 = arith.addi %parallel_loop3A_548, %parallel_loop3A_549 : i32
        %parallel_loop3A_551 = arith.index_cast %parallel_loop3A_550 : i32 to index
        %parallel_loop3A_552 = tpu.vector_load %arg7[%parallel_loop3A_551] {strides = array<i32>} : memref<9024xf32, #tpu.memory_space<vmem>>, vector<16xf32>,
        %parallel_loop3A_553 = arith.constant 64 : i32
        %parallel_loop3A_554 = vector.broadcast %parallel_loop3A_553 : i32 to vector<16xi32>
        %parallel_loop3A_555 = arith.addi %iota3A, %parallel_loop3A_554 : vector<16xi32>
        tpu.vector_store_idx %arg15[%parallel_loop3A_507, %parallel_loop3A_510, %parallel_loop3A_555], %parallel_loop3A_552 : memref<8x8x128xf32, #tpu.memory_space<vmem>>[vector<16xi32>, vector<16xi32>, vector<16xi32>], vector<16xf32>,
        %parallel_loop3A_556 = arith.constant 141 : i32
        %parallel_loop3A_557 = arith.muli %parallel_loop3A_504, %parallel_loop3A_556 : i32
        %parallel_loop3A_558 = arith.constant 80 : i32
        %parallel_loop3A_559 = arith.addi %parallel_loop3A_557, %parallel_loop3A_558 : i32
        %parallel_loop3A_560 = arith.index_cast %parallel_loop3A_559 : i32 to index
        %parallel_loop3A_561 = tpu.vector_load %arg7[%parallel_loop3A_560] {strides = array<i32>} : memref<9024xf32, #tpu.memory_space<vmem>>, vector<16xf32>,
        %parallel_loop3A_562 = arith.constant 80 : i32
        %parallel_loop3A_563 = vector.broadcast %parallel_loop3A_562 : i32 to vector<16xi32>
        %parallel_loop3A_564 = arith.addi %iota3A, %parallel_loop3A_563 : vector<16xi32>
        tpu.vector_store_idx %arg15[%parallel_loop3A_507, %parallel_loop3A_510, %parallel_loop3A_564], %parallel_loop3A_561 : memref<8x8x128xf32, #tpu.memory_space<vmem>>[vector<16xi32>, vector<16xi32>, vector<16xi32>], vector<16xf32>,
        %parallel_loop3A_565 = arith.constant 141 : i32
        %parallel_loop3A_566 = arith.muli %parallel_loop3A_504, %parallel_loop3A_565 : i32
        %parallel_loop3A_567 = arith.constant 96 : i32
        %parallel_loop3A_568 = arith.addi %parallel_loop3A_566, %parallel_loop3A_567 : i32
        %parallel_loop3A_569 = arith.index_cast %parallel_loop3A_568 : i32 to index
        %parallel_loop3A_570 = tpu.vector_load %arg7[%parallel_loop3A_569] {strides = array<i32>} : memref<9024xf32, #tpu.memory_space<vmem>>, vector<16xf32>,
        %parallel_loop3A_571 = arith.constant 96 : i32
        %parallel_loop3A_572 = vector.broadcast %parallel_loop3A_571 : i32 to vector<16xi32>
        %parallel_loop3A_573 = arith.addi %iota3A, %parallel_loop3A_572 : vector<16xi32>
        tpu.vector_store_idx %arg15[%parallel_loop3A_507, %parallel_loop3A_510, %parallel_loop3A_573], %parallel_loop3A_570 : memref<8x8x128xf32, #tpu.memory_space<vmem>>[vector<16xi32>, vector<16xi32>, vector<16xi32>], vector<16xf32>,
        %parallel_loop3A_574 = arith.constant 141 : i32
        %parallel_loop3A_575 = arith.muli %parallel_loop3A_504, %parallel_loop3A_574 : i32
        %parallel_loop3A_576 = arith.constant 112 : i32
        %parallel_loop3A_577 = arith.addi %parallel_loop3A_575, %parallel_loop3A_576 : i32
        %parallel_loop3A_578 = arith.index_cast %parallel_loop3A_577 : i32 to index
        %parallel_loop3A_579 = tpu.vector_load %arg7[%parallel_loop3A_578] {strides = array<i32>} : memref<9024xf32, #tpu.memory_space<vmem>>, vector<16xf32>,
        %parallel_loop3A_580 = arith.constant 112 : i32
        %parallel_loop3A_581 = vector.broadcast %parallel_loop3A_580 : i32 to vector<16xi32>
        %parallel_loop3A_582 = arith.addi %iota3A, %parallel_loop3A_581 : vector<16xi32>
        tpu.vector_store_idx %arg15[%parallel_loop3A_507, %parallel_loop3A_510, %parallel_loop3A_582], %parallel_loop3A_579 : memref<8x8x128xf32, #tpu.memory_space<vmem>>[vector<16xi32>, vector<16xi32>, vector<16xi32>], vector<16xf32>,
      } {sc.loop_unroll_factor = 2 : i64, sc.parallel_access}
      %rem3A_480 = arith.constant 50 : i32
      %rem3A_481 = arith.remsi %add3A_445, %rem3A_480 : i32
      %div3A_482 = arith.constant 50 : i32
      %div3A_483 = arith.divsi %add3A_445, %div3A_482 : i32
      %add3A_484 = arith.addi %select_n3A_6, %div3A_483 : i32
      %dma_start3A_485 = arith.constant 0 : i32
      %dma_start3A_486 = arith.constant 0 : i32
      %dma_start3A_487 = arith.constant 0 : i32
      %dma_start3A_488 = tpu.memref_slice %arg4[%rem3A_481, %dma_start3A_485, %add3A_484, %dma_start3A_486, %dma_start3A_487] : memref<50x8x128x8x128xf32, #tpu.memory_space<hbm>> -> memref<1x8x1x8x128xf32, #tpu.memory_space<hbm>>
      %dma_start3A_489 = tpu.memref_squeeze %dma_start3A_488 : memref<1x8x1x8x128xf32, #tpu.memory_space<hbm>> -> memref<8x8x128xf32, #tpu.memory_space<hbm>>
      %dma_start3A_490 = arith.constant 0 : i32
      %dma_start3A_491 = arith.constant 0 : i32
      %dma_start3A_492 = arith.constant 0 : i32
      %dma_start3A_493 = tpu.memref_slice %arg4[%rem3A_481, %dma_start3A_490, %add3A_484, %dma_start3A_491, %dma_start3A_492] : memref<50x8x128x8x128xf32, #tpu.memory_space<hbm>> -> memref<1x8x1x8x128xf32, #tpu.memory_space<hbm>>
      %dma_start3A_494 = tpu.memref_squeeze %dma_start3A_493 : memref<1x8x1x8x128xf32, #tpu.memory_space<hbm>> -> memref<8x8x128xf32, #tpu.memory_space<hbm>>
      tpu.enqueue_dma source(%arg15 : memref<8x8x128xf32, #tpu.memory_space<vmem>>) target(%dma_start3A_494 : memref<8x8x128xf32, #tpu.memory_space<hbm>>) target_semaphore(%arg23 : memref<!tpu.dma_semaphore, #tpu.memory_space<semaphore_mem>>)
      %add3A_495 = arith.constant 4 : i32
      %add3A_496 = arith.addi %add3A_445, %add3A_495 : i32
      %rem3A_497 = arith.remsi %add3A_496, %mul3A_8 : i32
      %mul3A_498 = arith.constant 128 : i32
      %mul3A_499 = arith.muli %rem3A_497, %mul3A_498 : i32
      %dma_start3A_500 = tpu.memref_slice %arg6[%mul3A_499] : memref<38400xi32, #tpu.memory_space<vmem>> -> memref<128xi32, #tpu.memory_space<vmem>>
      %dma_start3A_501 = arith.constant 0 : i32
      %dma_start3A_502 = arith.constant 0 : i32
      %dma_start3A_503 = tpu.memref_slice %arg3[%dma_start3A_501, %dma_start3A_502] : memref<1000000x64xf32, #tpu.memory_space<hbm>> -> memref<1000000x64xf32, #tpu.memory_space<hbm>>
      tpu.enqueue_indirect_dma source(%dma_start3A_503 : memref<1000000x64xf32, #tpu.memory_space<hbm>>) target(%arg11 : memref<128x64xf32, #tpu.memory_space<vmem>>) offsets(%dma_start3A_500 : memref<128xi32, #tpu.memory_space<vmem>>) semaphore(%arg19 : memref<!tpu.dma_semaphore, #tpu.memory_space<semaphore_mem>>)
    }
    %sub3A_163 = arith.constant 4 : i32
    %sub3A_164 = arith.subi %mul3A_8, %sub3A_163 : i32
    %add3A_165 = arith.constant 0 : i32
    %add3A_166 = arith.addi %sub3A_164, %add3A_165 : i32
    %rem3A_167 = arith.constant 50 : i32
    %rem3A_168 = arith.remsi %add3A_166, %rem3A_167 : i32
    %div3A_169 = arith.constant 50 : i32
    %div3A_170 = arith.divsi %add3A_166, %div3A_169 : i32
    %add3A_171 = arith.addi %select_n3A_6, %div3A_170 : i32
    %dma_wait3A = arith.constant 0 : i32
    %dma_wait3A_172 = arith.constant 0 : i32
    %dma_wait3A_173 = arith.constant 0 : i32
    %dma_wait3A_174 = tpu.memref_slice %arg4[%rem3A_168, %dma_wait3A, %add3A_171, %dma_wait3A_172, %dma_wait3A_173] : memref<50x8x128x8x128xf32, #tpu.memory_space<hbm>> -> memref<1x8x1x8x128xf32, #tpu.memory_space<hbm>>
    %dma_wait3A_175 = tpu.memref_squeeze %dma_wait3A_174 : memref<1x8x1x8x128xf32, #tpu.memory_space<hbm>> -> memref<8x8x128xf32, #tpu.memory_space<hbm>>
    %dma_wait3A_176 = arith.constant 0 : i32
    %dma_wait3A_177 = arith.constant 0 : i32
    %dma_wait3A_178 = arith.constant 0 : i32
    %dma_wait3A_179 = tpu.memref_slice %arg4[%rem3A_168, %dma_wait3A_176, %add3A_171, %dma_wait3A_177, %dma_wait3A_178] : memref<50x8x128x8x128xf32, #tpu.memory_space<hbm>> -> memref<1x8x1x8x128xf32, #tpu.memory_space<hbm>>
    %dma_wait3A_180 = tpu.memref_squeeze %dma_wait3A_179 : memref<1x8x1x8x128xf32, #tpu.memory_space<hbm>> -> memref<8x8x128xf32, #tpu.memory_space<hbm>>
    tpu.wait_dma2 semaphore(%arg20 : memref<!tpu.dma_semaphore, #tpu.memory_space<semaphore_mem>>) src(%arg12 : memref<8x8x128xf32, #tpu.memory_space<vmem>>) dst(%dma_wait3A_180 : memref<8x8x128xf32, #tpu.memory_space<hbm>>)
    %dma_wait3A_181 = arith.constant 0 : i32
    %dma_wait3A_182 = tpu.memref_slice %arg6[%dma_wait3A_181] : memref<38400xi32, #tpu.memory_space<vmem>> -> memref<128xi32, #tpu.memory_space<vmem>>
    %dma_wait3A_183 = arith.constant 0 : i32
    %dma_wait3A_184 = arith.constant 0 : i32
    %dma_wait3A_185 = tpu.memref_slice %arg3[%dma_wait3A_183, %dma_wait3A_184] : memref<1000000x64xf32, #tpu.memory_space<hbm>> -> memref<1000000x64xf32, #tpu.memory_space<hbm>>
    tpu.wait_indirect_dma semaphore(%arg16 : memref<!tpu.dma_semaphore, #tpu.memory_space<semaphore_mem>>) src(%dma_wait3A_185 : memref<1000000x64xf32, #tpu.memory_space<hbm>>) dst(%arg8 : memref<128x64xf32, #tpu.memory_space<vmem>>)
    %sub3A_186 = arith.constant 4 : i32
    %sub3A_187 = arith.subi %mul3A_8, %sub3A_186 : i32
    %add3A_188 = arith.constant 1 : i32
    %add3A_189 = arith.addi %sub3A_187, %add3A_188 : i32
    %rem3A_190 = arith.constant 50 : i32
    %rem3A_191 = arith.remsi %add3A_189, %rem3A_190 : i32
    %div3A_192 = arith.constant 50 : i32
    %div3A_193 = arith.divsi %add3A_189, %div3A_192 : i32
    %add3A_194 = arith.addi %select_n3A_6, %div3A_193 : i32
    %dma_wait3A_195 = arith.constant 0 : i32
    %dma_wait3A_196 = arith.constant 0 : i32
    %dma_wait3A_197 = arith.constant 0 : i32
    %dma_wait3A_198 = tpu.memref_slice %arg4[%rem3A_191, %dma_wait3A_195, %add3A_194, %dma_wait3A_196, %dma_wait3A_197] : memref<50x8x128x8x128xf32, #tpu.memory_space<hbm>> -> memref<1x8x1x8x128xf32, #tpu.memory_space<hbm>>
    %dma_wait3A_199 = tpu.memref_squeeze %dma_wait3A_198 : memref<1x8x1x8x128xf32, #tpu.memory_space<hbm>> -> memref<8x8x128xf32, #tpu.memory_space<hbm>>
    %dma_wait3A_200 = arith.constant 0 : i32
    %dma_wait3A_201 = arith.constant 0 : i32
    %dma_wait3A_202 = arith.constant 0 : i32
    %dma_wait3A_203 = tpu.memref_slice %arg4[%rem3A_191, %dma_wait3A_200, %add3A_194, %dma_wait3A_201, %dma_wait3A_202] : memref<50x8x128x8x128xf32, #tpu.memory_space<hbm>> -> memref<1x8x1x8x128xf32, #tpu.memory_space<hbm>>
    %dma_wait3A_204 = tpu.memref_squeeze %dma_wait3A_203 : memref<1x8x1x8x128xf32, #tpu.memory_space<hbm>> -> memref<8x8x128xf32, #tpu.memory_space<hbm>>
    tpu.wait_dma2 semaphore(%arg21 : memref<!tpu.dma_semaphore, #tpu.memory_space<semaphore_mem>>) src(%arg13 : memref<8x8x128xf32, #tpu.memory_space<vmem>>) dst(%dma_wait3A_204 : memref<8x8x128xf32, #tpu.memory_space<hbm>>)
    %dma_wait3A_205 = arith.constant 128 : i32
    %dma_wait3A_206 = tpu.memref_slice %arg6[%dma_wait3A_205] : memref<38400xi32, #tpu.memory_space<vmem>> -> memref<128xi32, #tpu.memory_space<vmem>>
    %dma_wait3A_207 = arith.constant 0 : i32
    %dma_wait3A_208 = arith.constant 0 : i32
    %dma_wait3A_209 = tpu.memref_slice %arg3[%dma_wait3A_207, %dma_wait3A_208] : memref<1000000x64xf32, #tpu.memory_space<hbm>> -> memref<1000000x64xf32, #tpu.memory_space<hbm>>
    tpu.wait_indirect_dma semaphore(%arg17 : memref<!tpu.dma_semaphore, #tpu.memory_space<semaphore_mem>>) src(%dma_wait3A_209 : memref<1000000x64xf32, #tpu.memory_space<hbm>>) dst(%arg9 : memref<128x64xf32, #tpu.memory_space<vmem>>)
    %sub3A_210 = arith.constant 4 : i32
    %sub3A_211 = arith.subi %mul3A_8, %sub3A_210 : i32
    %add3A_212 = arith.constant 2 : i32
    %add3A_213 = arith.addi %sub3A_211, %add3A_212 : i32
    %rem3A_214 = arith.constant 50 : i32
    %rem3A_215 = arith.remsi %add3A_213, %rem3A_214 : i32
    %div3A_216 = arith.constant 50 : i32
    %div3A_217 = arith.divsi %add3A_213, %div3A_216 : i32
    %add3A_218 = arith.addi %select_n3A_6, %div3A_217 : i32
    %dma_wait3A_219 = arith.constant 0 : i32
    %dma_wait3A_220 = arith.constant 0 : i32
    %dma_wait3A_221 = arith.constant 0 : i32
    %dma_wait3A_222 = tpu.memref_slice %arg4[%rem3A_215, %dma_wait3A_219, %add3A_218, %dma_wait3A_220, %dma_wait3A_221] : memref<50x8x128x8x128xf32, #tpu.memory_space<hbm>> -> memref<1x8x1x8x128xf32, #tpu.memory_space<hbm>>
    %dma_wait3A_223 = tpu.memref_squeeze %dma_wait3A_222 : memref<1x8x1x8x128xf32, #tpu.memory_space<hbm>> -> memref<8x8x128xf32, #tpu.memory_space<hbm>>
    %dma_wait3A_224 = arith.constant 0 : i32
    %dma_wait3A_225 = arith.constant 0 : i32
    %dma_wait3A_226 = arith.constant 0 : i32
    %dma_wait3A_227 = tpu.memref_slice %arg4[%rem3A_215, %dma_wait3A_224, %add3A_218, %dma_wait3A_225, %dma_wait3A_226] : memref<50x8x128x8x128xf32, #tpu.memory_space<hbm>> -> memref<1x8x1x8x128xf32, #tpu.memory_space<hbm>>
    %dma_wait3A_228 = tpu.memref_squeeze %dma_wait3A_227 : memref<1x8x1x8x128xf32, #tpu.memory_space<hbm>> -> memref<8x8x128xf32, #tpu.memory_space<hbm>>
    tpu.wait_dma2 semaphore(%arg22 : memref<!tpu.dma_semaphore, #tpu.memory_space<semaphore_mem>>) src(%arg14 : memref<8x8x128xf32, #tpu.memory_space<vmem>>) dst(%dma_wait3A_228 : memref<8x8x128xf32, #tpu.memory_space<hbm>>)
    %dma_wait3A_229 = arith.constant 256 : i32
    %dma_wait3A_230 = tpu.memref_slice %arg6[%dma_wait3A_229] : memref<38400xi32, #tpu.memory_space<vmem>> -> memref<128xi32, #tpu.memory_space<vmem>>
    %dma_wait3A_231 = arith.constant 0 : i32
    %dma_wait3A_232 = arith.constant 0 : i32
    %dma_wait3A_233 = tpu.memref_slice %arg3[%dma_wait3A_231, %dma_wait3A_232] : memref<1000000x64xf32, #tpu.memory_space<hbm>> -> memref<1000000x64xf32, #tpu.memory_space<hbm>>
    tpu.wait_indirect_dma semaphore(%arg18 : memref<!tpu.dma_semaphore, #tpu.memory_space<semaphore_mem>>) src(%dma_wait3A_233 : memref<1000000x64xf32, #tpu.memory_space<hbm>>) dst(%arg10 : memref<128x64xf32, #tpu.memory_space<vmem>>)
    %sub3A_234 = arith.constant 4 : i32
    %sub3A_235 = arith.subi %mul3A_8, %sub3A_234 : i32
    %add3A_236 = arith.constant 3 : i32
    %add3A_237 = arith.addi %sub3A_235, %add3A_236 : i32
    %rem3A_238 = arith.constant 50 : i32
    %rem3A_239 = arith.remsi %add3A_237, %rem3A_238 : i32
    %div3A_240 = arith.constant 50 : i32
    %div3A_241 = arith.divsi %add3A_237, %div3A_240 : i32
    %add3A_242 = arith.addi %select_n3A_6, %div3A_241 : i32
    %dma_wait3A_243 = arith.constant 0 : i32
    %dma_wait3A_244 = arith.constant 0 : i32
    %dma_wait3A_245 = arith.constant 0 : i32
    %dma_wait3A_246 = tpu.memref_slice %arg4[%rem3A_239, %dma_wait3A_243, %add3A_242, %dma_wait3A_244, %dma_wait3A_245] : memref<50x8x128x8x128xf32, #tpu.memory_space<hbm>> -> memref<1x8x1x8x128xf32, #tpu.memory_space<hbm>>
    %dma_wait3A_247 = tpu.memref_squeeze %dma_wait3A_246 : memref<1x8x1x8x128xf32, #tpu.memory_space<hbm>> -> memref<8x8x128xf32, #tpu.memory_space<hbm>>
    %dma_wait3A_248 = arith.constant 0 : i32
    %dma_wait3A_249 = arith.constant 0 : i32
    %dma_wait3A_250 = arith.constant 0 : i32
    %dma_wait3A_251 = tpu.memref_slice %arg4[%rem3A_239, %dma_wait3A_248, %add3A_242, %dma_wait3A_249, %dma_wait3A_250] : memref<50x8x128x8x128xf32, #tpu.memory_space<hbm>> -> memref<1x8x1x8x128xf32, #tpu.memory_space<hbm>>
    %dma_wait3A_252 = tpu.memref_squeeze %dma_wait3A_251 : memref<1x8x1x8x128xf32, #tpu.memory_space<hbm>> -> memref<8x8x128xf32, #tpu.memory_space<hbm>>
    tpu.wait_dma2 semaphore(%arg23 : memref<!tpu.dma_semaphore, #tpu.memory_space<semaphore_mem>>) src(%arg15 : memref<8x8x128xf32, #tpu.memory_space<vmem>>) dst(%dma_wait3A_252 : memref<8x8x128xf32, #tpu.memory_space<hbm>>)
    %dma_wait3A_253 = arith.constant 384 : i32
    %dma_wait3A_254 = tpu.memref_slice %arg6[%dma_wait3A_253] : memref<38400xi32, #tpu.memory_space<vmem>> -> memref<128xi32, #tpu.memory_space<vmem>>
    %dma_wait3A_255 = arith.constant 0 : i32
    %dma_wait3A_256 = arith.constant 0 : i32
    %dma_wait3A_257 = tpu.memref_slice %arg3[%dma_wait3A_255, %dma_wait3A_256] : memref<1000000x64xf32, #tpu.memory_space<hbm>> -> memref<1000000x64xf32, #tpu.memory_space<hbm>>
    tpu.wait_indirect_dma semaphore(%arg19 : memref<!tpu.dma_semaphore, #tpu.memory_space<semaphore_mem>>) src(%dma_wait3A_257 : memref<1000000x64xf32, #tpu.memory_space<hbm>>) dst(%arg11 : memref<128x64xf32, #tpu.memory_space<vmem>>)
    return
  }
}

</mosaic_0001>

<sc_bundles>
// kernel: kernel.3.cloned.1.call-start
scs
__scs_entry_jumppad:
0x0: {  	(pc) =	sbr.rel $0x88, $3  }
0x1: {  	(tag) =	ssettag $0x0;
	lr =	simm.s32 $0x1  }
0x2: {  	[smem:$0x3F9F] =	sst lr;
	_ =	strace $0xD0000000  }
0x3: {  	_ = 	snop  }
0x4: {  	_ = 	snop  }
0x5: {  	_ = 	snop  }
0x6: {  	_ = 	snop  }
0x7: {  	_ = 	snop  }
__scs_overlays_trampoline_lowered:
0x8: {  	[smem:$0x3FAE] =	sst s0  }
0x9: {  	[smem:$0x3FAF] =	sst s1  }
0xa: {  	[smem:$0x3FB0] =	sst s2  }
0xb: {  	[smem:$0x3FB1] =	sst s3  }
0xc: {  	[smem:$0x3FB2] =	sst s4  }
0xd: {  	[smem:$0x3FB3] =	sst s5  }
0xe: {  	[smem:$0x3FB4] =	sst s6  }
0xf: {  	[smem:$0x3FB5] =	sst s7  }
0x10: {  	[smem:$0x3FB6] =	sst s8  }
0x11: {  	[smem:$0x3FB7] =	sst s9;
	s0 =	simm.s32 @!p0 $0x0  }
0x12: {  	s1 =	sld [smem:$0x3F9D];
	s0 =	simm.s32 @p0 $0x1  }
0x13: {  	[smem:$0x3FB8] =	sst s0;
	s0 =	simm.s32 @!p1 $0x0  }
0x14: {  	s2 =	sld [smem:$0x3F9C];
	s0 =	simm.s32 @p1 $0x1  }
0x15: {  	[smem:$0x3FB9] =	sst s0;
	s0 =	simm.s32 @!p2 $0x0  }
0x16: {  	s3 =	sld [smem:$0x3FDB];
	s0 =	simm.s32 @p2 $0x1  }
0x17: {  	s4 =	simm.s32 $0x1BF5;
	[smem:$0x3FBB] =	sst s0  }
0x18: {  	s0 =	sld [smem:$0x3F9E];
	_ =	swait.ge [sflag:s4], $0x0  }
0x19: {  	s7 =	sld [smem:$0x3F9F]  }
0x1a: {  	s8 =	sadd.s32 $0xFFFFE003, lr  }
0x1b: {  	s9 =	sadd.s32 $0xFFFFFEF7, lr;
	s5 =	simm.s32 $0xFFFFFFFF;
	p2 =	slt.u32 s8, $0xFFFFF086  }
0x1c: {  	p1 =	slt.u32 s9, $0xF7A;
	s5 =	simm.s32 @!p2 $0x0  }
0x1d: {  	s5 =	simm.s32 @p1 $0x1;
	p0 =	seq.s32 s7, s2  }
0x1e: {  	s7 =	smul.u32 @!p0 $0xF7A, s2;
	p2 =	seq.s32 @!p0 s5, $0x0  }
0x1f: {  	s9 =	smul.u32 $0xF7A, s1;
	s8 =	simm.s32 @!p0 $0x1BF5;
	p2 =	por !p2, p0  }
0x20: {  	[sflag:s8] =	ssyncset.s32 @!p0 $0xFFFFF086;
	s6 =	sadd.s32 @!p0 s3, s7;
	s7 =	simm.s32 @!p0 $0x108  }
0x21: {  	s3 =	sadd.s32 s3, s9;
	s6 =	sadd.s32 @!p0 $0x88, s6;
	s7 =	simm.s32 @p2 $0x1082  }
0x22: {  	[simem:s7], [sflag:s8] =	dma.local @!p0 [hbm:s6], $0xF7A  }
0x23: {  	s9 =	sor.u32 $0xD0000000, s2;
	s6 =	simm.s32 $0x108;
	_ =	swait.ge @!p0 [sflag:s8], $0x0  }
0x24: {  	s3 =	sadd.s32 $0x88, s3;
	s6 =	simm.s32 @!p1 $0x1082;
	[sflag:s4] =	ssyncset.s32 $0xFFFFF086  }
0x25: {  	[simem:s6], [sflag:s4] =	dma.local [hbm:s3], $0xF7A  }
0x26: {  	[smem:$0x3F9F] =	sst s1;
	(tag) =	ssettag s2;
	_ =	strace s9  }
0x27: {  	s1 =	sld [smem:$0x3FAF]  }
0x28: {  	s2 =	sld [smem:$0x3FB0]  }
0x29: {  	s4 =	sld [smem:$0x3FB2]  }
0x2a: {  	p0 =	seq.s32 s5, $0x0;
	s5 =	sld [smem:$0x3FB3]  }
0x2b: {  	s6 =	sld [smem:$0x3FB4]  }
0x2c: {  	s7 =	sld [smem:$0x3FB5]  }
0x2d: {  	s3 =	simm.s32 $0x108;
	s8 =	sld [smem:$0x3FB6]  }
0x2e: {  	s3 =	simm.s32 @!p0 $0x1082;
	s9 =	sld [smem:$0x3FB7]  }
0x2f: {  	lr =	sadd.s32 s0, s3;
	s0 =	sld [smem:$0x3FAE]  }
0x30: {  	s3 =	sld [smem:$0x3FB1]  }
0x31: {  	[smem:$0x3FBA] =	sst s10  }
0x32: {  	s10 =	sld [smem:$0x3FB8];
	_ =	sdelay $0x3  }
0x33: {  	p0 =	seq.s32 s10, $0x1;
	s10 =	sld [smem:$0x3FBA];
	_ =	sdelay $0x3  }
0x34: {  	[smem:$0x3FBA] =	sst s10  }
0x35: {  	s10 =	sld [smem:$0x3FB9];
	_ =	sdelay $0x3  }
0x36: {  	p1 =	seq.s32 s10, $0x1;
	s10 =	sld [smem:$0x3FBA];
	_ =	sdelay $0x3  }
0x37: {  	[smem:$0x3FBA] =	sst s10  }
0x38: {  	s10 =	sld [smem:$0x3FBB]  }
0x39: {  	_ = 	snop;
	(pc) =	sbr.ind lr, $3  }
0x3a: {  	_ = 	snop  }
0x3b: {  	_ = 	snop  }
0x3c: {  	p2 =	seq.s32 s10, $0x1;
	s10 =	sld [smem:$0x3FBA]  }
0x3d: {  	_ =	shalt  }
0x3e: {  	_ =	shalt  }
0x3f: {  	_ =	shalt  }
0x40: {  	_ =	shalt  }
0x41: {  	_ =	shalt  }
0x42: {  	_ =	shalt  }
0x43: {  	_ =	shalt  }
0x44: {  	_ =	shalt  }
0x45: {  	_ =	shalt  }
0x46: {  	_ =	shalt  }
0x47: {  	_ =	shalt  }
0x48: {  	_ =	shalt  }
0x49: {  	_ =	shalt  }
0x4a: {  	_ =	shalt  }
0x4b: {  	_ =	shalt  }
0x4c: {  	_ =	shalt  }
0x4d: {  	_ =	shalt  }
0x4e: {  	_ =	shalt  }
0x4f: {  	_ =	shalt  }
0x50: {  	_ =	shalt  }
0x51: {  	_ =	shalt  }
0x52: {  	_ =	shalt  }
0x53: {  	_ =	shalt  }
0x54: {  	_ =	shalt  }
0x55: {  	_ =	shalt  }
0x56: {  	_ =	shalt  }
0x57: {  	_ =	shalt  }
0x58: {  	_ =	shalt  }
0x59: {  	_ =	shalt  }
0x5a: {  	_ =	shalt  }
0x5b: {  	_ =	shalt  }
0x5c: {  	_ =	shalt  }
0x5d: {  	_ =	shalt  }
0x5e: {  	_ =	shalt  }
0x5f: {  	_ =	shalt  }
0x60: {  	_ =	shalt  }
0x61: {  	_ =	shalt  }
0x62: {  	_ =	shalt  }
0x63: {  	_ =	shalt  }
0x64: {  	_ =	shalt  }
0x65: {  	_ =	shalt  }
0x66: {  	_ =	shalt  }
0x67: {  	_ =	shalt  }
0x68: {  	_ =	shalt  }
0x69: {  	_ =	shalt  }
0x6a: {  	_ =	shalt  }
0x6b: {  	_ =	shalt  }
0x6c: {  	_ =	shalt  }
0x6d: {  	_ =	shalt  }
0x6e: {  	_ =	shalt  }
0x6f: {  	_ =	shalt  }
0x70: {  	_ =	shalt  }
0x71: {  	_ =	shalt  }
0x72: {  	_ =	shalt  }
0x73: {  	_ =	shalt  }
0x74: {  	_ =	shalt  }
0x75: {  	_ =	shalt  }
0x76: {  	_ =	shalt  }
0x77: {  	_ =	shalt  }
0x78: {  	_ =	shalt  }
0x79: {  	_ =	shalt  }
0x7a: {  	_ =	shalt  }
0x7b: {  	_ =	shalt  }
0x7c: {  	_ =	shalt  }
0x7d: {  	_ =	shalt  }
0x7e: {  	_ =	shalt  }
0x7f: {  	_ =	shalt  }
0x80: {  	_ =	shalt  }
0x81: {  	_ =	shalt  }
0x82: {  	_ =	shalt  }
0x83: {  	_ =	shalt  }
0x84: {  	_ =	shalt  }
0x85: {  	_ =	shalt  }
0x86: {  	_ =	shalt  }
0x87: {  	_ =	shalt  }
.Lfunc_end0:
.L_simem_size_0:
called_computation_lowered:
.L_overlay_start_0:
0x88: {  	s2 =	sld [smem:$0x3FD9]  }
0x89: {  	s3 =	sld [smem:$0x3FFE];
	_ =	sdelay $0x1  }
0x8a: {  	s1 =	srdreg.scid  }
0x8b: {  	s0 =	sand.u32 $0x1, s1  }
0x8c: {  	s17 =	sshll.u32 s0, $0xA;
	s2 =	sadd.s32 s3, s2  }
0x8d: {  	s2 =	sadd.s32 s2, s17  }
0x8e: {  	[smem:$0x3FC6] =	sst s2  }
0x8f: {  	_ = 	snop  }
0x90: {  	s2 =	sld [smem:$0x3FD0];
	(tm) =	ssettm $0x1  }
0x91: {  	s18 =	sld [smem:$0x3FFB];
	_ =	sdelay $0x3  }
0x92: {  	_ =	strace s18  }
0x93: {  	s3 =	sld [smem:$0x3FFC];
	_ =	sdelay $0x3  }
0x94: {  	_ =	strace s3  }
0x95: {  	s3 =	sld [smem:$0x3FFD];
	_ =	sdelay $0x3  }
0x96: {  	_ =	strace s3  }
0x97: {  	_ =	strace $0x8FFFFFFF  }
0x98: {  	s19 =	sld [smem:$0x3FDB];
	_ =	sdelay $0x1  }
0x99: {  	s4 =	simm.s32 $_scs_section_size  }
0x9a: {  	s5 =	simm.s32 $_size__tile_overlayer_lowered;
	s6 =	simm.s32 $_tile_overlayer_lowered  }
0x9b: {  	s22 =	simm.s32 $0x1BFF;
	s21 =	sshll.u32 s6, $0x1;
	s3 =	sadd.s32 s4, s19  }
0x9c: {  	s7 =	simm.s32 $0x0;
	s20 =	sshll.u32 s5, $0x1;
	s5 =	sadd.s32 s21, s3  }
0x9d: {  	[timem:s7], [sflag:s22] =	dma.local [hbm:s5], s20  }
0x9e: {  	_ =	swait.ge [sflag:s22], s20  }
0x9f: {  	s4 =	ssub.s32 $0x0, s20;
	[sflag:s22] =	ssyncset.done $0x0  }
0xa0: {  	[sflag:s22] =	ssyncadd.s32 s4;
	_ =	sdelay $0x1  }
0xa1: {  	s23 =	simm.s32 $0x1B8B  }
0xa2: {  	_ =	swait.ge [sflag:s23], $0x1  }
0xa3: {  	[sflag:s23] =	ssyncset.done $0x0  }
0xa4: {  	s25 =	simm.s32 $0x1B8E;
	s24 =	sld [smem:$0x3FFE];
	[sflag:s23] =	ssyncadd.s32 $0xFFFFFFFF  }
0xa5: {  	s26 =	simm.s32 $execute0_lowered;
	[smem:$0x3FD2] =	sst s25  }
0xa6: {  	s5 =	sshll.u32 s26, $0x1;
	_ =	strace $0x80000046;
	[dreg:$0x1] =	wrdreg $0xFFFFFFFF  }
0xa7: {  	s28 =	simm.s32 $_size_execute0_lowered;
	s3 =	sadd.s32 s3, s5;
	[dreg:$0x0] =	wrdreg $0x0  }
0xa8: {  	s5 =	sshll.u32 s28, $0x1;
	[dreg:$0x2] =	wrdreg s3  }
0xa9: {  	[dreg:$0x3] =	wrdreg s5  }
0xaa: {  	[dreg:$0x4] =	wrdreg $0xC0  }
0xab: {  	_ =	task [dreg:s7], $0x5FFFF  }
0xac: {  	[dreg:$0x1] =	wrdreg $0xFFFFFFFF  }
0xad: {  	[dreg:$0x0] =	wrdreg $0x60  }
0xae: {  	[dreg:$0x2] =	wrdreg s24  }
0xaf: {  	[dreg:$0x3] =	wrdreg s2  }
0xb0: {  	[dreg:$0x4] =	wrdreg $0x9  }
0xb1: {  	_ =	task.clear_ibuf [dreg:s7], $0x5FFFF;
	_ =	strace $0x90000046  }
0xb2: {  	s29 =	simm.s32 $0x9;
	_ =	strace $0x80000048  }
0xb3: {  	_ =	swait.ge [sflag:s29], $0x1  }
0xb4: {  	[sflag:s29] =	ssyncadd.s32 $0xFFFFFFFF  }
0xb5: {  	_ =	strace $0x90000048  }
0xb6: {  	_ =	sfence  }
0xb7: {  	s30 =	sld [smem:$0x0];
	_ =	sdelay $0x2  }
0xb8: {  	s31 =	sshll.u32 s1, $0xD;
	s1 =	sshrl.u32 s1, $0x2  }
0xb9: {  	s3 =	sand.u32 $0x4000, s31;
	s1 =	sadd.s32 s1, s30  }
0xba: {  	s0 =	sor.u32 s3, s0;
	s1 =	sshll.u32 s1, $0x11  }
0xbb: {  	s0 =	sor.u32 s1, s0  }
0xbc: {  	s0 =	sadd.s32 $0x8F2B, s0  }
0xbd: {  	[sflag:s0] =	ssyncadd.remote.s32 $0x1  }
0xbe: {  	_ =	sfence.sel $0xFFFF  }
0xbf: {  	[dreg:$0x0] =	wrdreg $0xFFFFFFFF;
	(pc) =	sbr.abs _section_cstart, $3  }
0xc0: {  	[dreg:$0x1] =	wrdreg $0xFFFFFFFF  }
0xc1: {  	_ =	task.clear_ibuf [dreg:s7], $0x2FFFF;
	_ =	strace $0x9FFFFFFF  }
0xc2: {  	(tm) =	ssettm $0x7FFFFFFF  }
0xc3: {  	_ =	shalt  }
tec
execute0_lowered:
.L_overlay_start_1:
0x0: {  	(tag) =	ssettag $0x1  }
0x1: {  	s0 =	rddreg [dreg:$0x0]  }
0x2: {  	s30 =	rddreg [dreg:$0x1];
	s2 =	simm.s32 $0x0  }
0x3: {  	s19 =	srdreg.scid;
	s20 =	stileid.u32;
	s3 =	simm.s32 $0x2  }
0x4: {  	s28 =	simm.s32 $0x11240;
	s29 =	simm.s32 $0x19240;
	[smem:$0x7FF] =	sst s2  }
0x5: {  	s1 =	sadd.s32 $0x600, s0;
	s0 =	sadd.s32 $0xF42A00, s0;
	s8 =	smul.u32 $0x6, s20  }
0x6: {  	_ =	strace $0x80000047;
	[dreg:$0x4] =	wrdreg s0;
	s0 =	sand.u32 $0x1, s19  }
0x7: {  	[dreg:$0x3] =	wrdreg s1;
	s1 =	sshll.u32 s20, $0x1;
	p0 =	seq.s32 s0, $0x0  }
0x8: {  	s31 =	simm.s32 $0x13240;
	s1 =	sor.u32 $0x60, s1;
	s3 =	simm.s32 @!p0 $0x6  }
0x9: {  	s0 =	ssub.s32 $0x2, s0;
	s8 =	smov.u32 @p0 s1;
	s4 =	smul.u32 $0x32, s3  }
0xa: {  	s21 =	sshrl.u32 s0, $0x1;
	[dreg:$0x5] =	wrdreg s3;
	s22 =	sshll.u32 s8, $0x7  }
0xb: {  	s0 =	ssub.s32 s0, s21;
	s23 =	sadd.s32 s30, s22;
	[dreg:$0x6] =	wrdreg s4  }
0xc: {  	v0 =	vlaneseq.u32;
	s19 =	simm.s32 $0xD240;
	s0 =	smax.u32 s0, $0x1;
	[dreg:$0x7] =	wrdreg s23  }
0xd: {  	vm0 =	vmxor vm0, vm0;
	v4 =	vimm.f32 $0.0e+00;
	v1 =	vmul.u32 $0x32, v0;
	s22 =	simm.s32 $0x15240;
	s24 =	sshrl.u32 s4, $0x2;
	[dreg:$0xc] =	wrdreg s0  }
0xe: {  	v2 =	vmul.u32 $0x8D, v0;
	v3 =	vmul.u32 $0x40, v0;
	v5 =	vor.u32 $0x10, v0;
	s25 =	sadd.s32 $0x20000, s23;
	s26 =	sadd.s32 $0x40000, s23;
	[dreg:$0x8] =	wrdreg s24  }
0xf: {  	v7 =	vor.u32 $0x20, v0;
	v9 =	vor.u32 $0x30, v0;
	v11 =	vor.u32 $0x40, v0;
	s1 =	sadd.s32 $0x60000, s23;
	s0 =	simm.s32 $0x1B240;
	[dreg:$0x9] =	wrdreg s25  }
0x10: {  	v12 =	vor.u32 $0x50, v0;
	v13 =	vor.u32 $0x60, v0;
	v14 =	vor.u32 $0x70, v0;
	s23 =	simm.s32 $0xAF00;
	s4 =	simm.s32 $0x0;
	[dreg:$0xa] =	wrdreg s26  }
0x11: {  	v6 =	vadd.s32 $0x8D0, v2;
	v8 =	vadd.s32 $0x11A0, v2;
	v10 =	vadd.s32 $0x1A70, v2;
	[dreg:$0xb] =	wrdreg s1;
	s24 =	simm.s32 $0xF240;
	s25 =	simm.s32 $0x17240  }
.LBB2_1:
0x12: {  	[dreg:$0xd] =	wrdreg s4;
	s4 =	simm.s32 $0x1940;
	vm1 =	vmmov vm0;
	s7 =	simm.s32 $0x0  }
.LBB2_2:
0x13: {  	s1 =	sadd.s32 s8, s7  }
0x14: {  	s1 =	smul.u32 $0x320, s1  }
0x15: {  	s3 =	simm.s32 $0x0;
	s6 =	rddreg [dreg:$0x3]  }
0x16: {  	s14 =	simm.s32 $0x9;
	v15 =	vadd.s32 s3, v1;
	s1 =	sadd.s32 s6, s1  }
0x17: {  	[tilespmem:s3], [sflag:$0x9] =	stream.linear.gather [hbm4b:s1+s3], $0x1900, $0x38;
	[tilespmem:$0x1D240] =	vst v63  }
0x18: {  	_ =	swait.ge [sflag:s14], $0x1900  }
0x19: {  	[sflag:s14] =	ssyncset.done $0x0  }
0x1a: {  	[sflag:s14] =	ssyncadd.s32 $0xFFFFE700  }
0x1b: {  	s15 =	simm.s32 $0x320;
	v15 =	vld.idx.msk [tilespmem:v15+s2+$0x0], $0xffff  }
0x1c: {  	v16 =	vadd.s32 s15, v1;
	_ =	sdelay $0x3  }
0x1d: {  	[tilespmem:s4+$0xFFFFFFC0] =	vst v15  }
0x1e: {  	s16 =	simm.s32 $0x640;
	v16 =	vld.idx.msk [tilespmem:v16+s2+$0x0], $0xffff  }
0x1f: {  	v17 =	vadd.s32 s16, v1;
	_ =	sdelay $0x3  }
0x20: {  	[tilespmem:s4+$0xFFFFFFD0] =	vst v16  }
0x21: {  	s17 =	simm.s32 $0x960;
	v17 =	vld.idx.msk [tilespmem:v17+s2+$0x0], $0xffff  }
0x22: {  	v18 =	vadd.s32 s17, v1;
	_ =	sdelay $0x3  }
0x23: {  	[tilespmem:s4+$0xFFFFFFE0] =	vst v17  }
0x24: {  	s18 =	simm.s32 $0xC80;
	v18 =	vld.idx.msk [tilespmem:v18+s2+$0x0], $0xffff  }
0x25: {  	v19 =	vadd.s32 s18, v1;
	_ =	sdelay $0x3  }
0x26: {  	[tilespmem:s4+$0xFFFFFFF0] =	vst v18  }
0x27: {  	s20 =	simm.s32 $0xFA0;
	v19 =	vld.idx.msk [tilespmem:v19+s2+$0x0], $0xffff  }
0x28: {  	v20 =	vadd.s32 s20, v1;
	_ =	sdelay $0x3  }
0x29: {  	[tilespmem:s4+$0x0] =	vst v19  }
0x2a: {  	s21 =	simm.s32 $0x12C0;
	v20 =	vld.idx.msk [tilespmem:v20+s2+$0x0], $0xffff  }
0x2b: {  	v21 =	vadd.s32 s21, v1;
	_ =	sdelay $0x3  }
0x2c: {  	[tilespmem:s4+$0x10] =	vst v20  }
0x2d: {  	s26 =	simm.s32 $0x15E0;
	vm2 =	veq.s32 v15, $0x0;
	vm3 =	veq.s32 v16, $0x0;
	v15 =	vld.idx.msk [tilespmem:v21+s2+$0x0], $0xffff  }
0x2e: {  	v16 =	vadd.s32 s26, v1;
	vm2 =	vmor vm2, vm3;
	vm3 =	veq.s32 v17, $0x0  }
0x2f: {  	vm2 =	vmor vm2, vm3;
	vm3 =	veq.s32 v18, $0x0  }
0x30: {  	vm2 =	vmor vm2, vm3;
	vm3 =	veq.s32 v19, $0x0  }
0x31: {  	vm2 =	vmor vm2, vm3;
	vm3 =	veq.s32 v20, $0x0  }
0x32: {  	vm2 =	vmor vm2, vm3;
	[tilespmem:s4+$0x20] =	vst v15;
	vm3 =	veq.s32 v15, $0x0  }
0x33: {  	s9 =	simm.s32 $0x2;
	s3 =	simm.s32 $0x1;
	s1 =	smov.u32 s4;
	vm2 =	vmor vm2, vm3;
	v15 =	vld.idx.msk [tilespmem:v16+s2+$0x0], $0xffff  }
.LBB2_3:
0x34: {  	p0 =	sne.s32 s9, $0x31  }
0x35: {  	v16 =	vadd.s32 s3, v1;
	_ =	sdelay $0x3  }
0x36: {  	vm3 =	veq.s32 v15, $0x0;
	[tilespmem:s1+$0x30] =	vst v15  }
0x37: {  	vm2 =	vmor vm2, vm3;
	v15 =	vld.idx.msk [tilespmem:v16+s2+$0x0], $0xffff  }
0x38: {  	s10 =	sadd.s32 $0x320, s3;
	vm1 =	vmor vm1, vm2  }
0x39: {  	v16 =	vadd.s32 s10, v1;
	_ =	sdelay $0x2  }
0x3a: {  	s1 =	sadd.s32 $0x80, s1  }
0x3b: {  	vm2 =	veq.s32 v15, $0x0;
	[tilespmem:s1+$0xFFFFFFC0] =	vst v15  }
0x3c: {  	v15 =	vld.idx.msk [tilespmem:v16+s2+$0x0], $0xffff  }
0x3d: {  	s10 =	sadd.s32 $0x640, s3  }
0x3e: {  	v16 =	vadd.s32 s10, v1;
	_ =	sdelay $0x3  }
0x3f: {  	vm3 =	veq.s32 v15, $0x0;
	[tilespmem:s1+$0xFFFFFFD0] =	vst v15  }
0x40: {  	vm2 =	vmor vm2, vm3;
	v15 =	vld.idx.msk [tilespmem:v16+s2+$0x0], $0xffff  }
0x41: {  	s10 =	sadd.s32 $0x960, s3  }
0x42: {  	v16 =	vadd.s32 s10, v1;
	_ =	sdelay $0x3  }
0x43: {  	vm3 =	veq.s32 v15, $0x0;
	[tilespmem:s1+$0xFFFFFFE0] =	vst v15  }
0x44: {  	vm2 =	vmor vm2, vm3;
	v15 =	vld.idx.msk [tilespmem:v16+s2+$0x0], $0xffff  }
0x45: {  	s10 =	sadd.s32 $0xC80, s3  }
0x46: {  	v16 =	vadd.s32 s10, v1;
	_ =	sdelay $0x3  }
0x47: {  	vm3 =	veq.s32 v15, $0x0;
	[tilespmem:s1+$0xFFFFFFF0] =	vst v15  }
0x48: {  	vm2 =	vmor vm2, vm3;
	v15 =	vld.idx.msk [tilespmem:v16+s2+$0x0], $0xffff  }
0x49: {  	s10 =	sadd.s32 $0xFA0, s3  }
0x4a: {  	v16 =	vadd.s32 s10, v1;
	_ =	sdelay $0x3  }
0x4b: {  	vm3 =	veq.s32 v15, $0x0;
	[tilespmem:s1+$0x0] =	vst v15  }
0x4c: {  	vm2 =	vmor vm2, vm3;
	v15 =	vld.idx.msk [tilespmem:v16+s2+$0x0], $0xffff  }
0x4d: {  	s10 =	sadd.s32 $0x12C0, s3  }
0x4e: {  	v16 =	vadd.s32 s10, v1;
	_ =	sdelay $0x3  }
0x4f: {  	vm3 =	veq.s32 v15, $0x0;
	[tilespmem:s1+$0x10] =	vst v15  }
0x50: {  	vm2 =	vmor vm2, vm3;
	v15 =	vld.idx.msk [tilespmem:v16+s2+$0x0], $0xffff  }
0x51: {  	s10 =	sadd.s32 $0x15E0, s3;
	s3 =	smov.u32 s9  }
0x52: {  	v16 =	vadd.s32 s10, v1  }
.Ltmp0:
0x53: {  	(pc) =	sbr.rel @p0 .LBB2_3-.Ltmp0, $3  }
0x54: {  	_ =	sdelay $0x1  }
0x55: {  	vm3 =	veq.s32 v15, $0x0;
	[tilespmem:s1+$0x20] =	vst v15  }
0x56: {  	s9 =	sadd.s32 $0x1, s9;
	vm2 =	vmor vm2, vm3;
	v15 =	vld.idx.msk [tilespmem:v16+s2+$0x0], $0xffff  }
0x57: {  	v16 =	vadd.s32 s3, v1;
	_ =	sdelay $0x3  }
0x58: {  	[tilespmem:s1+$0x30] =	vst v15  }
0x59: {  	s9 =	sadd.s32 $0x320, s3;
	v16 =	vld.idx.msk [tilespmem:v16+s2+$0x0], $0xffff  }
0x5a: {  	v17 =	vadd.s32 s9, v1;
	_ =	sdelay $0x2  }
0x5b: {  	s14 =	sadd.s32 $0x80, s1  }
0x5c: {  	[tilespmem:s14+$0xFFFFFFC0] =	vst v16  }
0x5d: {  	s15 =	sadd.s32 $0x640, s3;
	v17 =	vld.idx.msk [tilespmem:v17+s2+$0x0], $0xffff  }
0x5e: {  	v18 =	vadd.s32 s15, v1;
	_ =	sdelay $0x3  }
0x5f: {  	[tilespmem:s14+$0xFFFFFFD0] =	vst v17  }
0x60: {  	s16 =	sadd.s32 $0x960, s3;
	v18 =	vld.idx.msk [tilespmem:v18+s2+$0x0], $0xffff  }
0x61: {  	v19 =	vadd.s32 s16, v1;
	_ =	sdelay $0x3  }
0x62: {  	[tilespmem:s14+$0xFFFFFFE0] =	vst v18  }
0x63: {  	s17 =	sadd.s32 $0xC80, s3;
	v19 =	vld.idx.msk [tilespmem:v19+s2+$0x0], $0xffff  }
0x64: {  	v20 =	vadd.s32 s17, v1;
	_ =	sdelay $0x3  }
0x65: {  	[tilespmem:s14+$0xFFFFFFF0] =	vst v19  }
0x66: {  	s18 =	sadd.s32 $0xFA0, s3;
	v20 =	vld.idx.msk [tilespmem:v20+s2+$0x0], $0xffff  }
0x67: {  	v21 =	vadd.s32 s18, v1;
	_ =	sdelay $0x3  }
0x68: {  	[tilespmem:s14+$0x0] =	vst v20  }
0x69: {  	s20 =	sadd.s32 $0x12C0, s3;
	v21 =	vld.idx.msk [tilespmem:v21+s2+$0x0], $0xffff  }
0x6a: {  	v22 =	vadd.s32 s20, v1;
	_ =	sdelay $0x3  }
0x6b: {  	[tilespmem:s14+$0x10] =	vst v21  }
0x6c: {  	s21 =	sadd.s32 $0x15E0, s3;
	v22 =	vld.idx.msk [tilespmem:v22+s2+$0x0], $0xffff  }
0x6d: {  	v23 =	vadd.s32 s21, v1;
	_ =	sdelay $0x3  }
0x6e: {  	vm3 =	veq.s32 v16, $0x0;
	vm4 =	veq.s32 v17, $0x0;
	[tilespmem:s14+$0x20] =	vst v22  }
0x6f: {  	vm3 =	vmor vm3, vm4;
	vm5 =	veq.s32 v18, $0x0;
	v63 =	vld.idx.msk [tilespmem:v23+s2+$0x0], $0xffff  }
0x70: {  	s7 =	sadd.s32 $0x1, s7;
	s26 =	rddreg [dreg:$0x5];
	vm3 =	vmor vm3, vm5;
	vm10 =	veq.s32 v19, $0x0  }
0x71: {  	p0 =	sne.s32 s7, s26;
	vm3 =	vmor vm3, vm10;
	vm11 =	veq.s32 v20, $0x0  }
.Ltmp1:
0x72: {  	vm3 =	vmor vm3, vm11;
	vm12 =	veq.s32 v21, $0x0;
	(pc) =	sbr.rel @p0 .LBB2_2-.Ltmp1, $4  }
0x73: {  	vm13 =	veq.s32 v15, $0x0;
	vm3 =	vmor vm3, vm12;
	vm14 =	veq.s32 v22, $0x0  }
0x74: {  	vm2 =	vmor vm2, vm13;
	vm3 =	vmor vm3, vm14;
	vm15 =	veq.s32 v63, $0x0  }
0x75: {  	vm1 =	vmor vm1, vm2;
	vm2 =	vmor vm3, vm15  }
0x76: {  	s4 =	sadd.s32 $0x1900, s4;
	[tilespmem:s14+$0x30] =	vst v63;
	vm1 =	vmor vm1, vm2  }
0x77: {  	v15 =	vmpcnt.ones.xlane vm1  }
0x78: {  	s1 =	rddreg [dreg:$0x4];
	s4 =	simm.s32 $0x80;
	s3 =	simm.s32 $0x1900  }
0x79: {  	[tilespmem:s19], [sflag:$0x1] =	stream.indirect.gather [hbm4b:s1+s4], $0x40, s3, s4, $0xb8;
	(v2sf) =	vpush v15, $0x0;
	[tilespmem:$0x1D240] =	vst v63  }
0x7a: {  	s14 =	rddreg [dreg:$0x7];
	s5 =	simm.s32 $0x400;
	s6 =	simm.s32 $0x20000  }
0x7b: {  	[hbm4b:s14+s5] =	stream.strided.scatter [tilespmem:s22], [sflag:$0x5], $0x2000, s6, s5, $0x38;
	[tilespmem:$0x1D240] =	vst v63  }
0x7c: {  	s15 =	simm.s32 $0x1980  }
0x7d: {  	[tilespmem:s24], [sflag:$0x2] =	stream.indirect.gather [hbm4b:s1+s4], $0x40, s15, s4, $0xb8;
	[tilespmem:$0x1D240] =	vst v63  }
0x7e: {  	s16 =	rddreg [dreg:$0x9]  }
0x7f: {  	[hbm4b:s16+s5] =	stream.strided.scatter [tilespmem:s25], [sflag:$0x6], $0x2000, s6, s5, $0x38;
	[tilespmem:$0x1D240] =	vst v63  }
0x80: {  	s17 =	simm.s32 $0x1A00  }
0x81: {  	[tilespmem:s28], [sflag:$0x3] =	stream.indirect.gather [hbm4b:s1+s4], $0x40, s17, s4, $0xb8;
	[tilespmem:$0x1D240] =	vst v63  }
0x82: {  	s18 =	rddreg [dreg:$0xa]  }
0x83: {  	[hbm4b:s18+s5] =	stream.strided.scatter [tilespmem:s29], [sflag:$0x7], $0x2000, s6, s5, $0x38;
	[tilespmem:$0x1D240] =	vst v63  }
0x84: {  	s20 =	simm.s32 $0x1A80  }
0x85: {  	[tilespmem:s31], [sflag:$0x4] =	stream.indirect.gather [hbm4b:s1+s4], $0x40, s20, s4, $0xb8;
	[tilespmem:$0x1D240] =	vst v63  }
0x86: {  	s21 =	rddreg [dreg:$0xb]  }
0x87: {  	[hbm4b:s21+s5] =	stream.strided.scatter [tilespmem:s0], [sflag:$0x8], $0x2000, s6, s5, $0x38;
	[tilespmem:$0x1D240] =	vst v63  }
0x88: {  	s26 =	spop (v2sf)  }
0x89: {  	s10 =	simm.s32 $0x0;
	p0 =	slt.s32 s26, $0x1  }
.LBB2_6:
.Ltmp2:
0x8a: {  	(pc) =	sbr.rel @p0 .LBB2_11-.Ltmp2, $4  }
0x8b: {  	s1 =	simm.s32 $0x1  }
0x8c: {  	_ =	swait.ge [sflag:s1], $0x2000  }
0x8d: {  	[sflag:s1] =	ssyncset.done $0x0  }
0x8e: {  	[sflag:s1] =	ssyncadd.s32 $0xFFFFE000  }
0x8f: {  	s1 =	sshll.u32 s10, $0xB  }
0x90: {  	s1 =	sshra.s32 s1, $0x2  }
0x91: {  	s3 =	sadd.s32 $0x1900, s1  }
0x92: {  	s1 =	simm.s32 $0x0;
	v15 =	vmov s3;
	s3 =	simm.s32 $0x0  }
.LBB2_8:
0x93: {  	_ =	sdelay $0x2  }
0x94: {  	s4 =	sshll.u32 s3, $0x4  }
0x95: {  	v17 =	vld.idx.msk [tilespmem:v15+s4+$0x0 ss:$0x1], $0xffff;
	_ =	sdelay $0x1  }
0x96: {  	v16 =	vmov s1  }
0x97: {  	v18 =	vmov s4;
	v16 =	vand.u32 $0x3F, v16  }
0x98: {  	v18 =	vshll.u32 v18, $0x6;
	v19 =	vbroadcast v16, $0x0  }
0x99: {  	v16 =	vor.u32 v3, v18;
	vm1 =	veq.s32 v17, $0x0  }
0x9a: {  	s4 =	simm.s32 $0x1;
	v17 =	vor.u32 v16, v19  }
.LBB2_9:
0x9b: {  	p1 =	sne.s32 s4, $0x3F  }
.Ltmp3:
0x9c: {  	v18 =	vmov s4;
	s4 =	sadd.s32 $0x1, s4;
	(pc) =	sbr.rel @p1 .LBB2_9-.Ltmp3, $4  }
0x9d: {  	v18 =	vand.u32 $0x3F, v18  }
0x9e: {  	v18 =	vbroadcast v18, $0x0  }
0x9f: {  	[tilespmem:v17+s19+$0x0] =	vst.idx.msk vm1, v4  }
0xa0: {  	v17 =	vor.u32 v16, v18  }
0xa1: {  	s3 =	sadd.s32 $0x1, s3  }
0xa2: {  	p1 =	sne.s32 s3, $0x8  }
.Ltmp4:
0xa3: {  	_ = 	snop;
	(pc) =	sbr.rel @p1 .LBB2_8-.Ltmp4, $2  }
0xa4: {  	_ =	sdelay $0x2  }
0xa5: {  	[tilespmem:v17+s19+$0x0] =	vst.idx.msk vm1, v4  }
.LBB2_11:
0xa6: {  	s12 =	simm.s32 $0x0  }
0xa7: {  	s1 =	simm.s32 $0x1;
	v15 =	vmov s12  }
0xa8: {  	v18 =	vshll.u32 v15, $0x6;
	v15 =	vmov s1  }
0xa9: {  	v16 =	vor.u32 v0, v18;
	v19 =	vshll.u32 v15, $0x6  }
0xaa: {  	s3 =	simm.s32 $0x5;
	v15 =	vor.u32 v0, v19  }
0xab: {  	s11 =	simm.s32 $0x2;
	_ =	swait.ge [sflag:s3], $0x2000  }
0xac: {  	v17 =	vmov s11;
	[sflag:s3] =	ssyncset.done $0x0  }
0xad: {  	v20 =	vshll.u32 v17, $0x6;
	[sflag:s3] =	ssyncadd.s32 $0xFFFFE000  }
0xae: {  	v17 =	vadd.s32 s12, v2;
	v21 =	vor.u32 v0, v20;
	s3 =	simm.s32 $0x3;
	v16 =	vld.idx.msk [tilespmem:v16+s19+$0x0], $0xffff  }
0xaf: {  	v24 =	vadd.s32 s1, v2;
	v22 =	vor.u32 v5, v18;
	v23 =	vld.idx.msk [tilespmem:v15+s19+$0x0], $0xffff;
	v15 =	vmov s3  }
0xb0: {  	s4 =	simm.s32 $0x4;
	v25 =	vor.u32 v5, v19;
	v28 =	vshll.u32 v15, $0x6  }
0xb1: {  	v15 =	vmov s4;
	v26 =	vor.u32 v0, v28  }
0xb2: {  	v15 =	vshll.u32 v15, $0x6  }
0xb3: {  	v21 =	vld.idx.msk [tilespmem:v21+s19+$0x0], $0xffff;
	v27 =	vor.u32 v0, v15;
	[tilespmem:v17+s23+$0x0] =	vst.idx.msk $0xffff, v16;
	v16 =	vadd.s32 s11, v2  }
0xb4: {  	v29 =	vadd.s32 s12, v6;
	v30 =	vor.u32 v5, v20;
	v22 =	vld.idx.msk [tilespmem:v22+s19+$0x0], $0xffff;
	[tilespmem:v24+s23+$0x0] =	vst.idx.msk $0xffff, v23  }
0xb5: {  	s9 =	simm.s32 $0x5;
	v23 =	vor.u32 v7, v18;
	v24 =	vld.idx.msk [tilespmem:v25+s19+$0x0], $0xffff;
	v25 =	vadd.s32 s1, v6  }
0xb6: {  	s7 =	simm.s32 $0x6;
	v31 =	vadd.s32 s3, v2;
	v32 =	vor.u32 v7, v19;
	v17 =	vmov s9;
	v26 =	vld.idx.msk [tilespmem:v26+s19+$0x0], $0xffff  }
0xb7: {  	v33 =	vmov s7;
	v34 =	vor.u32 v5, v28;
	v17 =	vshll.u32 v17, $0x6  }
0xb8: {  	[tilespmem:v16+s23+$0x0] =	vst.idx.msk $0xffff, v21;
	v21 =	vld.idx.msk [tilespmem:v27+s19+$0x0], $0xffff;
	v16 =	vshll.u32 v33, $0x6;
	v27 =	vor.u32 v0, v17  }
0xb9: {  	v61 =	vadd.s32 s4, v2;
	[tilespmem:v29+s23+$0x0] =	vst.idx.msk $0xffff, v22;
	v22 =	vld.idx.msk [tilespmem:v30+s19+$0x0], $0xffff;
	v29 =	vor.u32 v0, v16  }
0xba: {  	v35 =	vor.u32 v5, v15;
	v30 =	vadd.s32 s11, v6;
	v23 =	vld.idx.msk [tilespmem:v23+s19+$0x0], $0xffff;
	[tilespmem:v25+s23+$0x0] =	vst.idx.msk $0xffff, v24  }
0xbb: {  	v24 =	vadd.s32 s12, v8;
	v25 =	vor.u32 v7, v20;
	[tilespmem:v31+s23+$0x0] =	vst.idx.msk $0xffff, v26;
	v26 =	vld.idx.msk [tilespmem:v32+s19+$0x0], $0xffff  }
0xbc: {  	v63 =	vadd.s32 s1, v8;
	v31 =	vor.u32 v9, v18;
	v62 =	vld.idx.msk [tilespmem:v34+s19+$0x0], $0xffff  }
0xbd: {  	s16 =	simm.s32 $0x7;
	v38 =	vadd.s32 s9, v2;
	v36 =	vadd.s32 s3, v6;
	v37 =	vor.u32 v9, v19;
	v27 =	vld.idx.msk [tilespmem:v27+s19+$0x0], $0xffff  }
0xbe: {  	s18 =	simm.s32 $0x8;
	v40 =	vadd.s32 s7, v2;
	v39 =	vor.u32 v7, v28;
	v18 =	vmov s16;
	[tilespmem:v61+s23+$0x0] =	vst.idx.msk $0xffff, v21;
	v29 =	vld.idx.msk [tilespmem:v29+s19+$0x0], $0xffff  }
0xbf: {  	v19 =	vmov s18;
	v18 =	vshll.u32 v18, $0x6;
	[tilespmem:v30+s23+$0x0] =	vst.idx.msk $0xffff, v22;
	v41 =	vld.idx.msk [tilespmem:v35+s19+$0x0], $0xffff;
	v30 =	vor.u32 v5, v17  }
0xc0: {  	v43 =	vadd.s32 s4, v6;
	v19 =	vshll.u32 v19, $0x6;
	v42 =	vor.u32 v0, v18;
	[tilespmem:v24+s23+$0x0] =	vst.idx.msk $0xffff, v23;
	v21 =	vld.idx.msk [tilespmem:v25+s19+$0x0], $0xffff  }
0xc1: {  	v33 =	vadd.s32 s11, v8;
	v22 =	vld.idx.msk [tilespmem:v31+s19+$0x0], $0xffff;
	[tilespmem:v63+s23+$0x0] =	vst.idx.msk $0xffff, v26;
	v31 =	vor.u32 v0, v19  }
0xc2: {  	v32 =	vadd.s32 s12, v10;
	v25 =	vor.u32 v5, v16;
	[tilespmem:v36+s23+$0x0] =	vst.idx.msk $0xffff, v62;
	v23 =	vld.idx.msk [tilespmem:v37+s19+$0x0], $0xffff  }
0xc3: {  	v34 =	vadd.s32 s1, v10;
	v26 =	vor.u32 v7, v15;
	[tilespmem:v38+s23+$0x0] =	vst.idx.msk $0xffff, v27;
	v24 =	vld.idx.msk [tilespmem:v39+s19+$0x0], $0xffff  }
0xc4: {  	s5 =	smov.u32 s8;
	s8 =	smov.u32 s30;
	v35 =	vadd.s32 s3, v8;
	[tilespmem:v40+s23+$0x0] =	vst.idx.msk $0xffff, v29;
	v27 =	vld.idx.msk [tilespmem:v30+s19+$0x0], $0xffff;
	v30 =	vor.u32 v9, v20  }
0xc5: {  	s15 =	sshll.u32 s10, $0x2;
	s30 =	simm.s32 $0x9;
	v28 =	vor.u32 v9, v28;
	s1 =	simm.s32 $0xA;
	v36 =	vadd.s32 s9, v6;
	v20 =	vadd.s32 s18, v2;
	v29 =	vld.idx.msk [tilespmem:v42+s19+$0x0], $0xffff;
	[tilespmem:v43+s23+$0x0] =	vst.idx.msk $0xffff, v41  }
.LBB2_12:
0xc6: {  	p1 =	slt.u32 s1, $0x7E;
	v37 =	vld.idx.msk [tilespmem:v31+s19+$0x0], $0xffff;
	v31 =	vmov s30;
	v38 =	vadd.s32 s16, v2;
	v39 =	vor.u32 v7, v17;
	[tilespmem:v33+s23+$0x0] =	vst.idx.msk $0xffff, v21;
	v40 =	vmovc v17  }
0xc7: {  	v21 =	vmov s1;
	v42 =	vor.u32 v5, v18;
	v17 =	vmovc v18;
	v41 =	vld.idx.msk [tilespmem:v25+s19+$0x0], $0xffff;
	[tilespmem:v32+s23+$0x0] =	vst.idx.msk $0xffff, v22;
	v18 =	vshll.u32 v31, $0x6  }
0xc8: {  	v45 =	vadd.s32 s7, v6;
	s12 =	simm.s32 $0x8D;
	s26 =	simm.s32 $0xAF8D;
	v43 =	vshll.u32 v21, $0x6;
	v44 =	vor.u32 v0, v18;
	v21 =	vld.idx.msk [tilespmem:v26+s19+$0x0], $0xffff;
	[tilespmem:v34+s23+$0x0] =	vst.idx.msk $0xffff, v23  }
.Ltmp5:
0xc9: {  	v33 =	vadd.s32 s4, v8;
	v46 =	vmov v16;
	v31 =	vor.u32 v0, v43;
	v22 =	vld.idx.msk [tilespmem:v30+s19+$0x0], $0xffff;
	[tilespmem:v35+s23+$0x0] =	vst.idx.msk $0xffff, v24;
	(pc) =	sbr.rel @p1 .LBB2_12-.Ltmp5, $4  }
0xca: {  	v16 =	vmov v19;
	v25 =	vor.u32 v5, v19;
	v32 =	vadd.s32 s11, v10;
	s11 =	smov.u32 s4;
	s4 =	smov.u32 s7;
	s7 =	smov.u32 s18;
	[tilespmem:v36+s23+$0x0] =	vst.idx.msk $0xffff, v27;
	v23 =	vld.idx.msk [tilespmem:v28+s19+$0x0], $0xffff  }
0xcb: {  	v26 =	vor.u32 v7, v46;
	v34 =	vadd.s32 s3, v10;
	v19 =	vmov v43;
	s3 =	smov.u32 s9;
	s9 =	smov.u32 s16;
	s16 =	smov.u32 s30;
	[tilespmem:v38+s23+$0x0] =	vst.idx.msk $0xffff, v29;
	v24 =	vld.idx.msk [tilespmem:v39+s19+$0x0], $0xffff  }
0xcc: {  	s18 =	smov.u32 s1;
	v30 =	vor.u32 v9, v15;
	v35 =	vadd.s32 s3, v8;
	v15 =	vmov v46;
	[tilespmem:v20+s23+$0x0] =	vst.idx.msk $0xffff, v37;
	v27 =	vld.idx.msk [tilespmem:v42+s19+$0x0], $0xffff  }
0xcd: {  	s1 =	sadd.s32 $0x2, s1;
	s30 =	sadd.s32 $0x1, s18;
	v36 =	vadd.s32 s9, v6;
	v28 =	vor.u32 v9, v40;
	v20 =	vadd.s32 s18, v2;
	v29 =	vld.idx.msk [tilespmem:v44+s19+$0x0], $0xffff;
	[tilespmem:v45+s23+$0x0] =	vst.idx.msk $0xffff, v41  }
0xce: {  	v37 =	vmov s30  }
0xcf: {  	v37 =	vshll.u32 v37, $0x6  }
0xd0: {  	v38 =	vor.u32 v0, v37;
	_ =	sdelay $0x2  }
0xd1: {  	v39 =	vadd.s32 s16, v2;
	[tilespmem:v33+s23+$0x0] =	vst.idx.msk $0xffff, v21  }
0xd2: {  	v21 =	vld.idx.msk [tilespmem:v31+s19+$0x0], $0xffff;
	v31 =	vor.u32 v5, v18;
	[tilespmem:v32+s23+$0x0] =	vst.idx.msk $0xffff, v22  }
0xd3: {  	v22 =	vor.u32 v5, v19;
	v54 =	vadd.s32 s30, v2;
	[tilespmem:v34+s23+$0x0] =	vst.idx.msk $0xffff, v23;
	v23 =	vld.idx.msk [tilespmem:v38+s19+$0x0], $0xffff  }
0xd4: {  	v25 =	vld.idx.msk [tilespmem:v25+s19+$0x0], $0xffff;
	v55 =	vadd.s32 s7, v6;
	[tilespmem:v35+s23+$0x0] =	vst.idx.msk $0xffff, v24;
	v24 =	vor.u32 v5, v37  }
0xd5: {  	v26 =	vld.idx.msk [tilespmem:v26+s19+$0x0], $0xffff;
	v56 =	vadd.s32 s4, v8;
	[tilespmem:v36+s23+$0x0] =	vst.idx.msk $0xffff, v27  }
0xd6: {  	v57 =	vadd.s32 s11, v10;
	v30 =	vld.idx.msk [tilespmem:v30+s19+$0x0], $0xffff;
	v27 =	vor.u32 v7, v17;
	[tilespmem:v39+s23+$0x0] =	vst.idx.msk $0xffff, v29  }
0xd7: {  	v29 =	vor.u32 v7, v16;
	[tilespmem:v20+s23+$0x0] =	vst.idx.msk $0xffff, v21;
	v21 =	vadd.s32 s16, v6;
	v20 =	vld.idx.msk [tilespmem:v31+s19+$0x0], $0xffff  }
0xd8: {  	v58 =	vadd.s32 s18, v6;
	v31 =	vor.u32 v7, v18;
	v22 =	vld.idx.msk [tilespmem:v22+s19+$0x0], $0xffff;
	[tilespmem:v54+s23+$0x0] =	vst.idx.msk $0xffff, v23  }
0xd9: {  	[tilespmem:v55+s23+$0x0] =	vst.idx.msk $0xffff, v25;
	v25 =	vadd.s32 s30, v6;
	v23 =	vor.u32 v7, v19;
	v24 =	vld.idx.msk [tilespmem:v24+s19+$0x0], $0xffff  }
0xda: {  	v59 =	vadd.s32 s3, v10;
	v28 =	vld.idx.msk [tilespmem:v28+s19+$0x0], $0xffff;
	[tilespmem:v56+s23+$0x0] =	vst.idx.msk $0xffff, v26;
	v26 =	vor.u32 v7, v37  }
0xdb: {  	v15 =	vor.u32 v9, v15;
	v60 =	vadd.s32 s9, v8;
	[tilespmem:v57+s23+$0x0] =	vst.idx.msk $0xffff, v30;
	v27 =	vld.idx.msk [tilespmem:v27+s19+$0x0], $0xffff  }
0xdc: {  	v17 =	vor.u32 v9, v17;
	v30 =	vadd.s32 s7, v8;
	v29 =	vld.idx.msk [tilespmem:v29+s19+$0x0], $0xffff;
	[tilespmem:v21+s23+$0x0] =	vst.idx.msk $0xffff, v20  }
0xdd: {  	v16 =	vor.u32 v9, v16;
	v21 =	vadd.s32 s16, v8;
	[tilespmem:v58+s23+$0x0] =	vst.idx.msk $0xffff, v22;
	v20 =	vld.idx.msk [tilespmem:v31+s19+$0x0], $0xffff  }
0xde: {  	v18 =	vor.u32 v9, v18;
	v22 =	vld.idx.msk [tilespmem:v23+s19+$0x0], $0xffff;
	v23 =	vadd.s32 s18, v8;
	[tilespmem:v25+s23+$0x0] =	vst.idx.msk $0xffff, v24  }
0xdf: {  	[tilespmem:v59+s23+$0x0] =	vst.idx.msk $0xffff, v28;
	v19 =	vor.u32 v9, v19;
	v25 =	vadd.s32 s30, v8;
	v24 =	vld.idx.msk [tilespmem:v26+s19+$0x0], $0xffff  }
0xe0: {  	v15 =	vld.idx.msk [tilespmem:v15+s19+$0x0], $0xffff;
	[tilespmem:v60+s23+$0x0] =	vst.idx.msk $0xffff, v27;
	v27 =	vor.u32 v9, v37;
	v26 =	vadd.s32 s4, v10  }
0xe1: {  	v28 =	vadd.s32 s9, v10;
	v17 =	vld.idx.msk [tilespmem:v17+s19+$0x0], $0xffff;
	[tilespmem:v30+s23+$0x0] =	vst.idx.msk $0xffff, v29  }
0xe2: {  	v16 =	vld.idx.msk [tilespmem:v16+s19+$0x0], $0xffff;
	[tilespmem:v21+s23+$0x0] =	vst.idx.msk $0xffff, v20;
	v20 =	vadd.s32 s7, v10  }
0xe3: {  	v21 =	vadd.s32 s16, v10;
	v18 =	vld.idx.msk [tilespmem:v18+s19+$0x0], $0xffff;
	[tilespmem:v23+s23+$0x0] =	vst.idx.msk $0xffff, v22  }
0xe4: {  	v22 =	vadd.s32 s18, v10;
	v19 =	vld.idx.msk [tilespmem:v19+s19+$0x0], $0xffff;
	[tilespmem:v25+s23+$0x0] =	vst.idx.msk $0xffff, v24  }
0xe5: {  	v23 =	vadd.s32 s30, v10;
	[tilespmem:v26+s23+$0x0] =	vst.idx.msk $0xffff, v15;
	v15 =	vld.idx.msk [tilespmem:v27+s19+$0x0], $0xffff  }
0xe6: {  	[tilespmem:v28+s23+$0x0] =	vst.idx.msk $0xffff, v17  }
0xe7: {  	s1 =	simm.s32 $0x1;
	[tilespmem:v20+s23+$0x0] =	vst.idx.msk $0xffff, v16  }
0xe8: {  	s11 =	simm.s32 $0x0;
	s13 =	simm.s32 $0x0;
	s1 =	sand.u32 $0x7, s1;
	[tilespmem:v21+s23+$0x0] =	vst.idx.msk $0xffff, v18  }
0xe9: {  	s3 =	sand.u32 $0x6, s11;
	s1 =	sshll.u32 s1, $0x7;
	s4 =	sand.u32 $0xFFFFFC00, s13;
	[tilespmem:v22+s23+$0x0] =	vst.idx.msk $0xffff, v19  }
0xea: {  	s3 =	sshll.u32 s3, $0x7;
	s13 =	sor.u32 s4, s1;
	[tilespmem:v23+s23+$0x0] =	vst.idx.msk $0xffff, v15  }
0xeb: {  	s17 =	sor.u32 s3, s4;
	v16 =	vor.u32 s13, v0;
	v15 =	vld [tilespmem:s26+$0x0]  }
0xec: {  	v17 =	vor.u32 s17, v0;
	v18 =	vld [tilespmem:s26+$0xFFFFFF73];
	_ =	sdelay $0x3  }
0xed: {  	s14 =	simm.s32 $0x0;
	s1 =	sand.u32 $0x3FFF, s12;
	[tilespmem:v16+s22+$0x0] =	vst.idx.msk $0xffff, v15  }
0xee: {  	s14 =	sand.u32 $0x3FFE, s14;
	[tilespmem:v17+s22+$0x0] =	vst.idx.msk $0xffff, v18;
	v16 =	vor.u32 s13, v5;
	v15 =	vld [tilespmem:s1+$0xAF10]  }
0xef: {  	v17 =	vor.u32 s17, v5;
	v18 =	vld [tilespmem:s14+$0xAF10];
	_ =	sdelay $0x3  }
0xf0: {  	[tilespmem:v16+s22+$0x0] =	vst.idx.msk $0xffff, v15  }
0xf1: {  	s16 =	simm.s32 $0x3;
	[tilespmem:v17+s22+$0x0] =	vst.idx.msk $0xffff, v18;
	v16 =	vor.u32 s13, v7;
	v15 =	vld [tilespmem:s1+$0xAF20]  }
0xf2: {  	s20 =	simm.s32 $0x100;
	s3 =	sand.u32 $0x7, s16;
	s18 =	simm.s32 $0x2;
	v17 =	vor.u32 s17, v7;
	v18 =	vld [tilespmem:s14+$0xAF20]  }
0xf3: {  	s7 =	sand.u32 $0xFFFFFC00, s20;
	s3 =	sshll.u32 s3, $0x7;
	s4 =	sand.u32 $0x6, s18  }
0xf4: {  	s21 =	sshll.u32 s4, $0x7;
	s4 =	sor.u32 s7, s3;
	s26 =	simm.s32 $0xB0A7  }
0xf5: {  	s20 =	sor.u32 s21, s7;
	v20 =	vor.u32 s4, v0;
	v19 =	vld [tilespmem:s26+$0x0]  }
0xf6: {  	v21 =	vor.u32 s20, v0;
	v22 =	vld [tilespmem:s26+$0xFFFFFF73];
	[tilespmem:v16+s22+$0x0] =	vst.idx.msk $0xffff, v15  }
0xf7: {  	[tilespmem:v17+s22+$0x0] =	vst.idx.msk $0xffff, v18;
	v16 =	vor.u32 s13, v9;
	v15 =	vld [tilespmem:s1+$0xAF30]  }
0xf8: {  	v17 =	vor.u32 s17, v9;
	v18 =	vld [tilespmem:s14+$0xAF30]  }
0xf9: {  	s30 =	simm.s32 $0x1A7  }
0xfa: {  	s6 =	simm.s32 $0x11A;
	s11 =	sand.u32 $0x3FFF, s30;
	[tilespmem:v20+s22+$0x0] =	vst.idx.msk $0xffff, v19  }
0xfb: {  	s7 =	sand.u32 $0x3FFE, s6;
	[tilespmem:v21+s22+$0x0] =	vst.idx.msk $0xffff, v22;
	v20 =	vor.u32 s4, v5;
	v19 =	vld [tilespmem:s11+$0xAF10]  }
0xfc: {  	v21 =	vor.u32 s20, v5;
	v22 =	vld [tilespmem:s7+$0xAF10];
	[tilespmem:v16+s22+$0x0] =	vst.idx.msk $0xffff, v15  }
0xfd: {  	[tilespmem:v17+s22+$0x0] =	vst.idx.msk $0xffff, v18;
	v16 =	vor.u32 s13, v11;
	v15 =	vld [tilespmem:s1+$0xAF40]  }
0xfe: {  	v17 =	vor.u32 s17, v11;
	v18 =	vld [tilespmem:s14+$0xAF40];
	_ =	sdelay $0x1  }
0xff: {  	[tilespmem:v20+s22+$0x0] =	vst.idx.msk $0xffff, v19  }
0x100: {  	s9 =	simm.s32 $0x5;
	[tilespmem:v21+s22+$0x0] =	vst.idx.msk $0xffff, v22;
	v20 =	vor.u32 s4, v7;
	v19 =	vld [tilespmem:s11+$0xAF20]  }
0x101: {  	s12 =	simm.s32 $0x200;
	s18 =	simm.s32 $0x4;
	s3 =	sand.u32 $0x7, s9;
	v21 =	vor.u32 s20, v7;
	v22 =	vld [tilespmem:s7+$0xAF20];
	[tilespmem:v16+s22+$0x0] =	vst.idx.msk $0xffff, v15  }
0x102: {  	s16 =	sand.u32 $0x6, s18;
	s21 =	sand.u32 $0xFFFFFC00, s12;
	s3 =	sshll.u32 s3, $0x7;
	[tilespmem:v17+s22+$0x0] =	vst.idx.msk $0xffff, v18;
	v16 =	vor.u32 s13, v12;
	v15 =	vld [tilespmem:s1+$0xAF50]  }
0x103: {  	s12 =	sshll.u32 s16, $0x7;
	s9 =	sor.u32 s21, s3;
	s26 =	simm.s32 $0xB1C1;
	v17 =	vor.u32 s17, v12;
	v18 =	vld [tilespmem:s14+$0xAF50]  }
0x104: {  	s21 =	sor.u32 s12, s21;
	v24 =	vor.u32 s9, v0;
	v23 =	vld [tilespmem:s26+$0x0]  }
0x105: {  	v25 =	vor.u32 s21, v0;
	v26 =	vld [tilespmem:s26+$0xFFFFFF73];
	[tilespmem:v20+s22+$0x0] =	vst.idx.msk $0xffff, v19  }
0x106: {  	[tilespmem:v21+s22+$0x0] =	vst.idx.msk $0xffff, v22;
	v21 =	vor.u32 s4, v9;
	v19 =	vld [tilespmem:s11+$0xAF30]  }
0x107: {  	v27 =	vor.u32 s20, v9;
	v29 =	vld [tilespmem:s7+$0xAF30];
	[tilespmem:v16+s22+$0x0] =	vst.idx.msk $0xffff, v15  }
0x108: {  	v61 =	vor.u32 s13, v13;
	s12 =	simm.s32 $0x2C1;
	[tilespmem:v17+s22+$0x0] =	vst.idx.msk $0xffff, v18;
	v18 =	vld [tilespmem:s1+$0xAF60]  }
0x109: {  	v62 =	vor.u32 s17, v13;
	s30 =	simm.s32 $0x234;
	s16 =	sand.u32 $0x3FFF, s12;
	[tilespmem:v24+s22+$0x0] =	vst.idx.msk $0xffff, v23;
	v35 =	vld [tilespmem:s14+$0xAF60]  }
0x10a: {  	s3 =	sand.u32 $0x3FFE, s30;
	v63 =	vor.u32 s9, v5;
	[tilespmem:v25+s22+$0x0] =	vst.idx.msk $0xffff, v26;
	v36 =	vld [tilespmem:s16+$0xAF10]  }
0x10b: {  	v33 =	vor.u32 s4, v11;
	v28 =	vor.u32 s21, v5;
	v24 =	vor.u32 s21, v7;
	v32 =	vld [tilespmem:s3+$0xAF10];
	[tilespmem:v21+s22+$0x0] =	vst.idx.msk $0xffff, v19  }
0x10c: {  	v23 =	vor.u32 s21, v9;
	v25 =	vor.u32 s21, v11;
	v22 =	vor.u32 s20, v11;
	[tilespmem:v27+s22+$0x0] =	vst.idx.msk $0xffff, v29;
	v30 =	vld [tilespmem:s11+$0xAF40]  }
0x10d: {  	v20 =	vor.u32 s20, v12;
	v21 =	vor.u32 s21, v12;
	v19 =	vor.u32 s21, v13;
	v31 =	vld [tilespmem:s7+$0xAF40];
	[tilespmem:v61+s22+$0x0] =	vst.idx.msk $0xffff, v18  }
0x10e: {  	v27 =	vor.u32 s13, v14;
	v15 =	vor.u32 s17, v14;
	[tilespmem:v62+s22+$0x0] =	vst.idx.msk $0xffff, v35;
	v26 =	vld [tilespmem:s1+$0xAF70]  }
0x10f: {  	[tilespmem:v63+s22+$0x0] =	vst.idx.msk $0xffff, v36;
	v17 =	vor.u32 s20, v13;
	v16 =	vor.u32 s20, v14;
	v18 =	vor.u32 s21, v14;
	v29 =	vld [tilespmem:s14+$0xAF70]  }
.LBB2_14:
0x110: {  	s1 =	sadd.s32 $0x3, s18;
	s18 =	sadd.s32 $0x2, s18;
	[tilespmem:v28+s22+$0x0] =	vst.idx.msk $0xffff, v32;
	v32 =	vld [tilespmem:s16+$0xAF20];
	v34 =	vor.u32 s9, v7  }
0x111: {  	s13 =	sand.u32 $0x6, s18;
	s14 =	sshll.u32 s18, $0x7;
	s1 =	sand.u32 $0x7, s1;
	v35 =	vld [tilespmem:s3+$0xAF20];
	[tilespmem:v33+s22+$0x0] =	vst.idx.msk $0xffff, v30  }
0x112: {  	s14 =	sand.u32 $0xFFFFFC00, s14;
	s13 =	sshll.u32 s13, $0x7;
	s1 =	sshll.u32 s1, $0x7;
	[tilespmem:v22+s22+$0x0] =	vst.idx.msk $0xffff, v31;
	v30 =	vld [tilespmem:s11+$0xAF50];
	v31 =	vor.u32 s4, v12;
	v22 =	vmov v25  }
0x113: {  	s26 =	sadd.s32 $0x11A, s26;
	s13 =	sor.u32 s13, s14;
	s1 =	sor.u32 s14, s1;
	v33 =	vld [tilespmem:s7+$0xAF50];
	[tilespmem:v27+s22+$0x0] =	vst.idx.msk $0xffff, v26  }
0x114: {  	p1 =	slt.u32 s18, $0x3E;
	v26 =	vor.u32 s13, v0;
	v28 =	vor.u32 s13, v5;
	v27 =	vld [tilespmem:s26+$0x0];
	v36 =	vor.u32 s1, v0;
	[tilespmem:v15+s22+$0x0] =	vst.idx.msk $0xffff, v29;
	v15 =	vmovc v16;
	v16 =	vmovc v18  }
0x115: {  	v18 =	vor.u32 s13, v7;
	v37 =	vor.u32 s13, v9;
	v25 =	vor.u32 s13, v11;
	v29 =	vld [tilespmem:s26+$0xFFFFFF73];
	[tilespmem:v34+s22+$0x0] =	vst.idx.msk $0xffff, v32  }
0x116: {  	v38 =	vor.u32 s9, v9;
	v32 =	vor.u32 s13, v12;
	v34 =	vor.u32 s13, v13;
	[tilespmem:v24+s22+$0x0] =	vst.idx.msk $0xffff, v35;
	v35 =	vld [tilespmem:s16+$0xAF30];
	v24 =	vmovc v18  }
0x117: {  	v18 =	vor.u32 s13, v14;
	v39 =	vld [tilespmem:s3+$0xAF30];
	[tilespmem:v31+s22+$0x0] =	vst.idx.msk $0xffff, v30  }
0x118: {  	s12 =	sadd.s32 $0x11A, s12;
	v41 =	vor.u32 s4, v13;
	[tilespmem:v20+s22+$0x0] =	vst.idx.msk $0xffff, v33;
	v40 =	vld [tilespmem:s11+$0xAF60];
	v20 =	vmov v21;
	v21 =	vmov v32  }
0x119: {  	s14 =	sand.u32 $0x3FFF, s12;
	s13 =	sadd.s32 $0xFFFFFF73, s12;
	[tilespmem:v36+s22+$0x0] =	vst.idx.msk $0xffff, v27;
	v27 =	vld [tilespmem:s7+$0xAF60]  }
0x11a: {  	s13 =	sand.u32 $0x3FFE, s13;
	v36 =	vor.u32 s1, v5;
	[tilespmem:v26+s22+$0x0] =	vst.idx.msk $0xffff, v29;
	v29 =	vld [tilespmem:s14+$0xAF10]  }
.Ltmp6:
0x11b: {  	v32 =	vld [tilespmem:s13+$0xAF10];
	[tilespmem:v38+s22+$0x0] =	vst.idx.msk $0xffff, v35;
	(pc) =	sbr.rel @p1 .LBB2_14-.Ltmp6, $4  }
0x11c: {  	v33 =	vor.u32 s9, v11;
	[tilespmem:v23+s22+$0x0] =	vst.idx.msk $0xffff, v39;
	v30 =	vld [tilespmem:s16+$0xAF40];
	v23 =	vmov v37  }
0x11d: {  	v31 =	vld [tilespmem:s3+$0xAF40];
	[tilespmem:v41+s22+$0x0] =	vst.idx.msk $0xffff, v40  }
0x11e: {  	[tilespmem:v17+s22+$0x0] =	vst.idx.msk $0xffff, v27;
	v26 =	vld [tilespmem:s11+$0xAF70];
	v27 =	vor.u32 s4, v14;
	v17 =	vmov v19;
	v19 =	vmov v34;
	s4 =	smov.u32 s9;
	s9 =	smov.u32 s1;
	s11 =	smov.u32 s16  }
0x11f: {  	s16 =	smov.u32 s14;
	[tilespmem:v36+s22+$0x0] =	vst.idx.msk $0xffff, v29;
	v29 =	vld [tilespmem:s7+$0xAF70];
	s7 =	smov.u32 s3;
	s3 =	smov.u32 s13  }
0x120: {  	_ =	sdelay $0x1  }
0x121: {  	v42 =	vld [tilespmem:s16+$0xAF20];
	v43 =	vor.u32 s9, v7;
	_ =	sdelay $0x1  }
0x122: {  	[tilespmem:v28+s22+$0x0] =	vst.idx.msk $0xffff, v32  }
0x123: {  	v34 =	vld [tilespmem:s3+$0xAF20];
	_ =	sdelay $0x1  }
0x124: {  	[tilespmem:v43+s22+$0x0] =	vst.idx.msk $0xffff, v42  }
0x125: {  	v45 =	vor.u32 s9, v9;
	v44 =	vld [tilespmem:s16+$0xAF30];
	_ =	sdelay $0x1  }
0x126: {  	[tilespmem:v24+s22+$0x0] =	vst.idx.msk $0xffff, v34  }
0x127: {  	v46 =	vld [tilespmem:s3+$0xAF30];
	_ =	sdelay $0x1  }
0x128: {  	[tilespmem:v45+s22+$0x0] =	vst.idx.msk $0xffff, v44  }
0x129: {  	v48 =	vor.u32 s9, v11;
	v47 =	vld [tilespmem:s16+$0xAF40];
	_ =	sdelay $0x1  }
0x12a: {  	[tilespmem:v23+s22+$0x0] =	vst.idx.msk $0xffff, v46  }
0x12b: {  	[tilespmem:v33+s22+$0x0] =	vst.idx.msk $0xffff, v30;
	v49 =	vld [tilespmem:s3+$0xAF40]  }
0x12c: {  	v51 =	vor.u32 s4, v12;
	[tilespmem:v22+s22+$0x0] =	vst.idx.msk $0xffff, v31;
	v50 =	vld [tilespmem:s11+$0xAF50]  }
0x12d: {  	v31 =	vld [tilespmem:s7+$0xAF50];
	[tilespmem:v48+s22+$0x0] =	vst.idx.msk $0xffff, v47  }
0x12e: {  	v52 =	vor.u32 s9, v12;
	v23 =	vld [tilespmem:s16+$0xAF50];
	_ =	sdelay $0x1  }
0x12f: {  	[tilespmem:v25+s22+$0x0] =	vst.idx.msk $0xffff, v49  }
0x130: {  	[tilespmem:v51+s22+$0x0] =	vst.idx.msk $0xffff, v50;
	v25 =	vld [tilespmem:s3+$0xAF50]  }
0x131: {  	v54 =	vor.u32 s4, v13;
	[tilespmem:v20+s22+$0x0] =	vst.idx.msk $0xffff, v31;
	v53 =	vld [tilespmem:s11+$0xAF60]  }
0x132: {  	v55 =	vld [tilespmem:s7+$0xAF60];
	[tilespmem:v52+s22+$0x0] =	vst.idx.msk $0xffff, v23  }
0x133: {  	v57 =	vor.u32 s9, v13;
	v56 =	vld [tilespmem:s16+$0xAF60];
	_ =	sdelay $0x1  }
0x134: {  	[tilespmem:v21+s22+$0x0] =	vst.idx.msk $0xffff, v25  }
0x135: {  	[tilespmem:v54+s22+$0x0] =	vst.idx.msk $0xffff, v53;
	v58 =	vld [tilespmem:s3+$0xAF60]  }
0x136: {  	[tilespmem:v17+s22+$0x0] =	vst.idx.msk $0xffff, v55  }
0x137: {  	s1 =	smulhi.u32 $0x51EB851F, s15;
	[tilespmem:v57+s22+$0x0] =	vst.idx.msk $0xffff, v56  }
0x138: {  	v59 =	vor.u32 s4, v14;
	s13 =	sadd.s32 $0x4, s15;
	v20 =	vld [tilespmem:s11+$0xAF70];
	s6 =	rddreg [dreg:$0x6]  }
0x139: {  	s1 =	sshrl.u32 s1, $0x4;
	v60 =	vld [tilespmem:s7+$0xAF70];
	(drf) =	srem.u32 s13, s6  }
0x13a: {  	v62 =	vor.u32 s9, v14;
	s14 =	smul.u32 $0x32, s1;
	[tilespmem:v19+s22+$0x0] =	vst.idx.msk $0xffff, v58;
	v61 =	vld [tilespmem:s16+$0xAF70]  }
0x13b: {  	[tilespmem:v27+s22+$0x0] =	vst.idx.msk $0xffff, v26;
	v63 =	vld [tilespmem:s3+$0xAF70]  }
0x13c: {  	s1 =	sadd.s32 s5, s1;
	[tilespmem:v15+s22+$0x0] =	vst.idx.msk $0xffff, v29;
	s16 =	ssub.s32 s15, s14  }
0x13d: {  	s4 =	sshll.u32 s1, $0xA;
	[tilespmem:v59+s22+$0x0] =	vst.idx.msk $0xffff, v20;
	s3 =	sshll.u32 s16, $0x14  }
0x13e: {  	[tilespmem:v16+s22+$0x0] =	vst.idx.msk $0xffff, v60;
	s1 =	sadd.s32 s3, s4  }
0x13f: {  	s1 =	sshrl.u32 s1, $0x3;
	[tilespmem:v62+s22+$0x0] =	vst.idx.msk $0xffff, v61  }
0x140: {  	s17 =	simm.s32 $0x400;
	s18 =	simm.s32 $0x20000;
	s1 =	sadd.s32 s8, s1;
	[tilespmem:v18+s22+$0x0] =	vst.idx.msk $0xffff, v63  }
0x141: {  	[hbm4b:s1+s17] =	stream.strided.scatter [tilespmem:s22], [sflag:$0x5], $0x2000, s18, s17, $0x38;
	[tilespmem:$0x1D240] =	vst v63  }
0x142: {  	s20 =	spop (drf)  }
0x143: {  	s26 =	simm.s32 $0x80;
	s30 =	simm.s32 $0x2;
	s1 =	sshll.u32 s20, $0x7  }
.Ltmp7:
0x144: {  	s21 =	rddreg [dreg:$0x4];
	s1 =	sadd.s32 $0x1900, s1;
	(pc) =	sbr.rel @p0 .LBB2_20-.Ltmp7, $4  }
0x145: {  	[tilespmem:s19], [sflag:$0x1] =	stream.indirect.gather [hbm4b:s21+s26], $0x40, s1, s26, $0xb8;
	[tilespmem:$0x1D240] =	vst v63  }
0x146: {  	_ =	swait.ge [sflag:s30], $0x2000  }
0x147: {  	[sflag:s30] =	ssyncset.done $0x0  }
0x148: {  	s7 =	sor.u32 $0x1, s15;
	[sflag:s30] =	ssyncadd.s32 $0xFFFFE000  }
0x149: {  	s1 =	sshll.u32 s7, $0x9  }
0x14a: {  	s1 =	sshra.s32 s1, $0x2  }
0x14b: {  	s3 =	sadd.s32 $0x1900, s1  }
0x14c: {  	s1 =	simm.s32 $0x0;
	v15 =	vmov s3;
	s3 =	simm.s32 $0x0  }
.LBB2_17:
0x14d: {  	_ =	sdelay $0x2  }
0x14e: {  	s9 =	sshll.u32 s3, $0x4  }
0x14f: {  	v17 =	vld.idx.msk [tilespmem:v15+s9+$0x0 ss:$0x1], $0xffff;
	_ =	sdelay $0x1  }
0x150: {  	v16 =	vmov s1  }
0x151: {  	v18 =	vmov s9;
	v16 =	vand.u32 $0x3F, v16  }
0x152: {  	v18 =	vshll.u32 v18, $0x6;
	v19 =	vbroadcast v16, $0x0  }
0x153: {  	v16 =	vor.u32 v3, v18;
	vm1 =	veq.s32 v17, $0x0  }
0x154: {  	s9 =	simm.s32 $0x1;
	v17 =	vor.u32 v16, v19  }
.LBB2_18:
0x155: {  	p1 =	sne.s32 s9, $0x3F  }
.Ltmp8:
0x156: {  	v18 =	vmov s9;
	s9 =	sadd.s32 $0x1, s9;
	(pc) =	sbr.rel @p1 .LBB2_18-.Ltmp8, $4  }
0x157: {  	v18 =	vand.u32 $0x3F, v18  }
0x158: {  	v18 =	vbroadcast v18, $0x0  }
0x159: {  	[tilespmem:v17+s24+$0x0] =	vst.idx.msk vm1, v4  }
0x15a: {  	v17 =	vor.u32 v16, v18  }
0x15b: {  	s3 =	sadd.s32 $0x1, s3  }
0x15c: {  	p1 =	sne.s32 s3, $0x8  }
.Ltmp9:
0x15d: {  	_ = 	snop;
	(pc) =	sbr.rel @p1 .LBB2_17-.Ltmp9, $2  }
0x15e: {  	_ =	sdelay $0x2  }
0x15f: {  	[tilespmem:v17+s24+$0x0] =	vst.idx.msk vm1, v4  }
.LBB2_20:
0x160: {  	s12 =	simm.s32 $0x0  }
0x161: {  	s1 =	simm.s32 $0x1;
	v15 =	vmov s12  }
0x162: {  	v18 =	vshll.u32 v15, $0x6;
	v15 =	vmov s1  }
0x163: {  	v16 =	vor.u32 v0, v18;
	v19 =	vshll.u32 v15, $0x6  }
0x164: {  	s3 =	simm.s32 $0x6;
	v15 =	vor.u32 v0, v19  }
0x165: {  	s18 =	simm.s32 $0x2;
	_ =	swait.ge [sflag:s3], $0x2000  }
0x166: {  	v17 =	vmov s18;
	[sflag:s3] =	ssyncset.done $0x0  }
0x167: {  	v20 =	vshll.u32 v17, $0x6;
	[sflag:s3] =	ssyncadd.s32 $0xFFFFE000  }
0x168: {  	v17 =	vadd.s32 s12, v2;
	v21 =	vor.u32 v0, v20;
	s3 =	simm.s32 $0x3;
	v16 =	vld.idx.msk [tilespmem:v16+s24+$0x0], $0xffff  }
0x169: {  	v24 =	vadd.s32 s1, v2;
	v22 =	vor.u32 v5, v18;
	v23 =	vld.idx.msk [tilespmem:v15+s24+$0x0], $0xffff;
	v15 =	vmov s3  }
0x16a: {  	s11 =	simm.s32 $0x4;
	v25 =	vor.u32 v5, v19;
	v28 =	vshll.u32 v15, $0x6  }
0x16b: {  	v15 =	vmov s11;
	v26 =	vor.u32 v0, v28  }
0x16c: {  	v15 =	vshll.u32 v15, $0x6  }
0x16d: {  	v21 =	vld.idx.msk [tilespmem:v21+s24+$0x0], $0xffff;
	v27 =	vor.u32 v0, v15;
	[tilespmem:v17+s23+$0x0] =	vst.idx.msk $0xffff, v16;
	v16 =	vadd.s32 s18, v2  }
0x16e: {  	v29 =	vadd.s32 s12, v6;
	v30 =	vor.u32 v5, v20;
	v22 =	vld.idx.msk [tilespmem:v22+s24+$0x0], $0xffff;
	[tilespmem:v24+s23+$0x0] =	vst.idx.msk $0xffff, v23  }
0x16f: {  	s16 =	simm.s32 $0x5;
	v23 =	vor.u32 v7, v18;
	v24 =	vld.idx.msk [tilespmem:v25+s24+$0x0], $0xffff;
	v25 =	vadd.s32 s1, v6  }
0x170: {  	s9 =	simm.s32 $0x6;
	v31 =	vadd.s32 s3, v2;
	v32 =	vor.u32 v7, v19;
	v17 =	vmov s16;
	v26 =	vld.idx.msk [tilespmem:v26+s24+$0x0], $0xffff  }
0x171: {  	v33 =	vmov s9;
	v34 =	vor.u32 v5, v28;
	v17 =	vshll.u32 v17, $0x6  }
0x172: {  	[tilespmem:v16+s23+$0x0] =	vst.idx.msk $0xffff, v21;
	v21 =	vld.idx.msk [tilespmem:v27+s24+$0x0], $0xffff;
	v16 =	vshll.u32 v33, $0x6;
	v27 =	vor.u32 v0, v17  }
0x173: {  	v60 =	vadd.s32 s11, v2;
	[tilespmem:v29+s23+$0x0] =	vst.idx.msk $0xffff, v22;
	v22 =	vld.idx.msk [tilespmem:v30+s24+$0x0], $0xffff;
	v29 =	vor.u32 v0, v16  }
0x174: {  	v35 =	vor.u32 v5, v15;
	v30 =	vadd.s32 s18, v6;
	v23 =	vld.idx.msk [tilespmem:v23+s24+$0x0], $0xffff;
	[tilespmem:v25+s23+$0x0] =	vst.idx.msk $0xffff, v24  }
0x175: {  	v24 =	vadd.s32 s12, v8;
	v25 =	vor.u32 v7, v20;
	[tilespmem:v31+s23+$0x0] =	vst.idx.msk $0xffff, v26;
	v26 =	vld.idx.msk [tilespmem:v32+s24+$0x0], $0xffff  }
0x176: {  	v62 =	vadd.s32 s1, v8;
	v61 =	vor.u32 v9, v18;
	v31 =	vld.idx.msk [tilespmem:v34+s24+$0x0], $0xffff  }
0x177: {  	s26 =	simm.s32 $0x7;
	v38 =	vadd.s32 s16, v2;
	v36 =	vadd.s32 s3, v6;
	v37 =	vor.u32 v9, v19;
	v27 =	vld.idx.msk [tilespmem:v27+s24+$0x0], $0xffff  }
0x178: {  	s30 =	simm.s32 $0x8;
	v40 =	vadd.s32 s9, v2;
	v39 =	vor.u32 v7, v28;
	v18 =	vmov s26;
	[tilespmem:v60+s23+$0x0] =	vst.idx.msk $0xffff, v21;
	v29 =	vld.idx.msk [tilespmem:v29+s24+$0x0], $0xffff  }
0x179: {  	v19 =	vmov s30;
	v18 =	vshll.u32 v18, $0x6;
	v63 =	vor.u32 v5, v17;
	[tilespmem:v30+s23+$0x0] =	vst.idx.msk $0xffff, v22;
	v41 =	vld.idx.msk [tilespmem:v35+s24+$0x0], $0xffff  }
0x17a: {  	v43 =	vadd.s32 s11, v6;
	v19 =	vshll.u32 v19, $0x6;
	v42 =	vor.u32 v0, v18;
	[tilespmem:v24+s23+$0x0] =	vst.idx.msk $0xffff, v23;
	v22 =	vld.idx.msk [tilespmem:v25+s24+$0x0], $0xffff  }
0x17b: {  	v33 =	vadd.s32 s18, v8;
	v30 =	vor.u32 v0, v19;
	v21 =	vld.idx.msk [tilespmem:v61+s24+$0x0], $0xffff;
	[tilespmem:v62+s23+$0x0] =	vst.idx.msk $0xffff, v26  }
0x17c: {  	v24 =	vor.u32 v5, v16;
	[tilespmem:v36+s23+$0x0] =	vst.idx.msk $0xffff, v31;
	v23 =	vld.idx.msk [tilespmem:v37+s24+$0x0], $0xffff;
	v31 =	vadd.s32 s12, v10  }
0x17d: {  	v34 =	vadd.s32 s1, v10;
	v25 =	vor.u32 v7, v15;
	[tilespmem:v38+s23+$0x0] =	vst.idx.msk $0xffff, v27;
	v26 =	vld.idx.msk [tilespmem:v39+s24+$0x0], $0xffff  }
0x17e: {  	v32 =	vor.u32 v9, v20;
	v35 =	vadd.s32 s3, v8;
	[tilespmem:v40+s23+$0x0] =	vst.idx.msk $0xffff, v29;
	v27 =	vld.idx.msk [tilespmem:v63+s24+$0x0], $0xffff  }
0x17f: {  	v28 =	vor.u32 v9, v28;
	v20 =	vadd.s32 s30, v2;
	s1 =	simm.s32 $0xA;
	s12 =	simm.s32 $0x9;
	v36 =	vadd.s32 s16, v6;
	v29 =	vld.idx.msk [tilespmem:v42+s24+$0x0], $0xffff;
	[tilespmem:v43+s23+$0x0] =	vst.idx.msk $0xffff, v41  }
.LBB2_21:
0x180: {  	p1 =	slt.u32 s1, $0x7E;
	v37 =	vld.idx.msk [tilespmem:v30+s24+$0x0], $0xffff;
	v30 =	vmov s12;
	v38 =	vadd.s32 s26, v2;
	v39 =	vor.u32 v7, v17;
	[tilespmem:v33+s23+$0x0] =	vst.idx.msk $0xffff, v22;
	v40 =	vmovc v17  }
0x181: {  	v22 =	vmov s1;
	v42 =	vor.u32 v5, v18;
	v17 =	vmovc v18;
	v41 =	vld.idx.msk [tilespmem:v24+s24+$0x0], $0xffff;
	[tilespmem:v31+s23+$0x0] =	vst.idx.msk $0xffff, v21;
	v18 =	vshll.u32 v30, $0x6  }
0x182: {  	v45 =	vadd.s32 s9, v6;
	v43 =	vshll.u32 v22, $0x6;
	v44 =	vor.u32 v0, v18;
	v22 =	vld.idx.msk [tilespmem:v25+s24+$0x0], $0xffff;
	[tilespmem:v34+s23+$0x0] =	vst.idx.msk $0xffff, v23  }
.Ltmp10:
0x183: {  	v33 =	vadd.s32 s11, v8;
	v46 =	vmov v16;
	v30 =	vor.u32 v0, v43;
	v21 =	vld.idx.msk [tilespmem:v32+s24+$0x0], $0xffff;
	[tilespmem:v35+s23+$0x0] =	vst.idx.msk $0xffff, v26;
	(pc) =	sbr.rel @p1 .LBB2_21-.Ltmp10, $4  }
0x184: {  	v16 =	vmov v19;
	v24 =	vor.u32 v5, v19;
	v31 =	vadd.s32 s18, v10;
	s18 =	smov.u32 s11;
	s11 =	smov.u32 s9;
	s9 =	smov.u32 s30;
	[tilespmem:v36+s23+$0x0] =	vst.idx.msk $0xffff, v27;
	v23 =	vld.idx.msk [tilespmem:v28+s24+$0x0], $0xffff  }
0x185: {  	v25 =	vor.u32 v7, v46;
	v34 =	vadd.s32 s3, v10;
	v19 =	vmov v43;
	s3 =	smov.u32 s16;
	s16 =	smov.u32 s26;
	s26 =	smov.u32 s12;
	[tilespmem:v38+s23+$0x0] =	vst.idx.msk $0xffff, v29;
	v26 =	vld.idx.msk [tilespmem:v39+s24+$0x0], $0xffff  }
0x186: {  	s30 =	smov.u32 s1;
	v32 =	vor.u32 v9, v15;
	v35 =	vadd.s32 s3, v8;
	v15 =	vmov v46;
	[tilespmem:v20+s23+$0x0] =	vst.idx.msk $0xffff, v37;
	v27 =	vld.idx.msk [tilespmem:v42+s24+$0x0], $0xffff  }
0x187: {  	s1 =	sadd.s32 $0x2, s1;
	s12 =	sadd.s32 $0x1, s30;
	v36 =	vadd.s32 s16, v6;
	v28 =	vor.u32 v9, v40;
	v20 =	vadd.s32 s30, v2;
	v29 =	vld.idx.msk [tilespmem:v44+s24+$0x0], $0xffff;
	[tilespmem:v45+s23+$0x0] =	vst.idx.msk $0xffff, v41  }
0x188: {  	v37 =	vmov s12  }
0x189: {  	v37 =	vshll.u32 v37, $0x6  }
0x18a: {  	v38 =	vor.u32 v0, v37;
	_ =	sdelay $0x2  }
0x18b: {  	v39 =	vadd.s32 s26, v2;
	[tilespmem:v33+s23+$0x0] =	vst.idx.msk $0xffff, v22  }
0x18c: {  	v22 =	vld.idx.msk [tilespmem:v30+s24+$0x0], $0xffff;
	v30 =	vor.u32 v5, v18;
	[tilespmem:v31+s23+$0x0] =	vst.idx.msk $0xffff, v21  }
0x18d: {  	v21 =	vor.u32 v5, v19;
	v31 =	vadd.s32 s12, v2;
	[tilespmem:v34+s23+$0x0] =	vst.idx.msk $0xffff, v23;
	v23 =	vld.idx.msk [tilespmem:v38+s24+$0x0], $0xffff  }
0x18e: {  	v24 =	vld.idx.msk [tilespmem:v24+s24+$0x0], $0xffff;
	v55 =	vadd.s32 s9, v6;
	[tilespmem:v35+s23+$0x0] =	vst.idx.msk $0xffff, v26;
	v26 =	vor.u32 v5, v37  }
0x18f: {  	v25 =	vld.idx.msk [tilespmem:v25+s24+$0x0], $0xffff;
	v56 =	vadd.s32 s11, v8;
	[tilespmem:v36+s23+$0x0] =	vst.idx.msk $0xffff, v27;
	v27 =	vor.u32 v7, v17  }
0x190: {  	v57 =	vadd.s32 s18, v10;
	v32 =	vld.idx.msk [tilespmem:v32+s24+$0x0], $0xffff;
	[tilespmem:v39+s23+$0x0] =	vst.idx.msk $0xffff, v29;
	v29 =	vor.u32 v7, v16  }
0x191: {  	[tilespmem:v20+s23+$0x0] =	vst.idx.msk $0xffff, v22;
	v22 =	vadd.s32 s26, v6;
	v20 =	vld.idx.msk [tilespmem:v30+s24+$0x0], $0xffff  }
0x192: {  	v58 =	vadd.s32 s30, v6;
	v30 =	vor.u32 v7, v18;
	v21 =	vld.idx.msk [tilespmem:v21+s24+$0x0], $0xffff;
	[tilespmem:v31+s23+$0x0] =	vst.idx.msk $0xffff, v23  }
0x193: {  	[tilespmem:v55+s23+$0x0] =	vst.idx.msk $0xffff, v24;
	v23 =	vor.u32 v7, v19;
	v24 =	vld.idx.msk [tilespmem:v26+s24+$0x0], $0xffff;
	v26 =	vadd.s32 s12, v6  }
0x194: {  	v59 =	vadd.s32 s16, v8;
	[tilespmem:v56+s23+$0x0] =	vst.idx.msk $0xffff, v25;
	v25 =	vor.u32 v7, v37;
	v27 =	vld.idx.msk [tilespmem:v27+s24+$0x0], $0xffff  }
0x195: {  	v15 =	vor.u32 v9, v15;
	v60 =	vadd.s32 s9, v8;
	[tilespmem:v57+s23+$0x0] =	vst.idx.msk $0xffff, v32;
	v29 =	vld.idx.msk [tilespmem:v29+s24+$0x0], $0xffff  }
0x196: {  	v28 =	vld.idx.msk [tilespmem:v28+s24+$0x0], $0xffff;
	v17 =	vor.u32 v9, v17;
	[tilespmem:v22+s23+$0x0] =	vst.idx.msk $0xffff, v20;
	v31 =	vadd.s32 s3, v10  }
0x197: {  	v16 =	vor.u32 v9, v16;
	v22 =	vadd.s32 s26, v8;
	[tilespmem:v58+s23+$0x0] =	vst.idx.msk $0xffff, v21;
	v20 =	vld.idx.msk [tilespmem:v30+s24+$0x0], $0xffff  }
0x198: {  	v18 =	vor.u32 v9, v18;
	v21 =	vld.idx.msk [tilespmem:v23+s24+$0x0], $0xffff;
	v23 =	vadd.s32 s30, v8;
	[tilespmem:v26+s23+$0x0] =	vst.idx.msk $0xffff, v24  }
0x199: {  	v19 =	vor.u32 v9, v19;
	[tilespmem:v59+s23+$0x0] =	vst.idx.msk $0xffff, v27;
	v24 =	vld.idx.msk [tilespmem:v25+s24+$0x0], $0xffff;
	v25 =	vadd.s32 s12, v8  }
0x19a: {  	v15 =	vld.idx.msk [tilespmem:v15+s24+$0x0], $0xffff;
	v27 =	vor.u32 v9, v37;
	[tilespmem:v60+s23+$0x0] =	vst.idx.msk $0xffff, v29;
	v26 =	vadd.s32 s11, v10  }
0x19b: {  	v17 =	vld.idx.msk [tilespmem:v17+s24+$0x0], $0xffff;
	[tilespmem:v31+s23+$0x0] =	vst.idx.msk $0xffff, v28;
	v28 =	vadd.s32 s16, v10  }
0x19c: {  	v16 =	vld.idx.msk [tilespmem:v16+s24+$0x0], $0xffff;
	[tilespmem:v22+s23+$0x0] =	vst.idx.msk $0xffff, v20;
	v20 =	vadd.s32 s9, v10  }
0x19d: {  	v22 =	vadd.s32 s26, v10;
	v18 =	vld.idx.msk [tilespmem:v18+s24+$0x0], $0xffff;
	[tilespmem:v23+s23+$0x0] =	vst.idx.msk $0xffff, v21  }
0x19e: {  	v21 =	vadd.s32 s30, v10;
	v19 =	vld.idx.msk [tilespmem:v19+s24+$0x0], $0xffff;
	[tilespmem:v25+s23+$0x0] =	vst.idx.msk $0xffff, v24  }
0x19f: {  	v23 =	vadd.s32 s12, v10;
	[tilespmem:v26+s23+$0x0] =	vst.idx.msk $0xffff, v15;
	v15 =	vld.idx.msk [tilespmem:v27+s24+$0x0], $0xffff  }
0x1a0: {  	[tilespmem:v28+s23+$0x0] =	vst.idx.msk $0xffff, v17  }
0x1a1: {  	s1 =	simm.s32 $0x1;
	[tilespmem:v20+s23+$0x0] =	vst.idx.msk $0xffff, v16  }
0x1a2: {  	s20 =	simm.s32 $0x0;
	s21 =	simm.s32 $0x0;
	s1 =	sand.u32 $0x7, s1;
	[tilespmem:v22+s23+$0x0] =	vst.idx.msk $0xffff, v18  }
0x1a3: {  	s1 =	sshll.u32 s1, $0x7;
	s3 =	sand.u32 $0x6, s20;
	s9 =	sand.u32 $0xFFFFFC00, s21;
	[tilespmem:v21+s23+$0x0] =	vst.idx.msk $0xffff, v19  }
0x1a4: {  	s3 =	sshll.u32 s3, $0x7;
	s26 =	simm.s32 $0xAF8D;
	s14 =	sor.u32 s9, s1;
	[tilespmem:v23+s23+$0x0] =	vst.idx.msk $0xffff, v15  }
0x1a5: {  	s20 =	sor.u32 s3, s9;
	v16 =	vor.u32 s14, v0;
	v15 =	vld [tilespmem:s26+$0x0]  }
0x1a6: {  	v17 =	vor.u32 s20, v0;
	v18 =	vld [tilespmem:s26+$0xFFFFFF73];
	_ =	sdelay $0x2  }
0x1a7: {  	s6 =	simm.s32 $0x8D  }
0x1a8: {  	s17 =	sand.u32 $0x3FFF, s6;
	s9 =	simm.s32 $0x0;
	[tilespmem:v16+s25+$0x0] =	vst.idx.msk $0xffff, v15  }
0x1a9: {  	s1 =	sand.u32 $0x3FFE, s9;
	[tilespmem:v17+s25+$0x0] =	vst.idx.msk $0xffff, v18;
	v16 =	vor.u32 s14, v5;
	v15 =	vld [tilespmem:s17+$0xAF10]  }
0x1aa: {  	v17 =	vor.u32 s20, v5;
	v18 =	vld [tilespmem:s1+$0xAF10];
	_ =	sdelay $0x3  }
0x1ab: {  	[tilespmem:v16+s25+$0x0] =	vst.idx.msk $0xffff, v15  }
0x1ac: {  	s11 =	simm.s32 $0x3;
	[tilespmem:v17+s25+$0x0] =	vst.idx.msk $0xffff, v18;
	v16 =	vor.u32 s14, v7;
	v15 =	vld [tilespmem:s17+$0xAF20]  }
0x1ad: {  	s13 =	simm.s32 $0x100;
	s3 =	sand.u32 $0x7, s11;
	s12 =	simm.s32 $0x2;
	v17 =	vor.u32 s20, v7;
	v18 =	vld [tilespmem:s1+$0xAF20]  }
0x1ae: {  	s16 =	sand.u32 $0xFFFFFC00, s13;
	s3 =	sshll.u32 s3, $0x7;
	s9 =	sand.u32 $0x6, s12  }
0x1af: {  	s18 =	simm.s32 $0xB0A7;
	s11 =	sor.u32 s16, s3;
	s9 =	sshll.u32 s9, $0x7  }
0x1b0: {  	v20 =	vor.u32 s11, v0;
	s21 =	sor.u32 s9, s16;
	v19 =	vld [tilespmem:s18+$0x0]  }
0x1b1: {  	v21 =	vor.u32 s21, v0;
	v22 =	vld [tilespmem:s18+$0xFFFFFF73];
	[tilespmem:v16+s25+$0x0] =	vst.idx.msk $0xffff, v15  }
0x1b2: {  	[tilespmem:v17+s25+$0x0] =	vst.idx.msk $0xffff, v18;
	v16 =	vor.u32 s14, v9;
	v15 =	vld [tilespmem:s17+$0xAF30]  }
0x1b3: {  	v17 =	vor.u32 s20, v9;
	v18 =	vld [tilespmem:s1+$0xAF30]  }
0x1b4: {  	s26 =	simm.s32 $0x1A7  }
0x1b5: {  	s6 =	simm.s32 $0x11A;
	s9 =	sand.u32 $0x3FFF, s26;
	[tilespmem:v20+s25+$0x0] =	vst.idx.msk $0xffff, v19  }
0x1b6: {  	s16 =	sand.u32 $0x3FFE, s6;
	[tilespmem:v21+s25+$0x0] =	vst.idx.msk $0xffff, v22;
	v20 =	vor.u32 s11, v5;
	v19 =	vld [tilespmem:s9+$0xAF10]  }
0x1b7: {  	v21 =	vor.u32 s21, v5;
	v22 =	vld [tilespmem:s16+$0xAF10];
	[tilespmem:v16+s25+$0x0] =	vst.idx.msk $0xffff, v15  }
0x1b8: {  	[tilespmem:v17+s25+$0x0] =	vst.idx.msk $0xffff, v18;
	v16 =	vor.u32 s14, v11;
	v15 =	vld [tilespmem:s17+$0xAF40]  }
0x1b9: {  	v17 =	vor.u32 s20, v11;
	v18 =	vld [tilespmem:s1+$0xAF40];
	_ =	sdelay $0x1  }
0x1ba: {  	[tilespmem:v20+s25+$0x0] =	vst.idx.msk $0xffff, v19  }
0x1bb: {  	s13 =	simm.s32 $0x5;
	[tilespmem:v21+s25+$0x0] =	vst.idx.msk $0xffff, v22;
	v20 =	vor.u32 s11, v7;
	v19 =	vld [tilespmem:s9+$0xAF20]  }
0x1bc: {  	s3 =	sand.u32 $0x7, s13;
	s30 =	simm.s32 $0x4;
	s18 =	simm.s32 $0x200;
	v21 =	vor.u32 s21, v7;
	v22 =	vld [tilespmem:s16+$0xAF20];
	[tilespmem:v16+s25+$0x0] =	vst.idx.msk $0xffff, v15  }
0x1bd: {  	s3 =	sshll.u32 s3, $0x7;
	s13 =	sand.u32 $0x6, s30;
	s26 =	sand.u32 $0xFFFFFC00, s18;
	[tilespmem:v17+s25+$0x0] =	vst.idx.msk $0xffff, v18;
	v16 =	vor.u32 s14, v12;
	v15 =	vld [tilespmem:s17+$0xAF50]  }
0x1be: {  	s12 =	simm.s32 $0xB1C1;
	s13 =	sshll.u32 s13, $0x7;
	s3 =	sor.u32 s26, s3;
	v17 =	vor.u32 s20, v12;
	v18 =	vld [tilespmem:s1+$0xAF50]  }
0x1bf: {  	v23 =	vld [tilespmem:s12+$0x0];
	s6 =	sor.u32 s13, s26;
	v24 =	vor.u32 s3, v0  }
0x1c0: {  	v26 =	vld [tilespmem:s12+$0xFFFFFF73];
	v25 =	vor.u32 s6, v0;
	[tilespmem:v20+s25+$0x0] =	vst.idx.msk $0xffff, v19  }
0x1c1: {  	[tilespmem:v21+s25+$0x0] =	vst.idx.msk $0xffff, v22;
	v21 =	vor.u32 s11, v9;
	v19 =	vld [tilespmem:s9+$0xAF30]  }
0x1c2: {  	v27 =	vor.u32 s21, v9;
	v29 =	vld [tilespmem:s16+$0xAF30];
	[tilespmem:v16+s25+$0x0] =	vst.idx.msk $0xffff, v15  }
0x1c3: {  	v61 =	vor.u32 s14, v13;
	s13 =	simm.s32 $0x2C1;
	[tilespmem:v17+s25+$0x0] =	vst.idx.msk $0xffff, v18;
	v18 =	vld [tilespmem:s17+$0xAF60]  }
0x1c4: {  	v62 =	vor.u32 s20, v13;
	s18 =	simm.s32 $0x234;
	s26 =	sand.u32 $0x3FFF, s13;
	[tilespmem:v24+s25+$0x0] =	vst.idx.msk $0xffff, v23;
	v35 =	vld [tilespmem:s1+$0xAF60]  }
0x1c5: {  	s18 =	sand.u32 $0x3FFE, s18;
	v63 =	vor.u32 s3, v5;
	[tilespmem:v25+s25+$0x0] =	vst.idx.msk $0xffff, v26;
	v36 =	vld [tilespmem:s26+$0xAF10]  }
0x1c6: {  	v33 =	vor.u32 s11, v11;
	v28 =	vor.u32 s6, v5;
	v24 =	vor.u32 s6, v7;
	v32 =	vld [tilespmem:s18+$0xAF10];
	[tilespmem:v21+s25+$0x0] =	vst.idx.msk $0xffff, v19  }
0x1c7: {  	v23 =	vor.u32 s6, v9;
	v25 =	vor.u32 s6, v11;
	v22 =	vor.u32 s21, v11;
	[tilespmem:v27+s25+$0x0] =	vst.idx.msk $0xffff, v29;
	v30 =	vld [tilespmem:s9+$0xAF40]  }
0x1c8: {  	v20 =	vor.u32 s21, v12;
	v21 =	vor.u32 s6, v12;
	v19 =	vor.u32 s6, v14;
	v31 =	vld [tilespmem:s16+$0xAF40];
	[tilespmem:v61+s25+$0x0] =	vst.idx.msk $0xffff, v18  }
0x1c9: {  	v27 =	vor.u32 s14, v14;
	v15 =	vor.u32 s20, v14;
	[tilespmem:v62+s25+$0x0] =	vst.idx.msk $0xffff, v35;
	v26 =	vld [tilespmem:s17+$0xAF70]  }
0x1ca: {  	[tilespmem:v63+s25+$0x0] =	vst.idx.msk $0xffff, v36;
	v17 =	vor.u32 s21, v13;
	v16 =	vor.u32 s21, v14;
	v18 =	vor.u32 s6, v13;
	v29 =	vld [tilespmem:s1+$0xAF70]  }
.LBB2_23:
0x1cb: {  	s1 =	sadd.s32 $0x3, s30;
	s30 =	sadd.s32 $0x2, s30;
	[tilespmem:v28+s25+$0x0] =	vst.idx.msk $0xffff, v32;
	v32 =	vld [tilespmem:s26+$0xAF20];
	v34 =	vor.u32 s3, v7  }
0x1cc: {  	s6 =	sand.u32 $0x6, s30;
	s14 =	sshll.u32 s30, $0x7;
	s1 =	sand.u32 $0x7, s1;
	v35 =	vld [tilespmem:s18+$0xAF20];
	[tilespmem:v33+s25+$0x0] =	vst.idx.msk $0xffff, v30  }
0x1cd: {  	s14 =	sand.u32 $0xFFFFFC00, s14;
	s6 =	sshll.u32 s6, $0x7;
	s1 =	sshll.u32 s1, $0x7;
	[tilespmem:v22+s25+$0x0] =	vst.idx.msk $0xffff, v31;
	v30 =	vld [tilespmem:s9+$0xAF50];
	v31 =	vor.u32 s11, v12;
	v22 =	vmov v25  }
0x1ce: {  	s12 =	sadd.s32 $0x11A, s12;
	s6 =	sor.u32 s6, s14;
	s1 =	sor.u32 s14, s1;
	v33 =	vld [tilespmem:s16+$0xAF50];
	[tilespmem:v27+s25+$0x0] =	vst.idx.msk $0xffff, v26  }
0x1cf: {  	p1 =	slt.u32 s30, $0x3E;
	v26 =	vor.u32 s6, v0;
	v28 =	vor.u32 s6, v5;
	v27 =	vld [tilespmem:s12+$0x0];
	v36 =	vor.u32 s1, v0;
	[tilespmem:v15+s25+$0x0] =	vst.idx.msk $0xffff, v29;
	v15 =	vmovc v16;
	v16 =	vmovc v19  }
0x1d0: {  	v19 =	vor.u32 s6, v7;
	v37 =	vor.u32 s6, v9;
	v25 =	vor.u32 s6, v11;
	v29 =	vld [tilespmem:s12+$0xFFFFFF73];
	[tilespmem:v34+s25+$0x0] =	vst.idx.msk $0xffff, v32  }
0x1d1: {  	v38 =	vor.u32 s3, v9;
	v32 =	vor.u32 s6, v12;
	v34 =	vor.u32 s6, v13;
	[tilespmem:v24+s25+$0x0] =	vst.idx.msk $0xffff, v35;
	v35 =	vld [tilespmem:s26+$0xAF30];
	v24 =	vmovc v19  }
0x1d2: {  	v19 =	vor.u32 s6, v14;
	v39 =	vld [tilespmem:s18+$0xAF30];
	[tilespmem:v31+s25+$0x0] =	vst.idx.msk $0xffff, v30  }
0x1d3: {  	s13 =	sadd.s32 $0x11A, s13;
	v41 =	vor.u32 s11, v13;
	[tilespmem:v20+s25+$0x0] =	vst.idx.msk $0xffff, v33;
	v40 =	vld [tilespmem:s9+$0xAF60];
	v20 =	vmov v21;
	v21 =	vmov v32  }
0x1d4: {  	s14 =	sand.u32 $0x3FFF, s13;
	s6 =	sadd.s32 $0xFFFFFF73, s13;
	[tilespmem:v36+s25+$0x0] =	vst.idx.msk $0xffff, v27;
	v27 =	vld [tilespmem:s16+$0xAF60]  }
0x1d5: {  	s6 =	sand.u32 $0x3FFE, s6;
	v36 =	vor.u32 s1, v5;
	[tilespmem:v26+s25+$0x0] =	vst.idx.msk $0xffff, v29;
	v29 =	vld [tilespmem:s14+$0xAF10]  }
.Ltmp11:
0x1d6: {  	v32 =	vld [tilespmem:s6+$0xAF10];
	[tilespmem:v38+s25+$0x0] =	vst.idx.msk $0xffff, v35;
	(pc) =	sbr.rel @p1 .LBB2_23-.Ltmp11, $4  }
0x1d7: {  	v33 =	vor.u32 s3, v11;
	[tilespmem:v23+s25+$0x0] =	vst.idx.msk $0xffff, v39;
	v30 =	vld [tilespmem:s26+$0xAF40];
	v23 =	vmov v37  }
0x1d8: {  	v31 =	vld [tilespmem:s18+$0xAF40];
	[tilespmem:v41+s25+$0x0] =	vst.idx.msk $0xffff, v40  }
0x1d9: {  	[tilespmem:v17+s25+$0x0] =	vst.idx.msk $0xffff, v27;
	v26 =	vld [tilespmem:s9+$0xAF70];
	v27 =	vor.u32 s11, v14;
	v17 =	vmov v18;
	v18 =	vmov v34;
	s11 =	smov.u32 s3;
	s3 =	smov.u32 s1;
	s9 =	smov.u32 s26  }
0x1da: {  	s26 =	smov.u32 s14;
	[tilespmem:v36+s25+$0x0] =	vst.idx.msk $0xffff, v29;
	v29 =	vld [tilespmem:s16+$0xAF70];
	s16 =	smov.u32 s18;
	s18 =	smov.u32 s6  }
0x1db: {  	_ =	sdelay $0x1  }
0x1dc: {  	v42 =	vld [tilespmem:s26+$0xAF20];
	v43 =	vor.u32 s3, v7;
	_ =	sdelay $0x1  }
0x1dd: {  	[tilespmem:v28+s25+$0x0] =	vst.idx.msk $0xffff, v32  }
0x1de: {  	v34 =	vld [tilespmem:s18+$0xAF20];
	_ =	sdelay $0x1  }
0x1df: {  	[tilespmem:v43+s25+$0x0] =	vst.idx.msk $0xffff, v42  }
0x1e0: {  	v45 =	vor.u32 s3, v9;
	v44 =	vld [tilespmem:s26+$0xAF30];
	_ =	sdelay $0x1  }
0x1e1: {  	[tilespmem:v24+s25+$0x0] =	vst.idx.msk $0xffff, v34  }
0x1e2: {  	v46 =	vld [tilespmem:s18+$0xAF30];
	_ =	sdelay $0x1  }
0x1e3: {  	[tilespmem:v45+s25+$0x0] =	vst.idx.msk $0xffff, v44  }
0x1e4: {  	v48 =	vor.u32 s3, v11;
	v47 =	vld [tilespmem:s26+$0xAF40];
	_ =	sdelay $0x1  }
0x1e5: {  	[tilespmem:v23+s25+$0x0] =	vst.idx.msk $0xffff, v46  }
0x1e6: {  	[tilespmem:v33+s25+$0x0] =	vst.idx.msk $0xffff, v30;
	v49 =	vld [tilespmem:s18+$0xAF40]  }
0x1e7: {  	v51 =	vor.u32 s11, v12;
	[tilespmem:v22+s25+$0x0] =	vst.idx.msk $0xffff, v31;
	v50 =	vld [tilespmem:s9+$0xAF50]  }
0x1e8: {  	v31 =	vld [tilespmem:s16+$0xAF50];
	[tilespmem:v48+s25+$0x0] =	vst.idx.msk $0xffff, v47  }
0x1e9: {  	v52 =	vor.u32 s3, v12;
	v23 =	vld [tilespmem:s26+$0xAF50];
	_ =	sdelay $0x1  }
0x1ea: {  	[tilespmem:v25+s25+$0x0] =	vst.idx.msk $0xffff, v49  }
0x1eb: {  	[tilespmem:v51+s25+$0x0] =	vst.idx.msk $0xffff, v50;
	v25 =	vld [tilespmem:s18+$0xAF50]  }
0x1ec: {  	v54 =	vor.u32 s11, v13;
	[tilespmem:v20+s25+$0x0] =	vst.idx.msk $0xffff, v31;
	v53 =	vld [tilespmem:s9+$0xAF60]  }
0x1ed: {  	v55 =	vld [tilespmem:s16+$0xAF60];
	[tilespmem:v52+s25+$0x0] =	vst.idx.msk $0xffff, v23  }
0x1ee: {  	v57 =	vor.u32 s3, v13;
	v56 =	vld [tilespmem:s26+$0xAF60];
	_ =	sdelay $0x1  }
0x1ef: {  	[tilespmem:v21+s25+$0x0] =	vst.idx.msk $0xffff, v25  }
0x1f0: {  	[tilespmem:v54+s25+$0x0] =	vst.idx.msk $0xffff, v53;
	v58 =	vld [tilespmem:s18+$0xAF60]  }
0x1f1: {  	[tilespmem:v17+s25+$0x0] =	vst.idx.msk $0xffff, v55  }
0x1f2: {  	s1 =	smulhi.u32 $0x51EB851F, s7;
	[tilespmem:v57+s25+$0x0] =	vst.idx.msk $0xffff, v56  }
0x1f3: {  	v59 =	vor.u32 s11, v14;
	s6 =	sadd.s32 $0x5, s15;
	v20 =	vld [tilespmem:s9+$0xAF70];
	s14 =	rddreg [dreg:$0x6]  }
0x1f4: {  	s1 =	sshrl.u32 s1, $0x4;
	v60 =	vld [tilespmem:s16+$0xAF70];
	(drf) =	srem.u32 s6, s14  }
0x1f5: {  	v62 =	vor.u32 s3, v14;
	s1 =	smul.u32 $0x32, s1;
	[tilespmem:v18+s25+$0x0] =	vst.idx.msk $0xffff, v58;
	v61 =	vld [tilespmem:s26+$0xAF70]  }
0x1f6: {  	[tilespmem:v27+s25+$0x0] =	vst.idx.msk $0xffff, v26;
	v63 =	vld [tilespmem:s18+$0xAF70]  }
0x1f7: {  	s1 =	ssub.s32 s7, s1;
	[tilespmem:v15+s25+$0x0] =	vst.idx.msk $0xffff, v29  }
0x1f8: {  	s1 =	sshll.u32 s1, $0x14;
	[tilespmem:v59+s25+$0x0] =	vst.idx.msk $0xffff, v20  }
0x1f9: {  	s1 =	sadd.s32 s1, s4;
	[tilespmem:v16+s25+$0x0] =	vst.idx.msk $0xffff, v60  }
0x1fa: {  	s1 =	sshrl.u32 s1, $0x3;
	[tilespmem:v62+s25+$0x0] =	vst.idx.msk $0xffff, v61  }
0x1fb: {  	s17 =	simm.s32 $0x20000;
	s1 =	sadd.s32 s8, s1;
	s16 =	simm.s32 $0x400;
	[tilespmem:v19+s25+$0x0] =	vst.idx.msk $0xffff, v63  }
0x1fc: {  	[hbm4b:s1+s16] =	stream.strided.scatter [tilespmem:s25], [sflag:$0x6], $0x2000, s17, s16, $0x38;
	[tilespmem:$0x1D240] =	vst v63  }
0x1fd: {  	s18 =	spop (drf)  }
0x1fe: {  	s21 =	simm.s32 $0x80;
	s26 =	simm.s32 $0x3;
	s1 =	sshll.u32 s18, $0x7  }
.Ltmp12:
0x1ff: {  	s20 =	rddreg [dreg:$0x4];
	s1 =	sadd.s32 $0x1900, s1;
	(pc) =	sbr.rel @p0 .LBB2_29-.Ltmp12, $4  }
0x200: {  	[tilespmem:s24], [sflag:$0x2] =	stream.indirect.gather [hbm4b:s20+s21], $0x40, s1, s21, $0xb8;
	[tilespmem:$0x1D240] =	vst v63  }
0x201: {  	_ =	swait.ge [sflag:s26], $0x2000  }
0x202: {  	s30 =	smov.u32 s8;
	[sflag:s26] =	ssyncset.done $0x0  }
0x203: {  	s4 =	sor.u32 $0x2, s15;
	s8 =	smov.u32 s5;
	[sflag:s26] =	ssyncadd.s32 $0xFFFFE000  }
0x204: {  	s1 =	sshll.u32 s4, $0x9  }
0x205: {  	s1 =	sshra.s32 s1, $0x2  }
0x206: {  	s3 =	sadd.s32 $0x1900, s1  }
0x207: {  	s1 =	simm.s32 $0x0;
	v15 =	vmov s3;
	s3 =	simm.s32 $0x0  }
.LBB2_26:
0x208: {  	_ =	sdelay $0x2  }
0x209: {  	s6 =	sshll.u32 s3, $0x4  }
0x20a: {  	v17 =	vld.idx.msk [tilespmem:v15+s6+$0x0 ss:$0x1], $0xffff;
	_ =	sdelay $0x1  }
0x20b: {  	v16 =	vmov s1  }
0x20c: {  	v18 =	vmov s6;
	v16 =	vand.u32 $0x3F, v16  }
0x20d: {  	v18 =	vshll.u32 v18, $0x6;
	v19 =	vbroadcast v16, $0x0  }
0x20e: {  	v16 =	vor.u32 v3, v18;
	vm1 =	veq.s32 v17, $0x0  }
0x20f: {  	s7 =	simm.s32 $0x1;
	v17 =	vor.u32 v16, v19  }
.LBB2_27:
0x210: {  	p1 =	sne.s32 s7, $0x3F  }
.Ltmp13:
0x211: {  	v18 =	vmov s7;
	s7 =	sadd.s32 $0x1, s7;
	(pc) =	sbr.rel @p1 .LBB2_27-.Ltmp13, $4  }
0x212: {  	v18 =	vand.u32 $0x3F, v18  }
0x213: {  	v18 =	vbroadcast v18, $0x0  }
0x214: {  	[tilespmem:v17+s28+$0x0] =	vst.idx.msk vm1, v4  }
0x215: {  	v17 =	vor.u32 v16, v18  }
0x216: {  	s3 =	sadd.s32 $0x1, s3  }
0x217: {  	p1 =	sne.s32 s3, $0x8  }
.Ltmp14:
0x218: {  	_ = 	snop;
	(pc) =	sbr.rel @p1 .LBB2_26-.Ltmp14, $2  }
0x219: {  	_ =	sdelay $0x2  }
0x21a: {  	[tilespmem:v17+s28+$0x0] =	vst.idx.msk vm1, v4  }
.LBB2_29:
0x21b: {  	s12 =	simm.s32 $0x0  }
0x21c: {  	s1 =	simm.s32 $0x1;
	v15 =	vmov s12  }
0x21d: {  	v18 =	vshll.u32 v15, $0x6;
	v15 =	vmov s1  }
0x21e: {  	v16 =	vor.u32 v0, v18;
	v19 =	vshll.u32 v15, $0x6  }
0x21f: {  	s3 =	simm.s32 $0x7;
	v15 =	vor.u32 v0, v19  }
0x220: {  	s16 =	simm.s32 $0x2;
	_ =	swait.ge [sflag:s3], $0x2000  }
0x221: {  	v17 =	vmov s16;
	[sflag:s3] =	ssyncset.done $0x0  }
0x222: {  	v20 =	vshll.u32 v17, $0x6;
	[sflag:s3] =	ssyncadd.s32 $0xFFFFE000  }
0x223: {  	v17 =	vadd.s32 s12, v2;
	v21 =	vor.u32 v0, v20;
	s3 =	simm.s32 $0x3;
	v16 =	vld.idx.msk [tilespmem:v16+s28+$0x0], $0xffff  }
0x224: {  	v24 =	vadd.s32 s1, v2;
	v22 =	vor.u32 v5, v18;
	v23 =	vld.idx.msk [tilespmem:v15+s28+$0x0], $0xffff;
	v15 =	vmov s3  }
0x225: {  	s7 =	simm.s32 $0x4;
	v25 =	vor.u32 v5, v19;
	v28 =	vshll.u32 v15, $0x6  }
0x226: {  	v15 =	vmov s7;
	v26 =	vor.u32 v0, v28  }
0x227: {  	v15 =	vshll.u32 v15, $0x6  }
0x228: {  	v21 =	vld.idx.msk [tilespmem:v21+s28+$0x0], $0xffff;
	v27 =	vor.u32 v0, v15;
	[tilespmem:v17+s23+$0x0] =	vst.idx.msk $0xffff, v16;
	v16 =	vadd.s32 s16, v2  }
0x229: {  	v29 =	vadd.s32 s12, v6;
	v30 =	vor.u32 v5, v20;
	v22 =	vld.idx.msk [tilespmem:v22+s28+$0x0], $0xffff;
	[tilespmem:v24+s23+$0x0] =	vst.idx.msk $0xffff, v23  }
0x22a: {  	s11 =	simm.s32 $0x5;
	v23 =	vor.u32 v7, v18;
	v24 =	vld.idx.msk [tilespmem:v25+s28+$0x0], $0xffff;
	v25 =	vadd.s32 s1, v6  }
0x22b: {  	s9 =	simm.s32 $0x6;
	v31 =	vadd.s32 s3, v2;
	v32 =	vor.u32 v7, v19;
	v17 =	vmov s11;
	v26 =	vld.idx.msk [tilespmem:v26+s28+$0x0], $0xffff  }
0x22c: {  	v33 =	vmov s9;
	v34 =	vor.u32 v5, v28;
	v17 =	vshll.u32 v17, $0x6  }
0x22d: {  	[tilespmem:v16+s23+$0x0] =	vst.idx.msk $0xffff, v21;
	v21 =	vld.idx.msk [tilespmem:v27+s28+$0x0], $0xffff;
	v16 =	vshll.u32 v33, $0x6;
	v27 =	vor.u32 v0, v17  }
0x22e: {  	v60 =	vadd.s32 s7, v2;
	[tilespmem:v29+s23+$0x0] =	vst.idx.msk $0xffff, v22;
	v22 =	vld.idx.msk [tilespmem:v30+s28+$0x0], $0xffff;
	v29 =	vor.u32 v0, v16  }
0x22f: {  	v35 =	vor.u32 v5, v15;
	v30 =	vadd.s32 s16, v6;
	v23 =	vld.idx.msk [tilespmem:v23+s28+$0x0], $0xffff;
	[tilespmem:v25+s23+$0x0] =	vst.idx.msk $0xffff, v24  }
0x230: {  	v24 =	vadd.s32 s12, v8;
	v25 =	vor.u32 v7, v20;
	[tilespmem:v31+s23+$0x0] =	vst.idx.msk $0xffff, v26;
	v26 =	vld.idx.msk [tilespmem:v32+s28+$0x0], $0xffff  }
0x231: {  	v62 =	vadd.s32 s1, v8;
	v61 =	vor.u32 v9, v18;
	v31 =	vld.idx.msk [tilespmem:v34+s28+$0x0], $0xffff  }
0x232: {  	s18 =	simm.s32 $0x7;
	v38 =	vadd.s32 s11, v2;
	v36 =	vadd.s32 s3, v6;
	v37 =	vor.u32 v9, v19;
	v27 =	vld.idx.msk [tilespmem:v27+s28+$0x0], $0xffff  }
0x233: {  	s26 =	simm.s32 $0x8;
	v40 =	vadd.s32 s9, v2;
	v39 =	vor.u32 v7, v28;
	v18 =	vmov s18;
	[tilespmem:v60+s23+$0x0] =	vst.idx.msk $0xffff, v21;
	v29 =	vld.idx.msk [tilespmem:v29+s28+$0x0], $0xffff  }
0x234: {  	v19 =	vmov s26;
	v18 =	vshll.u32 v18, $0x6;
	v63 =	vor.u32 v5, v17;
	[tilespmem:v30+s23+$0x0] =	vst.idx.msk $0xffff, v22;
	v41 =	vld.idx.msk [tilespmem:v35+s28+$0x0], $0xffff  }
0x235: {  	v43 =	vadd.s32 s7, v6;
	v19 =	vshll.u32 v19, $0x6;
	v42 =	vor.u32 v0, v18;
	[tilespmem:v24+s23+$0x0] =	vst.idx.msk $0xffff, v23;
	v22 =	vld.idx.msk [tilespmem:v25+s28+$0x0], $0xffff  }
0x236: {  	v33 =	vadd.s32 s16, v8;
	v30 =	vor.u32 v0, v19;
	v21 =	vld.idx.msk [tilespmem:v61+s28+$0x0], $0xffff;
	[tilespmem:v62+s23+$0x0] =	vst.idx.msk $0xffff, v26  }
0x237: {  	v24 =	vor.u32 v5, v16;
	[tilespmem:v36+s23+$0x0] =	vst.idx.msk $0xffff, v31;
	v23 =	vld.idx.msk [tilespmem:v37+s28+$0x0], $0xffff;
	v31 =	vadd.s32 s12, v10  }
0x238: {  	v34 =	vadd.s32 s1, v10;
	v25 =	vor.u32 v7, v15;
	[tilespmem:v38+s23+$0x0] =	vst.idx.msk $0xffff, v27;
	v26 =	vld.idx.msk [tilespmem:v39+s28+$0x0], $0xffff  }
0x239: {  	v32 =	vor.u32 v9, v20;
	v35 =	vadd.s32 s3, v8;
	[tilespmem:v40+s23+$0x0] =	vst.idx.msk $0xffff, v29;
	v27 =	vld.idx.msk [tilespmem:v63+s28+$0x0], $0xffff  }
0x23a: {  	v28 =	vor.u32 v9, v28;
	v20 =	vadd.s32 s26, v2;
	s1 =	simm.s32 $0xA;
	s12 =	simm.s32 $0x9;
	v36 =	vadd.s32 s11, v6;
	v29 =	vld.idx.msk [tilespmem:v42+s28+$0x0], $0xffff;
	[tilespmem:v43+s23+$0x0] =	vst.idx.msk $0xffff, v41  }
.LBB2_30:
0x23b: {  	p1 =	slt.u32 s1, $0x7E;
	v37 =	vld.idx.msk [tilespmem:v30+s28+$0x0], $0xffff;
	v30 =	vmov s12;
	v38 =	vadd.s32 s18, v2;
	v39 =	vor.u32 v7, v17;
	[tilespmem:v33+s23+$0x0] =	vst.idx.msk $0xffff, v22;
	v40 =	vmovc v17  }
0x23c: {  	v22 =	vmov s1;
	v42 =	vor.u32 v5, v18;
	v17 =	vmovc v18;
	v41 =	vld.idx.msk [tilespmem:v24+s28+$0x0], $0xffff;
	[tilespmem:v31+s23+$0x0] =	vst.idx.msk $0xffff, v21;
	v18 =	vshll.u32 v30, $0x6  }
0x23d: {  	v45 =	vadd.s32 s9, v6;
	v43 =	vshll.u32 v22, $0x6;
	v44 =	vor.u32 v0, v18;
	v22 =	vld.idx.msk [tilespmem:v25+s28+$0x0], $0xffff;
	[tilespmem:v34+s23+$0x0] =	vst.idx.msk $0xffff, v23  }
.Ltmp15:
0x23e: {  	v33 =	vadd.s32 s7, v8;
	v46 =	vmov v16;
	v30 =	vor.u32 v0, v43;
	v21 =	vld.idx.msk [tilespmem:v32+s28+$0x0], $0xffff;
	[tilespmem:v35+s23+$0x0] =	vst.idx.msk $0xffff, v26;
	(pc) =	sbr.rel @p1 .LBB2_30-.Ltmp15, $4  }
0x23f: {  	v16 =	vmov v19;
	v24 =	vor.u32 v5, v19;
	v31 =	vadd.s32 s16, v10;
	s16 =	smov.u32 s7;
	s7 =	smov.u32 s9;
	s9 =	smov.u32 s26;
	[tilespmem:v36+s23+$0x0] =	vst.idx.msk $0xffff, v27;
	v23 =	vld.idx.msk [tilespmem:v28+s28+$0x0], $0xffff  }
0x240: {  	v25 =	vor.u32 v7, v46;
	v34 =	vadd.s32 s3, v10;
	v19 =	vmov v43;
	s3 =	smov.u32 s11;
	s11 =	smov.u32 s18;
	s18 =	smov.u32 s12;
	[tilespmem:v38+s23+$0x0] =	vst.idx.msk $0xffff, v29;
	v26 =	vld.idx.msk [tilespmem:v39+s28+$0x0], $0xffff  }
0x241: {  	s26 =	smov.u32 s1;
	v32 =	vor.u32 v9, v15;
	v35 =	vadd.s32 s3, v8;
	v15 =	vmov v46;
	[tilespmem:v20+s23+$0x0] =	vst.idx.msk $0xffff, v37;
	v27 =	vld.idx.msk [tilespmem:v42+s28+$0x0], $0xffff  }
0x242: {  	s1 =	sadd.s32 $0x2, s1;
	s12 =	sadd.s32 $0x1, s26;
	v36 =	vadd.s32 s11, v6;
	v28 =	vor.u32 v9, v40;
	v20 =	vadd.s32 s26, v2;
	v29 =	vld.idx.msk [tilespmem:v44+s28+$0x0], $0xffff;
	[tilespmem:v45+s23+$0x0] =	vst.idx.msk $0xffff, v41  }
0x243: {  	v37 =	vmov s12  }
0x244: {  	v37 =	vshll.u32 v37, $0x6  }
0x245: {  	v38 =	vor.u32 v0, v37;
	_ =	sdelay $0x2  }
0x246: {  	v39 =	vadd.s32 s18, v2;
	[tilespmem:v33+s23+$0x0] =	vst.idx.msk $0xffff, v22  }
0x247: {  	v22 =	vld.idx.msk [tilespmem:v30+s28+$0x0], $0xffff;
	v30 =	vor.u32 v5, v18;
	[tilespmem:v31+s23+$0x0] =	vst.idx.msk $0xffff, v21  }
0x248: {  	v21 =	vor.u32 v5, v19;
	v31 =	vadd.s32 s12, v2;
	[tilespmem:v34+s23+$0x0] =	vst.idx.msk $0xffff, v23;
	v23 =	vld.idx.msk [tilespmem:v38+s28+$0x0], $0xffff  }
0x249: {  	v24 =	vld.idx.msk [tilespmem:v24+s28+$0x0], $0xffff;
	v55 =	vadd.s32 s9, v6;
	[tilespmem:v35+s23+$0x0] =	vst.idx.msk $0xffff, v26;
	v26 =	vor.u32 v5, v37  }
0x24a: {  	v25 =	vld.idx.msk [tilespmem:v25+s28+$0x0], $0xffff;
	v56 =	vadd.s32 s7, v8;
	[tilespmem:v36+s23+$0x0] =	vst.idx.msk $0xffff, v27;
	v27 =	vor.u32 v7, v17  }
0x24b: {  	v57 =	vadd.s32 s16, v10;
	v32 =	vld.idx.msk [tilespmem:v32+s28+$0x0], $0xffff;
	[tilespmem:v39+s23+$0x0] =	vst.idx.msk $0xffff, v29;
	v29 =	vor.u32 v7, v16  }
0x24c: {  	[tilespmem:v20+s23+$0x0] =	vst.idx.msk $0xffff, v22;
	v22 =	vadd.s32 s18, v6;
	v20 =	vld.idx.msk [tilespmem:v30+s28+$0x0], $0xffff  }
0x24d: {  	v58 =	vadd.s32 s26, v6;
	v30 =	vor.u32 v7, v18;
	v21 =	vld.idx.msk [tilespmem:v21+s28+$0x0], $0xffff;
	[tilespmem:v31+s23+$0x0] =	vst.idx.msk $0xffff, v23  }
0x24e: {  	[tilespmem:v55+s23+$0x0] =	vst.idx.msk $0xffff, v24;
	v23 =	vor.u32 v7, v19;
	v24 =	vld.idx.msk [tilespmem:v26+s28+$0x0], $0xffff;
	v26 =	vadd.s32 s12, v6  }
0x24f: {  	v59 =	vadd.s32 s11, v8;
	[tilespmem:v56+s23+$0x0] =	vst.idx.msk $0xffff, v25;
	v25 =	vor.u32 v7, v37;
	v27 =	vld.idx.msk [tilespmem:v27+s28+$0x0], $0xffff  }
0x250: {  	v15 =	vor.u32 v9, v15;
	v60 =	vadd.s32 s9, v8;
	[tilespmem:v57+s23+$0x0] =	vst.idx.msk $0xffff, v32;
	v29 =	vld.idx.msk [tilespmem:v29+s28+$0x0], $0xffff  }
0x251: {  	v28 =	vld.idx.msk [tilespmem:v28+s28+$0x0], $0xffff;
	v17 =	vor.u32 v9, v17;
	[tilespmem:v22+s23+$0x0] =	vst.idx.msk $0xffff, v20;
	v31 =	vadd.s32 s3, v10  }
0x252: {  	v16 =	vor.u32 v9, v16;
	v22 =	vadd.s32 s18, v8;
	[tilespmem:v58+s23+$0x0] =	vst.idx.msk $0xffff, v21;
	v20 =	vld.idx.msk [tilespmem:v30+s28+$0x0], $0xffff  }
0x253: {  	v18 =	vor.u32 v9, v18;
	v21 =	vld.idx.msk [tilespmem:v23+s28+$0x0], $0xffff;
	v23 =	vadd.s32 s26, v8;
	[tilespmem:v26+s23+$0x0] =	vst.idx.msk $0xffff, v24  }
0x254: {  	v19 =	vor.u32 v9, v19;
	[tilespmem:v59+s23+$0x0] =	vst.idx.msk $0xffff, v27;
	v24 =	vld.idx.msk [tilespmem:v25+s28+$0x0], $0xffff;
	v25 =	vadd.s32 s12, v8  }
0x255: {  	v15 =	vld.idx.msk [tilespmem:v15+s28+$0x0], $0xffff;
	v27 =	vor.u32 v9, v37;
	[tilespmem:v60+s23+$0x0] =	vst.idx.msk $0xffff, v29;
	v26 =	vadd.s32 s7, v10  }
0x256: {  	v17 =	vld.idx.msk [tilespmem:v17+s28+$0x0], $0xffff;
	[tilespmem:v31+s23+$0x0] =	vst.idx.msk $0xffff, v28;
	v28 =	vadd.s32 s11, v10  }
0x257: {  	v16 =	vld.idx.msk [tilespmem:v16+s28+$0x0], $0xffff;
	[tilespmem:v22+s23+$0x0] =	vst.idx.msk $0xffff, v20;
	v20 =	vadd.s32 s9, v10  }
0x258: {  	v22 =	vadd.s32 s18, v10;
	v18 =	vld.idx.msk [tilespmem:v18+s28+$0x0], $0xffff;
	[tilespmem:v23+s23+$0x0] =	vst.idx.msk $0xffff, v21  }
0x259: {  	v21 =	vadd.s32 s26, v10;
	v19 =	vld.idx.msk [tilespmem:v19+s28+$0x0], $0xffff;
	[tilespmem:v25+s23+$0x0] =	vst.idx.msk $0xffff, v24  }
0x25a: {  	v23 =	vadd.s32 s12, v10;
	[tilespmem:v26+s23+$0x0] =	vst.idx.msk $0xffff, v15;
	v15 =	vld.idx.msk [tilespmem:v27+s28+$0x0], $0xffff  }
0x25b: {  	[tilespmem:v28+s23+$0x0] =	vst.idx.msk $0xffff, v17  }
0x25c: {  	s1 =	simm.s32 $0x1;
	[tilespmem:v20+s23+$0x0] =	vst.idx.msk $0xffff, v16  }
0x25d: {  	s6 =	simm.s32 $0x0;
	s1 =	sand.u32 $0x7, s1;
	s9 =	simm.s32 $0x0;
	[tilespmem:v22+s23+$0x0] =	vst.idx.msk $0xffff, v18  }
0x25e: {  	s6 =	sand.u32 $0xFFFFFC00, s6;
	s1 =	sshll.u32 s1, $0x7;
	s3 =	sand.u32 $0x6, s9;
	[tilespmem:v21+s23+$0x0] =	vst.idx.msk $0xffff, v19  }
0x25f: {  	s14 =	sor.u32 s6, s1;
	s11 =	simm.s32 $0xAF8D;
	s3 =	sshll.u32 s3, $0x7;
	[tilespmem:v23+s23+$0x0] =	vst.idx.msk $0xffff, v15  }
0x260: {  	s20 =	sor.u32 s3, s6;
	v16 =	vor.u32 s14, v0;
	v15 =	vld [tilespmem:s11+$0x0]  }
0x261: {  	v17 =	vor.u32 s20, v0;
	v18 =	vld [tilespmem:s11+$0xFFFFFF73];
	_ =	sdelay $0x2  }
0x262: {  	s12 =	simm.s32 $0x8D  }
0x263: {  	s13 =	simm.s32 $0x0;
	s17 =	sand.u32 $0x3FFF, s12;
	[tilespmem:v16+s29+$0x0] =	vst.idx.msk $0xffff, v15  }
0x264: {  	s1 =	sand.u32 $0x3FFE, s13;
	[tilespmem:v17+s29+$0x0] =	vst.idx.msk $0xffff, v18;
	v16 =	vor.u32 s14, v5;
	v15 =	vld [tilespmem:s17+$0xAF10]  }
0x265: {  	v17 =	vor.u32 s20, v5;
	v18 =	vld [tilespmem:s1+$0xAF10];
	_ =	sdelay $0x3  }
0x266: {  	[tilespmem:v16+s29+$0x0] =	vst.idx.msk $0xffff, v15  }
0x267: {  	s16 =	simm.s32 $0x3;
	[tilespmem:v17+s29+$0x0] =	vst.idx.msk $0xffff, v18;
	v16 =	vor.u32 s14, v7;
	v15 =	vld [tilespmem:s17+$0xAF20]  }
0x268: {  	s21 =	simm.s32 $0x100;
	s18 =	simm.s32 $0x2;
	s3 =	sand.u32 $0x7, s16;
	v17 =	vor.u32 s20, v7;
	v18 =	vld [tilespmem:s1+$0xAF20]  }
0x269: {  	s6 =	sand.u32 $0x6, s18;
	s3 =	sshll.u32 s3, $0x7;
	s26 =	sand.u32 $0xFFFFFC00, s21  }
0x26a: {  	s5 =	simm.s32 $0xB0A7;
	s6 =	sshll.u32 s6, $0x7;
	s7 =	sor.u32 s26, s3  }
0x26b: {  	s21 =	sor.u32 s6, s26;
	v20 =	vor.u32 s7, v0;
	v19 =	vld [tilespmem:s5+$0x0]  }
0x26c: {  	v21 =	vor.u32 s21, v0;
	v22 =	vld [tilespmem:s5+$0xFFFFFF73];
	[tilespmem:v16+s29+$0x0] =	vst.idx.msk $0xffff, v15  }
0x26d: {  	[tilespmem:v17+s29+$0x0] =	vst.idx.msk $0xffff, v18;
	v16 =	vor.u32 s14, v9;
	v15 =	vld [tilespmem:s17+$0xAF30]  }
0x26e: {  	v17 =	vor.u32 s20, v9;
	v18 =	vld [tilespmem:s1+$0xAF30]  }
0x26f: {  	s11 =	simm.s32 $0x1A7  }
0x270: {  	s12 =	simm.s32 $0x11A;
	s9 =	sand.u32 $0x3FFF, s11;
	[tilespmem:v20+s29+$0x0] =	vst.idx.msk $0xffff, v19  }
0x271: {  	s11 =	sand.u32 $0x3FFE, s12;
	[tilespmem:v21+s29+$0x0] =	vst.idx.msk $0xffff, v22;
	v20 =	vor.u32 s7, v5;
	v19 =	vld [tilespmem:s9+$0xAF10]  }
0x272: {  	v21 =	vor.u32 s21, v5;
	v22 =	vld [tilespmem:s11+$0xAF10];
	[tilespmem:v16+s29+$0x0] =	vst.idx.msk $0xffff, v15  }
0x273: {  	[tilespmem:v17+s29+$0x0] =	vst.idx.msk $0xffff, v18;
	v16 =	vor.u32 s14, v11;
	v15 =	vld [tilespmem:s17+$0xAF40]  }
0x274: {  	v17 =	vor.u32 s20, v11;
	v18 =	vld [tilespmem:s1+$0xAF40];
	_ =	sdelay $0x1  }
0x275: {  	[tilespmem:v20+s29+$0x0] =	vst.idx.msk $0xffff, v19  }
0x276: {  	s13 =	simm.s32 $0x5;
	[tilespmem:v21+s29+$0x0] =	vst.idx.msk $0xffff, v22;
	v20 =	vor.u32 s7, v7;
	v19 =	vld [tilespmem:s9+$0xAF20]  }
0x277: {  	s16 =	simm.s32 $0x200;
	s26 =	simm.s32 $0x4;
	s3 =	sand.u32 $0x7, s13;
	v21 =	vor.u32 s21, v7;
	v22 =	vld [tilespmem:s11+$0xAF20];
	[tilespmem:v16+s29+$0x0] =	vst.idx.msk $0xffff, v15  }
0x278: {  	s6 =	sand.u32 $0xFFFFFC00, s16;
	s18 =	sand.u32 $0x6, s26;
	s3 =	sshll.u32 s3, $0x7;
	[tilespmem:v17+s29+$0x0] =	vst.idx.msk $0xffff, v18;
	v16 =	vor.u32 s14, v12;
	v15 =	vld [tilespmem:s17+$0xAF50]  }
0x279: {  	s13 =	sshll.u32 s18, $0x7;
	s3 =	sor.u32 s6, s3;
	s12 =	simm.s32 $0xB1C1;
	v17 =	vor.u32 s20, v12;
	v18 =	vld [tilespmem:s1+$0xAF50]  }
0x27a: {  	s6 =	sor.u32 s13, s6;
	v24 =	vor.u32 s3, v0;
	v23 =	vld [tilespmem:s12+$0x0]  }
0x27b: {  	v25 =	vor.u32 s6, v0;
	v26 =	vld [tilespmem:s12+$0xFFFFFF73];
	[tilespmem:v20+s29+$0x0] =	vst.idx.msk $0xffff, v19  }
0x27c: {  	[tilespmem:v21+s29+$0x0] =	vst.idx.msk $0xffff, v22;
	v21 =	vor.u32 s7, v9;
	v19 =	vld [tilespmem:s9+$0xAF30]  }
0x27d: {  	v27 =	vor.u32 s21, v9;
	v29 =	vld [tilespmem:s11+$0xAF30];
	[tilespmem:v16+s29+$0x0] =	vst.idx.msk $0xffff, v15  }
0x27e: {  	v61 =	vor.u32 s14, v13;
	s13 =	simm.s32 $0x2C1;
	[tilespmem:v17+s29+$0x0] =	vst.idx.msk $0xffff, v18;
	v18 =	vld [tilespmem:s17+$0xAF60]  }
0x27f: {  	v62 =	vor.u32 s20, v13;
	s18 =	sand.u32 $0x3FFF, s13;
	s5 =	simm.s32 $0x234;
	[tilespmem:v24+s29+$0x0] =	vst.idx.msk $0xffff, v23;
	v35 =	vld [tilespmem:s1+$0xAF60]  }
0x280: {  	v63 =	vor.u32 s3, v5;
	s16 =	sand.u32 $0x3FFE, s5;
	[tilespmem:v25+s29+$0x0] =	vst.idx.msk $0xffff, v26;
	v36 =	vld [tilespmem:s18+$0xAF10]  }
0x281: {  	v33 =	vor.u32 s7, v11;
	v28 =	vor.u32 s6, v5;
	v24 =	vor.u32 s6, v7;
	v32 =	vld [tilespmem:s16+$0xAF10];
	[tilespmem:v21+s29+$0x0] =	vst.idx.msk $0xffff, v19  }
0x282: {  	v23 =	vor.u32 s6, v9;
	v25 =	vor.u32 s6, v11;
	v22 =	vor.u32 s21, v11;
	[tilespmem:v27+s29+$0x0] =	vst.idx.msk $0xffff, v29;
	v30 =	vld [tilespmem:s9+$0xAF40]  }
0x283: {  	v20 =	vor.u32 s21, v12;
	v21 =	vor.u32 s6, v12;
	v19 =	vor.u32 s6, v13;
	v31 =	vld [tilespmem:s11+$0xAF40];
	[tilespmem:v61+s29+$0x0] =	vst.idx.msk $0xffff, v18  }
0x284: {  	v27 =	vor.u32 s14, v14;
	v15 =	vor.u32 s20, v14;
	[tilespmem:v62+s29+$0x0] =	vst.idx.msk $0xffff, v35;
	v26 =	vld [tilespmem:s17+$0xAF70]  }
0x285: {  	[tilespmem:v63+s29+$0x0] =	vst.idx.msk $0xffff, v36;
	v17 =	vor.u32 s21, v13;
	v16 =	vor.u32 s21, v14;
	v18 =	vor.u32 s6, v14;
	v29 =	vld [tilespmem:s1+$0xAF70]  }
.LBB2_32:
0x286: {  	s1 =	sadd.s32 $0x3, s26;
	s26 =	sadd.s32 $0x2, s26;
	[tilespmem:v28+s29+$0x0] =	vst.idx.msk $0xffff, v32;
	v32 =	vld [tilespmem:s18+$0xAF20];
	v34 =	vor.u32 s3, v7  }
0x287: {  	s6 =	sand.u32 $0x6, s26;
	s14 =	sshll.u32 s26, $0x7;
	s1 =	sand.u32 $0x7, s1;
	v35 =	vld [tilespmem:s16+$0xAF20];
	[tilespmem:v33+s29+$0x0] =	vst.idx.msk $0xffff, v30  }
0x288: {  	s14 =	sand.u32 $0xFFFFFC00, s14;
	s6 =	sshll.u32 s6, $0x7;
	s1 =	sshll.u32 s1, $0x7;
	[tilespmem:v22+s29+$0x0] =	vst.idx.msk $0xffff, v31;
	v30 =	vld [tilespmem:s9+$0xAF50];
	v31 =	vor.u32 s7, v12;
	v22 =	vmov v25  }
0x289: {  	s12 =	sadd.s32 $0x11A, s12;
	s6 =	sor.u32 s6, s14;
	s1 =	sor.u32 s14, s1;
	v33 =	vld [tilespmem:s11+$0xAF50];
	[tilespmem:v27+s29+$0x0] =	vst.idx.msk $0xffff, v26  }
0x28a: {  	p1 =	slt.u32 s26, $0x3E;
	v26 =	vor.u32 s6, v0;
	v28 =	vor.u32 s6, v5;
	v27 =	vld [tilespmem:s12+$0x0];
	v36 =	vor.u32 s1, v0;
	[tilespmem:v15+s29+$0x0] =	vst.idx.msk $0xffff, v29;
	v15 =	vmovc v16;
	v16 =	vmovc v18  }
0x28b: {  	v18 =	vor.u32 s6, v7;
	v37 =	vor.u32 s6, v9;
	v25 =	vor.u32 s6, v11;
	v29 =	vld [tilespmem:s12+$0xFFFFFF73];
	[tilespmem:v34+s29+$0x0] =	vst.idx.msk $0xffff, v32  }
0x28c: {  	v38 =	vor.u32 s3, v9;
	v32 =	vor.u32 s6, v12;
	v34 =	vor.u32 s6, v13;
	[tilespmem:v24+s29+$0x0] =	vst.idx.msk $0xffff, v35;
	v35 =	vld [tilespmem:s18+$0xAF30];
	v24 =	vmovc v18  }
0x28d: {  	v18 =	vor.u32 s6, v14;
	v39 =	vld [tilespmem:s16+$0xAF30];
	[tilespmem:v31+s29+$0x0] =	vst.idx.msk $0xffff, v30  }
0x28e: {  	s13 =	sadd.s32 $0x11A, s13;
	v41 =	vor.u32 s7, v13;
	[tilespmem:v20+s29+$0x0] =	vst.idx.msk $0xffff, v33;
	v40 =	vld [tilespmem:s9+$0xAF60];
	v20 =	vmov v21;
	v21 =	vmov v32  }
0x28f: {  	s14 =	sand.u32 $0x3FFF, s13;
	s6 =	sadd.s32 $0xFFFFFF73, s13;
	[tilespmem:v36+s29+$0x0] =	vst.idx.msk $0xffff, v27;
	v27 =	vld [tilespmem:s11+$0xAF60]  }
0x290: {  	s6 =	sand.u32 $0x3FFE, s6;
	v36 =	vor.u32 s1, v5;
	[tilespmem:v26+s29+$0x0] =	vst.idx.msk $0xffff, v29;
	v29 =	vld [tilespmem:s14+$0xAF10]  }
.Ltmp16:
0x291: {  	v32 =	vld [tilespmem:s6+$0xAF10];
	[tilespmem:v38+s29+$0x0] =	vst.idx.msk $0xffff, v35;
	(pc) =	sbr.rel @p1 .LBB2_32-.Ltmp16, $4  }
0x292: {  	v33 =	vor.u32 s3, v11;
	[tilespmem:v23+s29+$0x0] =	vst.idx.msk $0xffff, v39;
	v30 =	vld [tilespmem:s18+$0xAF40];
	v23 =	vmov v37  }
0x293: {  	v31 =	vld [tilespmem:s16+$0xAF40];
	[tilespmem:v41+s29+$0x0] =	vst.idx.msk $0xffff, v40  }
0x294: {  	[tilespmem:v17+s29+$0x0] =	vst.idx.msk $0xffff, v27;
	v26 =	vld [tilespmem:s9+$0xAF70];
	v27 =	vor.u32 s7, v14;
	v17 =	vmov v19;
	v19 =	vmov v34;
	s7 =	smov.u32 s3;
	s3 =	smov.u32 s1;
	s9 =	smov.u32 s18  }
0x295: {  	s18 =	smov.u32 s14;
	[tilespmem:v36+s29+$0x0] =	vst.idx.msk $0xffff, v29;
	v29 =	vld [tilespmem:s11+$0xAF70];
	s11 =	smov.u32 s16;
	s16 =	smov.u32 s6  }
0x296: {  	_ =	sdelay $0x1  }
0x297: {  	v42 =	vld [tilespmem:s18+$0xAF20];
	v43 =	vor.u32 s3, v7;
	_ =	sdelay $0x1  }
0x298: {  	[tilespmem:v28+s29+$0x0] =	vst.idx.msk $0xffff, v32  }
0x299: {  	v34 =	vld [tilespmem:s16+$0xAF20];
	_ =	sdelay $0x1  }
0x29a: {  	[tilespmem:v43+s29+$0x0] =	vst.idx.msk $0xffff, v42  }
0x29b: {  	v45 =	vor.u32 s3, v9;
	v44 =	vld [tilespmem:s18+$0xAF30];
	_ =	sdelay $0x1  }
0x29c: {  	[tilespmem:v24+s29+$0x0] =	vst.idx.msk $0xffff, v34  }
0x29d: {  	v46 =	vld [tilespmem:s16+$0xAF30];
	_ =	sdelay $0x1  }
0x29e: {  	[tilespmem:v45+s29+$0x0] =	vst.idx.msk $0xffff, v44  }
0x29f: {  	v48 =	vor.u32 s3, v11;
	v47 =	vld [tilespmem:s18+$0xAF40];
	_ =	sdelay $0x1  }
0x2a0: {  	[tilespmem:v23+s29+$0x0] =	vst.idx.msk $0xffff, v46  }
0x2a1: {  	[tilespmem:v33+s29+$0x0] =	vst.idx.msk $0xffff, v30;
	v49 =	vld [tilespmem:s16+$0xAF40]  }
0x2a2: {  	v51 =	vor.u32 s7, v12;
	[tilespmem:v22+s29+$0x0] =	vst.idx.msk $0xffff, v31;
	v50 =	vld [tilespmem:s9+$0xAF50]  }
0x2a3: {  	v31 =	vld [tilespmem:s11+$0xAF50];
	[tilespmem:v48+s29+$0x0] =	vst.idx.msk $0xffff, v47  }
0x2a4: {  	v52 =	vor.u32 s3, v12;
	v23 =	vld [tilespmem:s18+$0xAF50];
	_ =	sdelay $0x1  }
0x2a5: {  	[tilespmem:v25+s29+$0x0] =	vst.idx.msk $0xffff, v49  }
0x2a6: {  	[tilespmem:v51+s29+$0x0] =	vst.idx.msk $0xffff, v50;
	v25 =	vld [tilespmem:s16+$0xAF50]  }
0x2a7: {  	v54 =	vor.u32 s7, v13;
	[tilespmem:v20+s29+$0x0] =	vst.idx.msk $0xffff, v31;
	v53 =	vld [tilespmem:s9+$0xAF60]  }
0x2a8: {  	v55 =	vld [tilespmem:s11+$0xAF60];
	[tilespmem:v52+s29+$0x0] =	vst.idx.msk $0xffff, v23  }
0x2a9: {  	v57 =	vor.u32 s3, v13;
	v56 =	vld [tilespmem:s18+$0xAF60];
	_ =	sdelay $0x1  }
0x2aa: {  	[tilespmem:v21+s29+$0x0] =	vst.idx.msk $0xffff, v25  }
0x2ab: {  	[tilespmem:v54+s29+$0x0] =	vst.idx.msk $0xffff, v53;
	v58 =	vld [tilespmem:s16+$0xAF60]  }
0x2ac: {  	[tilespmem:v17+s29+$0x0] =	vst.idx.msk $0xffff, v55  }
0x2ad: {  	s1 =	smulhi.u32 $0x51EB851F, s4;
	[tilespmem:v57+s29+$0x0] =	vst.idx.msk $0xffff, v56  }
0x2ae: {  	v59 =	vor.u32 s7, v14;
	s6 =	sadd.s32 $0x6, s15;
	v20 =	vld [tilespmem:s9+$0xAF70];
	s5 =	rddreg [dreg:$0x6]  }
0x2af: {  	s1 =	sshrl.u32 s1, $0x4;
	v60 =	vld [tilespmem:s11+$0xAF70];
	(drf) =	srem.u32 s6, s5  }
0x2b0: {  	v62 =	vor.u32 s3, v14;
	s14 =	smul.u32 $0x32, s1;
	[tilespmem:v19+s29+$0x0] =	vst.idx.msk $0xffff, v58;
	v61 =	vld [tilespmem:s18+$0xAF70]  }
0x2b1: {  	[tilespmem:v27+s29+$0x0] =	vst.idx.msk $0xffff, v26;
	v63 =	vld [tilespmem:s16+$0xAF70]  }
0x2b2: {  	s1 =	sadd.s32 s8, s1;
	s3 =	ssub.s32 s4, s14;
	[tilespmem:v15+s29+$0x0] =	vst.idx.msk $0xffff, v29  }
0x2b3: {  	s1 =	sshll.u32 s1, $0xA;
	s3 =	sshll.u32 s3, $0x14;
	[tilespmem:v59+s29+$0x0] =	vst.idx.msk $0xffff, v20  }
0x2b4: {  	s1 =	sadd.s32 s3, s1;
	[tilespmem:v16+s29+$0x0] =	vst.idx.msk $0xffff, v60  }
0x2b5: {  	s1 =	sshrl.u32 s1, $0x3;
	[tilespmem:v62+s29+$0x0] =	vst.idx.msk $0xffff, v61  }
0x2b6: {  	s17 =	simm.s32 $0x20000;
	s1 =	sadd.s32 s30, s1;
	s16 =	simm.s32 $0x400;
	[tilespmem:v18+s29+$0x0] =	vst.idx.msk $0xffff, v63  }
0x2b7: {  	[hbm4b:s1+s16] =	stream.strided.scatter [tilespmem:s29], [sflag:$0x7], $0x2000, s17, s16, $0x38;
	[tilespmem:$0x1D240] =	vst v63  }
0x2b8: {  	s18 =	spop (drf)  }
0x2b9: {  	s21 =	simm.s32 $0x80;
	s26 =	simm.s32 $0x4;
	s1 =	sshll.u32 s18, $0x7  }
.Ltmp17:
0x2ba: {  	s20 =	rddreg [dreg:$0x4];
	s1 =	sadd.s32 $0x1900, s1;
	(pc) =	sbr.rel @p0 .LBB2_38-.Ltmp17, $4  }
0x2bb: {  	[tilespmem:s28], [sflag:$0x3] =	stream.indirect.gather [hbm4b:s20+s21], $0x40, s1, s21, $0xb8;
	[tilespmem:$0x1D240] =	vst v63  }
0x2bc: {  	_ =	swait.ge [sflag:s26], $0x2000  }
0x2bd: {  	[sflag:s26] =	ssyncset.done $0x0  }
0x2be: {  	s4 =	sor.u32 $0x3, s15;
	[sflag:s26] =	ssyncadd.s32 $0xFFFFE000  }
0x2bf: {  	s1 =	sshll.u32 s4, $0x9  }
0x2c0: {  	s1 =	sshra.s32 s1, $0x2  }
0x2c1: {  	s3 =	sadd.s32 $0x1900, s1  }
0x2c2: {  	s1 =	simm.s32 $0x0;
	v15 =	vmov s3;
	s3 =	simm.s32 $0x0  }
.LBB2_35:
0x2c3: {  	_ =	sdelay $0x2  }
0x2c4: {  	s6 =	sshll.u32 s3, $0x4  }
0x2c5: {  	v17 =	vld.idx.msk [tilespmem:v15+s6+$0x0 ss:$0x1], $0xffff;
	_ =	sdelay $0x1  }
0x2c6: {  	v16 =	vmov s1  }
0x2c7: {  	v18 =	vmov s6;
	v16 =	vand.u32 $0x3F, v16  }
0x2c8: {  	v18 =	vshll.u32 v18, $0x6;
	v19 =	vbroadcast v16, $0x0  }
0x2c9: {  	v16 =	vor.u32 v3, v18;
	vm1 =	veq.s32 v17, $0x0  }
0x2ca: {  	s7 =	simm.s32 $0x1;
	v17 =	vor.u32 v16, v19  }
.LBB2_36:
0x2cb: {  	p1 =	sne.s32 s7, $0x3F  }
.Ltmp18:
0x2cc: {  	v18 =	vmov s7;
	s7 =	sadd.s32 $0x1, s7;
	(pc) =	sbr.rel @p1 .LBB2_36-.Ltmp18, $4  }
0x2cd: {  	v18 =	vand.u32 $0x3F, v18  }
0x2ce: {  	v18 =	vbroadcast v18, $0x0  }
0x2cf: {  	[tilespmem:v17+s31+$0x0] =	vst.idx.msk vm1, v4  }
0x2d0: {  	v17 =	vor.u32 v16, v18  }
0x2d1: {  	s3 =	sadd.s32 $0x1, s3  }
0x2d2: {  	p1 =	sne.s32 s3, $0x8  }
.Ltmp19:
0x2d3: {  	_ = 	snop;
	(pc) =	sbr.rel @p1 .LBB2_35-.Ltmp19, $2  }
0x2d4: {  	_ =	sdelay $0x2  }
0x2d5: {  	[tilespmem:v17+s31+$0x0] =	vst.idx.msk vm1, v4  }
.LBB2_38:
0x2d6: {  	s12 =	simm.s32 $0x0  }
0x2d7: {  	s1 =	simm.s32 $0x1;
	v15 =	vmov s12  }
0x2d8: {  	v18 =	vshll.u32 v15, $0x6;
	v15 =	vmov s1  }
0x2d9: {  	v16 =	vor.u32 v0, v18;
	v19 =	vshll.u32 v15, $0x6  }
0x2da: {  	s3 =	simm.s32 $0x8;
	v15 =	vor.u32 v0, v19  }
0x2db: {  	s16 =	simm.s32 $0x2;
	_ =	swait.ge [sflag:s3], $0x2000  }
0x2dc: {  	v17 =	vmov s16;
	[sflag:s3] =	ssyncset.done $0x0  }
0x2dd: {  	v20 =	vshll.u32 v17, $0x6;
	[sflag:s3] =	ssyncadd.s32 $0xFFFFE000  }
0x2de: {  	v17 =	vadd.s32 s12, v2;
	v21 =	vor.u32 v0, v20;
	s3 =	simm.s32 $0x3;
	v16 =	vld.idx.msk [tilespmem:v16+s31+$0x0], $0xffff  }
0x2df: {  	v24 =	vadd.s32 s1, v2;
	v22 =	vor.u32 v5, v18;
	v23 =	vld.idx.msk [tilespmem:v15+s31+$0x0], $0xffff;
	v15 =	vmov s3  }
0x2e0: {  	s7 =	simm.s32 $0x4;
	v25 =	vor.u32 v5, v19;
	v28 =	vshll.u32 v15, $0x6  }
0x2e1: {  	v15 =	vmov s7;
	v26 =	vor.u32 v0, v28  }
0x2e2: {  	v15 =	vshll.u32 v15, $0x6  }
0x2e3: {  	v21 =	vld.idx.msk [tilespmem:v21+s31+$0x0], $0xffff;
	v27 =	vor.u32 v0, v15;
	[tilespmem:v17+s23+$0x0] =	vst.idx.msk $0xffff, v16;
	v16 =	vadd.s32 s16, v2  }
0x2e4: {  	v29 =	vadd.s32 s12, v6;
	v30 =	vor.u32 v5, v20;
	v22 =	vld.idx.msk [tilespmem:v22+s31+$0x0], $0xffff;
	[tilespmem:v24+s23+$0x0] =	vst.idx.msk $0xffff, v23  }
0x2e5: {  	s11 =	simm.s32 $0x5;
	v23 =	vor.u32 v7, v18;
	v24 =	vld.idx.msk [tilespmem:v25+s31+$0x0], $0xffff;
	v25 =	vadd.s32 s1, v6  }
0x2e6: {  	s9 =	simm.s32 $0x6;
	v31 =	vadd.s32 s3, v2;
	v32 =	vor.u32 v7, v19;
	v17 =	vmov s11;
	v26 =	vld.idx.msk [tilespmem:v26+s31+$0x0], $0xffff  }
0x2e7: {  	v33 =	vmov s9;
	v34 =	vor.u32 v5, v28;
	v17 =	vshll.u32 v17, $0x6  }
0x2e8: {  	[tilespmem:v16+s23+$0x0] =	vst.idx.msk $0xffff, v21;
	v21 =	vld.idx.msk [tilespmem:v27+s31+$0x0], $0xffff;
	v16 =	vshll.u32 v33, $0x6;
	v27 =	vor.u32 v0, v17  }
0x2e9: {  	v60 =	vadd.s32 s7, v2;
	[tilespmem:v29+s23+$0x0] =	vst.idx.msk $0xffff, v22;
	v22 =	vld.idx.msk [tilespmem:v30+s31+$0x0], $0xffff;
	v29 =	vor.u32 v0, v16  }
0x2ea: {  	v35 =	vor.u32 v5, v15;
	v30 =	vadd.s32 s16, v6;
	v23 =	vld.idx.msk [tilespmem:v23+s31+$0x0], $0xffff;
	[tilespmem:v25+s23+$0x0] =	vst.idx.msk $0xffff, v24  }
0x2eb: {  	v24 =	vadd.s32 s12, v8;
	v25 =	vor.u32 v7, v20;
	[tilespmem:v31+s23+$0x0] =	vst.idx.msk $0xffff, v26;
	v26 =	vld.idx.msk [tilespmem:v32+s31+$0x0], $0xffff  }
0x2ec: {  	v62 =	vadd.s32 s1, v8;
	v61 =	vor.u32 v9, v18;
	v31 =	vld.idx.msk [tilespmem:v34+s31+$0x0], $0xffff  }
0x2ed: {  	s18 =	simm.s32 $0x7;
	v38 =	vadd.s32 s11, v2;
	v36 =	vadd.s32 s3, v6;
	v37 =	vor.u32 v9, v19;
	v27 =	vld.idx.msk [tilespmem:v27+s31+$0x0], $0xffff  }
0x2ee: {  	s26 =	simm.s32 $0x8;
	v40 =	vadd.s32 s9, v2;
	v39 =	vor.u32 v7, v28;
	v18 =	vmov s18;
	[tilespmem:v60+s23+$0x0] =	vst.idx.msk $0xffff, v21;
	v29 =	vld.idx.msk [tilespmem:v29+s31+$0x0], $0xffff  }
0x2ef: {  	v19 =	vmov s26;
	v18 =	vshll.u32 v18, $0x6;
	v63 =	vor.u32 v5, v17;
	[tilespmem:v30+s23+$0x0] =	vst.idx.msk $0xffff, v22;
	v41 =	vld.idx.msk [tilespmem:v35+s31+$0x0], $0xffff  }
0x2f0: {  	v43 =	vadd.s32 s7, v6;
	v19 =	vshll.u32 v19, $0x6;
	v42 =	vor.u32 v0, v18;
	[tilespmem:v24+s23+$0x0] =	vst.idx.msk $0xffff, v23;
	v22 =	vld.idx.msk [tilespmem:v25+s31+$0x0], $0xffff  }
0x2f1: {  	v33 =	vadd.s32 s16, v8;
	v30 =	vor.u32 v0, v19;
	v21 =	vld.idx.msk [tilespmem:v61+s31+$0x0], $0xffff;
	[tilespmem:v62+s23+$0x0] =	vst.idx.msk $0xffff, v26  }
0x2f2: {  	v24 =	vor.u32 v5, v16;
	[tilespmem:v36+s23+$0x0] =	vst.idx.msk $0xffff, v31;
	v23 =	vld.idx.msk [tilespmem:v37+s31+$0x0], $0xffff;
	v31 =	vadd.s32 s12, v10  }
0x2f3: {  	v34 =	vadd.s32 s1, v10;
	v25 =	vor.u32 v7, v15;
	[tilespmem:v38+s23+$0x0] =	vst.idx.msk $0xffff, v27;
	v26 =	vld.idx.msk [tilespmem:v39+s31+$0x0], $0xffff  }
0x2f4: {  	v32 =	vor.u32 v9, v20;
	v35 =	vadd.s32 s3, v8;
	[tilespmem:v40+s23+$0x0] =	vst.idx.msk $0xffff, v29;
	v27 =	vld.idx.msk [tilespmem:v63+s31+$0x0], $0xffff  }
0x2f5: {  	v28 =	vor.u32 v9, v28;
	v20 =	vadd.s32 s26, v2;
	s1 =	simm.s32 $0xA;
	s12 =	simm.s32 $0x9;
	v36 =	vadd.s32 s11, v6;
	v29 =	vld.idx.msk [tilespmem:v42+s31+$0x0], $0xffff;
	[tilespmem:v43+s23+$0x0] =	vst.idx.msk $0xffff, v41  }
.LBB2_39:
0x2f6: {  	p1 =	slt.u32 s1, $0x7E;
	v37 =	vld.idx.msk [tilespmem:v30+s31+$0x0], $0xffff;
	v30 =	vmov s12;
	v38 =	vadd.s32 s18, v2;
	v39 =	vor.u32 v7, v17;
	[tilespmem:v33+s23+$0x0] =	vst.idx.msk $0xffff, v22;
	v40 =	vmovc v17  }
0x2f7: {  	v22 =	vmov s1;
	v42 =	vor.u32 v5, v18;
	v17 =	vmovc v18;
	v41 =	vld.idx.msk [tilespmem:v24+s31+$0x0], $0xffff;
	[tilespmem:v31+s23+$0x0] =	vst.idx.msk $0xffff, v21;
	v18 =	vshll.u32 v30, $0x6  }
0x2f8: {  	v45 =	vadd.s32 s9, v6;
	v43 =	vshll.u32 v22, $0x6;
	v44 =	vor.u32 v0, v18;
	v22 =	vld.idx.msk [tilespmem:v25+s31+$0x0], $0xffff;
	[tilespmem:v34+s23+$0x0] =	vst.idx.msk $0xffff, v23  }
.Ltmp20:
0x2f9: {  	v33 =	vadd.s32 s7, v8;
	v46 =	vmov v16;
	v30 =	vor.u32 v0, v43;
	v21 =	vld.idx.msk [tilespmem:v32+s31+$0x0], $0xffff;
	[tilespmem:v35+s23+$0x0] =	vst.idx.msk $0xffff, v26;
	(pc) =	sbr.rel @p1 .LBB2_39-.Ltmp20, $4  }
0x2fa: {  	v16 =	vmov v19;
	v24 =	vor.u32 v5, v19;
	v31 =	vadd.s32 s16, v10;
	s16 =	smov.u32 s7;
	s7 =	smov.u32 s9;
	s9 =	smov.u32 s26;
	[tilespmem:v36+s23+$0x0] =	vst.idx.msk $0xffff, v27;
	v23 =	vld.idx.msk [tilespmem:v28+s31+$0x0], $0xffff  }
0x2fb: {  	v25 =	vor.u32 v7, v46;
	v34 =	vadd.s32 s3, v10;
	v19 =	vmov v43;
	s3 =	smov.u32 s11;
	s11 =	smov.u32 s18;
	s18 =	smov.u32 s12;
	[tilespmem:v38+s23+$0x0] =	vst.idx.msk $0xffff, v29;
	v26 =	vld.idx.msk [tilespmem:v39+s31+$0x0], $0xffff  }
0x2fc: {  	s26 =	smov.u32 s1;
	v32 =	vor.u32 v9, v15;
	v35 =	vadd.s32 s3, v8;
	v15 =	vmov v46;
	[tilespmem:v20+s23+$0x0] =	vst.idx.msk $0xffff, v37;
	v27 =	vld.idx.msk [tilespmem:v42+s31+$0x0], $0xffff  }
0x2fd: {  	s1 =	sadd.s32 $0x2, s1;
	s12 =	sadd.s32 $0x1, s26;
	v36 =	vadd.s32 s11, v6;
	v28 =	vor.u32 v9, v40;
	v20 =	vadd.s32 s26, v2;
	v29 =	vld.idx.msk [tilespmem:v44+s31+$0x0], $0xffff;
	[tilespmem:v45+s23+$0x0] =	vst.idx.msk $0xffff, v41  }
0x2fe: {  	v37 =	vmov s12  }
0x2ff: {  	v37 =	vshll.u32 v37, $0x6  }
0x300: {  	v38 =	vor.u32 v0, v37;
	_ =	sdelay $0x2  }
0x301: {  	v39 =	vadd.s32 s18, v2;
	[tilespmem:v33+s23+$0x0] =	vst.idx.msk $0xffff, v22  }
0x302: {  	v22 =	vld.idx.msk [tilespmem:v30+s31+$0x0], $0xffff;
	v30 =	vor.u32 v5, v18;
	[tilespmem:v31+s23+$0x0] =	vst.idx.msk $0xffff, v21  }
0x303: {  	v21 =	vor.u32 v5, v19;
	v31 =	vadd.s32 s12, v2;
	[tilespmem:v34+s23+$0x0] =	vst.idx.msk $0xffff, v23;
	v23 =	vld.idx.msk [tilespmem:v38+s31+$0x0], $0xffff  }
0x304: {  	v24 =	vld.idx.msk [tilespmem:v24+s31+$0x0], $0xffff;
	v55 =	vadd.s32 s9, v6;
	[tilespmem:v35+s23+$0x0] =	vst.idx.msk $0xffff, v26;
	v26 =	vor.u32 v5, v37  }
0x305: {  	v25 =	vld.idx.msk [tilespmem:v25+s31+$0x0], $0xffff;
	v56 =	vadd.s32 s7, v8;
	[tilespmem:v36+s23+$0x0] =	vst.idx.msk $0xffff, v27;
	v27 =	vor.u32 v7, v17  }
0x306: {  	v57 =	vadd.s32 s16, v10;
	v32 =	vld.idx.msk [tilespmem:v32+s31+$0x0], $0xffff;
	[tilespmem:v39+s23+$0x0] =	vst.idx.msk $0xffff, v29;
	v29 =	vor.u32 v7, v16  }
0x307: {  	[tilespmem:v20+s23+$0x0] =	vst.idx.msk $0xffff, v22;
	v22 =	vadd.s32 s18, v6;
	v20 =	vld.idx.msk [tilespmem:v30+s31+$0x0], $0xffff  }
0x308: {  	v58 =	vadd.s32 s26, v6;
	v30 =	vor.u32 v7, v18;
	v21 =	vld.idx.msk [tilespmem:v21+s31+$0x0], $0xffff;
	[tilespmem:v31+s23+$0x0] =	vst.idx.msk $0xffff, v23  }
0x309: {  	[tilespmem:v55+s23+$0x0] =	vst.idx.msk $0xffff, v24;
	v23 =	vor.u32 v7, v19;
	v24 =	vld.idx.msk [tilespmem:v26+s31+$0x0], $0xffff;
	v26 =	vadd.s32 s12, v6  }
0x30a: {  	v59 =	vadd.s32 s11, v8;
	[tilespmem:v56+s23+$0x0] =	vst.idx.msk $0xffff, v25;
	v25 =	vor.u32 v7, v37;
	v27 =	vld.idx.msk [tilespmem:v27+s31+$0x0], $0xffff  }
0x30b: {  	v15 =	vor.u32 v9, v15;
	v60 =	vadd.s32 s9, v8;
	[tilespmem:v57+s23+$0x0] =	vst.idx.msk $0xffff, v32;
	v29 =	vld.idx.msk [tilespmem:v29+s31+$0x0], $0xffff  }
0x30c: {  	v28 =	vld.idx.msk [tilespmem:v28+s31+$0x0], $0xffff;
	v17 =	vor.u32 v9, v17;
	[tilespmem:v22+s23+$0x0] =	vst.idx.msk $0xffff, v20;
	v31 =	vadd.s32 s3, v10  }
0x30d: {  	v16 =	vor.u32 v9, v16;
	v22 =	vadd.s32 s18, v8;
	[tilespmem:v58+s23+$0x0] =	vst.idx.msk $0xffff, v21;
	v20 =	vld.idx.msk [tilespmem:v30+s31+$0x0], $0xffff  }
0x30e: {  	v18 =	vor.u32 v9, v18;
	v21 =	vld.idx.msk [tilespmem:v23+s31+$0x0], $0xffff;
	v23 =	vadd.s32 s26, v8;
	[tilespmem:v26+s23+$0x0] =	vst.idx.msk $0xffff, v24  }
0x30f: {  	v19 =	vor.u32 v9, v19;
	[tilespmem:v59+s23+$0x0] =	vst.idx.msk $0xffff, v27;
	v24 =	vld.idx.msk [tilespmem:v25+s31+$0x0], $0xffff;
	v25 =	vadd.s32 s12, v8  }
0x310: {  	v15 =	vld.idx.msk [tilespmem:v15+s31+$0x0], $0xffff;
	v27 =	vor.u32 v9, v37;
	[tilespmem:v60+s23+$0x0] =	vst.idx.msk $0xffff, v29;
	v26 =	vadd.s32 s7, v10  }
0x311: {  	v17 =	vld.idx.msk [tilespmem:v17+s31+$0x0], $0xffff;
	[tilespmem:v31+s23+$0x0] =	vst.idx.msk $0xffff, v28;
	v28 =	vadd.s32 s11, v10  }
0x312: {  	v16 =	vld.idx.msk [tilespmem:v16+s31+$0x0], $0xffff;
	[tilespmem:v22+s23+$0x0] =	vst.idx.msk $0xffff, v20;
	v20 =	vadd.s32 s9, v10  }
0x313: {  	v22 =	vadd.s32 s18, v10;
	v18 =	vld.idx.msk [tilespmem:v18+s31+$0x0], $0xffff;
	[tilespmem:v23+s23+$0x0] =	vst.idx.msk $0xffff, v21  }
0x314: {  	v21 =	vadd.s32 s26, v10;
	v19 =	vld.idx.msk [tilespmem:v19+s31+$0x0], $0xffff;
	[tilespmem:v25+s23+$0x0] =	vst.idx.msk $0xffff, v24  }
0x315: {  	v23 =	vadd.s32 s12, v10;
	[tilespmem:v26+s23+$0x0] =	vst.idx.msk $0xffff, v15;
	v15 =	vld.idx.msk [tilespmem:v27+s31+$0x0], $0xffff  }
0x316: {  	[tilespmem:v28+s23+$0x0] =	vst.idx.msk $0xffff, v17  }
0x317: {  	s1 =	simm.s32 $0x1;
	[tilespmem:v20+s23+$0x0] =	vst.idx.msk $0xffff, v16  }
0x318: {  	s6 =	simm.s32 $0x0;
	s1 =	sand.u32 $0x7, s1;
	s9 =	simm.s32 $0x0;
	[tilespmem:v22+s23+$0x0] =	vst.idx.msk $0xffff, v18  }
0x319: {  	s6 =	sand.u32 $0xFFFFFC00, s6;
	s1 =	sshll.u32 s1, $0x7;
	s3 =	sand.u32 $0x6, s9;
	[tilespmem:v21+s23+$0x0] =	vst.idx.msk $0xffff, v19  }
0x31a: {  	s14 =	sor.u32 s6, s1;
	s11 =	simm.s32 $0xAF8D;
	s3 =	sshll.u32 s3, $0x7;
	[tilespmem:v23+s23+$0x0] =	vst.idx.msk $0xffff, v15  }
0x31b: {  	s20 =	sor.u32 s3, s6;
	v16 =	vor.u32 s14, v0;
	v15 =	vld [tilespmem:s11+$0x0]  }
0x31c: {  	v17 =	vor.u32 s20, v0;
	v18 =	vld [tilespmem:s11+$0xFFFFFF73];
	_ =	sdelay $0x2  }
0x31d: {  	s12 =	simm.s32 $0x8D  }
0x31e: {  	s13 =	simm.s32 $0x0;
	s17 =	sand.u32 $0x3FFF, s12;
	[tilespmem:v16+s0+$0x0] =	vst.idx.msk $0xffff, v15  }
0x31f: {  	s1 =	sand.u32 $0x3FFE, s13;
	[tilespmem:v17+s0+$0x0] =	vst.idx.msk $0xffff, v18;
	v16 =	vor.u32 s14, v5;
	v15 =	vld [tilespmem:s17+$0xAF10]  }
0x320: {  	v17 =	vor.u32 s20, v5;
	v18 =	vld [tilespmem:s1+$0xAF10];
	_ =	sdelay $0x3  }
0x321: {  	[tilespmem:v16+s0+$0x0] =	vst.idx.msk $0xffff, v15  }
0x322: {  	s16 =	simm.s32 $0x3;
	[tilespmem:v17+s0+$0x0] =	vst.idx.msk $0xffff, v18;
	v16 =	vor.u32 s14, v7;
	v15 =	vld [tilespmem:s17+$0xAF20]  }
0x323: {  	s21 =	simm.s32 $0x100;
	s18 =	simm.s32 $0x2;
	s3 =	sand.u32 $0x7, s16;
	v17 =	vor.u32 s20, v7;
	v18 =	vld [tilespmem:s1+$0xAF20]  }
0x324: {  	s6 =	sand.u32 $0x6, s18;
	s3 =	sshll.u32 s3, $0x7;
	s26 =	sand.u32 $0xFFFFFC00, s21  }
0x325: {  	s5 =	simm.s32 $0xB0A7;
	s6 =	sshll.u32 s6, $0x7;
	s7 =	sor.u32 s26, s3  }
0x326: {  	s21 =	sor.u32 s6, s26;
	v20 =	vor.u32 s7, v0;
	v19 =	vld [tilespmem:s5+$0x0]  }
0x327: {  	v21 =	vor.u32 s21, v0;
	v22 =	vld [tilespmem:s5+$0xFFFFFF73];
	[tilespmem:v16+s0+$0x0] =	vst.idx.msk $0xffff, v15  }
0x328: {  	[tilespmem:v17+s0+$0x0] =	vst.idx.msk $0xffff, v18;
	v16 =	vor.u32 s14, v9;
	v15 =	vld [tilespmem:s17+$0xAF30]  }
0x329: {  	v17 =	vor.u32 s20, v9;
	v18 =	vld [tilespmem:s1+$0xAF30]  }
0x32a: {  	s11 =	simm.s32 $0x1A7  }
0x32b: {  	s12 =	simm.s32 $0x11A;
	s9 =	sand.u32 $0x3FFF, s11;
	[tilespmem:v20+s0+$0x0] =	vst.idx.msk $0xffff, v19  }
0x32c: {  	s11 =	sand.u32 $0x3FFE, s12;
	[tilespmem:v21+s0+$0x0] =	vst.idx.msk $0xffff, v22;
	v20 =	vor.u32 s7, v5;
	v19 =	vld [tilespmem:s9+$0xAF10]  }
0x32d: {  	v21 =	vor.u32 s21, v5;
	v22 =	vld [tilespmem:s11+$0xAF10];
	[tilespmem:v16+s0+$0x0] =	vst.idx.msk $0xffff, v15  }
0x32e: {  	[tilespmem:v17+s0+$0x0] =	vst.idx.msk $0xffff, v18;
	v16 =	vor.u32 s14, v11;
	v15 =	vld [tilespmem:s17+$0xAF40]  }
0x32f: {  	v17 =	vor.u32 s20, v11;
	v18 =	vld [tilespmem:s1+$0xAF40];
	_ =	sdelay $0x1  }
0x330: {  	[tilespmem:v20+s0+$0x0] =	vst.idx.msk $0xffff, v19  }
0x331: {  	s13 =	simm.s32 $0x5;
	[tilespmem:v21+s0+$0x0] =	vst.idx.msk $0xffff, v22;
	v20 =	vor.u32 s7, v7;
	v19 =	vld [tilespmem:s9+$0xAF20]  }
0x332: {  	s16 =	simm.s32 $0x200;
	s26 =	simm.s32 $0x4;
	s3 =	sand.u32 $0x7, s13;
	v21 =	vor.u32 s21, v7;
	v22 =	vld [tilespmem:s11+$0xAF20];
	[tilespmem:v16+s0+$0x0] =	vst.idx.msk $0xffff, v15  }
0x333: {  	s6 =	sand.u32 $0xFFFFFC00, s16;
	s18 =	sand.u32 $0x6, s26;
	s3 =	sshll.u32 s3, $0x7;
	[tilespmem:v17+s0+$0x0] =	vst.idx.msk $0xffff, v18;
	v16 =	vor.u32 s14, v12;
	v15 =	vld [tilespmem:s17+$0xAF50]  }
0x334: {  	s13 =	sshll.u32 s18, $0x7;
	s3 =	sor.u32 s6, s3;
	s12 =	simm.s32 $0xB1C1;
	v17 =	vor.u32 s20, v12;
	v18 =	vld [tilespmem:s1+$0xAF50]  }
0x335: {  	s6 =	sor.u32 s13, s6;
	v24 =	vor.u32 s3, v0;
	v23 =	vld [tilespmem:s12+$0x0]  }
0x336: {  	v25 =	vor.u32 s6, v0;
	v26 =	vld [tilespmem:s12+$0xFFFFFF73];
	[tilespmem:v20+s0+$0x0] =	vst.idx.msk $0xffff, v19  }
0x337: {  	[tilespmem:v21+s0+$0x0] =	vst.idx.msk $0xffff, v22;
	v21 =	vor.u32 s7, v9;
	v19 =	vld [tilespmem:s9+$0xAF30]  }
0x338: {  	v27 =	vor.u32 s21, v9;
	v29 =	vld [tilespmem:s11+$0xAF30];
	[tilespmem:v16+s0+$0x0] =	vst.idx.msk $0xffff, v15  }
0x339: {  	v61 =	vor.u32 s14, v13;
	s13 =	simm.s32 $0x2C1;
	[tilespmem:v17+s0+$0x0] =	vst.idx.msk $0xffff, v18;
	v18 =	vld [tilespmem:s17+$0xAF60]  }
0x33a: {  	v62 =	vor.u32 s20, v13;
	s18 =	sand.u32 $0x3FFF, s13;
	s5 =	simm.s32 $0x234;
	[tilespmem:v24+s0+$0x0] =	vst.idx.msk $0xffff, v23;
	v35 =	vld [tilespmem:s1+$0xAF60]  }
0x33b: {  	v63 =	vor.u32 s3, v5;
	s16 =	sand.u32 $0x3FFE, s5;
	[tilespmem:v25+s0+$0x0] =	vst.idx.msk $0xffff, v26;
	v36 =	vld [tilespmem:s18+$0xAF10]  }
0x33c: {  	v33 =	vor.u32 s7, v11;
	v28 =	vor.u32 s6, v5;
	v24 =	vor.u32 s6, v7;
	v32 =	vld [tilespmem:s16+$0xAF10];
	[tilespmem:v21+s0+$0x0] =	vst.idx.msk $0xffff, v19  }
0x33d: {  	v23 =	vor.u32 s6, v9;
	v25 =	vor.u32 s6, v11;
	v22 =	vor.u32 s21, v11;
	[tilespmem:v27+s0+$0x0] =	vst.idx.msk $0xffff, v29;
	v30 =	vld [tilespmem:s9+$0xAF40]  }
0x33e: {  	v20 =	vor.u32 s21, v12;
	v21 =	vor.u32 s6, v12;
	v19 =	vor.u32 s6, v13;
	v31 =	vld [tilespmem:s11+$0xAF40];
	[tilespmem:v61+s0+$0x0] =	vst.idx.msk $0xffff, v18  }
0x33f: {  	v27 =	vor.u32 s14, v14;
	v15 =	vor.u32 s20, v14;
	[tilespmem:v62+s0+$0x0] =	vst.idx.msk $0xffff, v35;
	v26 =	vld [tilespmem:s17+$0xAF70]  }
0x340: {  	[tilespmem:v63+s0+$0x0] =	vst.idx.msk $0xffff, v36;
	v17 =	vor.u32 s21, v13;
	v16 =	vor.u32 s21, v14;
	v18 =	vor.u32 s6, v14;
	v29 =	vld [tilespmem:s1+$0xAF70]  }
.LBB2_41:
0x341: {  	s1 =	sadd.s32 $0x3, s26;
	s26 =	sadd.s32 $0x2, s26;
	[tilespmem:v28+s0+$0x0] =	vst.idx.msk $0xffff, v32;
	v32 =	vld [tilespmem:s18+$0xAF20];
	v34 =	vor.u32 s3, v7  }
0x342: {  	s6 =	sand.u32 $0x6, s26;
	s14 =	sshll.u32 s26, $0x7;
	s1 =	sand.u32 $0x7, s1;
	v35 =	vld [tilespmem:s16+$0xAF20];
	[tilespmem:v33+s0+$0x0] =	vst.idx.msk $0xffff, v30  }
0x343: {  	s14 =	sand.u32 $0xFFFFFC00, s14;
	s6 =	sshll.u32 s6, $0x7;
	s1 =	sshll.u32 s1, $0x7;
	[tilespmem:v22+s0+$0x0] =	vst.idx.msk $0xffff, v31;
	v30 =	vld [tilespmem:s9+$0xAF50];
	v31 =	vor.u32 s7, v12;
	v22 =	vmov v25  }
0x344: {  	s12 =	sadd.s32 $0x11A, s12;
	s6 =	sor.u32 s6, s14;
	s1 =	sor.u32 s14, s1;
	v33 =	vld [tilespmem:s11+$0xAF50];
	[tilespmem:v27+s0+$0x0] =	vst.idx.msk $0xffff, v26  }
0x345: {  	p1 =	slt.u32 s26, $0x3E;
	v26 =	vor.u32 s6, v0;
	v28 =	vor.u32 s6, v5;
	v27 =	vld [tilespmem:s12+$0x0];
	v36 =	vor.u32 s1, v0;
	[tilespmem:v15+s0+$0x0] =	vst.idx.msk $0xffff, v29;
	v15 =	vmovc v16;
	v16 =	vmovc v18  }
0x346: {  	v18 =	vor.u32 s6, v7;
	v37 =	vor.u32 s6, v9;
	v25 =	vor.u32 s6, v11;
	v29 =	vld [tilespmem:s12+$0xFFFFFF73];
	[tilespmem:v34+s0+$0x0] =	vst.idx.msk $0xffff, v32  }
0x347: {  	v38 =	vor.u32 s3, v9;
	v32 =	vor.u32 s6, v12;
	v34 =	vor.u32 s6, v13;
	[tilespmem:v24+s0+$0x0] =	vst.idx.msk $0xffff, v35;
	v35 =	vld [tilespmem:s18+$0xAF30];
	v24 =	vmovc v18  }
0x348: {  	v18 =	vor.u32 s6, v14;
	v39 =	vld [tilespmem:s16+$0xAF30];
	[tilespmem:v31+s0+$0x0] =	vst.idx.msk $0xffff, v30  }
0x349: {  	s13 =	sadd.s32 $0x11A, s13;
	v41 =	vor.u32 s7, v13;
	[tilespmem:v20+s0+$0x0] =	vst.idx.msk $0xffff, v33;
	v40 =	vld [tilespmem:s9+$0xAF60];
	v20 =	vmov v21;
	v21 =	vmov v32  }
0x34a: {  	s14 =	sand.u32 $0x3FFF, s13;
	s6 =	sadd.s32 $0xFFFFFF73, s13;
	[tilespmem:v36+s0+$0x0] =	vst.idx.msk $0xffff, v27;
	v27 =	vld [tilespmem:s11+$0xAF60]  }
0x34b: {  	s6 =	sand.u32 $0x3FFE, s6;
	v36 =	vor.u32 s1, v5;
	[tilespmem:v26+s0+$0x0] =	vst.idx.msk $0xffff, v29;
	v29 =	vld [tilespmem:s14+$0xAF10]  }
.Ltmp21:
0x34c: {  	v32 =	vld [tilespmem:s6+$0xAF10];
	[tilespmem:v38+s0+$0x0] =	vst.idx.msk $0xffff, v35;
	(pc) =	sbr.rel @p1 .LBB2_41-.Ltmp21, $4  }
0x34d: {  	v33 =	vor.u32 s3, v11;
	[tilespmem:v23+s0+$0x0] =	vst.idx.msk $0xffff, v39;
	v30 =	vld [tilespmem:s18+$0xAF40];
	v23 =	vmov v37  }
0x34e: {  	v31 =	vld [tilespmem:s16+$0xAF40];
	[tilespmem:v41+s0+$0x0] =	vst.idx.msk $0xffff, v40  }
0x34f: {  	[tilespmem:v17+s0+$0x0] =	vst.idx.msk $0xffff, v27;
	v26 =	vld [tilespmem:s9+$0xAF70];
	v27 =	vor.u32 s7, v14;
	v17 =	vmov v19;
	v19 =	vmov v34;
	s7 =	smov.u32 s3;
	s3 =	smov.u32 s1;
	s9 =	smov.u32 s18  }
0x350: {  	s18 =	smov.u32 s14;
	[tilespmem:v36+s0+$0x0] =	vst.idx.msk $0xffff, v29;
	v29 =	vld [tilespmem:s11+$0xAF70];
	s11 =	smov.u32 s16;
	s16 =	smov.u32 s6  }
0x351: {  	_ =	sdelay $0x3  }
0x352: {  	[tilespmem:v28+s0+$0x0] =	vst.idx.msk $0xffff, v32;
	v42 =	vld [tilespmem:s18+$0xAF20];
	v43 =	vor.u32 s3, v7  }
0x353: {  	v34 =	vld [tilespmem:s16+$0xAF20];
	_ =	sdelay $0x3  }
0x354: {  	[tilespmem:v43+s0+$0x0] =	vst.idx.msk $0xffff, v42  }
0x355: {  	v45 =	vor.u32 s3, v9;
	[tilespmem:v24+s0+$0x0] =	vst.idx.msk $0xffff, v34;
	v44 =	vld [tilespmem:s18+$0xAF30]  }
0x356: {  	v46 =	vld [tilespmem:s16+$0xAF30];
	_ =	sdelay $0x3  }
0x357: {  	[tilespmem:v45+s0+$0x0] =	vst.idx.msk $0xffff, v44  }
0x358: {  	v48 =	vor.u32 s3, v11;
	[tilespmem:v23+s0+$0x0] =	vst.idx.msk $0xffff, v46;
	v47 =	vld [tilespmem:s18+$0xAF40]  }
0x359: {  	v49 =	vld [tilespmem:s16+$0xAF40];
	_ =	sdelay $0x1  }
0x35a: {  	[tilespmem:v33+s0+$0x0] =	vst.idx.msk $0xffff, v30  }
0x35b: {  	v51 =	vor.u32 s7, v12;
	[tilespmem:v22+s0+$0x0] =	vst.idx.msk $0xffff, v31;
	v50 =	vld [tilespmem:s9+$0xAF50]  }
0x35c: {  	v31 =	vld [tilespmem:s11+$0xAF50];
	[tilespmem:v48+s0+$0x0] =	vst.idx.msk $0xffff, v47  }
0x35d: {  	v52 =	vor.u32 s3, v12;
	[tilespmem:v25+s0+$0x0] =	vst.idx.msk $0xffff, v49;
	v23 =	vld [tilespmem:s18+$0xAF50]  }
0x35e: {  	v25 =	vld [tilespmem:s16+$0xAF50];
	_ =	sdelay $0x1  }
0x35f: {  	[tilespmem:v51+s0+$0x0] =	vst.idx.msk $0xffff, v50  }
0x360: {  	v54 =	vor.u32 s7, v13;
	[tilespmem:v20+s0+$0x0] =	vst.idx.msk $0xffff, v31;
	v53 =	vld [tilespmem:s9+$0xAF60]  }
0x361: {  	v55 =	vld [tilespmem:s11+$0xAF60];
	[tilespmem:v52+s0+$0x0] =	vst.idx.msk $0xffff, v23  }
0x362: {  	v57 =	vor.u32 s3, v13;
	[tilespmem:v21+s0+$0x0] =	vst.idx.msk $0xffff, v25;
	v56 =	vld [tilespmem:s18+$0xAF60]  }
0x363: {  	v58 =	vld [tilespmem:s16+$0xAF60];
	_ =	sdelay $0x1  }
0x364: {  	s1 =	smulhi.u32 $0x51EB851F, s4;
	[tilespmem:v54+s0+$0x0] =	vst.idx.msk $0xffff, v53  }
0x365: {  	v59 =	vor.u32 s7, v14;
	v20 =	vld [tilespmem:s9+$0xAF70];
	[tilespmem:v17+s0+$0x0] =	vst.idx.msk $0xffff, v55  }
0x366: {  	s1 =	sshrl.u32 s1, $0x4;
	v60 =	vld [tilespmem:s11+$0xAF70];
	[tilespmem:v57+s0+$0x0] =	vst.idx.msk $0xffff, v56  }
0x367: {  	s6 =	sadd.s32 $0x7, s15;
	v62 =	vor.u32 s3, v14;
	s15 =	smul.u32 $0x32, s1;
	s5 =	rddreg [dreg:$0x6];
	[tilespmem:v19+s0+$0x0] =	vst.idx.msk $0xffff, v58;
	v61 =	vld [tilespmem:s18+$0xAF70]  }
0x368: {  	[tilespmem:v27+s0+$0x0] =	vst.idx.msk $0xffff, v26;
	v63 =	vld [tilespmem:s16+$0xAF70]  }
0x369: {  	s1 =	sadd.s32 s8, s1;
	s3 =	ssub.s32 s4, s15;
	[tilespmem:v15+s0+$0x0] =	vst.idx.msk $0xffff, v29;
	(drf) =	srem.u32 s6, s5  }
0x36a: {  	s1 =	sshll.u32 s1, $0xA;
	s3 =	sshll.u32 s3, $0x14;
	[tilespmem:v59+s0+$0x0] =	vst.idx.msk $0xffff, v20  }
0x36b: {  	s1 =	sadd.s32 s3, s1;
	[tilespmem:v16+s0+$0x0] =	vst.idx.msk $0xffff, v60  }
0x36c: {  	s1 =	sshrl.u32 s1, $0x3;
	[tilespmem:v62+s0+$0x0] =	vst.idx.msk $0xffff, v61  }
0x36d: {  	s17 =	simm.s32 $0x20000;
	s1 =	sadd.s32 s30, s1;
	s16 =	simm.s32 $0x400;
	[tilespmem:v18+s0+$0x0] =	vst.idx.msk $0xffff, v63  }
0x36e: {  	[hbm4b:s1+s16] =	stream.strided.scatter [tilespmem:s0], [sflag:$0x8], $0x2000, s17, s16, $0x38;
	[tilespmem:$0x1D240] =	vst v63  }
0x36f: {  	s10 =	sadd.s32 $0x1, s10;
	s26 =	rddreg [dreg:$0x8]  }
0x370: {  	p1 =	sne.s32 s10, s26  }
.Ltmp22:
0x371: {  	_ = 	snop;
	(pc) =	sbr.rel @p1 .LBB2_6-.Ltmp22, $4  }
0x372: {  	s18 =	spop (drf)  }
0x373: {  	s1 =	sshll.u32 s18, $0x7  }
0x374: {  	s21 =	simm.s32 $0x80;
	s20 =	rddreg [dreg:$0x4];
	s1 =	sadd.s32 $0x1900, s1  }
0x375: {  	[tilespmem:s31], [sflag:$0x4] =	stream.indirect.gather [hbm4b:s20+s21], $0x40, s1, s21, $0xb8;
	[tilespmem:$0x1D240] =	vst v63  }
0x376: {  	s1 =	simm.s32 $0x5  }
0x377: {  	_ =	swait.ge [sflag:s1], $0x2000  }
0x378: {  	[sflag:s1] =	ssyncset.done $0x0  }
0x379: {  	s15 =	simm.s32 $0x1;
	[sflag:s1] =	ssyncadd.s32 $0xFFFFE000  }
0x37a: {  	_ =	swait.ge [sflag:s15], $0x2000  }
0x37b: {  	[sflag:s15] =	ssyncset.done $0x0  }
0x37c: {  	s16 =	simm.s32 $0x6;
	[sflag:s15] =	ssyncadd.s32 $0xFFFFE000  }
0x37d: {  	_ =	swait.ge [sflag:s16], $0x2000  }
0x37e: {  	[sflag:s16] =	ssyncset.done $0x0  }
0x37f: {  	s17 =	simm.s32 $0x2;
	[sflag:s16] =	ssyncadd.s32 $0xFFFFE000  }
0x380: {  	_ =	swait.ge [sflag:s17], $0x2000  }
0x381: {  	[sflag:s17] =	ssyncset.done $0x0  }
0x382: {  	s18 =	simm.s32 $0x7;
	[sflag:s17] =	ssyncadd.s32 $0xFFFFE000  }
0x383: {  	_ =	swait.ge [sflag:s18], $0x2000  }
0x384: {  	[sflag:s18] =	ssyncset.done $0x0  }
0x385: {  	s20 =	simm.s32 $0x3;
	[sflag:s18] =	ssyncadd.s32 $0xFFFFE000  }
0x386: {  	_ =	swait.ge [sflag:s20], $0x2000  }
0x387: {  	[sflag:s20] =	ssyncset.done $0x0  }
0x388: {  	s21 =	simm.s32 $0x8;
	[sflag:s20] =	ssyncadd.s32 $0xFFFFE000  }
0x389: {  	_ =	swait.ge [sflag:s21], $0x2000  }
0x38a: {  	[sflag:s21] =	ssyncset.done $0x0  }
0x38b: {  	s3 =	simm.s32 $0x4;
	[sflag:s21] =	ssyncadd.s32 $0xFFFFE000  }
0x38c: {  	_ =	swait.ge [sflag:s3], $0x2000  }
0x38d: {  	s4 =	rddreg [dreg:$0xd]  }
0x38e: {  	s26 =	rddreg [dreg:$0xc];
	s4 =	sadd.s32 $0x1, s4  }
0x38f: {  	p0 =	sne.s32 s4, s26  }
.Ltmp23:
0x390: {  	_ = 	snop;
	(pc) =	sbr.rel @p0 .LBB2_1-.Ltmp23, $3  }
0x391: {  	_ =	sdelay $0x1  }
0x392: {  	[sflag:s3] =	ssyncset.done $0x0  }
0x393: {  	[sflag:s3] =	ssyncadd.s32 $0xFFFFE000  }
0x394: {  	_ =	sfence.sel $0x180000  }
0x395: {  	[bflag:$0x0] =	sbarrier.arrive $0xFFFF  }
0x396: {  	_ =	strace $0x90000047  }
0x397: {  	s0 =	stileid.u32;
	[bflag:$0x2] =	sbarrier.arrive $0xFFFF  }
0x398: {  	p0 =	sne.s32 s0, $0x0;
	s0 =	rddreg [dreg:$0x2]  }
0x399: {  	s0 =	sadd.s32 @!p0 $0x100000, s0  }
0x39a: {  	[sflag:s0] =	ssyncadd.tile.s32 @!p0 $0x1;
	_ =	shalt  }
.Lfunc_end2:
_tile_overlayer_lowered:
.L_overlay_start_2:
0x39b: {  	(tag) =	ssettag $0x2  }
0x39c: {  	s0 =	rddreg [dreg:$0x0];
	s2 =	stileid.u32  }
0x39d: {  	s1 =	rddreg [dreg:$0x1];
	p0 =	sne.s32 s2, $0x0  }
0x39e: {  	s3 =	rddreg [dreg:$0x2];
	[bflag:$0x3] =	sbarrier.arrive $0xFFFF;
	s2 =	simm.s32 @!p0 $0x1C09  }
0x39f: {  	[timem:s3], [sflag:s2] =	dma.local @!p0 [hbm:s0], s1  }
0x3a0: {  	s0 =	simm.s32 @!p0 $0x9  }
0x3a1: {  	_ =	swait.ge @!p0 [sflag:s0], s1  }
0x3a2: {  	s1 =	ssub.s32 @!p0 $0x0, s1;
	[sflag:s0] =	ssyncset.done @!p0 $0x0  }
0x3a3: {  	[sflag:s0] =	ssyncadd.s32 @!p0 s1  }
0x3a4: {  	[bflag:$0x3] =	sbarrier.arrive $0xFFFF  }
0x3a5: {  	_ =	shalt  }

</sc_bundles>
